<compile_context>
chip_gen: v7x
topology: tpu7x:2x2x1
jax: 0.10.2.dev20260603
libtpu: 0.0.44.dev20260713+nightly
codegen_flags: <defaults>
</compile_context>

<pallas_src>
import functools

import jax
import jax.numpy as jnp
from jax.experimental import pallas as pl
from jax.experimental.pallas import tpu as pltpu
from jax.experimental.pallas import tpu_sc as plsc

T = 512
L = 16
NUM_CHARS = 256
NUM_TAGS = 1024
CE = 128
CR = 256
WR = 512
WE = 256
BEAM = 16

NEG_INF = float("-inf")


def _f32(x):
    return x.astype(jnp.float32)


def _dot(a, b):
    return jax.lax.dot_general(a, b, (((1,), (0,)), ((), ())),
                               preferred_element_type=jnp.float32)


def _row_to_col(row, n):
    eye = (jax.lax.broadcasted_iota(jnp.int32, (n, n), 0) ==
           jax.lax.broadcasted_iota(jnp.int32, (n, n), 1))
    big = jnp.broadcast_to(row, (n, n))
    zero = jnp.zeros((), row.dtype)
    return jnp.sum(jnp.where(eye, big, zero), axis=1, keepdims=True)


def _scores_kernel(idf_ref, idb_ref, cemb_ref, wxf_ref, whf_ref, bf_ref,
                   wxb_ref, whb_ref, bb_ref, wp_ref, bp_ref,
                   wwf_ref, uwf_ref, bwf_ref, wwb_ref, uwb_ref, bwb_ref,
                   wo_ref, bo_ref,
                   scores_ref,
                   af_ref, ab_ref, hfw_ref, hbw_ref):
    lane_c = jax.lax.broadcasted_iota(jnp.int32, (T, NUM_CHARS), 1)
    hf = jnp.zeros((T, CR), jnp.float32)
    hb = jnp.zeros((T, CR), jnp.float32)
    for t in range(L):
        ohf = jnp.where(idf_ref[:, t:t + 1] == lane_c, 1.0, 0.0)
        ohb = jnp.where(idb_ref[:, t:t + 1] == lane_c, 1.0, 0.0)
        xf = _dot(ohf, cemb_ref[...])
        xb = _dot(ohb, cemb_ref[...])
        hf = jnp.tanh(_dot(xf, wxf_ref[...]) + _dot(hf, whf_ref[...])
                      + bf_ref[...])
        hb = jnp.tanh(_dot(xb, wxb_ref[...]) + _dot(hb, whb_ref[...])
                      + bb_ref[...])
    cat = jnp.concatenate([hf, hb], axis=1)
    w_in = jnp.tanh(_dot(cat, wp_ref[...]) + bp_ref[...])
    af_ref[...] = _dot(w_in, wwf_ref[...]) + bwf_ref[...]
    ab_ref[...] = _dot(w_in, wwb_ref[...]) + bwb_ref[...]

    def word_step(t, carry):
        hfr, hbr = carry
        zf = _dot(hfr, uwf_ref[...])
        zb = _dot(hbr, uwb_ref[...])
        nhf = jnp.tanh(af_ref[pl.ds(t, 1), :] + zf)
        nhb = jnp.tanh(ab_ref[pl.ds(T - 1 - t, 1), :] + zb)
        hfw_ref[pl.ds(t, 1), :] = nhf
        hbw_ref[pl.ds(T - 1 - t, 1), :] = nhb
        return nhf, nhb

    z0 = jnp.zeros((1, WR), jnp.float32)
    jax.lax.fori_loop(0, T, word_step, (z0, z0), unroll=8)

    cat2 = jnp.concatenate([hfw_ref[...], hbw_ref[...]], axis=1)
    scores_ref[...] = _dot(cat2, wo_ref[...]) + bo_ref[...]


def _sc_gather_kernel(btpad_hbm, crfw_hbm, tg_hbm, tgn_hbm,
                      wall_hbm, crfv_hbm,
                      btv, idxv, valsv, tgv, tgnv, tidxv, tvalsv, sem):
    c = jax.lax.axis_index("c")
    s = jax.lax.axis_index("s")
    wid = s * 2 + c

    pltpu.sync_copy(btpad_hbm.at[pl.ds(16 * wid, 24)], btv)

    def build(k, carry):
        prev = btv[k, :]
        cur = btv[k + 1, :]
        for i in range(16):
            idxv[pl.ds((16 * k + i) * 16, 16)] = prev[i] * NUM_TAGS + cur
        return carry

    jax.lax.fori_loop(0, 16, build, 0)

    copies = [
        pltpu.make_async_copy(crfw_hbm.at[idxv.at[pl.ds(128 * j, 128)]],
                              valsv.at[pl.ds(128 * j, 128)], sem)
        for j in range(32)
    ]
    for cp in copies:
        cp.start()
    for cp in copies:
        cp.wait()
    pltpu.sync_copy(valsv, wall_hbm.at[pl.ds(4096 * wid + 256, 4096)])

    @pl.when(wid == 0)
    def _():
        pltpu.sync_copy(tg_hbm, tgv)
        pltpu.sync_copy(tgn_hbm, tgnv)

        def tbuild(cc, carry):
            tidxv[pl.ds(16 * cc, 16)] = (tgv[pl.ds(16 * cc, 16)] * NUM_TAGS
                                         + tgnv[pl.ds(16 * cc, 16)])
            return carry

        jax.lax.fori_loop(0, 32, tbuild, 0)
        tcopies = [
            pltpu.make_async_copy(crfw_hbm.at[tidxv.at[pl.ds(128 * j, 128)]],
                                  tvalsv.at[pl.ds(128 * j, 128)], sem)
            for j in range(4)
        ]
        for cp in tcopies:
            cp.start()
        for cp in tcopies:
            cp.wait()
        pltpu.sync_copy(tvalsv, crfv_hbm)


def _sc_gather(btpad, crfw_flat, tg, tgn):
    mesh = plsc.VectorSubcoreMesh(core_axis_name="c", subcore_axis_name="s",
                                  num_cores=2, num_subcores=16)
    return pl.kernel(
        _sc_gather_kernel,
        out_type=[
            jax.ShapeDtypeStruct((131328,), jnp.float32),
            jax.ShapeDtypeStruct((T,), jnp.float32),
        ],
        mesh=mesh,
        scratch_types=[
            pltpu.VMEM((24, BEAM), jnp.int32),
            pltpu.VMEM((4096,), jnp.int32),
            pltpu.VMEM((4096,), jnp.float32),
            pltpu.VMEM((T,), jnp.int32),
            pltpu.VMEM((T,), jnp.int32),
            pltpu.VMEM((T,), jnp.int32),
            pltpu.VMEM((T,), jnp.float32),
            pltpu.SemaphoreType.DMA,
        ],
    )(btpad, crfw_flat, tg, tgn)


def _topk_kernel(scores_ref, tags_ref,
                 bs_ref, bt_ref, bsum_ref,
                 s_ref):
    lane_t = jax.lax.broadcasted_iota(jnp.int32, (T, NUM_TAGS), 1)

    s_ref[...] = scores_ref[...]
    for k in range(BEAM):
        s = s_ref[...]
        m = jnp.max(s, axis=1, keepdims=True)
        a = jnp.min(jnp.where(s == m, lane_t, NUM_TAGS), axis=1,
                    keepdims=True)
        bs_ref[:, k:k + 1] = m
        bt_ref[:, k:k + 1] = a
        s_ref[...] = jnp.where(lane_t == a, NEG_INF, s)

    tag_oh = tags_ref[...] == lane_t
    base_s = jnp.sum(jnp.where(tag_oh, scores_ref[...], 0.0))
    bsum_ref[...] = jnp.reshape(base_s, (1, 1))


def _viterbi_kernel(bs_ref, bt_ref, wall_ref, crfv_ref, bsum_ref,
                    pred_ref, nlp_ref,
                    bps_ref):
    li16 = jax.lax.broadcasted_iota(jnp.int32, (1, BEAM), 1)
    si16 = jax.lax.broadcasted_iota(jnp.int32, (BEAM, BEAM), 0)

    vs0 = bs_ref[0:1, :]

    def crf_step(t, carry):
        vs, fs = carry
        bs = bs_ref[pl.ds(t, 1), :]
        w = wall_ref[pl.ds(t * BEAM, BEAM), :]
        bw = bs + w
        vs_col = _row_to_col(vs, BEAM)
        fs_col = _row_to_col(fs, BEAM)
        vv = vs_col + bw
        nvs = jnp.max(vv, axis=0, keepdims=True)
        bp = jnp.min(jnp.where(vv == nvs, si16, BEAM), axis=0, keepdims=True)
        bps_ref[pl.ds(t, 1), :] = bp
        vf = fs_col + bw
        off = jnp.max(vf, axis=0, keepdims=True)
        nfs = jnp.log(jnp.sum(jnp.exp(vf - off), axis=0, keepdims=True)) + off
        return nvs, nfs

    vs, fs = jax.lax.fori_loop(1, T, crf_step, (vs0, vs0), unroll=4)

    mv = jnp.max(vs)
    idx0 = jnp.min(jnp.where(vs == mv, li16, BEAM))
    lane_b = jax.lax.broadcasted_iota(jnp.int32, (T, BEAM), 1)
    g = jnp.concatenate([bps_ref[pl.ds(1, T - 1), :], li16], axis=0)
    for r in range(9):
        s = 1 << r
        gs = jnp.concatenate(
            [g[s:, :], jnp.broadcast_to(li16, (s, BEAM)).astype(jnp.int32)],
            axis=0)
        acc = jnp.zeros((T, BEAM), jnp.int32)
        for j in range(BEAM):
            acc = acc + jnp.where(gs == j, g[:, j:j + 1], 0)
        g = acc
    bi = jnp.sum(jnp.where(lane_b == idx0, g, 0), axis=1, keepdims=True)
    ohbi = bi == lane_b
    pred_ref[...] = jnp.sum(jnp.where(ohbi, bt_ref[...], 0), axis=1,
                            keepdims=True)

    flat_pos = (jax.lax.broadcasted_iota(jnp.int32, (4, 128), 0) * 128 +
                jax.lax.broadcasted_iota(jnp.int32, (4, 128), 1))
    crf_s = jnp.sum(jnp.where(flat_pos < T - 1, crfv_ref[...], 0.0))

    mf = jnp.max(fs)
    logz = jnp.log(jnp.sum(jnp.exp(fs - mf))) + mf
    nlp_ref[...] = jnp.reshape(logz - bsum_ref[0, 0] - crf_s, (1, 1))


@jax.jit
def kernel(fwd_charIDs, bwd_charIDs, tags, C_emb, Wxf, Whf, bf, Wxb, Whb, bb,
           Wp, bp, Wwf, Uwf, bwf, Wwb, Uwb, bwb, Wo, bo, crf_w):
    scores = pl.pallas_call(
        _scores_kernel,
        out_shape=jax.ShapeDtypeStruct((T, NUM_TAGS), jnp.float32),
        scratch_shapes=[
            pltpu.VMEM((T, WR), jnp.float32),
            pltpu.VMEM((T, WR), jnp.float32),
            pltpu.VMEM((T, WR), jnp.float32),
            pltpu.VMEM((T, WR), jnp.float32),
        ],
    )(fwd_charIDs.astype(jnp.int32), bwd_charIDs.astype(jnp.int32),
      _f32(C_emb), _f32(Wxf), _f32(Whf), _f32(bf).reshape(1, CR),
      _f32(Wxb), _f32(Whb), _f32(bb).reshape(1, CR),
      _f32(Wp), _f32(bp).reshape(1, WE),
      _f32(Wwf), _f32(Uwf), _f32(bwf).reshape(1, WR),
      _f32(Wwb), _f32(Uwb), _f32(bwb).reshape(1, WR),
      _f32(Wo), _f32(bo).reshape(1, NUM_TAGS))

    tg = tags.astype(jnp.int32)
    bs, bt, bsum = pl.pallas_call(
        _topk_kernel,
        out_shape=[
            jax.ShapeDtypeStruct((T, BEAM), jnp.float32),
            jax.ShapeDtypeStruct((T, BEAM), jnp.int32),
            jax.ShapeDtypeStruct((1, 1), jnp.float32),
        ],
        scratch_shapes=[
            pltpu.VMEM((T, NUM_TAGS), jnp.float32),
        ],
    )(scores, tg.reshape(T, 1))

    btpad = jnp.pad(bt, ((0, 8), (0, 0)))
    tgn = jnp.concatenate([tg[1:], jnp.zeros((1,), jnp.int32)])
    wall_flat, crfv = _sc_gather(btpad, _f32(crf_w).reshape(-1), tg, tgn)

    pred, nlp = pl.pallas_call(
        _viterbi_kernel,
        out_shape=[
            jax.ShapeDtypeStruct((T, 1), jnp.int32),
            jax.ShapeDtypeStruct((1, 1), jnp.float32),
        ],
        scratch_shapes=[
            pltpu.VMEM((T, BEAM), jnp.int32),
        ],
    )(bs, bt, wall_flat.reshape((T + 1) * BEAM, BEAM),
      crfv.reshape(4, 128), bsum)

    return pred.reshape(T), nlp[0, 0]

# --- scband reference (transcript-rebuilt; emitter-appended) ---
"""Pipeline reference for scband-crftagger-24859270709546 (READ-ONLY COPY).

The authoritative reference and input builder live on the scoring server;
editing this copy changes nothing except your own understanding.
"""

import jax, jax.numpy as jnp
import numpy as np

T = 512
L = 16
NUM_CHARS = 256
NUM_TAGS = 1024
CE = 128
CR = 256
WR = 512
WE = 256
BEAM = 16


def _lse(x, dim):
    off = jnp.max(x, axis=dim)
    return jnp.log(jnp.exp(x - jnp.expand_dims(off, dim)).sum(axis=dim)) + off


def setup_inputs(seed: int = 0):
    key = jax.random.key(seed)
    ks = jax.random.split(key, 24)
    def n(k, shape, scale=0.05):
        return jax.random.normal(k, shape, dtype=jnp.float32) * scale
    inp = {}
    inp['fwd_charIDs'] = jax.random.randint(ks[0], (T, L), 0, NUM_CHARS)
    inp['bwd_charIDs'] = jax.random.randint(ks[1], (T, L), 0, NUM_CHARS)
    inp['tags'] = jax.random.randint(ks[2], (T,), 0, NUM_TAGS)
    inp['C_emb'] = n(ks[3], (NUM_CHARS, CE), 0.1)
    inp['Wxf'] = n(ks[4], (CE, CR)); inp['Whf'] = n(ks[5], (CR, CR)); inp['bf'] = jnp.zeros((CR,), jnp.float32)
    inp['Wxb'] = n(ks[6], (CE, CR)); inp['Whb'] = n(ks[7], (CR, CR)); inp['bb'] = jnp.zeros((CR,), jnp.float32)
    inp['Wp'] = n(ks[8], (2 * CR, WE)); inp['bp'] = jnp.zeros((WE,), jnp.float32)
    inp['Wwf'] = n(ks[9], (WE, WR)); inp['Uwf'] = n(ks[10], (WR, WR)); inp['bwf'] = jnp.zeros((WR,), jnp.float32)
    inp['Wwb'] = n(ks[11], (WE, WR)); inp['Uwb'] = n(ks[12], (WR, WR)); inp['bwb'] = jnp.zeros((WR,), jnp.float32)
    inp['Wo'] = n(ks[13], (2 * WR, NUM_TAGS)); inp['bo'] = jnp.zeros((NUM_TAGS,), jnp.float32)
    inp['crf_w'] = n(ks[14], (NUM_TAGS, NUM_TAGS), 0.01)
    return inp


def _char_rnn(ids, emb, Wx, Wh, b):
    x = jnp.transpose(emb[ids], (1, 0, 2))
    h0 = jnp.zeros((ids.shape[0], Wh.shape[0]), dtype=jnp.float32)
    def step(h, xt):
        h2 = jnp.tanh(xt @ Wx + h @ Wh + b)
        return h2, None
    h, _ = jax.lax.scan(step, h0, x)
    return h


def _word_rnn(xs, Wx, Wh, b, reverse):
    h0 = jnp.zeros((Wh.shape[0],), dtype=jnp.float32)
    def step(h, xt):
        h2 = jnp.tanh(xt @ Wx + h @ Wh + b)
        return h2, h2
    _, hs = jax.lax.scan(step, h0, xs, reverse=reverse)
    return hs


def _base_scores(fwd_charIDs, bwd_charIDs, C_emb, Wxf, Whf, bf, Wxb, Whb, bb, Wp, bp, Wwf, Uwf, bwf, Wwb, Uwb, bwb, Wo, bo):
    hf = _char_rnn(fwd_charIDs, C_emb, Wxf, Whf, bf)
    hb = _char_rnn(bwd_charIDs, C_emb, Wxb, Whb, bb)
    w_in = jnp.tanh(jnp.concatenate([hf, hb], axis=-1) @ Wp + bp)
    hfw = _word_rnn(w_in, Wwf, Uwf, bwf, False)
    hbw = _word_rnn(w_in, Wwb, Uwb, bwb, True)
    return jnp.concatenate([hfw, hbw], axis=-1) @ Wo + bo


def reference(fwd_charIDs, bwd_charIDs, tags, C_emb, Wxf, Whf, bf, Wxb, Whb, bb, Wp, bp, Wwf, Uwf, bwf, Wwb, Uwb, bwb, Wo, bo, crf_w):
    scores = _base_scores(fwd_charIDs, bwd_charIDs, C_emb, Wxf, Whf, bf, Wxb, Whb, bb, Wp, bp, Wwf, Uwf, bwf, Wwb, Uwb, bwb, Wo, bo)
    best_scores, best_tags = jax.lax.top_k(scores, BEAM)

    def crf_step(carry, xs):
        vs, fs, pt = carry
        bs_i, bt_i = xs
        w = crf_w[pt][:, bt_i]
        vv = vs[:, None] + bs_i[None, :] + w
        nvs = jnp.max(vv, axis=0)
        bp_i = jnp.argmax(vv, axis=0)
        vf = fs[:, None] + bs_i[None, :] + w
        nfs = _lse(vf, 0)
        return (nvs, nfs, bt_i), bp_i

    (vs, fs, _), bps = jax.lax.scan(crf_step, (best_scores[0], best_scores[0], best_tags[0]), (best_scores[1:], best_tags[1:]))
    index = jnp.argmax(vs)

    def back(idx, bp_i):
        ni = bp_i[idx]
        return ni, ni

    _, ys = jax.lax.scan(back, index, bps, reverse=True)
    best_indices = jnp.concatenate([ys, jnp.array([index])])
    predicted_tags = best_tags[jnp.arange(T), best_indices]

    base_s = scores[jnp.arange(T), tags].sum()
    crf_s = crf_w[tags[:-1], tags[1:]].sum()
    logZ = _lse(fs, 0)
    logprob = base_s + crf_s - logZ
    return (predicted_tags, -logprob)

if __name__ == "__main__":
    import jax
    _d = setup_inputs()
    print(jax.jit(kernel)(*tuple(_d.values())))

</pallas_src>

<mosaic_0001>
#map = affine_map<(d0, d1) -> (0, 0)>
#map1 = affine_map<(d0, d1) -> (0)>
module attributes {stable_mosaic.version = 14 : i64} {
  func.func @_sc_gather_kernel(%arg0: i32, %arg1: i32, %arg2: memref<520x16xi32, #tpu.memory_space<hbm>>, %arg3: memref<1048576xf32, #tpu.memory_space<hbm>>, %arg4: memref<512xi32, #tpu.memory_space<hbm>>, %arg5: memref<512xi32, #tpu.memory_space<hbm>>, %arg6: memref<131328xf32, #tpu.memory_space<hbm>>, %arg7: memref<512xf32, #tpu.memory_space<hbm>>, %arg8: memref<24x16xi32, #tpu.memory_space<vmem>>, %arg9: memref<4096xi32, #tpu.memory_space<vmem>>, %arg10: memref<4096xf32, #tpu.memory_space<vmem>>, %arg11: memref<512xi32, #tpu.memory_space<vmem>>, %arg12: memref<512xi32, #tpu.memory_space<vmem>>, %arg13: memref<512xi32, #tpu.memory_space<vmem>>, %arg14: memref<512xf32, #tpu.memory_space<vmem>>, %arg15: memref<!tpu.dma_semaphore, #tpu.memory_space<semaphore_mem>>) attributes {dimension_semantics = [#tpu.dimension_semantics<core_parallel>, #tpu.dimension_semantics<subcore_parallel>], iteration_bounds = array<i64: 2, 16>, scalar_prefetch = 0 : i64, scratch_operands = 8 : i64, tpu.core_type = #tpu.core_type<sc_vector_subcore>, window_params = [{transform_indices = #map}, {transform_indices = #map1}, {transform_indices = #map1}, {transform_indices = #map1}, {transform_indices = #map1}, {transform_indices = #map1}]} {
    %mul3A = arith.constant 2 : i32
    %mul3A_0 = arith.muli %arg1, %mul3A : i32
    %add3A = arith.addi %mul3A_0, %arg0 : i32
    %mul3A_1 = arith.constant 16 : i32
    %mul3A_2 = arith.muli %mul3A_1, %add3A : i32
    "tpu.region"() ({
      %run_scoped3A = tpu.sem_alloc : memref<!tpu.dma_semaphore, #tpu.memory_space<semaphore_mem>>
      %dma_start3A_396 = arith.constant 0 : i32
      %dma_start3A_397 = tpu.memref_slice %arg2[%mul3A_2, %dma_start3A_396] : memref<520x16xi32, #tpu.memory_space<hbm>> -> memref<24x16xi32, #tpu.memory_space<hbm>>
      %dma_start3A_398 = arith.constant 0 : i32
      %dma_start3A_399 = tpu.memref_slice %arg2[%mul3A_2, %dma_start3A_398] : memref<520x16xi32, #tpu.memory_space<hbm>> -> memref<24x16xi32, #tpu.memory_space<hbm>>
      tpu.enqueue_dma source(%dma_start3A_399 : memref<24x16xi32, #tpu.memory_space<hbm>>) target(%arg8 : memref<24x16xi32, #tpu.memory_space<vmem>>) target_semaphore(%run_scoped3A : memref<!tpu.dma_semaphore, #tpu.memory_space<semaphore_mem>>)
      %dma_wait3A_400 = arith.constant 0 : i32
      %dma_wait3A_401 = tpu.memref_slice %arg2[%mul3A_2, %dma_wait3A_400] : memref<520x16xi32, #tpu.memory_space<hbm>> -> memref<24x16xi32, #tpu.memory_space<hbm>>
      %dma_wait3A_402 = arith.constant 0 : i32
      %dma_wait3A_403 = tpu.memref_slice %arg2[%mul3A_2, %dma_wait3A_402] : memref<520x16xi32, #tpu.memory_space<hbm>> -> memref<24x16xi32, #tpu.memory_space<hbm>>
      tpu.wait_dma2 semaphore(%run_scoped3A : memref<!tpu.dma_semaphore, #tpu.memory_space<semaphore_mem>>) src(%dma_wait3A_403 : memref<24x16xi32, #tpu.memory_space<hbm>>) dst(%arg8 : memref<24x16xi32, #tpu.memory_space<vmem>>)
      tpu.yield
    }) : () -> ()
    %scan3A = arith.constant 0 : i32
    %scan3A_3 = arith.constant 0 : i32
    %scan3A_4 = arith.constant 16 : i32
    %scan3A_5 = arith.addi %scan3A_3, %scan3A_4 : i32
    %scan3A_6 = arith.constant 1 : i32
    scf.for %scan3A_396 = %scan3A_3 to %scan3A_5 step %scan3A_6  : i32 {
      %get3A = arith.index_cast %scan3A_396 : i32 to index
      %get3A_397 = arith.constant 0 : index
      %get3A_398 = tpu.vector_load %arg8[%get3A, %get3A_397] {strides = array<i32>} : memref<24x16xi32, #tpu.memory_space<vmem>>, vector<1x16xi32>,
      %get3A_399 = vector.shape_cast %get3A_398 : vector<1x16xi32> to vector<16xi32>
      %add3A_400 = arith.constant 1 : i32
      %add3A_401 = arith.addi %scan3A_396, %add3A_400 : i32
      %get3A_402 = arith.index_cast %add3A_401 : i32 to index
      %get3A_403 = arith.constant 0 : index
      %get3A_404 = tpu.vector_load %arg8[%get3A_402, %get3A_403] {strides = array<i32>} : memref<24x16xi32, #tpu.memory_space<vmem>>, vector<1x16xi32>,
      %get3A_405 = vector.shape_cast %get3A_404 : vector<1x16xi32> to vector<16xi32>
      %slice3A = vector.extract_strided_slice %get3A_399 {offsets = [0], sizes = [1], strides = [1]} : vector<16xi32> to vector<1xi32>
      %squeeze3A = vector.extract %slice3A[0] : i32 from vector<1xi32>
      %mul3A_406 = arith.constant 1024 : i32
      %mul3A_407 = arith.muli %squeeze3A, %mul3A_406 : i32
      %add3A_408 = vector.broadcast %mul3A_407 : i32 to vector<16xi32>
      %add3A_409 = arith.addi %add3A_408, %get3A_405 : vector<16xi32>
      %mul3A_410 = arith.constant 16 : i32
      %mul3A_411 = arith.muli %mul3A_410, %scan3A_396 : i32
      %add3A_412 = arith.constant 0 : i32
      %add3A_413 = arith.addi %mul3A_411, %add3A_412 : i32
      %mul3A_414 = arith.constant 16 : i32
      %mul3A_415 = arith.muli %add3A_413, %mul3A_414 : i32
      %swap3A = arith.index_cast %mul3A_415 : i32 to index
      %swap3A_416 = tpu.vector_load %arg9[%swap3A] {strides = array<i32>} : memref<4096xi32, #tpu.memory_space<vmem>>, vector<16xi32>,
      %swap3A_417 = vector.shape_cast %swap3A_416 : vector<16xi32> to vector<16xi32>
      %swap3A_418 = vector.shape_cast %add3A_409 : vector<16xi32> to vector<16xi32>
      tpu.vector_store %arg9[%swap3A], %swap3A_418 {strides = array<i32>} : memref<4096xi32, #tpu.memory_space<vmem>>, vector<16xi32>,
      %slice3A_419 = vector.extract_strided_slice %get3A_399 {offsets = [1], sizes = [1], strides = [1]} : vector<16xi32> to vector<1xi32>
      %squeeze3A_420 = vector.extract %slice3A_419[0] : i32 from vector<1xi32>
      %mul3A_421 = arith.constant 1024 : i32
      %mul3A_422 = arith.muli %squeeze3A_420, %mul3A_421 : i32
      %add3A_423 = vector.broadcast %mul3A_422 : i32 to vector<16xi32>
      %add3A_424 = arith.addi %add3A_423, %get3A_405 : vector<16xi32>
      %mul3A_425 = arith.constant 16 : i32
      %mul3A_426 = arith.muli %mul3A_425, %scan3A_396 : i32
      %add3A_427 = arith.constant 1 : i32
      %add3A_428 = arith.addi %mul3A_426, %add3A_427 : i32
      %mul3A_429 = arith.constant 16 : i32
      %mul3A_430 = arith.muli %add3A_428, %mul3A_429 : i32
      %swap3A_431 = arith.index_cast %mul3A_430 : i32 to index
      %swap3A_432 = tpu.vector_load %arg9[%swap3A_431] {strides = array<i32>} : memref<4096xi32, #tpu.memory_space<vmem>>, vector<16xi32>,
      %swap3A_433 = vector.shape_cast %swap3A_432 : vector<16xi32> to vector<16xi32>
      %swap3A_434 = vector.shape_cast %add3A_424 : vector<16xi32> to vector<16xi32>
      tpu.vector_store %arg9[%swap3A_431], %swap3A_434 {strides = array<i32>} : memref<4096xi32, #tpu.memory_space<vmem>>, vector<16xi32>,
      %slice3A_435 = vector.extract_strided_slice %get3A_399 {offsets = [2], sizes = [1], strides = [1]} : vector<16xi32> to vector<1xi32>
      %squeeze3A_436 = vector.extract %slice3A_435[0] : i32 from vector<1xi32>
      %mul3A_437 = arith.constant 1024 : i32
      %mul3A_438 = arith.muli %squeeze3A_436, %mul3A_437 : i32
      %add3A_439 = vector.broadcast %mul3A_438 : i32 to vector<16xi32>
      %add3A_440 = arith.addi %add3A_439, %get3A_405 : vector<16xi32>
      %mul3A_441 = arith.constant 16 : i32
      %mul3A_442 = arith.muli %mul3A_441, %scan3A_396 : i32
      %add3A_443 = arith.constant 2 : i32
      %add3A_444 = arith.addi %mul3A_442, %add3A_443 : i32
      %mul3A_445 = arith.constant 16 : i32
      %mul3A_446 = arith.muli %add3A_444, %mul3A_445 : i32
      %swap3A_447 = arith.index_cast %mul3A_446 : i32 to index
      %swap3A_448 = tpu.vector_load %arg9[%swap3A_447] {strides = array<i32>} : memref<4096xi32, #tpu.memory_space<vmem>>, vector<16xi32>,
      %swap3A_449 = vector.shape_cast %swap3A_448 : vector<16xi32> to vector<16xi32>
      %swap3A_450 = vector.shape_cast %add3A_440 : vector<16xi32> to vector<16xi32>
      tpu.vector_store %arg9[%swap3A_447], %swap3A_450 {strides = array<i32>} : memref<4096xi32, #tpu.memory_space<vmem>>, vector<16xi32>,
      %slice3A_451 = vector.extract_strided_slice %get3A_399 {offsets = [3], sizes = [1], strides = [1]} : vector<16xi32> to vector<1xi32>
      %squeeze3A_452 = vector.extract %slice3A_451[0] : i32 from vector<1xi32>
      %mul3A_453 = arith.constant 1024 : i32
      %mul3A_454 = arith.muli %squeeze3A_452, %mul3A_453 : i32
      %add3A_455 = vector.broadcast %mul3A_454 : i32 to vector<16xi32>
      %add3A_456 = arith.addi %add3A_455, %get3A_405 : vector<16xi32>
      %mul3A_457 = arith.constant 16 : i32
      %mul3A_458 = arith.muli %mul3A_457, %scan3A_396 : i32
      %add3A_459 = arith.constant 3 : i32
      %add3A_460 = arith.addi %mul3A_458, %add3A_459 : i32
      %mul3A_461 = arith.constant 16 : i32
      %mul3A_462 = arith.muli %add3A_460, %mul3A_461 : i32
      %swap3A_463 = arith.index_cast %mul3A_462 : i32 to index
      %swap3A_464 = tpu.vector_load %arg9[%swap3A_463] {strides = array<i32>} : memref<4096xi32, #tpu.memory_space<vmem>>, vector<16xi32>,
      %swap3A_465 = vector.shape_cast %swap3A_464 : vector<16xi32> to vector<16xi32>
      %swap3A_466 = vector.shape_cast %add3A_456 : vector<16xi32> to vector<16xi32>
      tpu.vector_store %arg9[%swap3A_463], %swap3A_466 {strides = array<i32>} : memref<4096xi32, #tpu.memory_space<vmem>>, vector<16xi32>,
      %slice3A_467 = vector.extract_strided_slice %get3A_399 {offsets = [4], sizes = [1], strides = [1]} : vector<16xi32> to vector<1xi32>
      %squeeze3A_468 = vector.extract %slice3A_467[0] : i32 from vector<1xi32>
      %mul3A_469 = arith.constant 1024 : i32
      %mul3A_470 = arith.muli %squeeze3A_468, %mul3A_469 : i32
      %add3A_471 = vector.broadcast %mul3A_470 : i32 to vector<16xi32>
      %add3A_472 = arith.addi %add3A_471, %get3A_405 : vector<16xi32>
      %mul3A_473 = arith.constant 16 : i32
      %mul3A_474 = arith.muli %mul3A_473, %scan3A_396 : i32
      %add3A_475 = arith.constant 4 : i32
      %add3A_476 = arith.addi %mul3A_474, %add3A_475 : i32
      %mul3A_477 = arith.constant 16 : i32
      %mul3A_478 = arith.muli %add3A_476, %mul3A_477 : i32
      %swap3A_479 = arith.index_cast %mul3A_478 : i32 to index
      %swap3A_480 = tpu.vector_load %arg9[%swap3A_479] {strides = array<i32>} : memref<4096xi32, #tpu.memory_space<vmem>>, vector<16xi32>,
      %swap3A_481 = vector.shape_cast %swap3A_480 : vector<16xi32> to vector<16xi32>
      %swap3A_482 = vector.shape_cast %add3A_472 : vector<16xi32> to vector<16xi32>
      tpu.vector_store %arg9[%swap3A_479], %swap3A_482 {strides = array<i32>} : memref<4096xi32, #tpu.memory_space<vmem>>, vector<16xi32>,
      %slice3A_483 = vector.extract_strided_slice %get3A_399 {offsets = [5], sizes = [1], strides = [1]} : vector<16xi32> to vector<1xi32>
      %squeeze3A_484 = vector.extract %slice3A_483[0] : i32 from vector<1xi32>
      %mul3A_485 = arith.constant 1024 : i32
      %mul3A_486 = arith.muli %squeeze3A_484, %mul3A_485 : i32
      %add3A_487 = vector.broadcast %mul3A_486 : i32 to vector<16xi32>
      %add3A_488 = arith.addi %add3A_487, %get3A_405 : vector<16xi32>
      %mul3A_489 = arith.constant 16 : i32
      %mul3A_490 = arith.muli %mul3A_489, %scan3A_396 : i32
      %add3A_491 = arith.constant 5 : i32
      %add3A_492 = arith.addi %mul3A_490, %add3A_491 : i32
      %mul3A_493 = arith.constant 16 : i32
      %mul3A_494 = arith.muli %add3A_492, %mul3A_493 : i32
      %swap3A_495 = arith.index_cast %mul3A_494 : i32 to index
      %swap3A_496 = tpu.vector_load %arg9[%swap3A_495] {strides = array<i32>} : memref<4096xi32, #tpu.memory_space<vmem>>, vector<16xi32>,
      %swap3A_497 = vector.shape_cast %swap3A_496 : vector<16xi32> to vector<16xi32>
      %swap3A_498 = vector.shape_cast %add3A_488 : vector<16xi32> to vector<16xi32>
      tpu.vector_store %arg9[%swap3A_495], %swap3A_498 {strides = array<i32>} : memref<4096xi32, #tpu.memory_space<vmem>>, vector<16xi32>,
      %slice3A_499 = vector.extract_strided_slice %get3A_399 {offsets = [6], sizes = [1], strides = [1]} : vector<16xi32> to vector<1xi32>
      %squeeze3A_500 = vector.extract %slice3A_499[0] : i32 from vector<1xi32>
      %mul3A_501 = arith.constant 1024 : i32
      %mul3A_502 = arith.muli %squeeze3A_500, %mul3A_501 : i32
      %add3A_503 = vector.broadcast %mul3A_502 : i32 to vector<16xi32>
      %add3A_504 = arith.addi %add3A_503, %get3A_405 : vector<16xi32>
      %mul3A_505 = arith.constant 16 : i32
      %mul3A_506 = arith.muli %mul3A_505, %scan3A_396 : i32
      %add3A_507 = arith.constant 6 : i32
      %add3A_508 = arith.addi %mul3A_506, %add3A_507 : i32
      %mul3A_509 = arith.constant 16 : i32
      %mul3A_510 = arith.muli %add3A_508, %mul3A_509 : i32
      %swap3A_511 = arith.index_cast %mul3A_510 : i32 to index
      %swap3A_512 = tpu.vector_load %arg9[%swap3A_511] {strides = array<i32>} : memref<4096xi32, #tpu.memory_space<vmem>>, vector<16xi32>,
      %swap3A_513 = vector.shape_cast %swap3A_512 : vector<16xi32> to vector<16xi32>
      %swap3A_514 = vector.shape_cast %add3A_504 : vector<16xi32> to vector<16xi32>
      tpu.vector_store %arg9[%swap3A_511], %swap3A_514 {strides = array<i32>} : memref<4096xi32, #tpu.memory_space<vmem>>, vector<16xi32>,
      %slice3A_515 = vector.extract_strided_slice %get3A_399 {offsets = [7], sizes = [1], strides = [1]} : vector<16xi32> to vector<1xi32>
      %squeeze3A_516 = vector.extract %slice3A_515[0] : i32 from vector<1xi32>
      %mul3A_517 = arith.constant 1024 : i32
      %mul3A_518 = arith.muli %squeeze3A_516, %mul3A_517 : i32
      %add3A_519 = vector.broadcast %mul3A_518 : i32 to vector<16xi32>
      %add3A_520 = arith.addi %add3A_519, %get3A_405 : vector<16xi32>
      %mul3A_521 = arith.constant 16 : i32
      %mul3A_522 = arith.muli %mul3A_521, %scan3A_396 : i32
      %add3A_523 = arith.constant 7 : i32
      %add3A_524 = arith.addi %mul3A_522, %add3A_523 : i32
      %mul3A_525 = arith.constant 16 : i32
      %mul3A_526 = arith.muli %add3A_524, %mul3A_525 : i32
      %swap3A_527 = arith.index_cast %mul3A_526 : i32 to index
      %swap3A_528 = tpu.vector_load %arg9[%swap3A_527] {strides = array<i32>} : memref<4096xi32, #tpu.memory_space<vmem>>, vector<16xi32>,
      %swap3A_529 = vector.shape_cast %swap3A_528 : vector<16xi32> to vector<16xi32>
      %swap3A_530 = vector.shape_cast %add3A_520 : vector<16xi32> to vector<16xi32>
      tpu.vector_store %arg9[%swap3A_527], %swap3A_530 {strides = array<i32>} : memref<4096xi32, #tpu.memory_space<vmem>>, vector<16xi32>,
      %slice3A_531 = vector.extract_strided_slice %get3A_399 {offsets = [8], sizes = [1], strides = [1]} : vector<16xi32> to vector<1xi32>
      %squeeze3A_532 = vector.extract %slice3A_531[0] : i32 from vector<1xi32>
      %mul3A_533 = arith.constant 1024 : i32
      %mul3A_534 = arith.muli %squeeze3A_532, %mul3A_533 : i32
      %add3A_535 = vector.broadcast %mul3A_534 : i32 to vector<16xi32>
      %add3A_536 = arith.addi %add3A_535, %get3A_405 : vector<16xi32>
      %mul3A_537 = arith.constant 16 : i32
      %mul3A_538 = arith.muli %mul3A_537, %scan3A_396 : i32
      %add3A_539 = arith.constant 8 : i32
      %add3A_540 = arith.addi %mul3A_538, %add3A_539 : i32
      %mul3A_541 = arith.constant 16 : i32
      %mul3A_542 = arith.muli %add3A_540, %mul3A_541 : i32
      %swap3A_543 = arith.index_cast %mul3A_542 : i32 to index
      %swap3A_544 = tpu.vector_load %arg9[%swap3A_543] {strides = array<i32>} : memref<4096xi32, #tpu.memory_space<vmem>>, vector<16xi32>,
      %swap3A_545 = vector.shape_cast %swap3A_544 : vector<16xi32> to vector<16xi32>
      %swap3A_546 = vector.shape_cast %add3A_536 : vector<16xi32> to vector<16xi32>
      tpu.vector_store %arg9[%swap3A_543], %swap3A_546 {strides = array<i32>} : memref<4096xi32, #tpu.memory_space<vmem>>, vector<16xi32>,
      %slice3A_547 = vector.extract_strided_slice %get3A_399 {offsets = [9], sizes = [1], strides = [1]} : vector<16xi32> to vector<1xi32>
      %squeeze3A_548 = vector.extract %slice3A_547[0] : i32 from vector<1xi32>
      %mul3A_549 = arith.constant 1024 : i32
      %mul3A_550 = arith.muli %squeeze3A_548, %mul3A_549 : i32
      %add3A_551 = vector.broadcast %mul3A_550 : i32 to vector<16xi32>
      %add3A_552 = arith.addi %add3A_551, %get3A_405 : vector<16xi32>
      %mul3A_553 = arith.constant 16 : i32
      %mul3A_554 = arith.muli %mul3A_553, %scan3A_396 : i32
      %add3A_555 = arith.constant 9 : i32
      %add3A_556 = arith.addi %mul3A_554, %add3A_555 : i32
      %mul3A_557 = arith.constant 16 : i32
      %mul3A_558 = arith.muli %add3A_556, %mul3A_557 : i32
      %swap3A_559 = arith.index_cast %mul3A_558 : i32 to index
      %swap3A_560 = tpu.vector_load %arg9[%swap3A_559] {strides = array<i32>} : memref<4096xi32, #tpu.memory_space<vmem>>, vector<16xi32>,
      %swap3A_561 = vector.shape_cast %swap3A_560 : vector<16xi32> to vector<16xi32>
      %swap3A_562 = vector.shape_cast %add3A_552 : vector<16xi32> to vector<16xi32>
      tpu.vector_store %arg9[%swap3A_559], %swap3A_562 {strides = array<i32>} : memref<4096xi32, #tpu.memory_space<vmem>>, vector<16xi32>,
      %slice3A_563 = vector.extract_strided_slice %get3A_399 {offsets = [10], sizes = [1], strides = [1]} : vector<16xi32> to vector<1xi32>
      %squeeze3A_564 = vector.extract %slice3A_563[0] : i32 from vector<1xi32>
      %mul3A_565 = arith.constant 1024 : i32
      %mul3A_566 = arith.muli %squeeze3A_564, %mul3A_565 : i32
      %add3A_567 = vector.broadcast %mul3A_566 : i32 to vector<16xi32>
      %add3A_568 = arith.addi %add3A_567, %get3A_405 : vector<16xi32>
      %mul3A_569 = arith.constant 16 : i32
      %mul3A_570 = arith.muli %mul3A_569, %scan3A_396 : i32
      %add3A_571 = arith.constant 10 : i32
      %add3A_572 = arith.addi %mul3A_570, %add3A_571 : i32
      %mul3A_573 = arith.constant 16 : i32
      %mul3A_574 = arith.muli %add3A_572, %mul3A_573 : i32
      %swap3A_575 = arith.index_cast %mul3A_574 : i32 to index
      %swap3A_576 = tpu.vector_load %arg9[%swap3A_575] {strides = array<i32>} : memref<4096xi32, #tpu.memory_space<vmem>>, vector<16xi32>,
      %swap3A_577 = vector.shape_cast %swap3A_576 : vector<16xi32> to vector<16xi32>
      %swap3A_578 = vector.shape_cast %add3A_568 : vector<16xi32> to vector<16xi32>
      tpu.vector_store %arg9[%swap3A_575], %swap3A_578 {strides = array<i32>} : memref<4096xi32, #tpu.memory_space<vmem>>, vector<16xi32>,
      %slice3A_579 = vector.extract_strided_slice %get3A_399 {offsets = [11], sizes = [1], strides = [1]} : vector<16xi32> to vector<1xi32>
      %squeeze3A_580 = vector.extract %slice3A_579[0] : i32 from vector<1xi32>
      %mul3A_581 = arith.constant 1024 : i32
      %mul3A_582 = arith.muli %squeeze3A_580, %mul3A_581 : i32
      %add3A_583 = vector.broadcast %mul3A_582 : i32 to vector<16xi32>
      %add3A_584 = arith.addi %add3A_583, %get3A_405 : vector<16xi32>
      %mul3A_585 = arith.constant 16 : i32
      %mul3A_586 = arith.muli %mul3A_585, %scan3A_396 : i32
      %add3A_587 = arith.constant 11 : i32
      %add3A_588 = arith.addi %mul3A_586, %add3A_587 : i32
      %mul3A_589 = arith.constant 16 : i32
      %mul3A_590 = arith.muli %add3A_588, %mul3A_589 : i32
      %swap3A_591 = arith.index_cast %mul3A_590 : i32 to index
      %swap3A_592 = tpu.vector_load %arg9[%swap3A_591] {strides = array<i32>} : memref<4096xi32, #tpu.memory_space<vmem>>, vector<16xi32>,
      %swap3A_593 = vector.shape_cast %swap3A_592 : vector<16xi32> to vector<16xi32>
      %swap3A_594 = vector.shape_cast %add3A_584 : vector<16xi32> to vector<16xi32>
      tpu.vector_store %arg9[%swap3A_591], %swap3A_594 {strides = array<i32>} : memref<4096xi32, #tpu.memory_space<vmem>>, vector<16xi32>,
      %slice3A_595 = vector.extract_strided_slice %get3A_399 {offsets = [12], sizes = [1], strides = [1]} : vector<16xi32> to vector<1xi32>
      %squeeze3A_596 = vector.extract %slice3A_595[0] : i32 from vector<1xi32>
      %mul3A_597 = arith.constant 1024 : i32
      %mul3A_598 = arith.muli %squeeze3A_596, %mul3A_597 : i32
      %add3A_599 = vector.broadcast %mul3A_598 : i32 to vector<16xi32>
      %add3A_600 = arith.addi %add3A_599, %get3A_405 : vector<16xi32>
      %mul3A_601 = arith.constant 16 : i32
      %mul3A_602 = arith.muli %mul3A_601, %scan3A_396 : i32
      %add3A_603 = arith.constant 12 : i32
      %add3A_604 = arith.addi %mul3A_602, %add3A_603 : i32
      %mul3A_605 = arith.constant 16 : i32
      %mul3A_606 = arith.muli %add3A_604, %mul3A_605 : i32
      %swap3A_607 = arith.index_cast %mul3A_606 : i32 to index
      %swap3A_608 = tpu.vector_load %arg9[%swap3A_607] {strides = array<i32>} : memref<4096xi32, #tpu.memory_space<vmem>>, vector<16xi32>,
      %swap3A_609 = vector.shape_cast %swap3A_608 : vector<16xi32> to vector<16xi32>
      %swap3A_610 = vector.shape_cast %add3A_600 : vector<16xi32> to vector<16xi32>
      tpu.vector_store %arg9[%swap3A_607], %swap3A_610 {strides = array<i32>} : memref<4096xi32, #tpu.memory_space<vmem>>, vector<16xi32>,
      %slice3A_611 = vector.extract_strided_slice %get3A_399 {offsets = [13], sizes = [1], strides = [1]} : vector<16xi32> to vector<1xi32>
      %squeeze3A_612 = vector.extract %slice3A_611[0] : i32 from vector<1xi32>
      %mul3A_613 = arith.constant 1024 : i32
      %mul3A_614 = arith.muli %squeeze3A_612, %mul3A_613 : i32
      %add3A_615 = vector.broadcast %mul3A_614 : i32 to vector<16xi32>
      %add3A_616 = arith.addi %add3A_615, %get3A_405 : vector<16xi32>
      %mul3A_617 = arith.constant 16 : i32
      %mul3A_618 = arith.muli %mul3A_617, %scan3A_396 : i32
      %add3A_619 = arith.constant 13 : i32
      %add3A_620 = arith.addi %mul3A_618, %add3A_619 : i32
      %mul3A_621 = arith.constant 16 : i32
      %mul3A_622 = arith.muli %add3A_620, %mul3A_621 : i32
      %swap3A_623 = arith.index_cast %mul3A_622 : i32 to index
      %swap3A_624 = tpu.vector_load %arg9[%swap3A_623] {strides = array<i32>} : memref<4096xi32, #tpu.memory_space<vmem>>, vector<16xi32>,
      %swap3A_625 = vector.shape_cast %swap3A_624 : vector<16xi32> to vector<16xi32>
      %swap3A_626 = vector.shape_cast %add3A_616 : vector<16xi32> to vector<16xi32>
      tpu.vector_store %arg9[%swap3A_623], %swap3A_626 {strides = array<i32>} : memref<4096xi32, #tpu.memory_space<vmem>>, vector<16xi32>,
      %slice3A_627 = vector.extract_strided_slice %get3A_399 {offsets = [14], sizes = [1], strides = [1]} : vector<16xi32> to vector<1xi32>
      %squeeze3A_628 = vector.extract %slice3A_627[0] : i32 from vector<1xi32>
      %mul3A_629 = arith.constant 1024 : i32
      %mul3A_630 = arith.muli %squeeze3A_628, %mul3A_629 : i32
      %add3A_631 = vector.broadcast %mul3A_630 : i32 to vector<16xi32>
      %add3A_632 = arith.addi %add3A_631, %get3A_405 : vector<16xi32>
      %mul3A_633 = arith.constant 16 : i32
      %mul3A_634 = arith.muli %mul3A_633, %scan3A_396 : i32
      %add3A_635 = arith.constant 14 : i32
      %add3A_636 = arith.addi %mul3A_634, %add3A_635 : i32
      %mul3A_637 = arith.constant 16 : i32
      %mul3A_638 = arith.muli %add3A_636, %mul3A_637 : i32
      %swap3A_639 = arith.index_cast %mul3A_638 : i32 to index
      %swap3A_640 = tpu.vector_load %arg9[%swap3A_639] {strides = array<i32>} : memref<4096xi32, #tpu.memory_space<vmem>>, vector<16xi32>,
      %swap3A_641 = vector.shape_cast %swap3A_640 : vector<16xi32> to vector<16xi32>
      %swap3A_642 = vector.shape_cast %add3A_632 : vector<16xi32> to vector<16xi32>
      tpu.vector_store %arg9[%swap3A_639], %swap3A_642 {strides = array<i32>} : memref<4096xi32, #tpu.memory_space<vmem>>, vector<16xi32>,
      %slice3A_643 = vector.extract_strided_slice %get3A_399 {offsets = [15], sizes = [1], strides = [1]} : vector<16xi32> to vector<1xi32>
      %squeeze3A_644 = vector.extract %slice3A_643[0] : i32 from vector<1xi32>
      %mul3A_645 = arith.constant 1024 : i32
      %mul3A_646 = arith.muli %squeeze3A_644, %mul3A_645 : i32
      %add3A_647 = vector.broadcast %mul3A_646 : i32 to vector<16xi32>
      %add3A_648 = arith.addi %add3A_647, %get3A_405 : vector<16xi32>
      %mul3A_649 = arith.constant 16 : i32
      %mul3A_650 = arith.muli %mul3A_649, %scan3A_396 : i32
      %add3A_651 = arith.constant 15 : i32
      %add3A_652 = arith.addi %mul3A_650, %add3A_651 : i32
      %mul3A_653 = arith.constant 16 : i32
      %mul3A_654 = arith.muli %add3A_652, %mul3A_653 : i32
      %swap3A_655 = arith.index_cast %mul3A_654 : i32 to index
      %swap3A_656 = tpu.vector_load %arg9[%swap3A_655] {strides = array<i32>} : memref<4096xi32, #tpu.memory_space<vmem>>, vector<16xi32>,
      %swap3A_657 = vector.shape_cast %swap3A_656 : vector<16xi32> to vector<16xi32>
      %swap3A_658 = vector.shape_cast %add3A_648 : vector<16xi32> to vector<16xi32>
      tpu.vector_store %arg9[%swap3A_655], %swap3A_658 {strides = array<i32>} : memref<4096xi32, #tpu.memory_space<vmem>>, vector<16xi32>,
    }
    %scan3A_7 = arith.constant 16 : i32
    %dma_start3A = arith.constant 0 : i32
    %dma_start3A_8 = tpu.memref_slice %arg10[%dma_start3A] : memref<4096xf32, #tpu.memory_space<vmem>> -> memref<128xf32, #tpu.memory_space<vmem>>
    %dma_start3A_9 = arith.constant 0 : i32
    %dma_start3A_10 = tpu.memref_slice %arg9[%dma_start3A_9] : memref<4096xi32, #tpu.memory_space<vmem>> -> memref<128xi32, #tpu.memory_space<vmem>>
    %dma_start3A_11 = arith.constant 0 : i32
    %dma_start3A_12 = tpu.memref_slice %arg3[%dma_start3A_11] : memref<1048576xf32, #tpu.memory_space<hbm>> -> memref<1048576xf32, #tpu.memory_space<hbm>>
    tpu.enqueue_indirect_dma source(%dma_start3A_12 : memref<1048576xf32, #tpu.memory_space<hbm>>) target(%dma_start3A_8 : memref<128xf32, #tpu.memory_space<vmem>>) offsets(%dma_start3A_10 : memref<128xi32, #tpu.memory_space<vmem>>) semaphore(%arg15 : memref<!tpu.dma_semaphore, #tpu.memory_space<semaphore_mem>>)
    %dma_start3A_13 = arith.constant 128 : i32
    %dma_start3A_14 = tpu.memref_slice %arg10[%dma_start3A_13] : memref<4096xf32, #tpu.memory_space<vmem>> -> memref<128xf32, #tpu.memory_space<vmem>>
    %dma_start3A_15 = arith.constant 128 : i32
    %dma_start3A_16 = tpu.memref_slice %arg9[%dma_start3A_15] : memref<4096xi32, #tpu.memory_space<vmem>> -> memref<128xi32, #tpu.memory_space<vmem>>
    %dma_start3A_17 = arith.constant 0 : i32
    %dma_start3A_18 = tpu.memref_slice %arg3[%dma_start3A_17] : memref<1048576xf32, #tpu.memory_space<hbm>> -> memref<1048576xf32, #tpu.memory_space<hbm>>
    tpu.enqueue_indirect_dma source(%dma_start3A_18 : memref<1048576xf32, #tpu.memory_space<hbm>>) target(%dma_start3A_14 : memref<128xf32, #tpu.memory_space<vmem>>) offsets(%dma_start3A_16 : memref<128xi32, #tpu.memory_space<vmem>>) semaphore(%arg15 : memref<!tpu.dma_semaphore, #tpu.memory_space<semaphore_mem>>)
    %dma_start3A_19 = arith.constant 256 : i32
    %dma_start3A_20 = tpu.memref_slice %arg10[%dma_start3A_19] : memref<4096xf32, #tpu.memory_space<vmem>> -> memref<128xf32, #tpu.memory_space<vmem>>
    %dma_start3A_21 = arith.constant 256 : i32
    %dma_start3A_22 = tpu.memref_slice %arg9[%dma_start3A_21] : memref<4096xi32, #tpu.memory_space<vmem>> -> memref<128xi32, #tpu.memory_space<vmem>>
    %dma_start3A_23 = arith.constant 0 : i32
    %dma_start3A_24 = tpu.memref_slice %arg3[%dma_start3A_23] : memref<1048576xf32, #tpu.memory_space<hbm>> -> memref<1048576xf32, #tpu.memory_space<hbm>>
    tpu.enqueue_indirect_dma source(%dma_start3A_24 : memref<1048576xf32, #tpu.memory_space<hbm>>) target(%dma_start3A_20 : memref<128xf32, #tpu.memory_space<vmem>>) offsets(%dma_start3A_22 : memref<128xi32, #tpu.memory_space<vmem>>) semaphore(%arg15 : memref<!tpu.dma_semaphore, #tpu.memory_space<semaphore_mem>>)
    %dma_start3A_25 = arith.constant 384 : i32
    %dma_start3A_26 = tpu.memref_slice %arg10[%dma_start3A_25] : memref<4096xf32, #tpu.memory_space<vmem>> -> memref<128xf32, #tpu.memory_space<vmem>>
    %dma_start3A_27 = arith.constant 384 : i32
    %dma_start3A_28 = tpu.memref_slice %arg9[%dma_start3A_27] : memref<4096xi32, #tpu.memory_space<vmem>> -> memref<128xi32, #tpu.memory_space<vmem>>
    %dma_start3A_29 = arith.constant 0 : i32
    %dma_start3A_30 = tpu.memref_slice %arg3[%dma_start3A_29] : memref<1048576xf32, #tpu.memory_space<hbm>> -> memref<1048576xf32, #tpu.memory_space<hbm>>
    tpu.enqueue_indirect_dma source(%dma_start3A_30 : memref<1048576xf32, #tpu.memory_space<hbm>>) target(%dma_start3A_26 : memref<128xf32, #tpu.memory_space<vmem>>) offsets(%dma_start3A_28 : memref<128xi32, #tpu.memory_space<vmem>>) semaphore(%arg15 : memref<!tpu.dma_semaphore, #tpu.memory_space<semaphore_mem>>)
    %dma_start3A_31 = arith.constant 512 : i32
    %dma_start3A_32 = tpu.memref_slice %arg10[%dma_start3A_31] : memref<4096xf32, #tpu.memory_space<vmem>> -> memref<128xf32, #tpu.memory_space<vmem>>
    %dma_start3A_33 = arith.constant 512 : i32
    %dma_start3A_34 = tpu.memref_slice %arg9[%dma_start3A_33] : memref<4096xi32, #tpu.memory_space<vmem>> -> memref<128xi32, #tpu.memory_space<vmem>>
    %dma_start3A_35 = arith.constant 0 : i32
    %dma_start3A_36 = tpu.memref_slice %arg3[%dma_start3A_35] : memref<1048576xf32, #tpu.memory_space<hbm>> -> memref<1048576xf32, #tpu.memory_space<hbm>>
    tpu.enqueue_indirect_dma source(%dma_start3A_36 : memref<1048576xf32, #tpu.memory_space<hbm>>) target(%dma_start3A_32 : memref<128xf32, #tpu.memory_space<vmem>>) offsets(%dma_start3A_34 : memref<128xi32, #tpu.memory_space<vmem>>) semaphore(%arg15 : memref<!tpu.dma_semaphore, #tpu.memory_space<semaphore_mem>>)
    %dma_start3A_37 = arith.constant 640 : i32
    %dma_start3A_38 = tpu.memref_slice %arg10[%dma_start3A_37] : memref<4096xf32, #tpu.memory_space<vmem>> -> memref<128xf32, #tpu.memory_space<vmem>>
    %dma_start3A_39 = arith.constant 640 : i32
    %dma_start3A_40 = tpu.memref_slice %arg9[%dma_start3A_39] : memref<4096xi32, #tpu.memory_space<vmem>> -> memref<128xi32, #tpu.memory_space<vmem>>
    %dma_start3A_41 = arith.constant 0 : i32
    %dma_start3A_42 = tpu.memref_slice %arg3[%dma_start3A_41] : memref<1048576xf32, #tpu.memory_space<hbm>> -> memref<1048576xf32, #tpu.memory_space<hbm>>
    tpu.enqueue_indirect_dma source(%dma_start3A_42 : memref<1048576xf32, #tpu.memory_space<hbm>>) target(%dma_start3A_38 : memref<128xf32, #tpu.memory_space<vmem>>) offsets(%dma_start3A_40 : memref<128xi32, #tpu.memory_space<vmem>>) semaphore(%arg15 : memref<!tpu.dma_semaphore, #tpu.memory_space<semaphore_mem>>)
    %dma_start3A_43 = arith.constant 768 : i32
    %dma_start3A_44 = tpu.memref_slice %arg10[%dma_start3A_43] : memref<4096xf32, #tpu.memory_space<vmem>> -> memref<128xf32, #tpu.memory_space<vmem>>
    %dma_start3A_45 = arith.constant 768 : i32
    %dma_start3A_46 = tpu.memref_slice %arg9[%dma_start3A_45] : memref<4096xi32, #tpu.memory_space<vmem>> -> memref<128xi32, #tpu.memory_space<vmem>>
    %dma_start3A_47 = arith.constant 0 : i32
    %dma_start3A_48 = tpu.memref_slice %arg3[%dma_start3A_47] : memref<1048576xf32, #tpu.memory_space<hbm>> -> memref<1048576xf32, #tpu.memory_space<hbm>>
    tpu.enqueue_indirect_dma source(%dma_start3A_48 : memref<1048576xf32, #tpu.memory_space<hbm>>) target(%dma_start3A_44 : memref<128xf32, #tpu.memory_space<vmem>>) offsets(%dma_start3A_46 : memref<128xi32, #tpu.memory_space<vmem>>) semaphore(%arg15 : memref<!tpu.dma_semaphore, #tpu.memory_space<semaphore_mem>>)
    %dma_start3A_49 = arith.constant 896 : i32
    %dma_start3A_50 = tpu.memref_slice %arg10[%dma_start3A_49] : memref<4096xf32, #tpu.memory_space<vmem>> -> memref<128xf32, #tpu.memory_space<vmem>>
    %dma_start3A_51 = arith.constant 896 : i32
    %dma_start3A_52 = tpu.memref_slice %arg9[%dma_start3A_51] : memref<4096xi32, #tpu.memory_space<vmem>> -> memref<128xi32, #tpu.memory_space<vmem>>
    %dma_start3A_53 = arith.constant 0 : i32
    %dma_start3A_54 = tpu.memref_slice %arg3[%dma_start3A_53] : memref<1048576xf32, #tpu.memory_space<hbm>> -> memref<1048576xf32, #tpu.memory_space<hbm>>
    tpu.enqueue_indirect_dma source(%dma_start3A_54 : memref<1048576xf32, #tpu.memory_space<hbm>>) target(%dma_start3A_50 : memref<128xf32, #tpu.memory_space<vmem>>) offsets(%dma_start3A_52 : memref<128xi32, #tpu.memory_space<vmem>>) semaphore(%arg15 : memref<!tpu.dma_semaphore, #tpu.memory_space<semaphore_mem>>)
    %dma_start3A_55 = arith.constant 1024 : i32
    %dma_start3A_56 = tpu.memref_slice %arg10[%dma_start3A_55] : memref<4096xf32, #tpu.memory_space<vmem>> -> memref<128xf32, #tpu.memory_space<vmem>>
    %dma_start3A_57 = arith.constant 1024 : i32
    %dma_start3A_58 = tpu.memref_slice %arg9[%dma_start3A_57] : memref<4096xi32, #tpu.memory_space<vmem>> -> memref<128xi32, #tpu.memory_space<vmem>>
    %dma_start3A_59 = arith.constant 0 : i32
    %dma_start3A_60 = tpu.memref_slice %arg3[%dma_start3A_59] : memref<1048576xf32, #tpu.memory_space<hbm>> -> memref<1048576xf32, #tpu.memory_space<hbm>>
    tpu.enqueue_indirect_dma source(%dma_start3A_60 : memref<1048576xf32, #tpu.memory_space<hbm>>) target(%dma_start3A_56 : memref<128xf32, #tpu.memory_space<vmem>>) offsets(%dma_start3A_58 : memref<128xi32, #tpu.memory_space<vmem>>) semaphore(%arg15 : memref<!tpu.dma_semaphore, #tpu.memory_space<semaphore_mem>>)
    %dma_start3A_61 = arith.constant 1152 : i32
    %dma_start3A_62 = tpu.memref_slice %arg10[%dma_start3A_61] : memref<4096xf32, #tpu.memory_space<vmem>> -> memref<128xf32, #tpu.memory_space<vmem>>
    %dma_start3A_63 = arith.constant 1152 : i32
    %dma_start3A_64 = tpu.memref_slice %arg9[%dma_start3A_63] : memref<4096xi32, #tpu.memory_space<vmem>> -> memref<128xi32, #tpu.memory_space<vmem>>
    %dma_start3A_65 = arith.constant 0 : i32
    %dma_start3A_66 = tpu.memref_slice %arg3[%dma_start3A_65] : memref<1048576xf32, #tpu.memory_space<hbm>> -> memref<1048576xf32, #tpu.memory_space<hbm>>
    tpu.enqueue_indirect_dma source(%dma_start3A_66 : memref<1048576xf32, #tpu.memory_space<hbm>>) target(%dma_start3A_62 : memref<128xf32, #tpu.memory_space<vmem>>) offsets(%dma_start3A_64 : memref<128xi32, #tpu.memory_space<vmem>>) semaphore(%arg15 : memref<!tpu.dma_semaphore, #tpu.memory_space<semaphore_mem>>)
    %dma_start3A_67 = arith.constant 1280 : i32
    %dma_start3A_68 = tpu.memref_slice %arg10[%dma_start3A_67] : memref<4096xf32, #tpu.memory_space<vmem>> -> memref<128xf32, #tpu.memory_space<vmem>>
    %dma_start3A_69 = arith.constant 1280 : i32
    %dma_start3A_70 = tpu.memref_slice %arg9[%dma_start3A_69] : memref<4096xi32, #tpu.memory_space<vmem>> -> memref<128xi32, #tpu.memory_space<vmem>>
    %dma_start3A_71 = arith.constant 0 : i32
    %dma_start3A_72 = tpu.memref_slice %arg3[%dma_start3A_71] : memref<1048576xf32, #tpu.memory_space<hbm>> -> memref<1048576xf32, #tpu.memory_space<hbm>>
    tpu.enqueue_indirect_dma source(%dma_start3A_72 : memref<1048576xf32, #tpu.memory_space<hbm>>) target(%dma_start3A_68 : memref<128xf32, #tpu.memory_space<vmem>>) offsets(%dma_start3A_70 : memref<128xi32, #tpu.memory_space<vmem>>) semaphore(%arg15 : memref<!tpu.dma_semaphore, #tpu.memory_space<semaphore_mem>>)
    %dma_start3A_73 = arith.constant 1408 : i32
    %dma_start3A_74 = tpu.memref_slice %arg10[%dma_start3A_73] : memref<4096xf32, #tpu.memory_space<vmem>> -> memref<128xf32, #tpu.memory_space<vmem>>
    %dma_start3A_75 = arith.constant 1408 : i32
    %dma_start3A_76 = tpu.memref_slice %arg9[%dma_start3A_75] : memref<4096xi32, #tpu.memory_space<vmem>> -> memref<128xi32, #tpu.memory_space<vmem>>
    %dma_start3A_77 = arith.constant 0 : i32
    %dma_start3A_78 = tpu.memref_slice %arg3[%dma_start3A_77] : memref<1048576xf32, #tpu.memory_space<hbm>> -> memref<1048576xf32, #tpu.memory_space<hbm>>
    tpu.enqueue_indirect_dma source(%dma_start3A_78 : memref<1048576xf32, #tpu.memory_space<hbm>>) target(%dma_start3A_74 : memref<128xf32, #tpu.memory_space<vmem>>) offsets(%dma_start3A_76 : memref<128xi32, #tpu.memory_space<vmem>>) semaphore(%arg15 : memref<!tpu.dma_semaphore, #tpu.memory_space<semaphore_mem>>)
    %dma_start3A_79 = arith.constant 1536 : i32
    %dma_start3A_80 = tpu.memref_slice %arg10[%dma_start3A_79] : memref<4096xf32, #tpu.memory_space<vmem>> -> memref<128xf32, #tpu.memory_space<vmem>>
    %dma_start3A_81 = arith.constant 1536 : i32
    %dma_start3A_82 = tpu.memref_slice %arg9[%dma_start3A_81] : memref<4096xi32, #tpu.memory_space<vmem>> -> memref<128xi32, #tpu.memory_space<vmem>>
    %dma_start3A_83 = arith.constant 0 : i32
    %dma_start3A_84 = tpu.memref_slice %arg3[%dma_start3A_83] : memref<1048576xf32, #tpu.memory_space<hbm>> -> memref<1048576xf32, #tpu.memory_space<hbm>>
    tpu.enqueue_indirect_dma source(%dma_start3A_84 : memref<1048576xf32, #tpu.memory_space<hbm>>) target(%dma_start3A_80 : memref<128xf32, #tpu.memory_space<vmem>>) offsets(%dma_start3A_82 : memref<128xi32, #tpu.memory_space<vmem>>) semaphore(%arg15 : memref<!tpu.dma_semaphore, #tpu.memory_space<semaphore_mem>>)
    %dma_start3A_85 = arith.constant 1664 : i32
    %dma_start3A_86 = tpu.memref_slice %arg10[%dma_start3A_85] : memref<4096xf32, #tpu.memory_space<vmem>> -> memref<128xf32, #tpu.memory_space<vmem>>
    %dma_start3A_87 = arith.constant 1664 : i32
    %dma_start3A_88 = tpu.memref_slice %arg9[%dma_start3A_87] : memref<4096xi32, #tpu.memory_space<vmem>> -> memref<128xi32, #tpu.memory_space<vmem>>
    %dma_start3A_89 = arith.constant 0 : i32
    %dma_start3A_90 = tpu.memref_slice %arg3[%dma_start3A_89] : memref<1048576xf32, #tpu.memory_space<hbm>> -> memref<1048576xf32, #tpu.memory_space<hbm>>
    tpu.enqueue_indirect_dma source(%dma_start3A_90 : memref<1048576xf32, #tpu.memory_space<hbm>>) target(%dma_start3A_86 : memref<128xf32, #tpu.memory_space<vmem>>) offsets(%dma_start3A_88 : memref<128xi32, #tpu.memory_space<vmem>>) semaphore(%arg15 : memref<!tpu.dma_semaphore, #tpu.memory_space<semaphore_mem>>)
    %dma_start3A_91 = arith.constant 1792 : i32
    %dma_start3A_92 = tpu.memref_slice %arg10[%dma_start3A_91] : memref<4096xf32, #tpu.memory_space<vmem>> -> memref<128xf32, #tpu.memory_space<vmem>>
    %dma_start3A_93 = arith.constant 1792 : i32
    %dma_start3A_94 = tpu.memref_slice %arg9[%dma_start3A_93] : memref<4096xi32, #tpu.memory_space<vmem>> -> memref<128xi32, #tpu.memory_space<vmem>>
    %dma_start3A_95 = arith.constant 0 : i32
    %dma_start3A_96 = tpu.memref_slice %arg3[%dma_start3A_95] : memref<1048576xf32, #tpu.memory_space<hbm>> -> memref<1048576xf32, #tpu.memory_space<hbm>>
    tpu.enqueue_indirect_dma source(%dma_start3A_96 : memref<1048576xf32, #tpu.memory_space<hbm>>) target(%dma_start3A_92 : memref<128xf32, #tpu.memory_space<vmem>>) offsets(%dma_start3A_94 : memref<128xi32, #tpu.memory_space<vmem>>) semaphore(%arg15 : memref<!tpu.dma_semaphore, #tpu.memory_space<semaphore_mem>>)
    %dma_start3A_97 = arith.constant 1920 : i32
    %dma_start3A_98 = tpu.memref_slice %arg10[%dma_start3A_97] : memref<4096xf32, #tpu.memory_space<vmem>> -> memref<128xf32, #tpu.memory_space<vmem>>
    %dma_start3A_99 = arith.constant 1920 : i32
    %dma_start3A_100 = tpu.memref_slice %arg9[%dma_start3A_99] : memref<4096xi32, #tpu.memory_space<vmem>> -> memref<128xi32, #tpu.memory_space<vmem>>
    %dma_start3A_101 = arith.constant 0 : i32
    %dma_start3A_102 = tpu.memref_slice %arg3[%dma_start3A_101] : memref<1048576xf32, #tpu.memory_space<hbm>> -> memref<1048576xf32, #tpu.memory_space<hbm>>
    tpu.enqueue_indirect_dma source(%dma_start3A_102 : memref<1048576xf32, #tpu.memory_space<hbm>>) target(%dma_start3A_98 : memref<128xf32, #tpu.memory_space<vmem>>) offsets(%dma_start3A_100 : memref<128xi32, #tpu.memory_space<vmem>>) semaphore(%arg15 : memref<!tpu.dma_semaphore, #tpu.memory_space<semaphore_mem>>)
    %dma_start3A_103 = arith.constant 2048 : i32
    %dma_start3A_104 = tpu.memref_slice %arg10[%dma_start3A_103] : memref<4096xf32, #tpu.memory_space<vmem>> -> memref<128xf32, #tpu.memory_space<vmem>>
    %dma_start3A_105 = arith.constant 2048 : i32
    %dma_start3A_106 = tpu.memref_slice %arg9[%dma_start3A_105] : memref<4096xi32, #tpu.memory_space<vmem>> -> memref<128xi32, #tpu.memory_space<vmem>>
    %dma_start3A_107 = arith.constant 0 : i32
    %dma_start3A_108 = tpu.memref_slice %arg3[%dma_start3A_107] : memref<1048576xf32, #tpu.memory_space<hbm>> -> memref<1048576xf32, #tpu.memory_space<hbm>>
    tpu.enqueue_indirect_dma source(%dma_start3A_108 : memref<1048576xf32, #tpu.memory_space<hbm>>) target(%dma_start3A_104 : memref<128xf32, #tpu.memory_space<vmem>>) offsets(%dma_start3A_106 : memref<128xi32, #tpu.memory_space<vmem>>) semaphore(%arg15 : memref<!tpu.dma_semaphore, #tpu.memory_space<semaphore_mem>>)
    %dma_start3A_109 = arith.constant 2176 : i32
    %dma_start3A_110 = tpu.memref_slice %arg10[%dma_start3A_109] : memref<4096xf32, #tpu.memory_space<vmem>> -> memref<128xf32, #tpu.memory_space<vmem>>
    %dma_start3A_111 = arith.constant 2176 : i32
    %dma_start3A_112 = tpu.memref_slice %arg9[%dma_start3A_111] : memref<4096xi32, #tpu.memory_space<vmem>> -> memref<128xi32, #tpu.memory_space<vmem>>
    %dma_start3A_113 = arith.constant 0 : i32
    %dma_start3A_114 = tpu.memref_slice %arg3[%dma_start3A_113] : memref<1048576xf32, #tpu.memory_space<hbm>> -> memref<1048576xf32, #tpu.memory_space<hbm>>
    tpu.enqueue_indirect_dma source(%dma_start3A_114 : memref<1048576xf32, #tpu.memory_space<hbm>>) target(%dma_start3A_110 : memref<128xf32, #tpu.memory_space<vmem>>) offsets(%dma_start3A_112 : memref<128xi32, #tpu.memory_space<vmem>>) semaphore(%arg15 : memref<!tpu.dma_semaphore, #tpu.memory_space<semaphore_mem>>)
    %dma_start3A_115 = arith.constant 2304 : i32
    %dma_start3A_116 = tpu.memref_slice %arg10[%dma_start3A_115] : memref<4096xf32, #tpu.memory_space<vmem>> -> memref<128xf32, #tpu.memory_space<vmem>>
    %dma_start3A_117 = arith.constant 2304 : i32
    %dma_start3A_118 = tpu.memref_slice %arg9[%dma_start3A_117] : memref<4096xi32, #tpu.memory_space<vmem>> -> memref<128xi32, #tpu.memory_space<vmem>>
    %dma_start3A_119 = arith.constant 0 : i32
    %dma_start3A_120 = tpu.memref_slice %arg3[%dma_start3A_119] : memref<1048576xf32, #tpu.memory_space<hbm>> -> memref<1048576xf32, #tpu.memory_space<hbm>>
    tpu.enqueue_indirect_dma source(%dma_start3A_120 : memref<1048576xf32, #tpu.memory_space<hbm>>) target(%dma_start3A_116 : memref<128xf32, #tpu.memory_space<vmem>>) offsets(%dma_start3A_118 : memref<128xi32, #tpu.memory_space<vmem>>) semaphore(%arg15 : memref<!tpu.dma_semaphore, #tpu.memory_space<semaphore_mem>>)
    %dma_start3A_121 = arith.constant 2432 : i32
    %dma_start3A_122 = tpu.memref_slice %arg10[%dma_start3A_121] : memref<4096xf32, #tpu.memory_space<vmem>> -> memref<128xf32, #tpu.memory_space<vmem>>
    %dma_start3A_123 = arith.constant 2432 : i32
    %dma_start3A_124 = tpu.memref_slice %arg9[%dma_start3A_123] : memref<4096xi32, #tpu.memory_space<vmem>> -> memref<128xi32, #tpu.memory_space<vmem>>
    %dma_start3A_125 = arith.constant 0 : i32
    %dma_start3A_126 = tpu.memref_slice %arg3[%dma_start3A_125] : memref<1048576xf32, #tpu.memory_space<hbm>> -> memref<1048576xf32, #tpu.memory_space<hbm>>
    tpu.enqueue_indirect_dma source(%dma_start3A_126 : memref<1048576xf32, #tpu.memory_space<hbm>>) target(%dma_start3A_122 : memref<128xf32, #tpu.memory_space<vmem>>) offsets(%dma_start3A_124 : memref<128xi32, #tpu.memory_space<vmem>>) semaphore(%arg15 : memref<!tpu.dma_semaphore, #tpu.memory_space<semaphore_mem>>)
    %dma_start3A_127 = arith.constant 2560 : i32
    %dma_start3A_128 = tpu.memref_slice %arg10[%dma_start3A_127] : memref<4096xf32, #tpu.memory_space<vmem>> -> memref<128xf32, #tpu.memory_space<vmem>>
    %dma_start3A_129 = arith.constant 2560 : i32
    %dma_start3A_130 = tpu.memref_slice %arg9[%dma_start3A_129] : memref<4096xi32, #tpu.memory_space<vmem>> -> memref<128xi32, #tpu.memory_space<vmem>>
    %dma_start3A_131 = arith.constant 0 : i32
    %dma_start3A_132 = tpu.memref_slice %arg3[%dma_start3A_131] : memref<1048576xf32, #tpu.memory_space<hbm>> -> memref<1048576xf32, #tpu.memory_space<hbm>>
    tpu.enqueue_indirect_dma source(%dma_start3A_132 : memref<1048576xf32, #tpu.memory_space<hbm>>) target(%dma_start3A_128 : memref<128xf32, #tpu.memory_space<vmem>>) offsets(%dma_start3A_130 : memref<128xi32, #tpu.memory_space<vmem>>) semaphore(%arg15 : memref<!tpu.dma_semaphore, #tpu.memory_space<semaphore_mem>>)
    %dma_start3A_133 = arith.constant 2688 : i32
    %dma_start3A_134 = tpu.memref_slice %arg10[%dma_start3A_133] : memref<4096xf32, #tpu.memory_space<vmem>> -> memref<128xf32, #tpu.memory_space<vmem>>
    %dma_start3A_135 = arith.constant 2688 : i32
    %dma_start3A_136 = tpu.memref_slice %arg9[%dma_start3A_135] : memref<4096xi32, #tpu.memory_space<vmem>> -> memref<128xi32, #tpu.memory_space<vmem>>
    %dma_start3A_137 = arith.constant 0 : i32
    %dma_start3A_138 = tpu.memref_slice %arg3[%dma_start3A_137] : memref<1048576xf32, #tpu.memory_space<hbm>> -> memref<1048576xf32, #tpu.memory_space<hbm>>
    tpu.enqueue_indirect_dma source(%dma_start3A_138 : memref<1048576xf32, #tpu.memory_space<hbm>>) target(%dma_start3A_134 : memref<128xf32, #tpu.memory_space<vmem>>) offsets(%dma_start3A_136 : memref<128xi32, #tpu.memory_space<vmem>>) semaphore(%arg15 : memref<!tpu.dma_semaphore, #tpu.memory_space<semaphore_mem>>)
    %dma_start3A_139 = arith.constant 2816 : i32
    %dma_start3A_140 = tpu.memref_slice %arg10[%dma_start3A_139] : memref<4096xf32, #tpu.memory_space<vmem>> -> memref<128xf32, #tpu.memory_space<vmem>>
    %dma_start3A_141 = arith.constant 2816 : i32
    %dma_start3A_142 = tpu.memref_slice %arg9[%dma_start3A_141] : memref<4096xi32, #tpu.memory_space<vmem>> -> memref<128xi32, #tpu.memory_space<vmem>>
    %dma_start3A_143 = arith.constant 0 : i32
    %dma_start3A_144 = tpu.memref_slice %arg3[%dma_start3A_143] : memref<1048576xf32, #tpu.memory_space<hbm>> -> memref<1048576xf32, #tpu.memory_space<hbm>>
    tpu.enqueue_indirect_dma source(%dma_start3A_144 : memref<1048576xf32, #tpu.memory_space<hbm>>) target(%dma_start3A_140 : memref<128xf32, #tpu.memory_space<vmem>>) offsets(%dma_start3A_142 : memref<128xi32, #tpu.memory_space<vmem>>) semaphore(%arg15 : memref<!tpu.dma_semaphore, #tpu.memory_space<semaphore_mem>>)
    %dma_start3A_145 = arith.constant 2944 : i32
    %dma_start3A_146 = tpu.memref_slice %arg10[%dma_start3A_145] : memref<4096xf32, #tpu.memory_space<vmem>> -> memref<128xf32, #tpu.memory_space<vmem>>
    %dma_start3A_147 = arith.constant 2944 : i32
    %dma_start3A_148 = tpu.memref_slice %arg9[%dma_start3A_147] : memref<4096xi32, #tpu.memory_space<vmem>> -> memref<128xi32, #tpu.memory_space<vmem>>
    %dma_start3A_149 = arith.constant 0 : i32
    %dma_start3A_150 = tpu.memref_slice %arg3[%dma_start3A_149] : memref<1048576xf32, #tpu.memory_space<hbm>> -> memref<1048576xf32, #tpu.memory_space<hbm>>
    tpu.enqueue_indirect_dma source(%dma_start3A_150 : memref<1048576xf32, #tpu.memory_space<hbm>>) target(%dma_start3A_146 : memref<128xf32, #tpu.memory_space<vmem>>) offsets(%dma_start3A_148 : memref<128xi32, #tpu.memory_space<vmem>>) semaphore(%arg15 : memref<!tpu.dma_semaphore, #tpu.memory_space<semaphore_mem>>)
    %dma_start3A_151 = arith.constant 3072 : i32
    %dma_start3A_152 = tpu.memref_slice %arg10[%dma_start3A_151] : memref<4096xf32, #tpu.memory_space<vmem>> -> memref<128xf32, #tpu.memory_space<vmem>>
    %dma_start3A_153 = arith.constant 3072 : i32
    %dma_start3A_154 = tpu.memref_slice %arg9[%dma_start3A_153] : memref<4096xi32, #tpu.memory_space<vmem>> -> memref<128xi32, #tpu.memory_space<vmem>>
    %dma_start3A_155 = arith.constant 0 : i32
    %dma_start3A_156 = tpu.memref_slice %arg3[%dma_start3A_155] : memref<1048576xf32, #tpu.memory_space<hbm>> -> memref<1048576xf32, #tpu.memory_space<hbm>>
    tpu.enqueue_indirect_dma source(%dma_start3A_156 : memref<1048576xf32, #tpu.memory_space<hbm>>) target(%dma_start3A_152 : memref<128xf32, #tpu.memory_space<vmem>>) offsets(%dma_start3A_154 : memref<128xi32, #tpu.memory_space<vmem>>) semaphore(%arg15 : memref<!tpu.dma_semaphore, #tpu.memory_space<semaphore_mem>>)
    %dma_start3A_157 = arith.constant 3200 : i32
    %dma_start3A_158 = tpu.memref_slice %arg10[%dma_start3A_157] : memref<4096xf32, #tpu.memory_space<vmem>> -> memref<128xf32, #tpu.memory_space<vmem>>
    %dma_start3A_159 = arith.constant 3200 : i32
    %dma_start3A_160 = tpu.memref_slice %arg9[%dma_start3A_159] : memref<4096xi32, #tpu.memory_space<vmem>> -> memref<128xi32, #tpu.memory_space<vmem>>
    %dma_start3A_161 = arith.constant 0 : i32
    %dma_start3A_162 = tpu.memref_slice %arg3[%dma_start3A_161] : memref<1048576xf32, #tpu.memory_space<hbm>> -> memref<1048576xf32, #tpu.memory_space<hbm>>
    tpu.enqueue_indirect_dma source(%dma_start3A_162 : memref<1048576xf32, #tpu.memory_space<hbm>>) target(%dma_start3A_158 : memref<128xf32, #tpu.memory_space<vmem>>) offsets(%dma_start3A_160 : memref<128xi32, #tpu.memory_space<vmem>>) semaphore(%arg15 : memref<!tpu.dma_semaphore, #tpu.memory_space<semaphore_mem>>)
    %dma_start3A_163 = arith.constant 3328 : i32
    %dma_start3A_164 = tpu.memref_slice %arg10[%dma_start3A_163] : memref<4096xf32, #tpu.memory_space<vmem>> -> memref<128xf32, #tpu.memory_space<vmem>>
    %dma_start3A_165 = arith.constant 3328 : i32
    %dma_start3A_166 = tpu.memref_slice %arg9[%dma_start3A_165] : memref<4096xi32, #tpu.memory_space<vmem>> -> memref<128xi32, #tpu.memory_space<vmem>>
    %dma_start3A_167 = arith.constant 0 : i32
    %dma_start3A_168 = tpu.memref_slice %arg3[%dma_start3A_167] : memref<1048576xf32, #tpu.memory_space<hbm>> -> memref<1048576xf32, #tpu.memory_space<hbm>>
    tpu.enqueue_indirect_dma source(%dma_start3A_168 : memref<1048576xf32, #tpu.memory_space<hbm>>) target(%dma_start3A_164 : memref<128xf32, #tpu.memory_space<vmem>>) offsets(%dma_start3A_166 : memref<128xi32, #tpu.memory_space<vmem>>) semaphore(%arg15 : memref<!tpu.dma_semaphore, #tpu.memory_space<semaphore_mem>>)
    %dma_start3A_169 = arith.constant 3456 : i32
    %dma_start3A_170 = tpu.memref_slice %arg10[%dma_start3A_169] : memref<4096xf32, #tpu.memory_space<vmem>> -> memref<128xf32, #tpu.memory_space<vmem>>
    %dma_start3A_171 = arith.constant 3456 : i32
    %dma_start3A_172 = tpu.memref_slice %arg9[%dma_start3A_171] : memref<4096xi32, #tpu.memory_space<vmem>> -> memref<128xi32, #tpu.memory_space<vmem>>
    %dma_start3A_173 = arith.constant 0 : i32
    %dma_start3A_174 = tpu.memref_slice %arg3[%dma_start3A_173] : memref<1048576xf32, #tpu.memory_space<hbm>> -> memref<1048576xf32, #tpu.memory_space<hbm>>
    tpu.enqueue_indirect_dma source(%dma_start3A_174 : memref<1048576xf32, #tpu.memory_space<hbm>>) target(%dma_start3A_170 : memref<128xf32, #tpu.memory_space<vmem>>) offsets(%dma_start3A_172 : memref<128xi32, #tpu.memory_space<vmem>>) semaphore(%arg15 : memref<!tpu.dma_semaphore, #tpu.memory_space<semaphore_mem>>)
    %dma_start3A_175 = arith.constant 3584 : i32
    %dma_start3A_176 = tpu.memref_slice %arg10[%dma_start3A_175] : memref<4096xf32, #tpu.memory_space<vmem>> -> memref<128xf32, #tpu.memory_space<vmem>>
    %dma_start3A_177 = arith.constant 3584 : i32
    %dma_start3A_178 = tpu.memref_slice %arg9[%dma_start3A_177] : memref<4096xi32, #tpu.memory_space<vmem>> -> memref<128xi32, #tpu.memory_space<vmem>>
    %dma_start3A_179 = arith.constant 0 : i32
    %dma_start3A_180 = tpu.memref_slice %arg3[%dma_start3A_179] : memref<1048576xf32, #tpu.memory_space<hbm>> -> memref<1048576xf32, #tpu.memory_space<hbm>>
    tpu.enqueue_indirect_dma source(%dma_start3A_180 : memref<1048576xf32, #tpu.memory_space<hbm>>) target(%dma_start3A_176 : memref<128xf32, #tpu.memory_space<vmem>>) offsets(%dma_start3A_178 : memref<128xi32, #tpu.memory_space<vmem>>) semaphore(%arg15 : memref<!tpu.dma_semaphore, #tpu.memory_space<semaphore_mem>>)
    %dma_start3A_181 = arith.constant 3712 : i32
    %dma_start3A_182 = tpu.memref_slice %arg10[%dma_start3A_181] : memref<4096xf32, #tpu.memory_space<vmem>> -> memref<128xf32, #tpu.memory_space<vmem>>
    %dma_start3A_183 = arith.constant 3712 : i32
    %dma_start3A_184 = tpu.memref_slice %arg9[%dma_start3A_183] : memref<4096xi32, #tpu.memory_space<vmem>> -> memref<128xi32, #tpu.memory_space<vmem>>
    %dma_start3A_185 = arith.constant 0 : i32
    %dma_start3A_186 = tpu.memref_slice %arg3[%dma_start3A_185] : memref<1048576xf32, #tpu.memory_space<hbm>> -> memref<1048576xf32, #tpu.memory_space<hbm>>
    tpu.enqueue_indirect_dma source(%dma_start3A_186 : memref<1048576xf32, #tpu.memory_space<hbm>>) target(%dma_start3A_182 : memref<128xf32, #tpu.memory_space<vmem>>) offsets(%dma_start3A_184 : memref<128xi32, #tpu.memory_space<vmem>>) semaphore(%arg15 : memref<!tpu.dma_semaphore, #tpu.memory_space<semaphore_mem>>)
    %dma_start3A_187 = arith.constant 3840 : i32
    %dma_start3A_188 = tpu.memref_slice %arg10[%dma_start3A_187] : memref<4096xf32, #tpu.memory_space<vmem>> -> memref<128xf32, #tpu.memory_space<vmem>>
    %dma_start3A_189 = arith.constant 3840 : i32
    %dma_start3A_190 = tpu.memref_slice %arg9[%dma_start3A_189] : memref<4096xi32, #tpu.memory_space<vmem>> -> memref<128xi32, #tpu.memory_space<vmem>>
    %dma_start3A_191 = arith.constant 0 : i32
    %dma_start3A_192 = tpu.memref_slice %arg3[%dma_start3A_191] : memref<1048576xf32, #tpu.memory_space<hbm>> -> memref<1048576xf32, #tpu.memory_space<hbm>>
    tpu.enqueue_indirect_dma source(%dma_start3A_192 : memref<1048576xf32, #tpu.memory_space<hbm>>) target(%dma_start3A_188 : memref<128xf32, #tpu.memory_space<vmem>>) offsets(%dma_start3A_190 : memref<128xi32, #tpu.memory_space<vmem>>) semaphore(%arg15 : memref<!tpu.dma_semaphore, #tpu.memory_space<semaphore_mem>>)
    %dma_start3A_193 = arith.constant 3968 : i32
    %dma_start3A_194 = tpu.memref_slice %arg10[%dma_start3A_193] : memref<4096xf32, #tpu.memory_space<vmem>> -> memref<128xf32, #tpu.memory_space<vmem>>
    %dma_start3A_195 = arith.constant 3968 : i32
    %dma_start3A_196 = tpu.memref_slice %arg9[%dma_start3A_195] : memref<4096xi32, #tpu.memory_space<vmem>> -> memref<128xi32, #tpu.memory_space<vmem>>
    %dma_start3A_197 = arith.constant 0 : i32
    %dma_start3A_198 = tpu.memref_slice %arg3[%dma_start3A_197] : memref<1048576xf32, #tpu.memory_space<hbm>> -> memref<1048576xf32, #tpu.memory_space<hbm>>
    tpu.enqueue_indirect_dma source(%dma_start3A_198 : memref<1048576xf32, #tpu.memory_space<hbm>>) target(%dma_start3A_194 : memref<128xf32, #tpu.memory_space<vmem>>) offsets(%dma_start3A_196 : memref<128xi32, #tpu.memory_space<vmem>>) semaphore(%arg15 : memref<!tpu.dma_semaphore, #tpu.memory_space<semaphore_mem>>)
    %dma_wait3A = arith.constant 0 : i32
    %dma_wait3A_199 = tpu.memref_slice %arg10[%dma_wait3A] : memref<4096xf32, #tpu.memory_space<vmem>> -> memref<128xf32, #tpu.memory_space<vmem>>
    %dma_wait3A_200 = arith.constant 0 : i32
    %dma_wait3A_201 = tpu.memref_slice %arg9[%dma_wait3A_200] : memref<4096xi32, #tpu.memory_space<vmem>> -> memref<128xi32, #tpu.memory_space<vmem>>
    %dma_wait3A_202 = arith.constant 0 : i32
    %dma_wait3A_203 = tpu.memref_slice %arg3[%dma_wait3A_202] : memref<1048576xf32, #tpu.memory_space<hbm>> -> memref<1048576xf32, #tpu.memory_space<hbm>>
    tpu.wait_indirect_dma semaphore(%arg15 : memref<!tpu.dma_semaphore, #tpu.memory_space<semaphore_mem>>) src(%dma_wait3A_203 : memref<1048576xf32, #tpu.memory_space<hbm>>) dst(%dma_wait3A_199 : memref<128xf32, #tpu.memory_space<vmem>>)
    %dma_wait3A_204 = arith.constant 128 : i32
    %dma_wait3A_205 = tpu.memref_slice %arg10[%dma_wait3A_204] : memref<4096xf32, #tpu.memory_space<vmem>> -> memref<128xf32, #tpu.memory_space<vmem>>
    %dma_wait3A_206 = arith.constant 128 : i32
    %dma_wait3A_207 = tpu.memref_slice %arg9[%dma_wait3A_206] : memref<4096xi32, #tpu.memory_space<vmem>> -> memref<128xi32, #tpu.memory_space<vmem>>
    %dma_wait3A_208 = arith.constant 0 : i32
    %dma_wait3A_209 = tpu.memref_slice %arg3[%dma_wait3A_208] : memref<1048576xf32, #tpu.memory_space<hbm>> -> memref<1048576xf32, #tpu.memory_space<hbm>>
    tpu.wait_indirect_dma semaphore(%arg15 : memref<!tpu.dma_semaphore, #tpu.memory_space<semaphore_mem>>) src(%dma_wait3A_209 : memref<1048576xf32, #tpu.memory_space<hbm>>) dst(%dma_wait3A_205 : memref<128xf32, #tpu.memory_space<vmem>>)
    %dma_wait3A_210 = arith.constant 256 : i32
    %dma_wait3A_211 = tpu.memref_slice %arg10[%dma_wait3A_210] : memref<4096xf32, #tpu.memory_space<vmem>> -> memref<128xf32, #tpu.memory_space<vmem>>
    %dma_wait3A_212 = arith.constant 256 : i32
    %dma_wait3A_213 = tpu.memref_slice %arg9[%dma_wait3A_212] : memref<4096xi32, #tpu.memory_space<vmem>> -> memref<128xi32, #tpu.memory_space<vmem>>
    %dma_wait3A_214 = arith.constant 0 : i32
    %dma_wait3A_215 = tpu.memref_slice %arg3[%dma_wait3A_214] : memref<1048576xf32, #tpu.memory_space<hbm>> -> memref<1048576xf32, #tpu.memory_space<hbm>>
    tpu.wait_indirect_dma semaphore(%arg15 : memref<!tpu.dma_semaphore, #tpu.memory_space<semaphore_mem>>) src(%dma_wait3A_215 : memref<1048576xf32, #tpu.memory_space<hbm>>) dst(%dma_wait3A_211 : memref<128xf32, #tpu.memory_space<vmem>>)
    %dma_wait3A_216 = arith.constant 384 : i32
    %dma_wait3A_217 = tpu.memref_slice %arg10[%dma_wait3A_216] : memref<4096xf32, #tpu.memory_space<vmem>> -> memref<128xf32, #tpu.memory_space<vmem>>
    %dma_wait3A_218 = arith.constant 384 : i32
    %dma_wait3A_219 = tpu.memref_slice %arg9[%dma_wait3A_218] : memref<4096xi32, #tpu.memory_space<vmem>> -> memref<128xi32, #tpu.memory_space<vmem>>
    %dma_wait3A_220 = arith.constant 0 : i32
    %dma_wait3A_221 = tpu.memref_slice %arg3[%dma_wait3A_220] : memref<1048576xf32, #tpu.memory_space<hbm>> -> memref<1048576xf32, #tpu.memory_space<hbm>>
    tpu.wait_indirect_dma semaphore(%arg15 : memref<!tpu.dma_semaphore, #tpu.memory_space<semaphore_mem>>) src(%dma_wait3A_221 : memref<1048576xf32, #tpu.memory_space<hbm>>) dst(%dma_wait3A_217 : memref<128xf32, #tpu.memory_space<vmem>>)
    %dma_wait3A_222 = arith.constant 512 : i32
    %dma_wait3A_223 = tpu.memref_slice %arg10[%dma_wait3A_222] : memref<4096xf32, #tpu.memory_space<vmem>> -> memref<128xf32, #tpu.memory_space<vmem>>
    %dma_wait3A_224 = arith.constant 512 : i32
    %dma_wait3A_225 = tpu.memref_slice %arg9[%dma_wait3A_224] : memref<4096xi32, #tpu.memory_space<vmem>> -> memref<128xi32, #tpu.memory_space<vmem>>
    %dma_wait3A_226 = arith.constant 0 : i32
    %dma_wait3A_227 = tpu.memref_slice %arg3[%dma_wait3A_226] : memref<1048576xf32, #tpu.memory_space<hbm>> -> memref<1048576xf32, #tpu.memory_space<hbm>>
    tpu.wait_indirect_dma semaphore(%arg15 : memref<!tpu.dma_semaphore, #tpu.memory_space<semaphore_mem>>) src(%dma_wait3A_227 : memref<1048576xf32, #tpu.memory_space<hbm>>) dst(%dma_wait3A_223 : memref<128xf32, #tpu.memory_space<vmem>>)
    %dma_wait3A_228 = arith.constant 640 : i32
    %dma_wait3A_229 = tpu.memref_slice %arg10[%dma_wait3A_228] : memref<4096xf32, #tpu.memory_space<vmem>> -> memref<128xf32, #tpu.memory_space<vmem>>
    %dma_wait3A_230 = arith.constant 640 : i32
    %dma_wait3A_231 = tpu.memref_slice %arg9[%dma_wait3A_230] : memref<4096xi32, #tpu.memory_space<vmem>> -> memref<128xi32, #tpu.memory_space<vmem>>
    %dma_wait3A_232 = arith.constant 0 : i32
    %dma_wait3A_233 = tpu.memref_slice %arg3[%dma_wait3A_232] : memref<1048576xf32, #tpu.memory_space<hbm>> -> memref<1048576xf32, #tpu.memory_space<hbm>>
    tpu.wait_indirect_dma semaphore(%arg15 : memref<!tpu.dma_semaphore, #tpu.memory_space<semaphore_mem>>) src(%dma_wait3A_233 : memref<1048576xf32, #tpu.memory_space<hbm>>) dst(%dma_wait3A_229 : memref<128xf32, #tpu.memory_space<vmem>>)
    %dma_wait3A_234 = arith.constant 768 : i32
    %dma_wait3A_235 = tpu.memref_slice %arg10[%dma_wait3A_234] : memref<4096xf32, #tpu.memory_space<vmem>> -> memref<128xf32, #tpu.memory_space<vmem>>
    %dma_wait3A_236 = arith.constant 768 : i32
    %dma_wait3A_237 = tpu.memref_slice %arg9[%dma_wait3A_236] : memref<4096xi32, #tpu.memory_space<vmem>> -> memref<128xi32, #tpu.memory_space<vmem>>
    %dma_wait3A_238 = arith.constant 0 : i32
    %dma_wait3A_239 = tpu.memref_slice %arg3[%dma_wait3A_238] : memref<1048576xf32, #tpu.memory_space<hbm>> -> memref<1048576xf32, #tpu.memory_space<hbm>>
    tpu.wait_indirect_dma semaphore(%arg15 : memref<!tpu.dma_semaphore, #tpu.memory_space<semaphore_mem>>) src(%dma_wait3A_239 : memref<1048576xf32, #tpu.memory_space<hbm>>) dst(%dma_wait3A_235 : memref<128xf32, #tpu.memory_space<vmem>>)
    %dma_wait3A_240 = arith.constant 896 : i32
    %dma_wait3A_241 = tpu.memref_slice %arg10[%dma_wait3A_240] : memref<4096xf32, #tpu.memory_space<vmem>> -> memref<128xf32, #tpu.memory_space<vmem>>
    %dma_wait3A_242 = arith.constant 896 : i32
    %dma_wait3A_243 = tpu.memref_slice %arg9[%dma_wait3A_242] : memref<4096xi32, #tpu.memory_space<vmem>> -> memref<128xi32, #tpu.memory_space<vmem>>
    %dma_wait3A_244 = arith.constant 0 : i32
    %dma_wait3A_245 = tpu.memref_slice %arg3[%dma_wait3A_244] : memref<1048576xf32, #tpu.memory_space<hbm>> -> memref<1048576xf32, #tpu.memory_space<hbm>>
    tpu.wait_indirect_dma semaphore(%arg15 : memref<!tpu.dma_semaphore, #tpu.memory_space<semaphore_mem>>) src(%dma_wait3A_245 : memref<1048576xf32, #tpu.memory_space<hbm>>) dst(%dma_wait3A_241 : memref<128xf32, #tpu.memory_space<vmem>>)
    %dma_wait3A_246 = arith.constant 1024 : i32
    %dma_wait3A_247 = tpu.memref_slice %arg10[%dma_wait3A_246] : memref<4096xf32, #tpu.memory_space<vmem>> -> memref<128xf32, #tpu.memory_space<vmem>>
    %dma_wait3A_248 = arith.constant 1024 : i32
    %dma_wait3A_249 = tpu.memref_slice %arg9[%dma_wait3A_248] : memref<4096xi32, #tpu.memory_space<vmem>> -> memref<128xi32, #tpu.memory_space<vmem>>
    %dma_wait3A_250 = arith.constant 0 : i32
    %dma_wait3A_251 = tpu.memref_slice %arg3[%dma_wait3A_250] : memref<1048576xf32, #tpu.memory_space<hbm>> -> memref<1048576xf32, #tpu.memory_space<hbm>>
    tpu.wait_indirect_dma semaphore(%arg15 : memref<!tpu.dma_semaphore, #tpu.memory_space<semaphore_mem>>) src(%dma_wait3A_251 : memref<1048576xf32, #tpu.memory_space<hbm>>) dst(%dma_wait3A_247 : memref<128xf32, #tpu.memory_space<vmem>>)
    %dma_wait3A_252 = arith.constant 1152 : i32
    %dma_wait3A_253 = tpu.memref_slice %arg10[%dma_wait3A_252] : memref<4096xf32, #tpu.memory_space<vmem>> -> memref<128xf32, #tpu.memory_space<vmem>>
    %dma_wait3A_254 = arith.constant 1152 : i32
    %dma_wait3A_255 = tpu.memref_slice %arg9[%dma_wait3A_254] : memref<4096xi32, #tpu.memory_space<vmem>> -> memref<128xi32, #tpu.memory_space<vmem>>
    %dma_wait3A_256 = arith.constant 0 : i32
    %dma_wait3A_257 = tpu.memref_slice %arg3[%dma_wait3A_256] : memref<1048576xf32, #tpu.memory_space<hbm>> -> memref<1048576xf32, #tpu.memory_space<hbm>>
    tpu.wait_indirect_dma semaphore(%arg15 : memref<!tpu.dma_semaphore, #tpu.memory_space<semaphore_mem>>) src(%dma_wait3A_257 : memref<1048576xf32, #tpu.memory_space<hbm>>) dst(%dma_wait3A_253 : memref<128xf32, #tpu.memory_space<vmem>>)
    %dma_wait3A_258 = arith.constant 1280 : i32
    %dma_wait3A_259 = tpu.memref_slice %arg10[%dma_wait3A_258] : memref<4096xf32, #tpu.memory_space<vmem>> -> memref<128xf32, #tpu.memory_space<vmem>>
    %dma_wait3A_260 = arith.constant 1280 : i32
    %dma_wait3A_261 = tpu.memref_slice %arg9[%dma_wait3A_260] : memref<4096xi32, #tpu.memory_space<vmem>> -> memref<128xi32, #tpu.memory_space<vmem>>
    %dma_wait3A_262 = arith.constant 0 : i32
    %dma_wait3A_263 = tpu.memref_slice %arg3[%dma_wait3A_262] : memref<1048576xf32, #tpu.memory_space<hbm>> -> memref<1048576xf32, #tpu.memory_space<hbm>>
    tpu.wait_indirect_dma semaphore(%arg15 : memref<!tpu.dma_semaphore, #tpu.memory_space<semaphore_mem>>) src(%dma_wait3A_263 : memref<1048576xf32, #tpu.memory_space<hbm>>) dst(%dma_wait3A_259 : memref<128xf32, #tpu.memory_space<vmem>>)
    %dma_wait3A_264 = arith.constant 1408 : i32
    %dma_wait3A_265 = tpu.memref_slice %arg10[%dma_wait3A_264] : memref<4096xf32, #tpu.memory_space<vmem>> -> memref<128xf32, #tpu.memory_space<vmem>>
    %dma_wait3A_266 = arith.constant 1408 : i32
    %dma_wait3A_267 = tpu.memref_slice %arg9[%dma_wait3A_266] : memref<4096xi32, #tpu.memory_space<vmem>> -> memref<128xi32, #tpu.memory_space<vmem>>
    %dma_wait3A_268 = arith.constant 0 : i32
    %dma_wait3A_269 = tpu.memref_slice %arg3[%dma_wait3A_268] : memref<1048576xf32, #tpu.memory_space<hbm>> -> memref<1048576xf32, #tpu.memory_space<hbm>>
    tpu.wait_indirect_dma semaphore(%arg15 : memref<!tpu.dma_semaphore, #tpu.memory_space<semaphore_mem>>) src(%dma_wait3A_269 : memref<1048576xf32, #tpu.memory_space<hbm>>) dst(%dma_wait3A_265 : memref<128xf32, #tpu.memory_space<vmem>>)
    %dma_wait3A_270 = arith.constant 1536 : i32
    %dma_wait3A_271 = tpu.memref_slice %arg10[%dma_wait3A_270] : memref<4096xf32, #tpu.memory_space<vmem>> -> memref<128xf32, #tpu.memory_space<vmem>>
    %dma_wait3A_272 = arith.constant 1536 : i32
    %dma_wait3A_273 = tpu.memref_slice %arg9[%dma_wait3A_272] : memref<4096xi32, #tpu.memory_space<vmem>> -> memref<128xi32, #tpu.memory_space<vmem>>
    %dma_wait3A_274 = arith.constant 0 : i32
    %dma_wait3A_275 = tpu.memref_slice %arg3[%dma_wait3A_274] : memref<1048576xf32, #tpu.memory_space<hbm>> -> memref<1048576xf32, #tpu.memory_space<hbm>>
    tpu.wait_indirect_dma semaphore(%arg15 : memref<!tpu.dma_semaphore, #tpu.memory_space<semaphore_mem>>) src(%dma_wait3A_275 : memref<1048576xf32, #tpu.memory_space<hbm>>) dst(%dma_wait3A_271 : memref<128xf32, #tpu.memory_space<vmem>>)
    %dma_wait3A_276 = arith.constant 1664 : i32
    %dma_wait3A_277 = tpu.memref_slice %arg10[%dma_wait3A_276] : memref<4096xf32, #tpu.memory_space<vmem>> -> memref<128xf32, #tpu.memory_space<vmem>>
    %dma_wait3A_278 = arith.constant 1664 : i32
    %dma_wait3A_279 = tpu.memref_slice %arg9[%dma_wait3A_278] : memref<4096xi32, #tpu.memory_space<vmem>> -> memref<128xi32, #tpu.memory_space<vmem>>
    %dma_wait3A_280 = arith.constant 0 : i32
    %dma_wait3A_281 = tpu.memref_slice %arg3[%dma_wait3A_280] : memref<1048576xf32, #tpu.memory_space<hbm>> -> memref<1048576xf32, #tpu.memory_space<hbm>>
    tpu.wait_indirect_dma semaphore(%arg15 : memref<!tpu.dma_semaphore, #tpu.memory_space<semaphore_mem>>) src(%dma_wait3A_281 : memref<1048576xf32, #tpu.memory_space<hbm>>) dst(%dma_wait3A_277 : memref<128xf32, #tpu.memory_space<vmem>>)
    %dma_wait3A_282 = arith.constant 1792 : i32
    %dma_wait3A_283 = tpu.memref_slice %arg10[%dma_wait3A_282] : memref<4096xf32, #tpu.memory_space<vmem>> -> memref<128xf32, #tpu.memory_space<vmem>>
    %dma_wait3A_284 = arith.constant 1792 : i32
    %dma_wait3A_285 = tpu.memref_slice %arg9[%dma_wait3A_284] : memref<4096xi32, #tpu.memory_space<vmem>> -> memref<128xi32, #tpu.memory_space<vmem>>
    %dma_wait3A_286 = arith.constant 0 : i32
    %dma_wait3A_287 = tpu.memref_slice %arg3[%dma_wait3A_286] : memref<1048576xf32, #tpu.memory_space<hbm>> -> memref<1048576xf32, #tpu.memory_space<hbm>>
    tpu.wait_indirect_dma semaphore(%arg15 : memref<!tpu.dma_semaphore, #tpu.memory_space<semaphore_mem>>) src(%dma_wait3A_287 : memref<1048576xf32, #tpu.memory_space<hbm>>) dst(%dma_wait3A_283 : memref<128xf32, #tpu.memory_space<vmem>>)
    %dma_wait3A_288 = arith.constant 1920 : i32
    %dma_wait3A_289 = tpu.memref_slice %arg10[%dma_wait3A_288] : memref<4096xf32, #tpu.memory_space<vmem>> -> memref<128xf32, #tpu.memory_space<vmem>>
    %dma_wait3A_290 = arith.constant 1920 : i32
    %dma_wait3A_291 = tpu.memref_slice %arg9[%dma_wait3A_290] : memref<4096xi32, #tpu.memory_space<vmem>> -> memref<128xi32, #tpu.memory_space<vmem>>
    %dma_wait3A_292 = arith.constant 0 : i32
    %dma_wait3A_293 = tpu.memref_slice %arg3[%dma_wait3A_292] : memref<1048576xf32, #tpu.memory_space<hbm>> -> memref<1048576xf32, #tpu.memory_space<hbm>>
    tpu.wait_indirect_dma semaphore(%arg15 : memref<!tpu.dma_semaphore, #tpu.memory_space<semaphore_mem>>) src(%dma_wait3A_293 : memref<1048576xf32, #tpu.memory_space<hbm>>) dst(%dma_wait3A_289 : memref<128xf32, #tpu.memory_space<vmem>>)
    %dma_wait3A_294 = arith.constant 2048 : i32
    %dma_wait3A_295 = tpu.memref_slice %arg10[%dma_wait3A_294] : memref<4096xf32, #tpu.memory_space<vmem>> -> memref<128xf32, #tpu.memory_space<vmem>>
    %dma_wait3A_296 = arith.constant 2048 : i32
    %dma_wait3A_297 = tpu.memref_slice %arg9[%dma_wait3A_296] : memref<4096xi32, #tpu.memory_space<vmem>> -> memref<128xi32, #tpu.memory_space<vmem>>
    %dma_wait3A_298 = arith.constant 0 : i32
    %dma_wait3A_299 = tpu.memref_slice %arg3[%dma_wait3A_298] : memref<1048576xf32, #tpu.memory_space<hbm>> -> memref<1048576xf32, #tpu.memory_space<hbm>>
    tpu.wait_indirect_dma semaphore(%arg15 : memref<!tpu.dma_semaphore, #tpu.memory_space<semaphore_mem>>) src(%dma_wait3A_299 : memref<1048576xf32, #tpu.memory_space<hbm>>) dst(%dma_wait3A_295 : memref<128xf32, #tpu.memory_space<vmem>>)
    %dma_wait3A_300 = arith.constant 2176 : i32
    %dma_wait3A_301 = tpu.memref_slice %arg10[%dma_wait3A_300] : memref<4096xf32, #tpu.memory_space<vmem>> -> memref<128xf32, #tpu.memory_space<vmem>>
    %dma_wait3A_302 = arith.constant 2176 : i32
    %dma_wait3A_303 = tpu.memref_slice %arg9[%dma_wait3A_302] : memref<4096xi32, #tpu.memory_space<vmem>> -> memref<128xi32, #tpu.memory_space<vmem>>
    %dma_wait3A_304 = arith.constant 0 : i32
    %dma_wait3A_305 = tpu.memref_slice %arg3[%dma_wait3A_304] : memref<1048576xf32, #tpu.memory_space<hbm>> -> memref<1048576xf32, #tpu.memory_space<hbm>>
    tpu.wait_indirect_dma semaphore(%arg15 : memref<!tpu.dma_semaphore, #tpu.memory_space<semaphore_mem>>) src(%dma_wait3A_305 : memref<1048576xf32, #tpu.memory_space<hbm>>) dst(%dma_wait3A_301 : memref<128xf32, #tpu.memory_space<vmem>>)
    %dma_wait3A_306 = arith.constant 2304 : i32
    %dma_wait3A_307 = tpu.memref_slice %arg10[%dma_wait3A_306] : memref<4096xf32, #tpu.memory_space<vmem>> -> memref<128xf32, #tpu.memory_space<vmem>>
    %dma_wait3A_308 = arith.constant 2304 : i32
    %dma_wait3A_309 = tpu.memref_slice %arg9[%dma_wait3A_308] : memref<4096xi32, #tpu.memory_space<vmem>> -> memref<128xi32, #tpu.memory_space<vmem>>
    %dma_wait3A_310 = arith.constant 0 : i32
    %dma_wait3A_311 = tpu.memref_slice %arg3[%dma_wait3A_310] : memref<1048576xf32, #tpu.memory_space<hbm>> -> memref<1048576xf32, #tpu.memory_space<hbm>>
    tpu.wait_indirect_dma semaphore(%arg15 : memref<!tpu.dma_semaphore, #tpu.memory_space<semaphore_mem>>) src(%dma_wait3A_311 : memref<1048576xf32, #tpu.memory_space<hbm>>) dst(%dma_wait3A_307 : memref<128xf32, #tpu.memory_space<vmem>>)
    %dma_wait3A_312 = arith.constant 2432 : i32
    %dma_wait3A_313 = tpu.memref_slice %arg10[%dma_wait3A_312] : memref<4096xf32, #tpu.memory_space<vmem>> -> memref<128xf32, #tpu.memory_space<vmem>>
    %dma_wait3A_314 = arith.constant 2432 : i32
    %dma_wait3A_315 = tpu.memref_slice %arg9[%dma_wait3A_314] : memref<4096xi32, #tpu.memory_space<vmem>> -> memref<128xi32, #tpu.memory_space<vmem>>
    %dma_wait3A_316 = arith.constant 0 : i32
    %dma_wait3A_317 = tpu.memref_slice %arg3[%dma_wait3A_316] : memref<1048576xf32, #tpu.memory_space<hbm>> -> memref<1048576xf32, #tpu.memory_space<hbm>>
    tpu.wait_indirect_dma semaphore(%arg15 : memref<!tpu.dma_semaphore, #tpu.memory_space<semaphore_mem>>) src(%dma_wait3A_317 : memref<1048576xf32, #tpu.memory_space<hbm>>) dst(%dma_wait3A_313 : memref<128xf32, #tpu.memory_space<vmem>>)
    %dma_wait3A_318 = arith.constant 2560 : i32
    %dma_wait3A_319 = tpu.memref_slice %arg10[%dma_wait3A_318] : memref<4096xf32, #tpu.memory_space<vmem>> -> memref<128xf32, #tpu.memory_space<vmem>>
    %dma_wait3A_320 = arith.constant 2560 : i32
    %dma_wait3A_321 = tpu.memref_slice %arg9[%dma_wait3A_320] : memref<4096xi32, #tpu.memory_space<vmem>> -> memref<128xi32, #tpu.memory_space<vmem>>
    %dma_wait3A_322 = arith.constant 0 : i32
    %dma_wait3A_323 = tpu.memref_slice %arg3[%dma_wait3A_322] : memref<1048576xf32, #tpu.memory_space<hbm>> -> memref<1048576xf32, #tpu.memory_space<hbm>>
    tpu.wait_indirect_dma semaphore(%arg15 : memref<!tpu.dma_semaphore, #tpu.memory_space<semaphore_mem>>) src(%dma_wait3A_323 : memref<1048576xf32, #tpu.memory_space<hbm>>) dst(%dma_wait3A_319 : memref<128xf32, #tpu.memory_space<vmem>>)
    %dma_wait3A_324 = arith.constant 2688 : i32
    %dma_wait3A_325 = tpu.memref_slice %arg10[%dma_wait3A_324] : memref<4096xf32, #tpu.memory_space<vmem>> -> memref<128xf32, #tpu.memory_space<vmem>>
    %dma_wait3A_326 = arith.constant 2688 : i32
    %dma_wait3A_327 = tpu.memref_slice %arg9[%dma_wait3A_326] : memref<4096xi32, #tpu.memory_space<vmem>> -> memref<128xi32, #tpu.memory_space<vmem>>
    %dma_wait3A_328 = arith.constant 0 : i32
    %dma_wait3A_329 = tpu.memref_slice %arg3[%dma_wait3A_328] : memref<1048576xf32, #tpu.memory_space<hbm>> -> memref<1048576xf32, #tpu.memory_space<hbm>>
    tpu.wait_indirect_dma semaphore(%arg15 : memref<!tpu.dma_semaphore, #tpu.memory_space<semaphore_mem>>) src(%dma_wait3A_329 : memref<1048576xf32, #tpu.memory_space<hbm>>) dst(%dma_wait3A_325 : memref<128xf32, #tpu.memory_space<vmem>>)
    %dma_wait3A_330 = arith.constant 2816 : i32
    %dma_wait3A_331 = tpu.memref_slice %arg10[%dma_wait3A_330] : memref<4096xf32, #tpu.memory_space<vmem>> -> memref<128xf32, #tpu.memory_space<vmem>>
    %dma_wait3A_332 = arith.constant 2816 : i32
    %dma_wait3A_333 = tpu.memref_slice %arg9[%dma_wait3A_332] : memref<4096xi32, #tpu.memory_space<vmem>> -> memref<128xi32, #tpu.memory_space<vmem>>
    %dma_wait3A_334 = arith.constant 0 : i32
    %dma_wait3A_335 = tpu.memref_slice %arg3[%dma_wait3A_334] : memref<1048576xf32, #tpu.memory_space<hbm>> -> memref<1048576xf32, #tpu.memory_space<hbm>>
    tpu.wait_indirect_dma semaphore(%arg15 : memref<!tpu.dma_semaphore, #tpu.memory_space<semaphore_mem>>) src(%dma_wait3A_335 : memref<1048576xf32, #tpu.memory_space<hbm>>) dst(%dma_wait3A_331 : memref<128xf32, #tpu.memory_space<vmem>>)
    %dma_wait3A_336 = arith.constant 2944 : i32
    %dma_wait3A_337 = tpu.memref_slice %arg10[%dma_wait3A_336] : memref<4096xf32, #tpu.memory_space<vmem>> -> memref<128xf32, #tpu.memory_space<vmem>>
    %dma_wait3A_338 = arith.constant 2944 : i32
    %dma_wait3A_339 = tpu.memref_slice %arg9[%dma_wait3A_338] : memref<4096xi32, #tpu.memory_space<vmem>> -> memref<128xi32, #tpu.memory_space<vmem>>
    %dma_wait3A_340 = arith.constant 0 : i32
    %dma_wait3A_341 = tpu.memref_slice %arg3[%dma_wait3A_340] : memref<1048576xf32, #tpu.memory_space<hbm>> -> memref<1048576xf32, #tpu.memory_space<hbm>>
    tpu.wait_indirect_dma semaphore(%arg15 : memref<!tpu.dma_semaphore, #tpu.memory_space<semaphore_mem>>) src(%dma_wait3A_341 : memref<1048576xf32, #tpu.memory_space<hbm>>) dst(%dma_wait3A_337 : memref<128xf32, #tpu.memory_space<vmem>>)
    %dma_wait3A_342 = arith.constant 3072 : i32
    %dma_wait3A_343 = tpu.memref_slice %arg10[%dma_wait3A_342] : memref<4096xf32, #tpu.memory_space<vmem>> -> memref<128xf32, #tpu.memory_space<vmem>>
    %dma_wait3A_344 = arith.constant 3072 : i32
    %dma_wait3A_345 = tpu.memref_slice %arg9[%dma_wait3A_344] : memref<4096xi32, #tpu.memory_space<vmem>> -> memref<128xi32, #tpu.memory_space<vmem>>
    %dma_wait3A_346 = arith.constant 0 : i32
    %dma_wait3A_347 = tpu.memref_slice %arg3[%dma_wait3A_346] : memref<1048576xf32, #tpu.memory_space<hbm>> -> memref<1048576xf32, #tpu.memory_space<hbm>>
    tpu.wait_indirect_dma semaphore(%arg15 : memref<!tpu.dma_semaphore, #tpu.memory_space<semaphore_mem>>) src(%dma_wait3A_347 : memref<1048576xf32, #tpu.memory_space<hbm>>) dst(%dma_wait3A_343 : memref<128xf32, #tpu.memory_space<vmem>>)
    %dma_wait3A_348 = arith.constant 3200 : i32
    %dma_wait3A_349 = tpu.memref_slice %arg10[%dma_wait3A_348] : memref<4096xf32, #tpu.memory_space<vmem>> -> memref<128xf32, #tpu.memory_space<vmem>>
    %dma_wait3A_350 = arith.constant 3200 : i32
    %dma_wait3A_351 = tpu.memref_slice %arg9[%dma_wait3A_350] : memref<4096xi32, #tpu.memory_space<vmem>> -> memref<128xi32, #tpu.memory_space<vmem>>
    %dma_wait3A_352 = arith.constant 0 : i32
    %dma_wait3A_353 = tpu.memref_slice %arg3[%dma_wait3A_352] : memref<1048576xf32, #tpu.memory_space<hbm>> -> memref<1048576xf32, #tpu.memory_space<hbm>>
    tpu.wait_indirect_dma semaphore(%arg15 : memref<!tpu.dma_semaphore, #tpu.memory_space<semaphore_mem>>) src(%dma_wait3A_353 : memref<1048576xf32, #tpu.memory_space<hbm>>) dst(%dma_wait3A_349 : memref<128xf32, #tpu.memory_space<vmem>>)
    %dma_wait3A_354 = arith.constant 3328 : i32
    %dma_wait3A_355 = tpu.memref_slice %arg10[%dma_wait3A_354] : memref<4096xf32, #tpu.memory_space<vmem>> -> memref<128xf32, #tpu.memory_space<vmem>>
    %dma_wait3A_356 = arith.constant 3328 : i32
    %dma_wait3A_357 = tpu.memref_slice %arg9[%dma_wait3A_356] : memref<4096xi32, #tpu.memory_space<vmem>> -> memref<128xi32, #tpu.memory_space<vmem>>
    %dma_wait3A_358 = arith.constant 0 : i32
    %dma_wait3A_359 = tpu.memref_slice %arg3[%dma_wait3A_358] : memref<1048576xf32, #tpu.memory_space<hbm>> -> memref<1048576xf32, #tpu.memory_space<hbm>>
    tpu.wait_indirect_dma semaphore(%arg15 : memref<!tpu.dma_semaphore, #tpu.memory_space<semaphore_mem>>) src(%dma_wait3A_359 : memref<1048576xf32, #tpu.memory_space<hbm>>) dst(%dma_wait3A_355 : memref<128xf32, #tpu.memory_space<vmem>>)
    %dma_wait3A_360 = arith.constant 3456 : i32
    %dma_wait3A_361 = tpu.memref_slice %arg10[%dma_wait3A_360] : memref<4096xf32, #tpu.memory_space<vmem>> -> memref<128xf32, #tpu.memory_space<vmem>>
    %dma_wait3A_362 = arith.constant 3456 : i32
    %dma_wait3A_363 = tpu.memref_slice %arg9[%dma_wait3A_362] : memref<4096xi32, #tpu.memory_space<vmem>> -> memref<128xi32, #tpu.memory_space<vmem>>
    %dma_wait3A_364 = arith.constant 0 : i32
    %dma_wait3A_365 = tpu.memref_slice %arg3[%dma_wait3A_364] : memref<1048576xf32, #tpu.memory_space<hbm>> -> memref<1048576xf32, #tpu.memory_space<hbm>>
    tpu.wait_indirect_dma semaphore(%arg15 : memref<!tpu.dma_semaphore, #tpu.memory_space<semaphore_mem>>) src(%dma_wait3A_365 : memref<1048576xf32, #tpu.memory_space<hbm>>) dst(%dma_wait3A_361 : memref<128xf32, #tpu.memory_space<vmem>>)
    %dma_wait3A_366 = arith.constant 3584 : i32
    %dma_wait3A_367 = tpu.memref_slice %arg10[%dma_wait3A_366] : memref<4096xf32, #tpu.memory_space<vmem>> -> memref<128xf32, #tpu.memory_space<vmem>>
    %dma_wait3A_368 = arith.constant 3584 : i32
    %dma_wait3A_369 = tpu.memref_slice %arg9[%dma_wait3A_368] : memref<4096xi32, #tpu.memory_space<vmem>> -> memref<128xi32, #tpu.memory_space<vmem>>
    %dma_wait3A_370 = arith.constant 0 : i32
    %dma_wait3A_371 = tpu.memref_slice %arg3[%dma_wait3A_370] : memref<1048576xf32, #tpu.memory_space<hbm>> -> memref<1048576xf32, #tpu.memory_space<hbm>>
    tpu.wait_indirect_dma semaphore(%arg15 : memref<!tpu.dma_semaphore, #tpu.memory_space<semaphore_mem>>) src(%dma_wait3A_371 : memref<1048576xf32, #tpu.memory_space<hbm>>) dst(%dma_wait3A_367 : memref<128xf32, #tpu.memory_space<vmem>>)
    %dma_wait3A_372 = arith.constant 3712 : i32
    %dma_wait3A_373 = tpu.memref_slice %arg10[%dma_wait3A_372] : memref<4096xf32, #tpu.memory_space<vmem>> -> memref<128xf32, #tpu.memory_space<vmem>>
    %dma_wait3A_374 = arith.constant 3712 : i32
    %dma_wait3A_375 = tpu.memref_slice %arg9[%dma_wait3A_374] : memref<4096xi32, #tpu.memory_space<vmem>> -> memref<128xi32, #tpu.memory_space<vmem>>
    %dma_wait3A_376 = arith.constant 0 : i32
    %dma_wait3A_377 = tpu.memref_slice %arg3[%dma_wait3A_376] : memref<1048576xf32, #tpu.memory_space<hbm>> -> memref<1048576xf32, #tpu.memory_space<hbm>>
    tpu.wait_indirect_dma semaphore(%arg15 : memref<!tpu.dma_semaphore, #tpu.memory_space<semaphore_mem>>) src(%dma_wait3A_377 : memref<1048576xf32, #tpu.memory_space<hbm>>) dst(%dma_wait3A_373 : memref<128xf32, #tpu.memory_space<vmem>>)
    %dma_wait3A_378 = arith.constant 3840 : i32
    %dma_wait3A_379 = tpu.memref_slice %arg10[%dma_wait3A_378] : memref<4096xf32, #tpu.memory_space<vmem>> -> memref<128xf32, #tpu.memory_space<vmem>>
    %dma_wait3A_380 = arith.constant 3840 : i32
    %dma_wait3A_381 = tpu.memref_slice %arg9[%dma_wait3A_380] : memref<4096xi32, #tpu.memory_space<vmem>> -> memref<128xi32, #tpu.memory_space<vmem>>
    %dma_wait3A_382 = arith.constant 0 : i32
    %dma_wait3A_383 = tpu.memref_slice %arg3[%dma_wait3A_382] : memref<1048576xf32, #tpu.memory_space<hbm>> -> memref<1048576xf32, #tpu.memory_space<hbm>>
    tpu.wait_indirect_dma semaphore(%arg15 : memref<!tpu.dma_semaphore, #tpu.memory_space<semaphore_mem>>) src(%dma_wait3A_383 : memref<1048576xf32, #tpu.memory_space<hbm>>) dst(%dma_wait3A_379 : memref<128xf32, #tpu.memory_space<vmem>>)
    %dma_wait3A_384 = arith.constant 3968 : i32
    %dma_wait3A_385 = tpu.memref_slice %arg10[%dma_wait3A_384] : memref<4096xf32, #tpu.memory_space<vmem>> -> memref<128xf32, #tpu.memory_space<vmem>>
    %dma_wait3A_386 = arith.constant 3968 : i32
    %dma_wait3A_387 = tpu.memref_slice %arg9[%dma_wait3A_386] : memref<4096xi32, #tpu.memory_space<vmem>> -> memref<128xi32, #tpu.memory_space<vmem>>
    %dma_wait3A_388 = arith.constant 0 : i32
    %dma_wait3A_389 = tpu.memref_slice %arg3[%dma_wait3A_388] : memref<1048576xf32, #tpu.memory_space<hbm>> -> memref<1048576xf32, #tpu.memory_space<hbm>>
    tpu.wait_indirect_dma semaphore(%arg15 : memref<!tpu.dma_semaphore, #tpu.memory_space<semaphore_mem>>) src(%dma_wait3A_389 : memref<1048576xf32, #tpu.memory_space<hbm>>) dst(%dma_wait3A_385 : memref<128xf32, #tpu.memory_space<vmem>>)
    %mul3A_390 = arith.constant 4096 : i32
    %mul3A_391 = arith.muli %mul3A_390, %add3A : i32
    %add3A_392 = arith.constant 256 : i32
    %add3A_393 = arith.addi %mul3A_391, %add3A_392 : i32
    "tpu.region"() ({
      %run_scoped3A = tpu.sem_alloc : memref<!tpu.dma_semaphore, #tpu.memory_space<semaphore_mem>>
      %dma_start3A_396 = tpu.memref_slice %arg6[%add3A_393] : memref<131328xf32, #tpu.memory_space<hbm>> -> memref<4096xf32, #tpu.memory_space<hbm>>
      %dma_start3A_397 = tpu.memref_slice %arg6[%add3A_393] : memref<131328xf32, #tpu.memory_space<hbm>> -> memref<4096xf32, #tpu.memory_space<hbm>>
      tpu.enqueue_dma source(%arg10 : memref<4096xf32, #tpu.memory_space<vmem>>) target(%dma_start3A_397 : memref<4096xf32, #tpu.memory_space<hbm>>) target_semaphore(%run_scoped3A : memref<!tpu.dma_semaphore, #tpu.memory_space<semaphore_mem>>)
      %dma_wait3A_398 = tpu.memref_slice %arg6[%add3A_393] : memref<131328xf32, #tpu.memory_space<hbm>> -> memref<4096xf32, #tpu.memory_space<hbm>>
      %dma_wait3A_399 = tpu.memref_slice %arg6[%add3A_393] : memref<131328xf32, #tpu.memory_space<hbm>> -> memref<4096xf32, #tpu.memory_space<hbm>>
      tpu.wait_dma2 semaphore(%run_scoped3A : memref<!tpu.dma_semaphore, #tpu.memory_space<semaphore_mem>>) src(%arg10 : memref<4096xf32, #tpu.memory_space<vmem>>) dst(%dma_wait3A_399 : memref<4096xf32, #tpu.memory_space<hbm>>)
      tpu.yield
    }) : () -> ()
    %eq3A = arith.constant 0 : i32
    %eq3A_394 = arith.cmpi eq, %add3A, %eq3A : i32
    %convert_element_type3A = arith.extui %eq3A_394 : i1 to i32
    %cond3A = arith.constant 0 : i32
    %cond3A_395 = arith.cmpi ne, %convert_element_type3A, %cond3A : i32
    scf.if %cond3A_395 {
      "tpu.region"() ({
        %run_scoped3A = tpu.sem_alloc : memref<!tpu.dma_semaphore, #tpu.memory_space<semaphore_mem>>
        tpu.enqueue_dma source(%arg4 : memref<512xi32, #tpu.memory_space<hbm>>) target(%arg11 : memref<512xi32, #tpu.memory_space<vmem>>) target_semaphore(%run_scoped3A : memref<!tpu.dma_semaphore, #tpu.memory_space<semaphore_mem>>)
        tpu.wait_dma2 semaphore(%run_scoped3A : memref<!tpu.dma_semaphore, #tpu.memory_space<semaphore_mem>>) src(%arg4 : memref<512xi32, #tpu.memory_space<hbm>>) dst(%arg11 : memref<512xi32, #tpu.memory_space<vmem>>)
        tpu.yield
      }) : () -> ()
      "tpu.region"() ({
        %run_scoped3A = tpu.sem_alloc : memref<!tpu.dma_semaphore, #tpu.memory_space<semaphore_mem>>
        tpu.enqueue_dma source(%arg5 : memref<512xi32, #tpu.memory_space<hbm>>) target(%arg12 : memref<512xi32, #tpu.memory_space<vmem>>) target_semaphore(%run_scoped3A : memref<!tpu.dma_semaphore, #tpu.memory_space<semaphore_mem>>)
        tpu.wait_dma2 semaphore(%run_scoped3A : memref<!tpu.dma_semaphore, #tpu.memory_space<semaphore_mem>>) src(%arg5 : memref<512xi32, #tpu.memory_space<hbm>>) dst(%arg12 : memref<512xi32, #tpu.memory_space<vmem>>)
        tpu.yield
      }) : () -> ()
      %scan3A_396 = arith.constant 0 : i32
      %scan3A_397 = arith.constant 0 : i32
      %scan3A_398 = arith.constant 32 : i32
      %scan3A_399 = arith.addi %scan3A_397, %scan3A_398 : i32
      %scan3A_400 = arith.constant 1 : i32
      scf.for %scan3A_450 = %scan3A_397 to %scan3A_399 step %scan3A_400  : i32 {
        %mul3A_451 = arith.constant 16 : i32
        %mul3A_452 = arith.muli %mul3A_451, %scan3A_450 : i32
        %get3A = arith.index_cast %mul3A_452 : i32 to index
        %get3A_453 = tpu.vector_load %arg11[%get3A] {strides = array<i32>} : memref<512xi32, #tpu.memory_space<vmem>>, vector<16xi32>,
        %get3A_454 = vector.shape_cast %get3A_453 : vector<16xi32> to vector<16xi32>
        %mul3A_455 = arith.constant 1024 : i32
        %mul3A_456 = vector.broadcast %mul3A_455 : i32 to vector<16xi32>
        %mul3A_457 = arith.muli %get3A_454, %mul3A_456 : vector<16xi32>
        %mul3A_458 = arith.constant 16 : i32
        %mul3A_459 = arith.muli %mul3A_458, %scan3A_450 : i32
        %get3A_460 = arith.index_cast %mul3A_459 : i32 to index
        %get3A_461 = tpu.vector_load %arg12[%get3A_460] {strides = array<i32>} : memref<512xi32, #tpu.memory_space<vmem>>, vector<16xi32>,
        %get3A_462 = vector.shape_cast %get3A_461 : vector<16xi32> to vector<16xi32>
        %add3A_463 = arith.addi %mul3A_457, %get3A_462 : vector<16xi32>
        %mul3A_464 = arith.constant 16 : i32
        %mul3A_465 = arith.muli %mul3A_464, %scan3A_450 : i32
        %swap3A = arith.index_cast %mul3A_465 : i32 to index
        %swap3A_466 = tpu.vector_load %arg13[%swap3A] {strides = array<i32>} : memref<512xi32, #tpu.memory_space<vmem>>, vector<16xi32>,
        %swap3A_467 = vector.shape_cast %swap3A_466 : vector<16xi32> to vector<16xi32>
        %swap3A_468 = vector.shape_cast %add3A_463 : vector<16xi32> to vector<16xi32>
        tpu.vector_store %arg13[%swap3A], %swap3A_468 {strides = array<i32>} : memref<512xi32, #tpu.memory_space<vmem>>, vector<16xi32>,
      }
      %scan3A_401 = arith.constant 32 : i32
      %dma_start3A_402 = arith.constant 0 : i32
      %dma_start3A_403 = tpu.memref_slice %arg14[%dma_start3A_402] : memref<512xf32, #tpu.memory_space<vmem>> -> memref<128xf32, #tpu.memory_space<vmem>>
      %dma_start3A_404 = arith.constant 0 : i32
      %dma_start3A_405 = tpu.memref_slice %arg13[%dma_start3A_404] : memref<512xi32, #tpu.memory_space<vmem>> -> memref<128xi32, #tpu.memory_space<vmem>>
      %dma_start3A_406 = arith.constant 0 : i32
      %dma_start3A_407 = tpu.memref_slice %arg3[%dma_start3A_406] : memref<1048576xf32, #tpu.memory_space<hbm>> -> memref<1048576xf32, #tpu.memory_space<hbm>>
      tpu.enqueue_indirect_dma source(%dma_start3A_407 : memref<1048576xf32, #tpu.memory_space<hbm>>) target(%dma_start3A_403 : memref<128xf32, #tpu.memory_space<vmem>>) offsets(%dma_start3A_405 : memref<128xi32, #tpu.memory_space<vmem>>) semaphore(%arg15 : memref<!tpu.dma_semaphore, #tpu.memory_space<semaphore_mem>>)
      %dma_start3A_408 = arith.constant 128 : i32
      %dma_start3A_409 = tpu.memref_slice %arg14[%dma_start3A_408] : memref<512xf32, #tpu.memory_space<vmem>> -> memref<128xf32, #tpu.memory_space<vmem>>
      %dma_start3A_410 = arith.constant 128 : i32
      %dma_start3A_411 = tpu.memref_slice %arg13[%dma_start3A_410] : memref<512xi32, #tpu.memory_space<vmem>> -> memref<128xi32, #tpu.memory_space<vmem>>
      %dma_start3A_412 = arith.constant 0 : i32
      %dma_start3A_413 = tpu.memref_slice %arg3[%dma_start3A_412] : memref<1048576xf32, #tpu.memory_space<hbm>> -> memref<1048576xf32, #tpu.memory_space<hbm>>
      tpu.enqueue_indirect_dma source(%dma_start3A_413 : memref<1048576xf32, #tpu.memory_space<hbm>>) target(%dma_start3A_409 : memref<128xf32, #tpu.memory_space<vmem>>) offsets(%dma_start3A_411 : memref<128xi32, #tpu.memory_space<vmem>>) semaphore(%arg15 : memref<!tpu.dma_semaphore, #tpu.memory_space<semaphore_mem>>)
      %dma_start3A_414 = arith.constant 256 : i32
      %dma_start3A_415 = tpu.memref_slice %arg14[%dma_start3A_414] : memref<512xf32, #tpu.memory_space<vmem>> -> memref<128xf32, #tpu.memory_space<vmem>>
      %dma_start3A_416 = arith.constant 256 : i32
      %dma_start3A_417 = tpu.memref_slice %arg13[%dma_start3A_416] : memref<512xi32, #tpu.memory_space<vmem>> -> memref<128xi32, #tpu.memory_space<vmem>>
      %dma_start3A_418 = arith.constant 0 : i32
      %dma_start3A_419 = tpu.memref_slice %arg3[%dma_start3A_418] : memref<1048576xf32, #tpu.memory_space<hbm>> -> memref<1048576xf32, #tpu.memory_space<hbm>>
      tpu.enqueue_indirect_dma source(%dma_start3A_419 : memref<1048576xf32, #tpu.memory_space<hbm>>) target(%dma_start3A_415 : memref<128xf32, #tpu.memory_space<vmem>>) offsets(%dma_start3A_417 : memref<128xi32, #tpu.memory_space<vmem>>) semaphore(%arg15 : memref<!tpu.dma_semaphore, #tpu.memory_space<semaphore_mem>>)
      %dma_start3A_420 = arith.constant 384 : i32
      %dma_start3A_421 = tpu.memref_slice %arg14[%dma_start3A_420] : memref<512xf32, #tpu.memory_space<vmem>> -> memref<128xf32, #tpu.memory_space<vmem>>
      %dma_start3A_422 = arith.constant 384 : i32
      %dma_start3A_423 = tpu.memref_slice %arg13[%dma_start3A_422] : memref<512xi32, #tpu.memory_space<vmem>> -> memref<128xi32, #tpu.memory_space<vmem>>
      %dma_start3A_424 = arith.constant 0 : i32
      %dma_start3A_425 = tpu.memref_slice %arg3[%dma_start3A_424] : memref<1048576xf32, #tpu.memory_space<hbm>> -> memref<1048576xf32, #tpu.memory_space<hbm>>
      tpu.enqueue_indirect_dma source(%dma_start3A_425 : memref<1048576xf32, #tpu.memory_space<hbm>>) target(%dma_start3A_421 : memref<128xf32, #tpu.memory_space<vmem>>) offsets(%dma_start3A_423 : memref<128xi32, #tpu.memory_space<vmem>>) semaphore(%arg15 : memref<!tpu.dma_semaphore, #tpu.memory_space<semaphore_mem>>)
      %dma_wait3A_426 = arith.constant 0 : i32
      %dma_wait3A_427 = tpu.memref_slice %arg14[%dma_wait3A_426] : memref<512xf32, #tpu.memory_space<vmem>> -> memref<128xf32, #tpu.memory_space<vmem>>
      %dma_wait3A_428 = arith.constant 0 : i32
      %dma_wait3A_429 = tpu.memref_slice %arg13[%dma_wait3A_428] : memref<512xi32, #tpu.memory_space<vmem>> -> memref<128xi32, #tpu.memory_space<vmem>>
      %dma_wait3A_430 = arith.constant 0 : i32
      %dma_wait3A_431 = tpu.memref_slice %arg3[%dma_wait3A_430] : memref<1048576xf32, #tpu.memory_space<hbm>> -> memref<1048576xf32, #tpu.memory_space<hbm>>
      tpu.wait_indirect_dma semaphore(%arg15 : memref<!tpu.dma_semaphore, #tpu.memory_space<semaphore_mem>>) src(%dma_wait3A_431 : memref<1048576xf32, #tpu.memory_space<hbm>>) dst(%dma_wait3A_427 : memref<128xf32, #tpu.memory_space<vmem>>)
      %dma_wait3A_432 = arith.constant 128 : i32
      %dma_wait3A_433 = tpu.memref_slice %arg14[%dma_wait3A_432] : memref<512xf32, #tpu.memory_space<vmem>> -> memref<128xf32, #tpu.memory_space<vmem>>
      %dma_wait3A_434 = arith.constant 128 : i32
      %dma_wait3A_435 = tpu.memref_slice %arg13[%dma_wait3A_434] : memref<512xi32, #tpu.memory_space<vmem>> -> memref<128xi32, #tpu.memory_space<vmem>>
      %dma_wait3A_436 = arith.constant 0 : i32
      %dma_wait3A_437 = tpu.memref_slice %arg3[%dma_wait3A_436] : memref<1048576xf32, #tpu.memory_space<hbm>> -> memref<1048576xf32, #tpu.memory_space<hbm>>
      tpu.wait_indirect_dma semaphore(%arg15 : memref<!tpu.dma_semaphore, #tpu.memory_space<semaphore_mem>>) src(%dma_wait3A_437 : memref<1048576xf32, #tpu.memory_space<hbm>>) dst(%dma_wait3A_433 : memref<128xf32, #tpu.memory_space<vmem>>)
      %dma_wait3A_438 = arith.constant 256 : i32
      %dma_wait3A_439 = tpu.memref_slice %arg14[%dma_wait3A_438] : memref<512xf32, #tpu.memory_space<vmem>> -> memref<128xf32, #tpu.memory_space<vmem>>
      %dma_wait3A_440 = arith.constant 256 : i32
      %dma_wait3A_441 = tpu.memref_slice %arg13[%dma_wait3A_440] : memref<512xi32, #tpu.memory_space<vmem>> -> memref<128xi32, #tpu.memory_space<vmem>>
      %dma_wait3A_442 = arith.constant 0 : i32
      %dma_wait3A_443 = tpu.memref_slice %arg3[%dma_wait3A_442] : memref<1048576xf32, #tpu.memory_space<hbm>> -> memref<1048576xf32, #tpu.memory_space<hbm>>
      tpu.wait_indirect_dma semaphore(%arg15 : memref<!tpu.dma_semaphore, #tpu.memory_space<semaphore_mem>>) src(%dma_wait3A_443 : memref<1048576xf32, #tpu.memory_space<hbm>>) dst(%dma_wait3A_439 : memref<128xf32, #tpu.memory_space<vmem>>)
      %dma_wait3A_444 = arith.constant 384 : i32
      %dma_wait3A_445 = tpu.memref_slice %arg14[%dma_wait3A_444] : memref<512xf32, #tpu.memory_space<vmem>> -> memref<128xf32, #tpu.memory_space<vmem>>
      %dma_wait3A_446 = arith.constant 384 : i32
      %dma_wait3A_447 = tpu.memref_slice %arg13[%dma_wait3A_446] : memref<512xi32, #tpu.memory_space<vmem>> -> memref<128xi32, #tpu.memory_space<vmem>>
      %dma_wait3A_448 = arith.constant 0 : i32
      %dma_wait3A_449 = tpu.memref_slice %arg3[%dma_wait3A_448] : memref<1048576xf32, #tpu.memory_space<hbm>> -> memref<1048576xf32, #tpu.memory_space<hbm>>
      tpu.wait_indirect_dma semaphore(%arg15 : memref<!tpu.dma_semaphore, #tpu.memory_space<semaphore_mem>>) src(%dma_wait3A_449 : memref<1048576xf32, #tpu.memory_space<hbm>>) dst(%dma_wait3A_445 : memref<128xf32, #tpu.memory_space<vmem>>)
      "tpu.region"() ({
        %run_scoped3A = tpu.sem_alloc : memref<!tpu.dma_semaphore, #tpu.memory_space<semaphore_mem>>
        tpu.enqueue_dma source(%arg14 : memref<512xf32, #tpu.memory_space<vmem>>) target(%arg7 : memref<512xf32, #tpu.memory_space<hbm>>) target_semaphore(%run_scoped3A : memref<!tpu.dma_semaphore, #tpu.memory_space<semaphore_mem>>)
        tpu.wait_dma2 semaphore(%run_scoped3A : memref<!tpu.dma_semaphore, #tpu.memory_space<semaphore_mem>>) src(%arg14 : memref<512xf32, #tpu.memory_space<vmem>>) dst(%arg7 : memref<512xf32, #tpu.memory_space<hbm>>)
        tpu.yield
      }) : () -> ()
    } else {
    }
    return
  }
}

module attributes {stable_mosaic.version = 14 : i64} {
  func.func @_topk_kernel(%arg0: memref<512x1024xf32, #tpu.memory_space<vmem>>, %arg1: memref<512x1xi32, #tpu.memory_space<vmem>>, %arg2: memref<512x16xf32, #tpu.memory_space<vmem>>, %arg3: memref<512x16xi32, #tpu.memory_space<vmem>>, %arg4: memref<1x1xf32, #tpu.memory_space<vmem>>, %arg5: memref<512x1024xf32, #tpu.memory_space<vmem>>) attributes {dimension_semantics = [], scalar_prefetch = 0 : i64, scratch_operands = 1 : i64, tpu.core_type = #tpu.core_type<tc>} {
    %iota3A = tpu.iota {dimensions = array<i32: 1>} : vector<512x1024xi32>
    %get3A = arith.constant 0 : index
    %get3A_0 = arith.constant 0 : index
    %get3A_1 = vector.load %arg0[%get3A, %get3A_0] : memref<512x1024xf32, #tpu.memory_space<vmem>>, vector<512x1024xf32>
    %swap3A = arith.constant 0 : index
    %swap3A_2 = arith.constant 0 : index
    %swap3A_3 = vector.load %arg5[%swap3A, %swap3A_2] : memref<512x1024xf32, #tpu.memory_space<vmem>>, vector<512x1024xf32>
    tpu.vector_store %arg5[%swap3A, %swap3A_2], %get3A_1 {strides = array<i32>} : memref<512x1024xf32, #tpu.memory_space<vmem>>, vector<512x1024xf32>,
    %get3A_4 = arith.constant 0 : index
    %get3A_5 = arith.constant 0 : index
    %get3A_6 = vector.load %arg5[%get3A_4, %get3A_5] : memref<512x1024xf32, #tpu.memory_space<vmem>>, vector<512x1024xf32>
    %reduce_max3A = arith.constant dense<0xFF800000> : vector<512xf32>
    %reduce_max3A_7 = vector.multi_reduction <maximumf>, %get3A_6, %reduce_max3A [1] : vector<512x1024xf32> to vector<512xf32>
    %broadcast_in_dim3A = vector.shape_cast %reduce_max3A_7 : vector<512xf32> to vector<512x1xf32>
    %eq3A = vector.broadcast %broadcast_in_dim3A : vector<512x1xf32> to vector<512x1024xf32>
    %eq3A_8 = arith.cmpf oeq, %get3A_6, %eq3A : vector<512x1024xf32>
    %jit3A = arith.constant 1024 : i32
    %broadcast_in_dim3A_9 = vector.broadcast %jit3A : i32 to vector<512x1024xi32>
    %select_n3A = arith.select %eq3A_8, %iota3A, %broadcast_in_dim3A_9 : vector<512x1024xi1>, vector<512x1024xi32>
    %reduce_min3A = arith.constant dense<2147483647> : vector<512xi32>
    %reduce_min3A_10 = vector.multi_reduction <minsi>, %select_n3A, %reduce_min3A [1] : vector<512x1024xi32> to vector<512xi32>
    %broadcast_in_dim3A_11 = vector.shape_cast %reduce_min3A_10 : vector<512xi32> to vector<512x1xi32>
    %swap3A_12 = arith.constant 0 : index
    %swap3A_13 = arith.constant 0 : index
    %swap3A_14 = vector.load %arg2[%swap3A_12, %swap3A_13] : memref<512x16xf32, #tpu.memory_space<vmem>>, vector<512x1xf32>
    tpu.vector_store %arg2[%swap3A_12, %swap3A_13], %broadcast_in_dim3A {strides = array<i32>} : memref<512x16xf32, #tpu.memory_space<vmem>>, vector<512x1xf32>,
    %swap3A_15 = arith.constant 0 : index
    %swap3A_16 = arith.constant 0 : index
    %swap3A_17 = vector.load %arg3[%swap3A_15, %swap3A_16] : memref<512x16xi32, #tpu.memory_space<vmem>>, vector<512x1xi32>
    tpu.vector_store %arg3[%swap3A_15, %swap3A_16], %broadcast_in_dim3A_11 {strides = array<i32>} : memref<512x16xi32, #tpu.memory_space<vmem>>, vector<512x1xi32>,
    %eq3A_18 = vector.broadcast %broadcast_in_dim3A_11 : vector<512x1xi32> to vector<512x1024xi32>
    %eq3A_19 = arith.cmpi eq, %iota3A, %eq3A_18 : vector<512x1024xi32>
    %jit3A_20 = arith.constant 0xFF800000 : f32
    %broadcast_in_dim3A_21 = vector.broadcast %jit3A_20 : f32 to vector<512x1024xf32>
    %select_n3A_22 = arith.select %eq3A_19, %broadcast_in_dim3A_21, %get3A_6 : vector<512x1024xi1>, vector<512x1024xf32>
    %swap3A_23 = arith.constant 0 : index
    %swap3A_24 = arith.constant 0 : index
    %swap3A_25 = vector.load %arg5[%swap3A_23, %swap3A_24] : memref<512x1024xf32, #tpu.memory_space<vmem>>, vector<512x1024xf32>
    tpu.vector_store %arg5[%swap3A_23, %swap3A_24], %select_n3A_22 {strides = array<i32>} : memref<512x1024xf32, #tpu.memory_space<vmem>>, vector<512x1024xf32>,
    %get3A_26 = arith.constant 0 : index
    %get3A_27 = arith.constant 0 : index
    %get3A_28 = vector.load %arg5[%get3A_26, %get3A_27] : memref<512x1024xf32, #tpu.memory_space<vmem>>, vector<512x1024xf32>
    %reduce_max3A_29 = arith.constant dense<0xFF800000> : vector<512xf32>
    %reduce_max3A_30 = vector.multi_reduction <maximumf>, %get3A_28, %reduce_max3A_29 [1] : vector<512x1024xf32> to vector<512xf32>
    %broadcast_in_dim3A_31 = vector.shape_cast %reduce_max3A_30 : vector<512xf32> to vector<512x1xf32>
    %eq3A_32 = vector.broadcast %broadcast_in_dim3A_31 : vector<512x1xf32> to vector<512x1024xf32>
    %eq3A_33 = arith.cmpf oeq, %get3A_28, %eq3A_32 : vector<512x1024xf32>
    %jit3A_34 = arith.constant 1024 : i32
    %broadcast_in_dim3A_35 = vector.broadcast %jit3A_34 : i32 to vector<512x1024xi32>
    %select_n3A_36 = arith.select %eq3A_33, %iota3A, %broadcast_in_dim3A_35 : vector<512x1024xi1>, vector<512x1024xi32>
    %reduce_min3A_37 = arith.constant dense<2147483647> : vector<512xi32>
    %reduce_min3A_38 = vector.multi_reduction <minsi>, %select_n3A_36, %reduce_min3A_37 [1] : vector<512x1024xi32> to vector<512xi32>
    %broadcast_in_dim3A_39 = vector.shape_cast %reduce_min3A_38 : vector<512xi32> to vector<512x1xi32>
    %swap3A_40 = arith.constant 0 : index
    %swap3A_41 = arith.constant 1 : index
    %swap3A_42 = vector.load %arg2[%swap3A_40, %swap3A_41] : memref<512x16xf32, #tpu.memory_space<vmem>>, vector<512x1xf32>
    tpu.vector_store %arg2[%swap3A_40, %swap3A_41], %broadcast_in_dim3A_31 {strides = array<i32>} : memref<512x16xf32, #tpu.memory_space<vmem>>, vector<512x1xf32>,
    %swap3A_43 = arith.constant 0 : index
    %swap3A_44 = arith.constant 1 : index
    %swap3A_45 = vector.load %arg3[%swap3A_43, %swap3A_44] : memref<512x16xi32, #tpu.memory_space<vmem>>, vector<512x1xi32>
    tpu.vector_store %arg3[%swap3A_43, %swap3A_44], %broadcast_in_dim3A_39 {strides = array<i32>} : memref<512x16xi32, #tpu.memory_space<vmem>>, vector<512x1xi32>,
    %eq3A_46 = vector.broadcast %broadcast_in_dim3A_39 : vector<512x1xi32> to vector<512x1024xi32>
    %eq3A_47 = arith.cmpi eq, %iota3A, %eq3A_46 : vector<512x1024xi32>
    %jit3A_48 = arith.constant 0xFF800000 : f32
    %broadcast_in_dim3A_49 = vector.broadcast %jit3A_48 : f32 to vector<512x1024xf32>
    %select_n3A_50 = arith.select %eq3A_47, %broadcast_in_dim3A_49, %get3A_28 : vector<512x1024xi1>, vector<512x1024xf32>
    %swap3A_51 = arith.constant 0 : index
    %swap3A_52 = arith.constant 0 : index
    %swap3A_53 = vector.load %arg5[%swap3A_51, %swap3A_52] : memref<512x1024xf32, #tpu.memory_space<vmem>>, vector<512x1024xf32>
    tpu.vector_store %arg5[%swap3A_51, %swap3A_52], %select_n3A_50 {strides = array<i32>} : memref<512x1024xf32, #tpu.memory_space<vmem>>, vector<512x1024xf32>,
    %get3A_54 = arith.constant 0 : index
    %get3A_55 = arith.constant 0 : index
    %get3A_56 = vector.load %arg5[%get3A_54, %get3A_55] : memref<512x1024xf32, #tpu.memory_space<vmem>>, vector<512x1024xf32>
    %reduce_max3A_57 = arith.constant dense<0xFF800000> : vector<512xf32>
    %reduce_max3A_58 = vector.multi_reduction <maximumf>, %get3A_56, %reduce_max3A_57 [1] : vector<512x1024xf32> to vector<512xf32>
    %broadcast_in_dim3A_59 = vector.shape_cast %reduce_max3A_58 : vector<512xf32> to vector<512x1xf32>
    %eq3A_60 = vector.broadcast %broadcast_in_dim3A_59 : vector<512x1xf32> to vector<512x1024xf32>
    %eq3A_61 = arith.cmpf oeq, %get3A_56, %eq3A_60 : vector<512x1024xf32>
    %jit3A_62 = arith.constant 1024 : i32
    %broadcast_in_dim3A_63 = vector.broadcast %jit3A_62 : i32 to vector<512x1024xi32>
    %select_n3A_64 = arith.select %eq3A_61, %iota3A, %broadcast_in_dim3A_63 : vector<512x1024xi1>, vector<512x1024xi32>
    %reduce_min3A_65 = arith.constant dense<2147483647> : vector<512xi32>
    %reduce_min3A_66 = vector.multi_reduction <minsi>, %select_n3A_64, %reduce_min3A_65 [1] : vector<512x1024xi32> to vector<512xi32>
    %broadcast_in_dim3A_67 = vector.shape_cast %reduce_min3A_66 : vector<512xi32> to vector<512x1xi32>
    %swap3A_68 = arith.constant 0 : index
    %swap3A_69 = arith.constant 2 : index
    %swap3A_70 = vector.load %arg2[%swap3A_68, %swap3A_69] : memref<512x16xf32, #tpu.memory_space<vmem>>, vector<512x1xf32>
    tpu.vector_store %arg2[%swap3A_68, %swap3A_69], %broadcast_in_dim3A_59 {strides = array<i32>} : memref<512x16xf32, #tpu.memory_space<vmem>>, vector<512x1xf32>,
    %swap3A_71 = arith.constant 0 : index
    %swap3A_72 = arith.constant 2 : index
    %swap3A_73 = vector.load %arg3[%swap3A_71, %swap3A_72] : memref<512x16xi32, #tpu.memory_space<vmem>>, vector<512x1xi32>
    tpu.vector_store %arg3[%swap3A_71, %swap3A_72], %broadcast_in_dim3A_67 {strides = array<i32>} : memref<512x16xi32, #tpu.memory_space<vmem>>, vector<512x1xi32>,
    %eq3A_74 = vector.broadcast %broadcast_in_dim3A_67 : vector<512x1xi32> to vector<512x1024xi32>
    %eq3A_75 = arith.cmpi eq, %iota3A, %eq3A_74 : vector<512x1024xi32>
    %jit3A_76 = arith.constant 0xFF800000 : f32
    %broadcast_in_dim3A_77 = vector.broadcast %jit3A_76 : f32 to vector<512x1024xf32>
    %select_n3A_78 = arith.select %eq3A_75, %broadcast_in_dim3A_77, %get3A_56 : vector<512x1024xi1>, vector<512x1024xf32>
    %swap3A_79 = arith.constant 0 : index
    %swap3A_80 = arith.constant 0 : index
    %swap3A_81 = vector.load %arg5[%swap3A_79, %swap3A_80] : memref<512x1024xf32, #tpu.memory_space<vmem>>, vector<512x1024xf32>
    tpu.vector_store %arg5[%swap3A_79, %swap3A_80], %select_n3A_78 {strides = array<i32>} : memref<512x1024xf32, #tpu.memory_space<vmem>>, vector<512x1024xf32>,
    %get3A_82 = arith.constant 0 : index
    %get3A_83 = arith.constant 0 : index
    %get3A_84 = vector.load %arg5[%get3A_82, %get3A_83] : memref<512x1024xf32, #tpu.memory_space<vmem>>, vector<512x1024xf32>
    %reduce_max3A_85 = arith.constant dense<0xFF800000> : vector<512xf32>
    %reduce_max3A_86 = vector.multi_reduction <maximumf>, %get3A_84, %reduce_max3A_85 [1] : vector<512x1024xf32> to vector<512xf32>
    %broadcast_in_dim3A_87 = vector.shape_cast %reduce_max3A_86 : vector<512xf32> to vector<512x1xf32>
    %eq3A_88 = vector.broadcast %broadcast_in_dim3A_87 : vector<512x1xf32> to vector<512x1024xf32>
    %eq3A_89 = arith.cmpf oeq, %get3A_84, %eq3A_88 : vector<512x1024xf32>
    %jit3A_90 = arith.constant 1024 : i32
    %broadcast_in_dim3A_91 = vector.broadcast %jit3A_90 : i32 to vector<512x1024xi32>
    %select_n3A_92 = arith.select %eq3A_89, %iota3A, %broadcast_in_dim3A_91 : vector<512x1024xi1>, vector<512x1024xi32>
    %reduce_min3A_93 = arith.constant dense<2147483647> : vector<512xi32>
    %reduce_min3A_94 = vector.multi_reduction <minsi>, %select_n3A_92, %reduce_min3A_93 [1] : vector<512x1024xi32> to vector<512xi32>
    %broadcast_in_dim3A_95 = vector.shape_cast %reduce_min3A_94 : vector<512xi32> to vector<512x1xi32>
    %swap3A_96 = arith.constant 0 : index
    %swap3A_97 = arith.constant 3 : index
    %swap3A_98 = vector.load %arg2[%swap3A_96, %swap3A_97] : memref<512x16xf32, #tpu.memory_space<vmem>>, vector<512x1xf32>
    tpu.vector_store %arg2[%swap3A_96, %swap3A_97], %broadcast_in_dim3A_87 {strides = array<i32>} : memref<512x16xf32, #tpu.memory_space<vmem>>, vector<512x1xf32>,
    %swap3A_99 = arith.constant 0 : index
    %swap3A_100 = arith.constant 3 : index
    %swap3A_101 = vector.load %arg3[%swap3A_99, %swap3A_100] : memref<512x16xi32, #tpu.memory_space<vmem>>, vector<512x1xi32>
    tpu.vector_store %arg3[%swap3A_99, %swap3A_100], %broadcast_in_dim3A_95 {strides = array<i32>} : memref<512x16xi32, #tpu.memory_space<vmem>>, vector<512x1xi32>,
    %eq3A_102 = vector.broadcast %broadcast_in_dim3A_95 : vector<512x1xi32> to vector<512x1024xi32>
    %eq3A_103 = arith.cmpi eq, %iota3A, %eq3A_102 : vector<512x1024xi32>
    %jit3A_104 = arith.constant 0xFF800000 : f32
    %broadcast_in_dim3A_105 = vector.broadcast %jit3A_104 : f32 to vector<512x1024xf32>
    %select_n3A_106 = arith.select %eq3A_103, %broadcast_in_dim3A_105, %get3A_84 : vector<512x1024xi1>, vector<512x1024xf32>
    %swap3A_107 = arith.constant 0 : index
    %swap3A_108 = arith.constant 0 : index
    %swap3A_109 = vector.load %arg5[%swap3A_107, %swap3A_108] : memref<512x1024xf32, #tpu.memory_space<vmem>>, vector<512x1024xf32>
    tpu.vector_store %arg5[%swap3A_107, %swap3A_108], %select_n3A_106 {strides = array<i32>} : memref<512x1024xf32, #tpu.memory_space<vmem>>, vector<512x1024xf32>,
    %get3A_110 = arith.constant 0 : index
    %get3A_111 = arith.constant 0 : index
    %get3A_112 = vector.load %arg5[%get3A_110, %get3A_111] : memref<512x1024xf32, #tpu.memory_space<vmem>>, vector<512x1024xf32>
    %reduce_max3A_113 = arith.constant dense<0xFF800000> : vector<512xf32>
    %reduce_max3A_114 = vector.multi_reduction <maximumf>, %get3A_112, %reduce_max3A_113 [1] : vector<512x1024xf32> to vector<512xf32>
    %broadcast_in_dim3A_115 = vector.shape_cast %reduce_max3A_114 : vector<512xf32> to vector<512x1xf32>
    %eq3A_116 = vector.broadcast %broadcast_in_dim3A_115 : vector<512x1xf32> to vector<512x1024xf32>
    %eq3A_117 = arith.cmpf oeq, %get3A_112, %eq3A_116 : vector<512x1024xf32>
    %jit3A_118 = arith.constant 1024 : i32
    %broadcast_in_dim3A_119 = vector.broadcast %jit3A_118 : i32 to vector<512x1024xi32>
    %select_n3A_120 = arith.select %eq3A_117, %iota3A, %broadcast_in_dim3A_119 : vector<512x1024xi1>, vector<512x1024xi32>
    %reduce_min3A_121 = arith.constant dense<2147483647> : vector<512xi32>
    %reduce_min3A_122 = vector.multi_reduction <minsi>, %select_n3A_120, %reduce_min3A_121 [1] : vector<512x1024xi32> to vector<512xi32>
    %broadcast_in_dim3A_123 = vector.shape_cast %reduce_min3A_122 : vector<512xi32> to vector<512x1xi32>
    %swap3A_124 = arith.constant 0 : index
    %swap3A_125 = arith.constant 4 : index
    %swap3A_126 = vector.load %arg2[%swap3A_124, %swap3A_125] : memref<512x16xf32, #tpu.memory_space<vmem>>, vector<512x1xf32>
    tpu.vector_store %arg2[%swap3A_124, %swap3A_125], %broadcast_in_dim3A_115 {strides = array<i32>} : memref<512x16xf32, #tpu.memory_space<vmem>>, vector<512x1xf32>,
    %swap3A_127 = arith.constant 0 : index
    %swap3A_128 = arith.constant 4 : index
    %swap3A_129 = vector.load %arg3[%swap3A_127, %swap3A_128] : memref<512x16xi32, #tpu.memory_space<vmem>>, vector<512x1xi32>
    tpu.vector_store %arg3[%swap3A_127, %swap3A_128], %broadcast_in_dim3A_123 {strides = array<i32>} : memref<512x16xi32, #tpu.memory_space<vmem>>, vector<512x1xi32>,
    %eq3A_130 = vector.broadcast %broadcast_in_dim3A_123 : vector<512x1xi32> to vector<512x1024xi32>
    %eq3A_131 = arith.cmpi eq, %iota3A, %eq3A_130 : vector<512x1024xi32>
    %jit3A_132 = arith.constant 0xFF800000 : f32
    %broadcast_in_dim3A_133 = vector.broadcast %jit3A_132 : f32 to vector<512x1024xf32>
    %select_n3A_134 = arith.select %eq3A_131, %broadcast_in_dim3A_133, %get3A_112 : vector<512x1024xi1>, vector<512x1024xf32>
    %swap3A_135 = arith.constant 0 : index
    %swap3A_136 = arith.constant 0 : index
    %swap3A_137 = vector.load %arg5[%swap3A_135, %swap3A_136] : memref<512x1024xf32, #tpu.memory_space<vmem>>, vector<512x1024xf32>
    tpu.vector_store %arg5[%swap3A_135, %swap3A_136], %select_n3A_134 {strides = array<i32>} : memref<512x1024xf32, #tpu.memory_space<vmem>>, vector<512x1024xf32>,
    %get3A_138 = arith.constant 0 : index
    %get3A_139 = arith.constant 0 : index
    %get3A_140 = vector.load %arg5[%get3A_138, %get3A_139] : memref<512x1024xf32, #tpu.memory_space<vmem>>, vector<512x1024xf32>
    %reduce_max3A_141 = arith.constant dense<0xFF800000> : vector<512xf32>
    %reduce_max3A_142 = vector.multi_reduction <maximumf>, %get3A_140, %reduce_max3A_141 [1] : vector<512x1024xf32> to vector<512xf32>
    %broadcast_in_dim3A_143 = vector.shape_cast %reduce_max3A_142 : vector<512xf32> to vector<512x1xf32>
    %eq3A_144 = vector.broadcast %broadcast_in_dim3A_143 : vector<512x1xf32> to vector<512x1024xf32>
    %eq3A_145 = arith.cmpf oeq, %get3A_140, %eq3A_144 : vector<512x1024xf32>
    %jit3A_146 = arith.constant 1024 : i32
    %broadcast_in_dim3A_147 = vector.broadcast %jit3A_146 : i32 to vector<512x1024xi32>
    %select_n3A_148 = arith.select %eq3A_145, %iota3A, %broadcast_in_dim3A_147 : vector<512x1024xi1>, vector<512x1024xi32>
    %reduce_min3A_149 = arith.constant dense<2147483647> : vector<512xi32>
    %reduce_min3A_150 = vector.multi_reduction <minsi>, %select_n3A_148, %reduce_min3A_149 [1] : vector<512x1024xi32> to vector<512xi32>
    %broadcast_in_dim3A_151 = vector.shape_cast %reduce_min3A_150 : vector<512xi32> to vector<512x1xi32>
    %swap3A_152 = arith.constant 0 : index
    %swap3A_153 = arith.constant 5 : index
    %swap3A_154 = vector.load %arg2[%swap3A_152, %swap3A_153] : memref<512x16xf32, #tpu.memory_space<vmem>>, vector<512x1xf32>
    tpu.vector_store %arg2[%swap3A_152, %swap3A_153], %broadcast_in_dim3A_143 {strides = array<i32>} : memref<512x16xf32, #tpu.memory_space<vmem>>, vector<512x1xf32>,
    %swap3A_155 = arith.constant 0 : index
    %swap3A_156 = arith.constant 5 : index
    %swap3A_157 = vector.load %arg3[%swap3A_155, %swap3A_156] : memref<512x16xi32, #tpu.memory_space<vmem>>, vector<512x1xi32>
    tpu.vector_store %arg3[%swap3A_155, %swap3A_156], %broadcast_in_dim3A_151 {strides = array<i32>} : memref<512x16xi32, #tpu.memory_space<vmem>>, vector<512x1xi32>,
    %eq3A_158 = vector.broadcast %broadcast_in_dim3A_151 : vector<512x1xi32> to vector<512x1024xi32>
    %eq3A_159 = arith.cmpi eq, %iota3A, %eq3A_158 : vector<512x1024xi32>
    %jit3A_160 = arith.constant 0xFF800000 : f32
    %broadcast_in_dim3A_161 = vector.broadcast %jit3A_160 : f32 to vector<512x1024xf32>
    %select_n3A_162 = arith.select %eq3A_159, %broadcast_in_dim3A_161, %get3A_140 : vector<512x1024xi1>, vector<512x1024xf32>
    %swap3A_163 = arith.constant 0 : index
    %swap3A_164 = arith.constant 0 : index
    %swap3A_165 = vector.load %arg5[%swap3A_163, %swap3A_164] : memref<512x1024xf32, #tpu.memory_space<vmem>>, vector<512x1024xf32>
    tpu.vector_store %arg5[%swap3A_163, %swap3A_164], %select_n3A_162 {strides = array<i32>} : memref<512x1024xf32, #tpu.memory_space<vmem>>, vector<512x1024xf32>,
    %get3A_166 = arith.constant 0 : index
    %get3A_167 = arith.constant 0 : index
    %get3A_168 = vector.load %arg5[%get3A_166, %get3A_167] : memref<512x1024xf32, #tpu.memory_space<vmem>>, vector<512x1024xf32>
    %reduce_max3A_169 = arith.constant dense<0xFF800000> : vector<512xf32>
    %reduce_max3A_170 = vector.multi_reduction <maximumf>, %get3A_168, %reduce_max3A_169 [1] : vector<512x1024xf32> to vector<512xf32>
    %broadcast_in_dim3A_171 = vector.shape_cast %reduce_max3A_170 : vector<512xf32> to vector<512x1xf32>
    %eq3A_172 = vector.broadcast %broadcast_in_dim3A_171 : vector<512x1xf32> to vector<512x1024xf32>
    %eq3A_173 = arith.cmpf oeq, %get3A_168, %eq3A_172 : vector<512x1024xf32>
    %jit3A_174 = arith.constant 1024 : i32
    %broadcast_in_dim3A_175 = vector.broadcast %jit3A_174 : i32 to vector<512x1024xi32>
    %select_n3A_176 = arith.select %eq3A_173, %iota3A, %broadcast_in_dim3A_175 : vector<512x1024xi1>, vector<512x1024xi32>
    %reduce_min3A_177 = arith.constant dense<2147483647> : vector<512xi32>
    %reduce_min3A_178 = vector.multi_reduction <minsi>, %select_n3A_176, %reduce_min3A_177 [1] : vector<512x1024xi32> to vector<512xi32>
    %broadcast_in_dim3A_179 = vector.shape_cast %reduce_min3A_178 : vector<512xi32> to vector<512x1xi32>
    %swap3A_180 = arith.constant 0 : index
    %swap3A_181 = arith.constant 6 : index
    %swap3A_182 = vector.load %arg2[%swap3A_180, %swap3A_181] : memref<512x16xf32, #tpu.memory_space<vmem>>, vector<512x1xf32>
    tpu.vector_store %arg2[%swap3A_180, %swap3A_181], %broadcast_in_dim3A_171 {strides = array<i32>} : memref<512x16xf32, #tpu.memory_space<vmem>>, vector<512x1xf32>,
    %swap3A_183 = arith.constant 0 : index
    %swap3A_184 = arith.constant 6 : index
    %swap3A_185 = vector.load %arg3[%swap3A_183, %swap3A_184] : memref<512x16xi32, #tpu.memory_space<vmem>>, vector<512x1xi32>
    tpu.vector_store %arg3[%swap3A_183, %swap3A_184], %broadcast_in_dim3A_179 {strides = array<i32>} : memref<512x16xi32, #tpu.memory_space<vmem>>, vector<512x1xi32>,
    %eq3A_186 = vector.broadcast %broadcast_in_dim3A_179 : vector<512x1xi32> to vector<512x1024xi32>
    %eq3A_187 = arith.cmpi eq, %iota3A, %eq3A_186 : vector<512x1024xi32>
    %jit3A_188 = arith.constant 0xFF800000 : f32
    %broadcast_in_dim3A_189 = vector.broadcast %jit3A_188 : f32 to vector<512x1024xf32>
    %select_n3A_190 = arith.select %eq3A_187, %broadcast_in_dim3A_189, %get3A_168 : vector<512x1024xi1>, vector<512x1024xf32>
    %swap3A_191 = arith.constant 0 : index
    %swap3A_192 = arith.constant 0 : index
    %swap3A_193 = vector.load %arg5[%swap3A_191, %swap3A_192] : memref<512x1024xf32, #tpu.memory_space<vmem>>, vector<512x1024xf32>
    tpu.vector_store %arg5[%swap3A_191, %swap3A_192], %select_n3A_190 {strides = array<i32>} : memref<512x1024xf32, #tpu.memory_space<vmem>>, vector<512x1024xf32>,
    %get3A_194 = arith.constant 0 : index
    %get3A_195 = arith.constant 0 : index
    %get3A_196 = vector.load %arg5[%get3A_194, %get3A_195] : memref<512x1024xf32, #tpu.memory_space<vmem>>, vector<512x1024xf32>
    %reduce_max3A_197 = arith.constant dense<0xFF800000> : vector<512xf32>
    %reduce_max3A_198 = vector.multi_reduction <maximumf>, %get3A_196, %reduce_max3A_197 [1] : vector<512x1024xf32> to vector<512xf32>
    %broadcast_in_dim3A_199 = vector.shape_cast %reduce_max3A_198 : vector<512xf32> to vector<512x1xf32>
    %eq3A_200 = vector.broadcast %broadcast_in_dim3A_199 : vector<512x1xf32> to vector<512x1024xf32>
    %eq3A_201 = arith.cmpf oeq, %get3A_196, %eq3A_200 : vector<512x1024xf32>
    %jit3A_202 = arith.constant 1024 : i32
    %broadcast_in_dim3A_203 = vector.broadcast %jit3A_202 : i32 to vector<512x1024xi32>
    %select_n3A_204 = arith.select %eq3A_201, %iota3A, %broadcast_in_dim3A_203 : vector<512x1024xi1>, vector<512x1024xi32>
    %reduce_min3A_205 = arith.constant dense<2147483647> : vector<512xi32>
    %reduce_min3A_206 = vector.multi_reduction <minsi>, %select_n3A_204, %reduce_min3A_205 [1] : vector<512x1024xi32> to vector<512xi32>
    %broadcast_in_dim3A_207 = vector.shape_cast %reduce_min3A_206 : vector<512xi32> to vector<512x1xi32>
    %swap3A_208 = arith.constant 0 : index
    %swap3A_209 = arith.constant 7 : index
    %swap3A_210 = vector.load %arg2[%swap3A_208, %swap3A_209] : memref<512x16xf32, #tpu.memory_space<vmem>>, vector<512x1xf32>
    tpu.vector_store %arg2[%swap3A_208, %swap3A_209], %broadcast_in_dim3A_199 {strides = array<i32>} : memref<512x16xf32, #tpu.memory_space<vmem>>, vector<512x1xf32>,
    %swap3A_211 = arith.constant 0 : index
    %swap3A_212 = arith.constant 7 : index
    %swap3A_213 = vector.load %arg3[%swap3A_211, %swap3A_212] : memref<512x16xi32, #tpu.memory_space<vmem>>, vector<512x1xi32>
    tpu.vector_store %arg3[%swap3A_211, %swap3A_212], %broadcast_in_dim3A_207 {strides = array<i32>} : memref<512x16xi32, #tpu.memory_space<vmem>>, vector<512x1xi32>,
    %eq3A_214 = vector.broadcast %broadcast_in_dim3A_207 : vector<512x1xi32> to vector<512x1024xi32>
    %eq3A_215 = arith.cmpi eq, %iota3A, %eq3A_214 : vector<512x1024xi32>
    %jit3A_216 = arith.constant 0xFF800000 : f32
    %broadcast_in_dim3A_217 = vector.broadcast %jit3A_216 : f32 to vector<512x1024xf32>
    %select_n3A_218 = arith.select %eq3A_215, %broadcast_in_dim3A_217, %get3A_196 : vector<512x1024xi1>, vector<512x1024xf32>
    %swap3A_219 = arith.constant 0 : index
    %swap3A_220 = arith.constant 0 : index
    %swap3A_221 = vector.load %arg5[%swap3A_219, %swap3A_220] : memref<512x1024xf32, #tpu.memory_space<vmem>>, vector<512x1024xf32>
    tpu.vector_store %arg5[%swap3A_219, %swap3A_220], %select_n3A_218 {strides = array<i32>} : memref<512x1024xf32, #tpu.memory_space<vmem>>, vector<512x1024xf32>,
    %get3A_222 = arith.constant 0 : index
    %get3A_223 = arith.constant 0 : index
    %get3A_224 = vector.load %arg5[%get3A_222, %get3A_223] : memref<512x1024xf32, #tpu.memory_space<vmem>>, vector<512x1024xf32>
    %reduce_max3A_225 = arith.constant dense<0xFF800000> : vector<512xf32>
    %reduce_max3A_226 = vector.multi_reduction <maximumf>, %get3A_224, %reduce_max3A_225 [1] : vector<512x1024xf32> to vector<512xf32>
    %broadcast_in_dim3A_227 = vector.shape_cast %reduce_max3A_226 : vector<512xf32> to vector<512x1xf32>
    %eq3A_228 = vector.broadcast %broadcast_in_dim3A_227 : vector<512x1xf32> to vector<512x1024xf32>
    %eq3A_229 = arith.cmpf oeq, %get3A_224, %eq3A_228 : vector<512x1024xf32>
    %jit3A_230 = arith.constant 1024 : i32
    %broadcast_in_dim3A_231 = vector.broadcast %jit3A_230 : i32 to vector<512x1024xi32>
    %select_n3A_232 = arith.select %eq3A_229, %iota3A, %broadcast_in_dim3A_231 : vector<512x1024xi1>, vector<512x1024xi32>
    %reduce_min3A_233 = arith.constant dense<2147483647> : vector<512xi32>
    %reduce_min3A_234 = vector.multi_reduction <minsi>, %select_n3A_232, %reduce_min3A_233 [1] : vector<512x1024xi32> to vector<512xi32>
    %broadcast_in_dim3A_235 = vector.shape_cast %reduce_min3A_234 : vector<512xi32> to vector<512x1xi32>
    %swap3A_236 = arith.constant 0 : index
    %swap3A_237 = arith.constant 8 : index
    %swap3A_238 = vector.load %arg2[%swap3A_236, %swap3A_237] : memref<512x16xf32, #tpu.memory_space<vmem>>, vector<512x1xf32>
    tpu.vector_store %arg2[%swap3A_236, %swap3A_237], %broadcast_in_dim3A_227 {strides = array<i32>} : memref<512x16xf32, #tpu.memory_space<vmem>>, vector<512x1xf32>,
    %swap3A_239 = arith.constant 0 : index
    %swap3A_240 = arith.constant 8 : index
    %swap3A_241 = vector.load %arg3[%swap3A_239, %swap3A_240] : memref<512x16xi32, #tpu.memory_space<vmem>>, vector<512x1xi32>
    tpu.vector_store %arg3[%swap3A_239, %swap3A_240], %broadcast_in_dim3A_235 {strides = array<i32>} : memref<512x16xi32, #tpu.memory_space<vmem>>, vector<512x1xi32>,
    %eq3A_242 = vector.broadcast %broadcast_in_dim3A_235 : vector<512x1xi32> to vector<512x1024xi32>
    %eq3A_243 = arith.cmpi eq, %iota3A, %eq3A_242 : vector<512x1024xi32>
    %jit3A_244 = arith.constant 0xFF800000 : f32
    %broadcast_in_dim3A_245 = vector.broadcast %jit3A_244 : f32 to vector<512x1024xf32>
    %select_n3A_246 = arith.select %eq3A_243, %broadcast_in_dim3A_245, %get3A_224 : vector<512x1024xi1>, vector<512x1024xf32>
    %swap3A_247 = arith.constant 0 : index
    %swap3A_248 = arith.constant 0 : index
    %swap3A_249 = vector.load %arg5[%swap3A_247, %swap3A_248] : memref<512x1024xf32, #tpu.memory_space<vmem>>, vector<512x1024xf32>
    tpu.vector_store %arg5[%swap3A_247, %swap3A_248], %select_n3A_246 {strides = array<i32>} : memref<512x1024xf32, #tpu.memory_space<vmem>>, vector<512x1024xf32>,
    %get3A_250 = arith.constant 0 : index
    %get3A_251 = arith.constant 0 : index
    %get3A_252 = vector.load %arg5[%get3A_250, %get3A_251] : memref<512x1024xf32, #tpu.memory_space<vmem>>, vector<512x1024xf32>
    %reduce_max3A_253 = arith.constant dense<0xFF800000> : vector<512xf32>
    %reduce_max3A_254 = vector.multi_reduction <maximumf>, %get3A_252, %reduce_max3A_253 [1] : vector<512x1024xf32> to vector<512xf32>
    %broadcast_in_dim3A_255 = vector.shape_cast %reduce_max3A_254 : vector<512xf32> to vector<512x1xf32>
    %eq3A_256 = vector.broadcast %broadcast_in_dim3A_255 : vector<512x1xf32> to vector<512x1024xf32>
    %eq3A_257 = arith.cmpf oeq, %get3A_252, %eq3A_256 : vector<512x1024xf32>
    %jit3A_258 = arith.constant 1024 : i32
    %broadcast_in_dim3A_259 = vector.broadcast %jit3A_258 : i32 to vector<512x1024xi32>
    %select_n3A_260 = arith.select %eq3A_257, %iota3A, %broadcast_in_dim3A_259 : vector<512x1024xi1>, vector<512x1024xi32>
    %reduce_min3A_261 = arith.constant dense<2147483647> : vector<512xi32>
    %reduce_min3A_262 = vector.multi_reduction <minsi>, %select_n3A_260, %reduce_min3A_261 [1] : vector<512x1024xi32> to vector<512xi32>
    %broadcast_in_dim3A_263 = vector.shape_cast %reduce_min3A_262 : vector<512xi32> to vector<512x1xi32>
    %swap3A_264 = arith.constant 0 : index
    %swap3A_265 = arith.constant 9 : index
    %swap3A_266 = vector.load %arg2[%swap3A_264, %swap3A_265] : memref<512x16xf32, #tpu.memory_space<vmem>>, vector<512x1xf32>
    tpu.vector_store %arg2[%swap3A_264, %swap3A_265], %broadcast_in_dim3A_255 {strides = array<i32>} : memref<512x16xf32, #tpu.memory_space<vmem>>, vector<512x1xf32>,
    %swap3A_267 = arith.constant 0 : index
    %swap3A_268 = arith.constant 9 : index
    %swap3A_269 = vector.load %arg3[%swap3A_267, %swap3A_268] : memref<512x16xi32, #tpu.memory_space<vmem>>, vector<512x1xi32>
    tpu.vector_store %arg3[%swap3A_267, %swap3A_268], %broadcast_in_dim3A_263 {strides = array<i32>} : memref<512x16xi32, #tpu.memory_space<vmem>>, vector<512x1xi32>,
    %eq3A_270 = vector.broadcast %broadcast_in_dim3A_263 : vector<512x1xi32> to vector<512x1024xi32>
    %eq3A_271 = arith.cmpi eq, %iota3A, %eq3A_270 : vector<512x1024xi32>
    %jit3A_272 = arith.constant 0xFF800000 : f32
    %broadcast_in_dim3A_273 = vector.broadcast %jit3A_272 : f32 to vector<512x1024xf32>
    %select_n3A_274 = arith.select %eq3A_271, %broadcast_in_dim3A_273, %get3A_252 : vector<512x1024xi1>, vector<512x1024xf32>
    %swap3A_275 = arith.constant 0 : index
    %swap3A_276 = arith.constant 0 : index
    %swap3A_277 = vector.load %arg5[%swap3A_275, %swap3A_276] : memref<512x1024xf32, #tpu.memory_space<vmem>>, vector<512x1024xf32>
    tpu.vector_store %arg5[%swap3A_275, %swap3A_276], %select_n3A_274 {strides = array<i32>} : memref<512x1024xf32, #tpu.memory_space<vmem>>, vector<512x1024xf32>,
    %get3A_278 = arith.constant 0 : index
    %get3A_279 = arith.constant 0 : index
    %get3A_280 = vector.load %arg5[%get3A_278, %get3A_279] : memref<512x1024xf32, #tpu.memory_space<vmem>>, vector<512x1024xf32>
    %reduce_max3A_281 = arith.constant dense<0xFF800000> : vector<512xf32>
    %reduce_max3A_282 = vector.multi_reduction <maximumf>, %get3A_280, %reduce_max3A_281 [1] : vector<512x1024xf32> to vector<512xf32>
    %broadcast_in_dim3A_283 = vector.shape_cast %reduce_max3A_282 : vector<512xf32> to vector<512x1xf32>
    %eq3A_284 = vector.broadcast %broadcast_in_dim3A_283 : vector<512x1xf32> to vector<512x1024xf32>
    %eq3A_285 = arith.cmpf oeq, %get3A_280, %eq3A_284 : vector<512x1024xf32>
    %jit3A_286 = arith.constant 1024 : i32
    %broadcast_in_dim3A_287 = vector.broadcast %jit3A_286 : i32 to vector<512x1024xi32>
    %select_n3A_288 = arith.select %eq3A_285, %iota3A, %broadcast_in_dim3A_287 : vector<512x1024xi1>, vector<512x1024xi32>
    %reduce_min3A_289 = arith.constant dense<2147483647> : vector<512xi32>
    %reduce_min3A_290 = vector.multi_reduction <minsi>, %select_n3A_288, %reduce_min3A_289 [1] : vector<512x1024xi32> to vector<512xi32>
    %broadcast_in_dim3A_291 = vector.shape_cast %reduce_min3A_290 : vector<512xi32> to vector<512x1xi32>
    %swap3A_292 = arith.constant 0 : index
    %swap3A_293 = arith.constant 10 : index
    %swap3A_294 = vector.load %arg2[%swap3A_292, %swap3A_293] : memref<512x16xf32, #tpu.memory_space<vmem>>, vector<512x1xf32>
    tpu.vector_store %arg2[%swap3A_292, %swap3A_293], %broadcast_in_dim3A_283 {strides = array<i32>} : memref<512x16xf32, #tpu.memory_space<vmem>>, vector<512x1xf32>,
    %swap3A_295 = arith.constant 0 : index
    %swap3A_296 = arith.constant 10 : index
    %swap3A_297 = vector.load %arg3[%swap3A_295, %swap3A_296] : memref<512x16xi32, #tpu.memory_space<vmem>>, vector<512x1xi32>
    tpu.vector_store %arg3[%swap3A_295, %swap3A_296], %broadcast_in_dim3A_291 {strides = array<i32>} : memref<512x16xi32, #tpu.memory_space<vmem>>, vector<512x1xi32>,
    %eq3A_298 = vector.broadcast %broadcast_in_dim3A_291 : vector<512x1xi32> to vector<512x1024xi32>
    %eq3A_299 = arith.cmpi eq, %iota3A, %eq3A_298 : vector<512x1024xi32>
    %jit3A_300 = arith.constant 0xFF800000 : f32
    %broadcast_in_dim3A_301 = vector.broadcast %jit3A_300 : f32 to vector<512x1024xf32>
    %select_n3A_302 = arith.select %eq3A_299, %broadcast_in_dim3A_301, %get3A_280 : vector<512x1024xi1>, vector<512x1024xf32>
    %swap3A_303 = arith.constant 0 : index
    %swap3A_304 = arith.constant 0 : index
    %swap3A_305 = vector.load %arg5[%swap3A_303, %swap3A_304] : memref<512x1024xf32, #tpu.memory_space<vmem>>, vector<512x1024xf32>
    tpu.vector_store %arg5[%swap3A_303, %swap3A_304], %select_n3A_302 {strides = array<i32>} : memref<512x1024xf32, #tpu.memory_space<vmem>>, vector<512x1024xf32>,
    %get3A_306 = arith.constant 0 : index
    %get3A_307 = arith.constant 0 : index
    %get3A_308 = vector.load %arg5[%get3A_306, %get3A_307] : memref<512x1024xf32, #tpu.memory_space<vmem>>, vector<512x1024xf32>
    %reduce_max3A_309 = arith.constant dense<0xFF800000> : vector<512xf32>
    %reduce_max3A_310 = vector.multi_reduction <maximumf>, %get3A_308, %reduce_max3A_309 [1] : vector<512x1024xf32> to vector<512xf32>
    %broadcast_in_dim3A_311 = vector.shape_cast %reduce_max3A_310 : vector<512xf32> to vector<512x1xf32>
    %eq3A_312 = vector.broadcast %broadcast_in_dim3A_311 : vector<512x1xf32> to vector<512x1024xf32>
    %eq3A_313 = arith.cmpf oeq, %get3A_308, %eq3A_312 : vector<512x1024xf32>
    %jit3A_314 = arith.constant 1024 : i32
    %broadcast_in_dim3A_315 = vector.broadcast %jit3A_314 : i32 to vector<512x1024xi32>
    %select_n3A_316 = arith.select %eq3A_313, %iota3A, %broadcast_in_dim3A_315 : vector<512x1024xi1>, vector<512x1024xi32>
    %reduce_min3A_317 = arith.constant dense<2147483647> : vector<512xi32>
    %reduce_min3A_318 = vector.multi_reduction <minsi>, %select_n3A_316, %reduce_min3A_317 [1] : vector<512x1024xi32> to vector<512xi32>
    %broadcast_in_dim3A_319 = vector.shape_cast %reduce_min3A_318 : vector<512xi32> to vector<512x1xi32>
    %swap3A_320 = arith.constant 0 : index
    %swap3A_321 = arith.constant 11 : index
    %swap3A_322 = vector.load %arg2[%swap3A_320, %swap3A_321] : memref<512x16xf32, #tpu.memory_space<vmem>>, vector<512x1xf32>
    tpu.vector_store %arg2[%swap3A_320, %swap3A_321], %broadcast_in_dim3A_311 {strides = array<i32>} : memref<512x16xf32, #tpu.memory_space<vmem>>, vector<512x1xf32>,
    %swap3A_323 = arith.constant 0 : index
    %swap3A_324 = arith.constant 11 : index
    %swap3A_325 = vector.load %arg3[%swap3A_323, %swap3A_324] : memref<512x16xi32, #tpu.memory_space<vmem>>, vector<512x1xi32>
    tpu.vector_store %arg3[%swap3A_323, %swap3A_324], %broadcast_in_dim3A_319 {strides = array<i32>} : memref<512x16xi32, #tpu.memory_space<vmem>>, vector<512x1xi32>,
    %eq3A_326 = vector.broadcast %broadcast_in_dim3A_319 : vector<512x1xi32> to vector<512x1024xi32>
    %eq3A_327 = arith.cmpi eq, %iota3A, %eq3A_326 : vector<512x1024xi32>
    %jit3A_328 = arith.constant 0xFF800000 : f32
    %broadcast_in_dim3A_329 = vector.broadcast %jit3A_328 : f32 to vector<512x1024xf32>
    %select_n3A_330 = arith.select %eq3A_327, %broadcast_in_dim3A_329, %get3A_308 : vector<512x1024xi1>, vector<512x1024xf32>
    %swap3A_331 = arith.constant 0 : index
    %swap3A_332 = arith.constant 0 : index
    %swap3A_333 = vector.load %arg5[%swap3A_331, %swap3A_332] : memref<512x1024xf32, #tpu.memory_space<vmem>>, vector<512x1024xf32>
    tpu.vector_store %arg5[%swap3A_331, %swap3A_332], %select_n3A_330 {strides = array<i32>} : memref<512x1024xf32, #tpu.memory_space<vmem>>, vector<512x1024xf32>,
    %get3A_334 = arith.constant 0 : index
    %get3A_335 = arith.constant 0 : index
    %get3A_336 = vector.load %arg5[%get3A_334, %get3A_335] : memref<512x1024xf32, #tpu.memory_space<vmem>>, vector<512x1024xf32>
    %reduce_max3A_337 = arith.constant dense<0xFF800000> : vector<512xf32>
    %reduce_max3A_338 = vector.multi_reduction <maximumf>, %get3A_336, %reduce_max3A_337 [1] : vector<512x1024xf32> to vector<512xf32>
    %broadcast_in_dim3A_339 = vector.shape_cast %reduce_max3A_338 : vector<512xf32> to vector<512x1xf32>
    %eq3A_340 = vector.broadcast %broadcast_in_dim3A_339 : vector<512x1xf32> to vector<512x1024xf32>
    %eq3A_341 = arith.cmpf oeq, %get3A_336, %eq3A_340 : vector<512x1024xf32>
    %jit3A_342 = arith.constant 1024 : i32
    %broadcast_in_dim3A_343 = vector.broadcast %jit3A_342 : i32 to vector<512x1024xi32>
    %select_n3A_344 = arith.select %eq3A_341, %iota3A, %broadcast_in_dim3A_343 : vector<512x1024xi1>, vector<512x1024xi32>
    %reduce_min3A_345 = arith.constant dense<2147483647> : vector<512xi32>
    %reduce_min3A_346 = vector.multi_reduction <minsi>, %select_n3A_344, %reduce_min3A_345 [1] : vector<512x1024xi32> to vector<512xi32>
    %broadcast_in_dim3A_347 = vector.shape_cast %reduce_min3A_346 : vector<512xi32> to vector<512x1xi32>
    %swap3A_348 = arith.constant 0 : index
    %swap3A_349 = arith.constant 12 : index
    %swap3A_350 = vector.load %arg2[%swap3A_348, %swap3A_349] : memref<512x16xf32, #tpu.memory_space<vmem>>, vector<512x1xf32>
    tpu.vector_store %arg2[%swap3A_348, %swap3A_349], %broadcast_in_dim3A_339 {strides = array<i32>} : memref<512x16xf32, #tpu.memory_space<vmem>>, vector<512x1xf32>,
    %swap3A_351 = arith.constant 0 : index
    %swap3A_352 = arith.constant 12 : index
    %swap3A_353 = vector.load %arg3[%swap3A_351, %swap3A_352] : memref<512x16xi32, #tpu.memory_space<vmem>>, vector<512x1xi32>
    tpu.vector_store %arg3[%swap3A_351, %swap3A_352], %broadcast_in_dim3A_347 {strides = array<i32>} : memref<512x16xi32, #tpu.memory_space<vmem>>, vector<512x1xi32>,
    %eq3A_354 = vector.broadcast %broadcast_in_dim3A_347 : vector<512x1xi32> to vector<512x1024xi32>
    %eq3A_355 = arith.cmpi eq, %iota3A, %eq3A_354 : vector<512x1024xi32>
    %jit3A_356 = arith.constant 0xFF800000 : f32
    %broadcast_in_dim3A_357 = vector.broadcast %jit3A_356 : f32 to vector<512x1024xf32>
    %select_n3A_358 = arith.select %eq3A_355, %broadcast_in_dim3A_357, %get3A_336 : vector<512x1024xi1>, vector<512x1024xf32>
    %swap3A_359 = arith.constant 0 : index
    %swap3A_360 = arith.constant 0 : index
    %swap3A_361 = vector.load %arg5[%swap3A_359, %swap3A_360] : memref<512x1024xf32, #tpu.memory_space<vmem>>, vector<512x1024xf32>
    tpu.vector_store %arg5[%swap3A_359, %swap3A_360], %select_n3A_358 {strides = array<i32>} : memref<512x1024xf32, #tpu.memory_space<vmem>>, vector<512x1024xf32>,
    %get3A_362 = arith.constant 0 : index
    %get3A_363 = arith.constant 0 : index
    %get3A_364 = vector.load %arg5[%get3A_362, %get3A_363] : memref<512x1024xf32, #tpu.memory_space<vmem>>, vector<512x1024xf32>
    %reduce_max3A_365 = arith.constant dense<0xFF800000> : vector<512xf32>
    %reduce_max3A_366 = vector.multi_reduction <maximumf>, %get3A_364, %reduce_max3A_365 [1] : vector<512x1024xf32> to vector<512xf32>
    %broadcast_in_dim3A_367 = vector.shape_cast %reduce_max3A_366 : vector<512xf32> to vector<512x1xf32>
    %eq3A_368 = vector.broadcast %broadcast_in_dim3A_367 : vector<512x1xf32> to vector<512x1024xf32>
    %eq3A_369 = arith.cmpf oeq, %get3A_364, %eq3A_368 : vector<512x1024xf32>
    %jit3A_370 = arith.constant 1024 : i32
    %broadcast_in_dim3A_371 = vector.broadcast %jit3A_370 : i32 to vector<512x1024xi32>
    %select_n3A_372 = arith.select %eq3A_369, %iota3A, %broadcast_in_dim3A_371 : vector<512x1024xi1>, vector<512x1024xi32>
    %reduce_min3A_373 = arith.constant dense<2147483647> : vector<512xi32>
    %reduce_min3A_374 = vector.multi_reduction <minsi>, %select_n3A_372, %reduce_min3A_373 [1] : vector<512x1024xi32> to vector<512xi32>
    %broadcast_in_dim3A_375 = vector.shape_cast %reduce_min3A_374 : vector<512xi32> to vector<512x1xi32>
    %swap3A_376 = arith.constant 0 : index
    %swap3A_377 = arith.constant 13 : index
    %swap3A_378 = vector.load %arg2[%swap3A_376, %swap3A_377] : memref<512x16xf32, #tpu.memory_space<vmem>>, vector<512x1xf32>
    tpu.vector_store %arg2[%swap3A_376, %swap3A_377], %broadcast_in_dim3A_367 {strides = array<i32>} : memref<512x16xf32, #tpu.memory_space<vmem>>, vector<512x1xf32>,
    %swap3A_379 = arith.constant 0 : index
    %swap3A_380 = arith.constant 13 : index
    %swap3A_381 = vector.load %arg3[%swap3A_379, %swap3A_380] : memref<512x16xi32, #tpu.memory_space<vmem>>, vector<512x1xi32>
    tpu.vector_store %arg3[%swap3A_379, %swap3A_380], %broadcast_in_dim3A_375 {strides = array<i32>} : memref<512x16xi32, #tpu.memory_space<vmem>>, vector<512x1xi32>,
    %eq3A_382 = vector.broadcast %broadcast_in_dim3A_375 : vector<512x1xi32> to vector<512x1024xi32>
    %eq3A_383 = arith.cmpi eq, %iota3A, %eq3A_382 : vector<512x1024xi32>
    %jit3A_384 = arith.constant 0xFF800000 : f32
    %broadcast_in_dim3A_385 = vector.broadcast %jit3A_384 : f32 to vector<512x1024xf32>
    %select_n3A_386 = arith.select %eq3A_383, %broadcast_in_dim3A_385, %get3A_364 : vector<512x1024xi1>, vector<512x1024xf32>
    %swap3A_387 = arith.constant 0 : index
    %swap3A_388 = arith.constant 0 : index
    %swap3A_389 = vector.load %arg5[%swap3A_387, %swap3A_388] : memref<512x1024xf32, #tpu.memory_space<vmem>>, vector<512x1024xf32>
    tpu.vector_store %arg5[%swap3A_387, %swap3A_388], %select_n3A_386 {strides = array<i32>} : memref<512x1024xf32, #tpu.memory_space<vmem>>, vector<512x1024xf32>,
    %get3A_390 = arith.constant 0 : index
    %get3A_391 = arith.constant 0 : index
    %get3A_392 = vector.load %arg5[%get3A_390, %get3A_391] : memref<512x1024xf32, #tpu.memory_space<vmem>>, vector<512x1024xf32>
    %reduce_max3A_393 = arith.constant dense<0xFF800000> : vector<512xf32>
    %reduce_max3A_394 = vector.multi_reduction <maximumf>, %get3A_392, %reduce_max3A_393 [1] : vector<512x1024xf32> to vector<512xf32>
    %broadcast_in_dim3A_395 = vector.shape_cast %reduce_max3A_394 : vector<512xf32> to vector<512x1xf32>
    %eq3A_396 = vector.broadcast %broadcast_in_dim3A_395 : vector<512x1xf32> to vector<512x1024xf32>
    %eq3A_397 = arith.cmpf oeq, %get3A_392, %eq3A_396 : vector<512x1024xf32>
    %jit3A_398 = arith.constant 1024 : i32
    %broadcast_in_dim3A_399 = vector.broadcast %jit3A_398 : i32 to vector<512x1024xi32>
    %select_n3A_400 = arith.select %eq3A_397, %iota3A, %broadcast_in_dim3A_399 : vector<512x1024xi1>, vector<512x1024xi32>
    %reduce_min3A_401 = arith.constant dense<2147483647> : vector<512xi32>
    %reduce_min3A_402 = vector.multi_reduction <minsi>, %select_n3A_400, %reduce_min3A_401 [1] : vector<512x1024xi32> to vector<512xi32>
    %broadcast_in_dim3A_403 = vector.shape_cast %reduce_min3A_402 : vector<512xi32> to vector<512x1xi32>
    %swap3A_404 = arith.constant 0 : index
    %swap3A_405 = arith.constant 14 : index
    %swap3A_406 = vector.load %arg2[%swap3A_404, %swap3A_405] : memref<512x16xf32, #tpu.memory_space<vmem>>, vector<512x1xf32>
    tpu.vector_store %arg2[%swap3A_404, %swap3A_405], %broadcast_in_dim3A_395 {strides = array<i32>} : memref<512x16xf32, #tpu.memory_space<vmem>>, vector<512x1xf32>,
    %swap3A_407 = arith.constant 0 : index
    %swap3A_408 = arith.constant 14 : index
    %swap3A_409 = vector.load %arg3[%swap3A_407, %swap3A_408] : memref<512x16xi32, #tpu.memory_space<vmem>>, vector<512x1xi32>
    tpu.vector_store %arg3[%swap3A_407, %swap3A_408], %broadcast_in_dim3A_403 {strides = array<i32>} : memref<512x16xi32, #tpu.memory_space<vmem>>, vector<512x1xi32>,
    %eq3A_410 = vector.broadcast %broadcast_in_dim3A_403 : vector<512x1xi32> to vector<512x1024xi32>
    %eq3A_411 = arith.cmpi eq, %iota3A, %eq3A_410 : vector<512x1024xi32>
    %jit3A_412 = arith.constant 0xFF800000 : f32
    %broadcast_in_dim3A_413 = vector.broadcast %jit3A_412 : f32 to vector<512x1024xf32>
    %select_n3A_414 = arith.select %eq3A_411, %broadcast_in_dim3A_413, %get3A_392 : vector<512x1024xi1>, vector<512x1024xf32>
    %swap3A_415 = arith.constant 0 : index
    %swap3A_416 = arith.constant 0 : index
    %swap3A_417 = vector.load %arg5[%swap3A_415, %swap3A_416] : memref<512x1024xf32, #tpu.memory_space<vmem>>, vector<512x1024xf32>
    tpu.vector_store %arg5[%swap3A_415, %swap3A_416], %select_n3A_414 {strides = array<i32>} : memref<512x1024xf32, #tpu.memory_space<vmem>>, vector<512x1024xf32>,
    %get3A_418 = arith.constant 0 : index
    %get3A_419 = arith.constant 0 : index
    %get3A_420 = vector.load %arg5[%get3A_418, %get3A_419] : memref<512x1024xf32, #tpu.memory_space<vmem>>, vector<512x1024xf32>
    %reduce_max3A_421 = arith.constant dense<0xFF800000> : vector<512xf32>
    %reduce_max3A_422 = vector.multi_reduction <maximumf>, %get3A_420, %reduce_max3A_421 [1] : vector<512x1024xf32> to vector<512xf32>
    %broadcast_in_dim3A_423 = vector.shape_cast %reduce_max3A_422 : vector<512xf32> to vector<512x1xf32>
    %eq3A_424 = vector.broadcast %broadcast_in_dim3A_423 : vector<512x1xf32> to vector<512x1024xf32>
    %eq3A_425 = arith.cmpf oeq, %get3A_420, %eq3A_424 : vector<512x1024xf32>
    %jit3A_426 = arith.constant 1024 : i32
    %broadcast_in_dim3A_427 = vector.broadcast %jit3A_426 : i32 to vector<512x1024xi32>
    %select_n3A_428 = arith.select %eq3A_425, %iota3A, %broadcast_in_dim3A_427 : vector<512x1024xi1>, vector<512x1024xi32>
    %reduce_min3A_429 = arith.constant dense<2147483647> : vector<512xi32>
    %reduce_min3A_430 = vector.multi_reduction <minsi>, %select_n3A_428, %reduce_min3A_429 [1] : vector<512x1024xi32> to vector<512xi32>
    %broadcast_in_dim3A_431 = vector.shape_cast %reduce_min3A_430 : vector<512xi32> to vector<512x1xi32>
    %swap3A_432 = arith.constant 0 : index
    %swap3A_433 = arith.constant 15 : index
    %swap3A_434 = vector.load %arg2[%swap3A_432, %swap3A_433] : memref<512x16xf32, #tpu.memory_space<vmem>>, vector<512x1xf32>
    tpu.vector_store %arg2[%swap3A_432, %swap3A_433], %broadcast_in_dim3A_423 {strides = array<i32>} : memref<512x16xf32, #tpu.memory_space<vmem>>, vector<512x1xf32>,
    %swap3A_435 = arith.constant 0 : index
    %swap3A_436 = arith.constant 15 : index
    %swap3A_437 = vector.load %arg3[%swap3A_435, %swap3A_436] : memref<512x16xi32, #tpu.memory_space<vmem>>, vector<512x1xi32>
    tpu.vector_store %arg3[%swap3A_435, %swap3A_436], %broadcast_in_dim3A_431 {strides = array<i32>} : memref<512x16xi32, #tpu.memory_space<vmem>>, vector<512x1xi32>,
    %eq3A_438 = vector.broadcast %broadcast_in_dim3A_431 : vector<512x1xi32> to vector<512x1024xi32>
    %eq3A_439 = arith.cmpi eq, %iota3A, %eq3A_438 : vector<512x1024xi32>
    %jit3A_440 = arith.constant 0xFF800000 : f32
    %broadcast_in_dim3A_441 = vector.broadcast %jit3A_440 : f32 to vector<512x1024xf32>
    %select_n3A_442 = arith.select %eq3A_439, %broadcast_in_dim3A_441, %get3A_420 : vector<512x1024xi1>, vector<512x1024xf32>
    %swap3A_443 = arith.constant 0 : index
    %swap3A_444 = arith.constant 0 : index
    %swap3A_445 = vector.load %arg5[%swap3A_443, %swap3A_444] : memref<512x1024xf32, #tpu.memory_space<vmem>>, vector<512x1024xf32>
    tpu.vector_store %arg5[%swap3A_443, %swap3A_444], %select_n3A_442 {strides = array<i32>} : memref<512x1024xf32, #tpu.memory_space<vmem>>, vector<512x1024xf32>,
    %get3A_446 = arith.constant 0 : index
    %get3A_447 = arith.constant 0 : index
    %get3A_448 = vector.load %arg1[%get3A_446, %get3A_447] : memref<512x1xi32, #tpu.memory_space<vmem>>, vector<512x1xi32>
    %eq3A_449 = vector.broadcast %get3A_448 : vector<512x1xi32> to vector<512x1024xi32>
    %eq3A_450 = arith.cmpi eq, %eq3A_449, %iota3A : vector<512x1024xi32>
    %get3A_451 = arith.constant 0 : index
    %get3A_452 = arith.constant 0 : index
    %get3A_453 = vector.load %arg0[%get3A_451, %get3A_452] : memref<512x1024xf32, #tpu.memory_space<vmem>>, vector<512x1024xf32>
    %jit3A_454 = arith.constant 0.000000e+00 : f32
    %broadcast_in_dim3A_455 = vector.broadcast %jit3A_454 : f32 to vector<512x1024xf32>
    %select_n3A_456 = arith.select %eq3A_450, %get3A_453, %broadcast_in_dim3A_455 : vector<512x1024xi1>, vector<512x1024xf32>
    %reduce_sum3A = vector.shape_cast %select_n3A_456 : vector<512x1024xf32> to vector<1x512x1024xf32>
    %reduce_sum3A_457 = arith.constant dense<0.000000e+00> : vector<1xf32>
    %reduce_sum3A_458 = vector.multi_reduction <add>, %reduce_sum3A, %reduce_sum3A_457 [1, 2] : vector<1x512x1024xf32> to vector<1xf32>
    %reduce_sum3A_459 = vector.shape_cast %reduce_sum3A_458 : vector<1xf32> to vector<1x1x1xf32>
    %reduce_sum3A_460 = vector.extract %reduce_sum3A_459[0, 0, 0] : f32 from vector<1x1x1xf32>
    %reshape3A = vector.broadcast %reduce_sum3A_460 : f32 to vector<1x1xf32>
    %swap3A_461 = arith.constant 0 : index
    %swap3A_462 = arith.constant 0 : index
    %swap3A_463 = vector.load %arg4[%swap3A_461, %swap3A_462] : memref<1x1xf32, #tpu.memory_space<vmem>>, vector<1x1xf32>
    tpu.vector_store %arg4[%swap3A_461, %swap3A_462], %reshape3A {strides = array<i32>} : memref<1x1xf32, #tpu.memory_space<vmem>>, vector<1x1xf32>,
    return
  }
}

module attributes {stable_mosaic.version = 14 : i64} {
  func.func @_scores_kernel(%arg0: memref<512x16xi32, #tpu.memory_space<vmem>>, %arg1: memref<512x16xi32, #tpu.memory_space<vmem>>, %arg2: memref<256x128xf32, #tpu.memory_space<vmem>>, %arg3: memref<128x256xf32, #tpu.memory_space<vmem>>, %arg4: memref<256x256xf32, #tpu.memory_space<vmem>>, %arg5: memref<1x256xf32, #tpu.memory_space<vmem>>, %arg6: memref<128x256xf32, #tpu.memory_space<vmem>>, %arg7: memref<256x256xf32, #tpu.memory_space<vmem>>, %arg8: memref<1x256xf32, #tpu.memory_space<vmem>>, %arg9: memref<512x256xf32, #tpu.memory_space<vmem>>, %arg10: memref<1x256xf32, #tpu.memory_space<vmem>>, %arg11: memref<256x512xf32, #tpu.memory_space<vmem>>, %arg12: memref<512x512xf32, #tpu.memory_space<vmem>>, %arg13: memref<1x512xf32, #tpu.memory_space<vmem>>, %arg14: memref<256x512xf32, #tpu.memory_space<vmem>>, %arg15: memref<512x512xf32, #tpu.memory_space<vmem>>, %arg16: memref<1x512xf32, #tpu.memory_space<vmem>>, %arg17: memref<1024x1024xf32, #tpu.memory_space<vmem>>, %arg18: memref<1x1024xf32, #tpu.memory_space<vmem>>, %arg19: memref<512x1024xf32, #tpu.memory_space<vmem>>, %arg20: memref<512x512xf32, #tpu.memory_space<vmem>>, %arg21: memref<512x512xf32, #tpu.memory_space<vmem>>, %arg22: memref<512x512xf32, #tpu.memory_space<vmem>>, %arg23: memref<512x512xf32, #tpu.memory_space<vmem>>) attributes {dimension_semantics = [], scalar_prefetch = 0 : i64, scratch_operands = 4 : i64, tpu.core_type = #tpu.core_type<tc>} {
    %iota3A = tpu.iota {dimensions = array<i32: 1>} : vector<512x256xi32>
    %broadcast_in_dim3A = arith.constant 0.000000e+00 : f32
    %broadcast_in_dim3A_0 = vector.broadcast %broadcast_in_dim3A : f32 to vector<512x256xf32>
    %broadcast_in_dim3A_1 = arith.constant 0.000000e+00 : f32
    %broadcast_in_dim3A_2 = vector.broadcast %broadcast_in_dim3A_1 : f32 to vector<512x256xf32>
    %get3A = arith.constant 0 : index
    %get3A_3 = arith.constant 0 : index
    %get3A_4 = vector.load %arg0[%get3A, %get3A_3] : memref<512x16xi32, #tpu.memory_space<vmem>>, vector<512x1xi32>
    %eq3A = vector.broadcast %get3A_4 : vector<512x1xi32> to vector<512x256xi32>
    %eq3A_5 = arith.cmpi eq, %eq3A, %iota3A : vector<512x256xi32>
    %jit3A = arith.constant 1.000000e+00 : f32
    %jit3A_6 = arith.constant 0.000000e+00 : f32
    %broadcast_in_dim3A_7 = vector.broadcast %jit3A : f32 to vector<512x256xf32>
    %broadcast_in_dim3A_8 = vector.broadcast %jit3A_6 : f32 to vector<512x256xf32>
    %select_n3A = arith.select %eq3A_5, %broadcast_in_dim3A_7, %broadcast_in_dim3A_8 : vector<512x256xi1>, vector<512x256xf32>
    %get3A_9 = arith.constant 0 : index
    %get3A_10 = arith.constant 0 : index
    %get3A_11 = vector.load %arg1[%get3A_9, %get3A_10] : memref<512x16xi32, #tpu.memory_space<vmem>>, vector<512x1xi32>
    %eq3A_12 = vector.broadcast %get3A_11 : vector<512x1xi32> to vector<512x256xi32>
    %eq3A_13 = arith.cmpi eq, %eq3A_12, %iota3A : vector<512x256xi32>
    %jit3A_14 = arith.constant 1.000000e+00 : f32
    %jit3A_15 = arith.constant 0.000000e+00 : f32
    %broadcast_in_dim3A_16 = vector.broadcast %jit3A_14 : f32 to vector<512x256xf32>
    %broadcast_in_dim3A_17 = vector.broadcast %jit3A_15 : f32 to vector<512x256xf32>
    %select_n3A_18 = arith.select %eq3A_13, %broadcast_in_dim3A_16, %broadcast_in_dim3A_17 : vector<512x256xi1>, vector<512x256xf32>
    %get3A_19 = arith.constant 0 : index
    %get3A_20 = arith.constant 0 : index
    %get3A_21 = vector.load %arg2[%get3A_19, %get3A_20] : memref<256x128xf32, #tpu.memory_space<vmem>>, vector<256x128xf32>
    %dot_general3A = arith.constant dense<0.000000e+00> : vector<512x128xf32>
    %dot_general3A_22 = tpu.matmul %select_n3A, %get3A_21, %dot_general3A {dimension_numbers = #tpu.dot_dimension_numbers<[1], [0], [0], [1], [0, 0, 1, 1], [], []>, transpose_lhs_hint = false} : vector<512x256xf32>, vector<256x128xf32>, vector<512x128xf32> -> vector<512x128xf32>
    %get3A_23 = arith.constant 0 : index
    %get3A_24 = arith.constant 0 : index
    %get3A_25 = vector.load %arg2[%get3A_23, %get3A_24] : memref<256x128xf32, #tpu.memory_space<vmem>>, vector<256x128xf32>
    %dot_general3A_26 = arith.constant dense<0.000000e+00> : vector<512x128xf32>
    %dot_general3A_27 = tpu.matmul %select_n3A_18, %get3A_25, %dot_general3A_26 {dimension_numbers = #tpu.dot_dimension_numbers<[1], [0], [0], [1], [0, 0, 1, 1], [], []>, transpose_lhs_hint = false} : vector<512x256xf32>, vector<256x128xf32>, vector<512x128xf32> -> vector<512x128xf32>
    %get3A_28 = arith.constant 0 : index
    %get3A_29 = arith.constant 0 : index
    %get3A_30 = vector.load %arg3[%get3A_28, %get3A_29] : memref<128x256xf32, #tpu.memory_space<vmem>>, vector<128x256xf32>
    %dot_general3A_31 = arith.constant dense<0.000000e+00> : vector<512x256xf32>
    %dot_general3A_32 = tpu.matmul %dot_general3A_22, %get3A_30, %dot_general3A_31 {dimension_numbers = #tpu.dot_dimension_numbers<[1], [0], [0], [1], [0, 0, 1, 1], [], []>, transpose_lhs_hint = false} : vector<512x128xf32>, vector<128x256xf32>, vector<512x256xf32> -> vector<512x256xf32>
    %get3A_33 = arith.constant 0 : index
    %get3A_34 = arith.constant 0 : index
    %get3A_35 = vector.load %arg4[%get3A_33, %get3A_34] : memref<256x256xf32, #tpu.memory_space<vmem>>, vector<256x256xf32>
    %dot_general3A_36 = arith.constant dense<0.000000e+00> : vector<512x256xf32>
    %dot_general3A_37 = tpu.matmul %broadcast_in_dim3A_0, %get3A_35, %dot_general3A_36 {dimension_numbers = #tpu.dot_dimension_numbers<[1], [0], [0], [1], [0, 0, 1, 1], [], []>, transpose_lhs_hint = false} : vector<512x256xf32>, vector<256x256xf32>, vector<512x256xf32> -> vector<512x256xf32>
    %add3A = arith.addf %dot_general3A_32, %dot_general3A_37 : vector<512x256xf32>
    %get3A_38 = arith.constant 0 : index
    %get3A_39 = arith.constant 0 : index
    %get3A_40 = vector.load %arg5[%get3A_38, %get3A_39] : memref<1x256xf32, #tpu.memory_space<vmem>>, vector<1x256xf32>
    %add3A_41 = vector.broadcast %get3A_40 : vector<1x256xf32> to vector<512x256xf32>
    %add3A_42 = arith.addf %add3A, %add3A_41 : vector<512x256xf32>
    %tanh3A = math.tanh %add3A_42 : vector<512x256xf32>
    %get3A_43 = arith.constant 0 : index
    %get3A_44 = arith.constant 0 : index
    %get3A_45 = vector.load %arg6[%get3A_43, %get3A_44] : memref<128x256xf32, #tpu.memory_space<vmem>>, vector<128x256xf32>
    %dot_general3A_46 = arith.constant dense<0.000000e+00> : vector<512x256xf32>
    %dot_general3A_47 = tpu.matmul %dot_general3A_27, %get3A_45, %dot_general3A_46 {dimension_numbers = #tpu.dot_dimension_numbers<[1], [0], [0], [1], [0, 0, 1, 1], [], []>, transpose_lhs_hint = false} : vector<512x128xf32>, vector<128x256xf32>, vector<512x256xf32> -> vector<512x256xf32>
    %get3A_48 = arith.constant 0 : index
    %get3A_49 = arith.constant 0 : index
    %get3A_50 = vector.load %arg7[%get3A_48, %get3A_49] : memref<256x256xf32, #tpu.memory_space<vmem>>, vector<256x256xf32>
    %dot_general3A_51 = arith.constant dense<0.000000e+00> : vector<512x256xf32>
    %dot_general3A_52 = tpu.matmul %broadcast_in_dim3A_2, %get3A_50, %dot_general3A_51 {dimension_numbers = #tpu.dot_dimension_numbers<[1], [0], [0], [1], [0, 0, 1, 1], [], []>, transpose_lhs_hint = false} : vector<512x256xf32>, vector<256x256xf32>, vector<512x256xf32> -> vector<512x256xf32>
    %add3A_53 = arith.addf %dot_general3A_47, %dot_general3A_52 : vector<512x256xf32>
    %get3A_54 = arith.constant 0 : index
    %get3A_55 = arith.constant 0 : index
    %get3A_56 = vector.load %arg8[%get3A_54, %get3A_55] : memref<1x256xf32, #tpu.memory_space<vmem>>, vector<1x256xf32>
    %add3A_57 = vector.broadcast %get3A_56 : vector<1x256xf32> to vector<512x256xf32>
    %add3A_58 = arith.addf %add3A_53, %add3A_57 : vector<512x256xf32>
    %tanh3A_59 = math.tanh %add3A_58 : vector<512x256xf32>
    %get3A_60 = arith.constant 0 : index
    %get3A_61 = arith.constant 1 : index
    %get3A_62 = vector.load %arg0[%get3A_60, %get3A_61] : memref<512x16xi32, #tpu.memory_space<vmem>>, vector<512x1xi32>
    %eq3A_63 = vector.broadcast %get3A_62 : vector<512x1xi32> to vector<512x256xi32>
    %eq3A_64 = arith.cmpi eq, %eq3A_63, %iota3A : vector<512x256xi32>
    %jit3A_65 = arith.constant 1.000000e+00 : f32
    %jit3A_66 = arith.constant 0.000000e+00 : f32
    %broadcast_in_dim3A_67 = vector.broadcast %jit3A_65 : f32 to vector<512x256xf32>
    %broadcast_in_dim3A_68 = vector.broadcast %jit3A_66 : f32 to vector<512x256xf32>
    %select_n3A_69 = arith.select %eq3A_64, %broadcast_in_dim3A_67, %broadcast_in_dim3A_68 : vector<512x256xi1>, vector<512x256xf32>
    %get3A_70 = arith.constant 0 : index
    %get3A_71 = arith.constant 1 : index
    %get3A_72 = vector.load %arg1[%get3A_70, %get3A_71] : memref<512x16xi32, #tpu.memory_space<vmem>>, vector<512x1xi32>
    %eq3A_73 = vector.broadcast %get3A_72 : vector<512x1xi32> to vector<512x256xi32>
    %eq3A_74 = arith.cmpi eq, %eq3A_73, %iota3A : vector<512x256xi32>
    %jit3A_75 = arith.constant 1.000000e+00 : f32
    %jit3A_76 = arith.constant 0.000000e+00 : f32
    %broadcast_in_dim3A_77 = vector.broadcast %jit3A_75 : f32 to vector<512x256xf32>
    %broadcast_in_dim3A_78 = vector.broadcast %jit3A_76 : f32 to vector<512x256xf32>
    %select_n3A_79 = arith.select %eq3A_74, %broadcast_in_dim3A_77, %broadcast_in_dim3A_78 : vector<512x256xi1>, vector<512x256xf32>
    %get3A_80 = arith.constant 0 : index
    %get3A_81 = arith.constant 0 : index
    %get3A_82 = vector.load %arg2[%get3A_80, %get3A_81] : memref<256x128xf32, #tpu.memory_space<vmem>>, vector<256x128xf32>
    %dot_general3A_83 = arith.constant dense<0.000000e+00> : vector<512x128xf32>
    %dot_general3A_84 = tpu.matmul %select_n3A_69, %get3A_82, %dot_general3A_83 {dimension_numbers = #tpu.dot_dimension_numbers<[1], [0], [0], [1], [0, 0, 1, 1], [], []>, transpose_lhs_hint = false} : vector<512x256xf32>, vector<256x128xf32>, vector<512x128xf32> -> vector<512x128xf32>
    %get3A_85 = arith.constant 0 : index
    %get3A_86 = arith.constant 0 : index
    %get3A_87 = vector.load %arg2[%get3A_85, %get3A_86] : memref<256x128xf32, #tpu.memory_space<vmem>>, vector<256x128xf32>
    %dot_general3A_88 = arith.constant dense<0.000000e+00> : vector<512x128xf32>
    %dot_general3A_89 = tpu.matmul %select_n3A_79, %get3A_87, %dot_general3A_88 {dimension_numbers = #tpu.dot_dimension_numbers<[1], [0], [0], [1], [0, 0, 1, 1], [], []>, transpose_lhs_hint = false} : vector<512x256xf32>, vector<256x128xf32>, vector<512x128xf32> -> vector<512x128xf32>
    %get3A_90 = arith.constant 0 : index
    %get3A_91 = arith.constant 0 : index
    %get3A_92 = vector.load %arg3[%get3A_90, %get3A_91] : memref<128x256xf32, #tpu.memory_space<vmem>>, vector<128x256xf32>
    %dot_general3A_93 = arith.constant dense<0.000000e+00> : vector<512x256xf32>
    %dot_general3A_94 = tpu.matmul %dot_general3A_84, %get3A_92, %dot_general3A_93 {dimension_numbers = #tpu.dot_dimension_numbers<[1], [0], [0], [1], [0, 0, 1, 1], [], []>, transpose_lhs_hint = false} : vector<512x128xf32>, vector<128x256xf32>, vector<512x256xf32> -> vector<512x256xf32>
    %get3A_95 = arith.constant 0 : index
    %get3A_96 = arith.constant 0 : index
    %get3A_97 = vector.load %arg4[%get3A_95, %get3A_96] : memref<256x256xf32, #tpu.memory_space<vmem>>, vector<256x256xf32>
    %dot_general3A_98 = arith.constant dense<0.000000e+00> : vector<512x256xf32>
    %dot_general3A_99 = tpu.matmul %tanh3A, %get3A_97, %dot_general3A_98 {dimension_numbers = #tpu.dot_dimension_numbers<[1], [0], [0], [1], [0, 0, 1, 1], [], []>, transpose_lhs_hint = false} : vector<512x256xf32>, vector<256x256xf32>, vector<512x256xf32> -> vector<512x256xf32>
    %add3A_100 = arith.addf %dot_general3A_94, %dot_general3A_99 : vector<512x256xf32>
    %get3A_101 = arith.constant 0 : index
    %get3A_102 = arith.constant 0 : index
    %get3A_103 = vector.load %arg5[%get3A_101, %get3A_102] : memref<1x256xf32, #tpu.memory_space<vmem>>, vector<1x256xf32>
    %add3A_104 = vector.broadcast %get3A_103 : vector<1x256xf32> to vector<512x256xf32>
    %add3A_105 = arith.addf %add3A_100, %add3A_104 : vector<512x256xf32>
    %tanh3A_106 = math.tanh %add3A_105 : vector<512x256xf32>
    %get3A_107 = arith.constant 0 : index
    %get3A_108 = arith.constant 0 : index
    %get3A_109 = vector.load %arg6[%get3A_107, %get3A_108] : memref<128x256xf32, #tpu.memory_space<vmem>>, vector<128x256xf32>
    %dot_general3A_110 = arith.constant dense<0.000000e+00> : vector<512x256xf32>
    %dot_general3A_111 = tpu.matmul %dot_general3A_89, %get3A_109, %dot_general3A_110 {dimension_numbers = #tpu.dot_dimension_numbers<[1], [0], [0], [1], [0, 0, 1, 1], [], []>, transpose_lhs_hint = false} : vector<512x128xf32>, vector<128x256xf32>, vector<512x256xf32> -> vector<512x256xf32>
    %get3A_112 = arith.constant 0 : index
    %get3A_113 = arith.constant 0 : index
    %get3A_114 = vector.load %arg7[%get3A_112, %get3A_113] : memref<256x256xf32, #tpu.memory_space<vmem>>, vector<256x256xf32>
    %dot_general3A_115 = arith.constant dense<0.000000e+00> : vector<512x256xf32>
    %dot_general3A_116 = tpu.matmul %tanh3A_59, %get3A_114, %dot_general3A_115 {dimension_numbers = #tpu.dot_dimension_numbers<[1], [0], [0], [1], [0, 0, 1, 1], [], []>, transpose_lhs_hint = false} : vector<512x256xf32>, vector<256x256xf32>, vector<512x256xf32> -> vector<512x256xf32>
    %add3A_117 = arith.addf %dot_general3A_111, %dot_general3A_116 : vector<512x256xf32>
    %get3A_118 = arith.constant 0 : index
    %get3A_119 = arith.constant 0 : index
    %get3A_120 = vector.load %arg8[%get3A_118, %get3A_119] : memref<1x256xf32, #tpu.memory_space<vmem>>, vector<1x256xf32>
    %add3A_121 = vector.broadcast %get3A_120 : vector<1x256xf32> to vector<512x256xf32>
    %add3A_122 = arith.addf %add3A_117, %add3A_121 : vector<512x256xf32>
    %tanh3A_123 = math.tanh %add3A_122 : vector<512x256xf32>
    %get3A_124 = arith.constant 0 : index
    %get3A_125 = arith.constant 2 : index
    %get3A_126 = vector.load %arg0[%get3A_124, %get3A_125] : memref<512x16xi32, #tpu.memory_space<vmem>>, vector<512x1xi32>
    %eq3A_127 = vector.broadcast %get3A_126 : vector<512x1xi32> to vector<512x256xi32>
    %eq3A_128 = arith.cmpi eq, %eq3A_127, %iota3A : vector<512x256xi32>
    %jit3A_129 = arith.constant 1.000000e+00 : f32
    %jit3A_130 = arith.constant 0.000000e+00 : f32
    %broadcast_in_dim3A_131 = vector.broadcast %jit3A_129 : f32 to vector<512x256xf32>
    %broadcast_in_dim3A_132 = vector.broadcast %jit3A_130 : f32 to vector<512x256xf32>
    %select_n3A_133 = arith.select %eq3A_128, %broadcast_in_dim3A_131, %broadcast_in_dim3A_132 : vector<512x256xi1>, vector<512x256xf32>
    %get3A_134 = arith.constant 0 : index
    %get3A_135 = arith.constant 2 : index
    %get3A_136 = vector.load %arg1[%get3A_134, %get3A_135] : memref<512x16xi32, #tpu.memory_space<vmem>>, vector<512x1xi32>
    %eq3A_137 = vector.broadcast %get3A_136 : vector<512x1xi32> to vector<512x256xi32>
    %eq3A_138 = arith.cmpi eq, %eq3A_137, %iota3A : vector<512x256xi32>
    %jit3A_139 = arith.constant 1.000000e+00 : f32
    %jit3A_140 = arith.constant 0.000000e+00 : f32
    %broadcast_in_dim3A_141 = vector.broadcast %jit3A_139 : f32 to vector<512x256xf32>
    %broadcast_in_dim3A_142 = vector.broadcast %jit3A_140 : f32 to vector<512x256xf32>
    %select_n3A_143 = arith.select %eq3A_138, %broadcast_in_dim3A_141, %broadcast_in_dim3A_142 : vector<512x256xi1>, vector<512x256xf32>
    %get3A_144 = arith.constant 0 : index
    %get3A_145 = arith.constant 0 : index
    %get3A_146 = vector.load %arg2[%get3A_144, %get3A_145] : memref<256x128xf32, #tpu.memory_space<vmem>>, vector<256x128xf32>
    %dot_general3A_147 = arith.constant dense<0.000000e+00> : vector<512x128xf32>
    %dot_general3A_148 = tpu.matmul %select_n3A_133, %get3A_146, %dot_general3A_147 {dimension_numbers = #tpu.dot_dimension_numbers<[1], [0], [0], [1], [0, 0, 1, 1], [], []>, transpose_lhs_hint = false} : vector<512x256xf32>, vector<256x128xf32>, vector<512x128xf32> -> vector<512x128xf32>
    %get3A_149 = arith.constant 0 : index
    %get3A_150 = arith.constant 0 : index
    %get3A_151 = vector.load %arg2[%get3A_149, %get3A_150] : memref<256x128xf32, #tpu.memory_space<vmem>>, vector<256x128xf32>
    %dot_general3A_152 = arith.constant dense<0.000000e+00> : vector<512x128xf32>
    %dot_general3A_153 = tpu.matmul %select_n3A_143, %get3A_151, %dot_general3A_152 {dimension_numbers = #tpu.dot_dimension_numbers<[1], [0], [0], [1], [0, 0, 1, 1], [], []>, transpose_lhs_hint = false} : vector<512x256xf32>, vector<256x128xf32>, vector<512x128xf32> -> vector<512x128xf32>
    %get3A_154 = arith.constant 0 : index
    %get3A_155 = arith.constant 0 : index
    %get3A_156 = vector.load %arg3[%get3A_154, %get3A_155] : memref<128x256xf32, #tpu.memory_space<vmem>>, vector<128x256xf32>
    %dot_general3A_157 = arith.constant dense<0.000000e+00> : vector<512x256xf32>
    %dot_general3A_158 = tpu.matmul %dot_general3A_148, %get3A_156, %dot_general3A_157 {dimension_numbers = #tpu.dot_dimension_numbers<[1], [0], [0], [1], [0, 0, 1, 1], [], []>, transpose_lhs_hint = false} : vector<512x128xf32>, vector<128x256xf32>, vector<512x256xf32> -> vector<512x256xf32>
    %get3A_159 = arith.constant 0 : index
    %get3A_160 = arith.constant 0 : index
    %get3A_161 = vector.load %arg4[%get3A_159, %get3A_160] : memref<256x256xf32, #tpu.memory_space<vmem>>, vector<256x256xf32>
    %dot_general3A_162 = arith.constant dense<0.000000e+00> : vector<512x256xf32>
    %dot_general3A_163 = tpu.matmul %tanh3A_106, %get3A_161, %dot_general3A_162 {dimension_numbers = #tpu.dot_dimension_numbers<[1], [0], [0], [1], [0, 0, 1, 1], [], []>, transpose_lhs_hint = false} : vector<512x256xf32>, vector<256x256xf32>, vector<512x256xf32> -> vector<512x256xf32>
    %add3A_164 = arith.addf %dot_general3A_158, %dot_general3A_163 : vector<512x256xf32>
    %get3A_165 = arith.constant 0 : index
    %get3A_166 = arith.constant 0 : index
    %get3A_167 = vector.load %arg5[%get3A_165, %get3A_166] : memref<1x256xf32, #tpu.memory_space<vmem>>, vector<1x256xf32>
    %add3A_168 = vector.broadcast %get3A_167 : vector<1x256xf32> to vector<512x256xf32>
    %add3A_169 = arith.addf %add3A_164, %add3A_168 : vector<512x256xf32>
    %tanh3A_170 = math.tanh %add3A_169 : vector<512x256xf32>
    %get3A_171 = arith.constant 0 : index
    %get3A_172 = arith.constant 0 : index
    %get3A_173 = vector.load %arg6[%get3A_171, %get3A_172] : memref<128x256xf32, #tpu.memory_space<vmem>>, vector<128x256xf32>
    %dot_general3A_174 = arith.constant dense<0.000000e+00> : vector<512x256xf32>
    %dot_general3A_175 = tpu.matmul %dot_general3A_153, %get3A_173, %dot_general3A_174 {dimension_numbers = #tpu.dot_dimension_numbers<[1], [0], [0], [1], [0, 0, 1, 1], [], []>, transpose_lhs_hint = false} : vector<512x128xf32>, vector<128x256xf32>, vector<512x256xf32> -> vector<512x256xf32>
    %get3A_176 = arith.constant 0 : index
    %get3A_177 = arith.constant 0 : index
    %get3A_178 = vector.load %arg7[%get3A_176, %get3A_177] : memref<256x256xf32, #tpu.memory_space<vmem>>, vector<256x256xf32>
    %dot_general3A_179 = arith.constant dense<0.000000e+00> : vector<512x256xf32>
    %dot_general3A_180 = tpu.matmul %tanh3A_123, %get3A_178, %dot_general3A_179 {dimension_numbers = #tpu.dot_dimension_numbers<[1], [0], [0], [1], [0, 0, 1, 1], [], []>, transpose_lhs_hint = false} : vector<512x256xf32>, vector<256x256xf32>, vector<512x256xf32> -> vector<512x256xf32>
    %add3A_181 = arith.addf %dot_general3A_175, %dot_general3A_180 : vector<512x256xf32>
    %get3A_182 = arith.constant 0 : index
    %get3A_183 = arith.constant 0 : index
    %get3A_184 = vector.load %arg8[%get3A_182, %get3A_183] : memref<1x256xf32, #tpu.memory_space<vmem>>, vector<1x256xf32>
    %add3A_185 = vector.broadcast %get3A_184 : vector<1x256xf32> to vector<512x256xf32>
    %add3A_186 = arith.addf %add3A_181, %add3A_185 : vector<512x256xf32>
    %tanh3A_187 = math.tanh %add3A_186 : vector<512x256xf32>
    %get3A_188 = arith.constant 0 : index
    %get3A_189 = arith.constant 3 : index
    %get3A_190 = vector.load %arg0[%get3A_188, %get3A_189] : memref<512x16xi32, #tpu.memory_space<vmem>>, vector<512x1xi32>
    %eq3A_191 = vector.broadcast %get3A_190 : vector<512x1xi32> to vector<512x256xi32>
    %eq3A_192 = arith.cmpi eq, %eq3A_191, %iota3A : vector<512x256xi32>
    %jit3A_193 = arith.constant 1.000000e+00 : f32
    %jit3A_194 = arith.constant 0.000000e+00 : f32
    %broadcast_in_dim3A_195 = vector.broadcast %jit3A_193 : f32 to vector<512x256xf32>
    %broadcast_in_dim3A_196 = vector.broadcast %jit3A_194 : f32 to vector<512x256xf32>
    %select_n3A_197 = arith.select %eq3A_192, %broadcast_in_dim3A_195, %broadcast_in_dim3A_196 : vector<512x256xi1>, vector<512x256xf32>
    %get3A_198 = arith.constant 0 : index
    %get3A_199 = arith.constant 3 : index
    %get3A_200 = vector.load %arg1[%get3A_198, %get3A_199] : memref<512x16xi32, #tpu.memory_space<vmem>>, vector<512x1xi32>
    %eq3A_201 = vector.broadcast %get3A_200 : vector<512x1xi32> to vector<512x256xi32>
    %eq3A_202 = arith.cmpi eq, %eq3A_201, %iota3A : vector<512x256xi32>
    %jit3A_203 = arith.constant 1.000000e+00 : f32
    %jit3A_204 = arith.constant 0.000000e+00 : f32
    %broadcast_in_dim3A_205 = vector.broadcast %jit3A_203 : f32 to vector<512x256xf32>
    %broadcast_in_dim3A_206 = vector.broadcast %jit3A_204 : f32 to vector<512x256xf32>
    %select_n3A_207 = arith.select %eq3A_202, %broadcast_in_dim3A_205, %broadcast_in_dim3A_206 : vector<512x256xi1>, vector<512x256xf32>
    %get3A_208 = arith.constant 0 : index
    %get3A_209 = arith.constant 0 : index
    %get3A_210 = vector.load %arg2[%get3A_208, %get3A_209] : memref<256x128xf32, #tpu.memory_space<vmem>>, vector<256x128xf32>
    %dot_general3A_211 = arith.constant dense<0.000000e+00> : vector<512x128xf32>
    %dot_general3A_212 = tpu.matmul %select_n3A_197, %get3A_210, %dot_general3A_211 {dimension_numbers = #tpu.dot_dimension_numbers<[1], [0], [0], [1], [0, 0, 1, 1], [], []>, transpose_lhs_hint = false} : vector<512x256xf32>, vector<256x128xf32>, vector<512x128xf32> -> vector<512x128xf32>
    %get3A_213 = arith.constant 0 : index
    %get3A_214 = arith.constant 0 : index
    %get3A_215 = vector.load %arg2[%get3A_213, %get3A_214] : memref<256x128xf32, #tpu.memory_space<vmem>>, vector<256x128xf32>
    %dot_general3A_216 = arith.constant dense<0.000000e+00> : vector<512x128xf32>
    %dot_general3A_217 = tpu.matmul %select_n3A_207, %get3A_215, %dot_general3A_216 {dimension_numbers = #tpu.dot_dimension_numbers<[1], [0], [0], [1], [0, 0, 1, 1], [], []>, transpose_lhs_hint = false} : vector<512x256xf32>, vector<256x128xf32>, vector<512x128xf32> -> vector<512x128xf32>
    %get3A_218 = arith.constant 0 : index
    %get3A_219 = arith.constant 0 : index
    %get3A_220 = vector.load %arg3[%get3A_218, %get3A_219] : memref<128x256xf32, #tpu.memory_space<vmem>>, vector<128x256xf32>
    %dot_general3A_221 = arith.constant dense<0.000000e+00> : vector<512x256xf32>
    %dot_general3A_222 = tpu.matmul %dot_general3A_212, %get3A_220, %dot_general3A_221 {dimension_numbers = #tpu.dot_dimension_numbers<[1], [0], [0], [1], [0, 0, 1, 1], [], []>, transpose_lhs_hint = false} : vector<512x128xf32>, vector<128x256xf32>, vector<512x256xf32> -> vector<512x256xf32>
    %get3A_223 = arith.constant 0 : index
    %get3A_224 = arith.constant 0 : index
    %get3A_225 = vector.load %arg4[%get3A_223, %get3A_224] : memref<256x256xf32, #tpu.memory_space<vmem>>, vector<256x256xf32>
    %dot_general3A_226 = arith.constant dense<0.000000e+00> : vector<512x256xf32>
    %dot_general3A_227 = tpu.matmul %tanh3A_170, %get3A_225, %dot_general3A_226 {dimension_numbers = #tpu.dot_dimension_numbers<[1], [0], [0], [1], [0, 0, 1, 1], [], []>, transpose_lhs_hint = false} : vector<512x256xf32>, vector<256x256xf32>, vector<512x256xf32> -> vector<512x256xf32>
    %add3A_228 = arith.addf %dot_general3A_222, %dot_general3A_227 : vector<512x256xf32>
    %get3A_229 = arith.constant 0 : index
    %get3A_230 = arith.constant 0 : index
    %get3A_231 = vector.load %arg5[%get3A_229, %get3A_230] : memref<1x256xf32, #tpu.memory_space<vmem>>, vector<1x256xf32>
    %add3A_232 = vector.broadcast %get3A_231 : vector<1x256xf32> to vector<512x256xf32>
    %add3A_233 = arith.addf %add3A_228, %add3A_232 : vector<512x256xf32>
    %tanh3A_234 = math.tanh %add3A_233 : vector<512x256xf32>
    %get3A_235 = arith.constant 0 : index
    %get3A_236 = arith.constant 0 : index
    %get3A_237 = vector.load %arg6[%get3A_235, %get3A_236] : memref<128x256xf32, #tpu.memory_space<vmem>>, vector<128x256xf32>
    %dot_general3A_238 = arith.constant dense<0.000000e+00> : vector<512x256xf32>
    %dot_general3A_239 = tpu.matmul %dot_general3A_217, %get3A_237, %dot_general3A_238 {dimension_numbers = #tpu.dot_dimension_numbers<[1], [0], [0], [1], [0, 0, 1, 1], [], []>, transpose_lhs_hint = false} : vector<512x128xf32>, vector<128x256xf32>, vector<512x256xf32> -> vector<512x256xf32>
    %get3A_240 = arith.constant 0 : index
    %get3A_241 = arith.constant 0 : index
    %get3A_242 = vector.load %arg7[%get3A_240, %get3A_241] : memref<256x256xf32, #tpu.memory_space<vmem>>, vector<256x256xf32>
    %dot_general3A_243 = arith.constant dense<0.000000e+00> : vector<512x256xf32>
    %dot_general3A_244 = tpu.matmul %tanh3A_187, %get3A_242, %dot_general3A_243 {dimension_numbers = #tpu.dot_dimension_numbers<[1], [0], [0], [1], [0, 0, 1, 1], [], []>, transpose_lhs_hint = false} : vector<512x256xf32>, vector<256x256xf32>, vector<512x256xf32> -> vector<512x256xf32>
    %add3A_245 = arith.addf %dot_general3A_239, %dot_general3A_244 : vector<512x256xf32>
    %get3A_246 = arith.constant 0 : index
    %get3A_247 = arith.constant 0 : index
    %get3A_248 = vector.load %arg8[%get3A_246, %get3A_247] : memref<1x256xf32, #tpu.memory_space<vmem>>, vector<1x256xf32>
    %add3A_249 = vector.broadcast %get3A_248 : vector<1x256xf32> to vector<512x256xf32>
    %add3A_250 = arith.addf %add3A_245, %add3A_249 : vector<512x256xf32>
    %tanh3A_251 = math.tanh %add3A_250 : vector<512x256xf32>
    %get3A_252 = arith.constant 0 : index
    %get3A_253 = arith.constant 4 : index
    %get3A_254 = vector.load %arg0[%get3A_252, %get3A_253] : memref<512x16xi32, #tpu.memory_space<vmem>>, vector<512x1xi32>
    %eq3A_255 = vector.broadcast %get3A_254 : vector<512x1xi32> to vector<512x256xi32>
    %eq3A_256 = arith.cmpi eq, %eq3A_255, %iota3A : vector<512x256xi32>
    %jit3A_257 = arith.constant 1.000000e+00 : f32
    %jit3A_258 = arith.constant 0.000000e+00 : f32
    %broadcast_in_dim3A_259 = vector.broadcast %jit3A_257 : f32 to vector<512x256xf32>
    %broadcast_in_dim3A_260 = vector.broadcast %jit3A_258 : f32 to vector<512x256xf32>
    %select_n3A_261 = arith.select %eq3A_256, %broadcast_in_dim3A_259, %broadcast_in_dim3A_260 : vector<512x256xi1>, vector<512x256xf32>
    %get3A_262 = arith.constant 0 : index
    %get3A_263 = arith.constant 4 : index
    %get3A_264 = vector.load %arg1[%get3A_262, %get3A_263] : memref<512x16xi32, #tpu.memory_space<vmem>>, vector<512x1xi32>
    %eq3A_265 = vector.broadcast %get3A_264 : vector<512x1xi32> to vector<512x256xi32>
    %eq3A_266 = arith.cmpi eq, %eq3A_265, %iota3A : vector<512x256xi32>
    %jit3A_267 = arith.constant 1.000000e+00 : f32
    %jit3A_268 = arith.constant 0.000000e+00 : f32
    %broadcast_in_dim3A_269 = vector.broadcast %jit3A_267 : f32 to vector<512x256xf32>
    %broadcast_in_dim3A_270 = vector.broadcast %jit3A_268 : f32 to vector<512x256xf32>
    %select_n3A_271 = arith.select %eq3A_266, %broadcast_in_dim3A_269, %broadcast_in_dim3A_270 : vector<512x256xi1>, vector<512x256xf32>
    %get3A_272 = arith.constant 0 : index
    %get3A_273 = arith.constant 0 : index
    %get3A_274 = vector.load %arg2[%get3A_272, %get3A_273] : memref<256x128xf32, #tpu.memory_space<vmem>>, vector<256x128xf32>
    %dot_general3A_275 = arith.constant dense<0.000000e+00> : vector<512x128xf32>
    %dot_general3A_276 = tpu.matmul %select_n3A_261, %get3A_274, %dot_general3A_275 {dimension_numbers = #tpu.dot_dimension_numbers<[1], [0], [0], [1], [0, 0, 1, 1], [], []>, transpose_lhs_hint = false} : vector<512x256xf32>, vector<256x128xf32>, vector<512x128xf32> -> vector<512x128xf32>
    %get3A_277 = arith.constant 0 : index
    %get3A_278 = arith.constant 0 : index
    %get3A_279 = vector.load %arg2[%get3A_277, %get3A_278] : memref<256x128xf32, #tpu.memory_space<vmem>>, vector<256x128xf32>
    %dot_general3A_280 = arith.constant dense<0.000000e+00> : vector<512x128xf32>
    %dot_general3A_281 = tpu.matmul %select_n3A_271, %get3A_279, %dot_general3A_280 {dimension_numbers = #tpu.dot_dimension_numbers<[1], [0], [0], [1], [0, 0, 1, 1], [], []>, transpose_lhs_hint = false} : vector<512x256xf32>, vector<256x128xf32>, vector<512x128xf32> -> vector<512x128xf32>
    %get3A_282 = arith.constant 0 : index
    %get3A_283 = arith.constant 0 : index
    %get3A_284 = vector.load %arg3[%get3A_282, %get3A_283] : memref<128x256xf32, #tpu.memory_space<vmem>>, vector<128x256xf32>
    %dot_general3A_285 = arith.constant dense<0.000000e+00> : vector<512x256xf32>
    %dot_general3A_286 = tpu.matmul %dot_general3A_276, %get3A_284, %dot_general3A_285 {dimension_numbers = #tpu.dot_dimension_numbers<[1], [0], [0], [1], [0, 0, 1, 1], [], []>, transpose_lhs_hint = false} : vector<512x128xf32>, vector<128x256xf32>, vector<512x256xf32> -> vector<512x256xf32>
    %get3A_287 = arith.constant 0 : index
    %get3A_288 = arith.constant 0 : index
    %get3A_289 = vector.load %arg4[%get3A_287, %get3A_288] : memref<256x256xf32, #tpu.memory_space<vmem>>, vector<256x256xf32>
    %dot_general3A_290 = arith.constant dense<0.000000e+00> : vector<512x256xf32>
    %dot_general3A_291 = tpu.matmul %tanh3A_234, %get3A_289, %dot_general3A_290 {dimension_numbers = #tpu.dot_dimension_numbers<[1], [0], [0], [1], [0, 0, 1, 1], [], []>, transpose_lhs_hint = false} : vector<512x256xf32>, vector<256x256xf32>, vector<512x256xf32> -> vector<512x256xf32>
    %add3A_292 = arith.addf %dot_general3A_286, %dot_general3A_291 : vector<512x256xf32>
    %get3A_293 = arith.constant 0 : index
    %get3A_294 = arith.constant 0 : index
    %get3A_295 = vector.load %arg5[%get3A_293, %get3A_294] : memref<1x256xf32, #tpu.memory_space<vmem>>, vector<1x256xf32>
    %add3A_296 = vector.broadcast %get3A_295 : vector<1x256xf32> to vector<512x256xf32>
    %add3A_297 = arith.addf %add3A_292, %add3A_296 : vector<512x256xf32>
    %tanh3A_298 = math.tanh %add3A_297 : vector<512x256xf32>
    %get3A_299 = arith.constant 0 : index
    %get3A_300 = arith.constant 0 : index
    %get3A_301 = vector.load %arg6[%get3A_299, %get3A_300] : memref<128x256xf32, #tpu.memory_space<vmem>>, vector<128x256xf32>
    %dot_general3A_302 = arith.constant dense<0.000000e+00> : vector<512x256xf32>
    %dot_general3A_303 = tpu.matmul %dot_general3A_281, %get3A_301, %dot_general3A_302 {dimension_numbers = #tpu.dot_dimension_numbers<[1], [0], [0], [1], [0, 0, 1, 1], [], []>, transpose_lhs_hint = false} : vector<512x128xf32>, vector<128x256xf32>, vector<512x256xf32> -> vector<512x256xf32>
    %get3A_304 = arith.constant 0 : index
    %get3A_305 = arith.constant 0 : index
    %get3A_306 = vector.load %arg7[%get3A_304, %get3A_305] : memref<256x256xf32, #tpu.memory_space<vmem>>, vector<256x256xf32>
    %dot_general3A_307 = arith.constant dense<0.000000e+00> : vector<512x256xf32>
    %dot_general3A_308 = tpu.matmul %tanh3A_251, %get3A_306, %dot_general3A_307 {dimension_numbers = #tpu.dot_dimension_numbers<[1], [0], [0], [1], [0, 0, 1, 1], [], []>, transpose_lhs_hint = false} : vector<512x256xf32>, vector<256x256xf32>, vector<512x256xf32> -> vector<512x256xf32>
    %add3A_309 = arith.addf %dot_general3A_303, %dot_general3A_308 : vector<512x256xf32>
    %get3A_310 = arith.constant 0 : index
    %get3A_311 = arith.constant 0 : index
    %get3A_312 = vector.load %arg8[%get3A_310, %get3A_311] : memref<1x256xf32, #tpu.memory_space<vmem>>, vector<1x256xf32>
    %add3A_313 = vector.broadcast %get3A_312 : vector<1x256xf32> to vector<512x256xf32>
    %add3A_314 = arith.addf %add3A_309, %add3A_313 : vector<512x256xf32>
    %tanh3A_315 = math.tanh %add3A_314 : vector<512x256xf32>
    %get3A_316 = arith.constant 0 : index
    %get3A_317 = arith.constant 5 : index
    %get3A_318 = vector.load %arg0[%get3A_316, %get3A_317] : memref<512x16xi32, #tpu.memory_space<vmem>>, vector<512x1xi32>
    %eq3A_319 = vector.broadcast %get3A_318 : vector<512x1xi32> to vector<512x256xi32>
    %eq3A_320 = arith.cmpi eq, %eq3A_319, %iota3A : vector<512x256xi32>
    %jit3A_321 = arith.constant 1.000000e+00 : f32
    %jit3A_322 = arith.constant 0.000000e+00 : f32
    %broadcast_in_dim3A_323 = vector.broadcast %jit3A_321 : f32 to vector<512x256xf32>
    %broadcast_in_dim3A_324 = vector.broadcast %jit3A_322 : f32 to vector<512x256xf32>
    %select_n3A_325 = arith.select %eq3A_320, %broadcast_in_dim3A_323, %broadcast_in_dim3A_324 : vector<512x256xi1>, vector<512x256xf32>
    %get3A_326 = arith.constant 0 : index
    %get3A_327 = arith.constant 5 : index
    %get3A_328 = vector.load %arg1[%get3A_326, %get3A_327] : memref<512x16xi32, #tpu.memory_space<vmem>>, vector<512x1xi32>
    %eq3A_329 = vector.broadcast %get3A_328 : vector<512x1xi32> to vector<512x256xi32>
    %eq3A_330 = arith.cmpi eq, %eq3A_329, %iota3A : vector<512x256xi32>
    %jit3A_331 = arith.constant 1.000000e+00 : f32
    %jit3A_332 = arith.constant 0.000000e+00 : f32
    %broadcast_in_dim3A_333 = vector.broadcast %jit3A_331 : f32 to vector<512x256xf32>
    %broadcast_in_dim3A_334 = vector.broadcast %jit3A_332 : f32 to vector<512x256xf32>
    %select_n3A_335 = arith.select %eq3A_330, %broadcast_in_dim3A_333, %broadcast_in_dim3A_334 : vector<512x256xi1>, vector<512x256xf32>
    %get3A_336 = arith.constant 0 : index
    %get3A_337 = arith.constant 0 : index
    %get3A_338 = vector.load %arg2[%get3A_336, %get3A_337] : memref<256x128xf32, #tpu.memory_space<vmem>>, vector<256x128xf32>
    %dot_general3A_339 = arith.constant dense<0.000000e+00> : vector<512x128xf32>
    %dot_general3A_340 = tpu.matmul %select_n3A_325, %get3A_338, %dot_general3A_339 {dimension_numbers = #tpu.dot_dimension_numbers<[1], [0], [0], [1], [0, 0, 1, 1], [], []>, transpose_lhs_hint = false} : vector<512x256xf32>, vector<256x128xf32>, vector<512x128xf32> -> vector<512x128xf32>
    %get3A_341 = arith.constant 0 : index
    %get3A_342 = arith.constant 0 : index
    %get3A_343 = vector.load %arg2[%get3A_341, %get3A_342] : memref<256x128xf32, #tpu.memory_space<vmem>>, vector<256x128xf32>
    %dot_general3A_344 = arith.constant dense<0.000000e+00> : vector<512x128xf32>
    %dot_general3A_345 = tpu.matmul %select_n3A_335, %get3A_343, %dot_general3A_344 {dimension_numbers = #tpu.dot_dimension_numbers<[1], [0], [0], [1], [0, 0, 1, 1], [], []>, transpose_lhs_hint = false} : vector<512x256xf32>, vector<256x128xf32>, vector<512x128xf32> -> vector<512x128xf32>
    %get3A_346 = arith.constant 0 : index
    %get3A_347 = arith.constant 0 : index
    %get3A_348 = vector.load %arg3[%get3A_346, %get3A_347] : memref<128x256xf32, #tpu.memory_space<vmem>>, vector<128x256xf32>
    %dot_general3A_349 = arith.constant dense<0.000000e+00> : vector<512x256xf32>
    %dot_general3A_350 = tpu.matmul %dot_general3A_340, %get3A_348, %dot_general3A_349 {dimension_numbers = #tpu.dot_dimension_numbers<[1], [0], [0], [1], [0, 0, 1, 1], [], []>, transpose_lhs_hint = false} : vector<512x128xf32>, vector<128x256xf32>, vector<512x256xf32> -> vector<512x256xf32>
    %get3A_351 = arith.constant 0 : index
    %get3A_352 = arith.constant 0 : index
    %get3A_353 = vector.load %arg4[%get3A_351, %get3A_352] : memref<256x256xf32, #tpu.memory_space<vmem>>, vector<256x256xf32>
    %dot_general3A_354 = arith.constant dense<0.000000e+00> : vector<512x256xf32>
    %dot_general3A_355 = tpu.matmul %tanh3A_298, %get3A_353, %dot_general3A_354 {dimension_numbers = #tpu.dot_dimension_numbers<[1], [0], [0], [1], [0, 0, 1, 1], [], []>, transpose_lhs_hint = false} : vector<512x256xf32>, vector<256x256xf32>, vector<512x256xf32> -> vector<512x256xf32>
    %add3A_356 = arith.addf %dot_general3A_350, %dot_general3A_355 : vector<512x256xf32>
    %get3A_357 = arith.constant 0 : index
    %get3A_358 = arith.constant 0 : index
    %get3A_359 = vector.load %arg5[%get3A_357, %get3A_358] : memref<1x256xf32, #tpu.memory_space<vmem>>, vector<1x256xf32>
    %add3A_360 = vector.broadcast %get3A_359 : vector<1x256xf32> to vector<512x256xf32>
    %add3A_361 = arith.addf %add3A_356, %add3A_360 : vector<512x256xf32>
    %tanh3A_362 = math.tanh %add3A_361 : vector<512x256xf32>
    %get3A_363 = arith.constant 0 : index
    %get3A_364 = arith.constant 0 : index
    %get3A_365 = vector.load %arg6[%get3A_363, %get3A_364] : memref<128x256xf32, #tpu.memory_space<vmem>>, vector<128x256xf32>
    %dot_general3A_366 = arith.constant dense<0.000000e+00> : vector<512x256xf32>
    %dot_general3A_367 = tpu.matmul %dot_general3A_345, %get3A_365, %dot_general3A_366 {dimension_numbers = #tpu.dot_dimension_numbers<[1], [0], [0], [1], [0, 0, 1, 1], [], []>, transpose_lhs_hint = false} : vector<512x128xf32>, vector<128x256xf32>, vector<512x256xf32> -> vector<512x256xf32>
    %get3A_368 = arith.constant 0 : index
    %get3A_369 = arith.constant 0 : index
    %get3A_370 = vector.load %arg7[%get3A_368, %get3A_369] : memref<256x256xf32, #tpu.memory_space<vmem>>, vector<256x256xf32>
    %dot_general3A_371 = arith.constant dense<0.000000e+00> : vector<512x256xf32>
    %dot_general3A_372 = tpu.matmul %tanh3A_315, %get3A_370, %dot_general3A_371 {dimension_numbers = #tpu.dot_dimension_numbers<[1], [0], [0], [1], [0, 0, 1, 1], [], []>, transpose_lhs_hint = false} : vector<512x256xf32>, vector<256x256xf32>, vector<512x256xf32> -> vector<512x256xf32>
    %add3A_373 = arith.addf %dot_general3A_367, %dot_general3A_372 : vector<512x256xf32>
    %get3A_374 = arith.constant 0 : index
    %get3A_375 = arith.constant 0 : index
    %get3A_376 = vector.load %arg8[%get3A_374, %get3A_375] : memref<1x256xf32, #tpu.memory_space<vmem>>, vector<1x256xf32>
    %add3A_377 = vector.broadcast %get3A_376 : vector<1x256xf32> to vector<512x256xf32>
    %add3A_378 = arith.addf %add3A_373, %add3A_377 : vector<512x256xf32>
    %tanh3A_379 = math.tanh %add3A_378 : vector<512x256xf32>
    %get3A_380 = arith.constant 0 : index
    %get3A_381 = arith.constant 6 : index
    %get3A_382 = vector.load %arg0[%get3A_380, %get3A_381] : memref<512x16xi32, #tpu.memory_space<vmem>>, vector<512x1xi32>
    %eq3A_383 = vector.broadcast %get3A_382 : vector<512x1xi32> to vector<512x256xi32>
    %eq3A_384 = arith.cmpi eq, %eq3A_383, %iota3A : vector<512x256xi32>
    %jit3A_385 = arith.constant 1.000000e+00 : f32
    %jit3A_386 = arith.constant 0.000000e+00 : f32
    %broadcast_in_dim3A_387 = vector.broadcast %jit3A_385 : f32 to vector<512x256xf32>
    %broadcast_in_dim3A_388 = vector.broadcast %jit3A_386 : f32 to vector<512x256xf32>
    %select_n3A_389 = arith.select %eq3A_384, %broadcast_in_dim3A_387, %broadcast_in_dim3A_388 : vector<512x256xi1>, vector<512x256xf32>
    %get3A_390 = arith.constant 0 : index
    %get3A_391 = arith.constant 6 : index
    %get3A_392 = vector.load %arg1[%get3A_390, %get3A_391] : memref<512x16xi32, #tpu.memory_space<vmem>>, vector<512x1xi32>
    %eq3A_393 = vector.broadcast %get3A_392 : vector<512x1xi32> to vector<512x256xi32>
    %eq3A_394 = arith.cmpi eq, %eq3A_393, %iota3A : vector<512x256xi32>
    %jit3A_395 = arith.constant 1.000000e+00 : f32
    %jit3A_396 = arith.constant 0.000000e+00 : f32
    %broadcast_in_dim3A_397 = vector.broadcast %jit3A_395 : f32 to vector<512x256xf32>
    %broadcast_in_dim3A_398 = vector.broadcast %jit3A_396 : f32 to vector<512x256xf32>
    %select_n3A_399 = arith.select %eq3A_394, %broadcast_in_dim3A_397, %broadcast_in_dim3A_398 : vector<512x256xi1>, vector<512x256xf32>
    %get3A_400 = arith.constant 0 : index
    %get3A_401 = arith.constant 0 : index
    %get3A_402 = vector.load %arg2[%get3A_400, %get3A_401] : memref<256x128xf32, #tpu.memory_space<vmem>>, vector<256x128xf32>
    %dot_general3A_403 = arith.constant dense<0.000000e+00> : vector<512x128xf32>
    %dot_general3A_404 = tpu.matmul %select_n3A_389, %get3A_402, %dot_general3A_403 {dimension_numbers = #tpu.dot_dimension_numbers<[1], [0], [0], [1], [0, 0, 1, 1], [], []>, transpose_lhs_hint = false} : vector<512x256xf32>, vector<256x128xf32>, vector<512x128xf32> -> vector<512x128xf32>
    %get3A_405 = arith.constant 0 : index
    %get3A_406 = arith.constant 0 : index
    %get3A_407 = vector.load %arg2[%get3A_405, %get3A_406] : memref<256x128xf32, #tpu.memory_space<vmem>>, vector<256x128xf32>
    %dot_general3A_408 = arith.constant dense<0.000000e+00> : vector<512x128xf32>
    %dot_general3A_409 = tpu.matmul %select_n3A_399, %get3A_407, %dot_general3A_408 {dimension_numbers = #tpu.dot_dimension_numbers<[1], [0], [0], [1], [0, 0, 1, 1], [], []>, transpose_lhs_hint = false} : vector<512x256xf32>, vector<256x128xf32>, vector<512x128xf32> -> vector<512x128xf32>
    %get3A_410 = arith.constant 0 : index
    %get3A_411 = arith.constant 0 : index
    %get3A_412 = vector.load %arg3[%get3A_410, %get3A_411] : memref<128x256xf32, #tpu.memory_space<vmem>>, vector<128x256xf32>
    %dot_general3A_413 = arith.constant dense<0.000000e+00> : vector<512x256xf32>
    %dot_general3A_414 = tpu.matmul %dot_general3A_404, %get3A_412, %dot_general3A_413 {dimension_numbers = #tpu.dot_dimension_numbers<[1], [0], [0], [1], [0, 0, 1, 1], [], []>, transpose_lhs_hint = false} : vector<512x128xf32>, vector<128x256xf32>, vector<512x256xf32> -> vector<512x256xf32>
    %get3A_415 = arith.constant 0 : index
    %get3A_416 = arith.constant 0 : index
    %get3A_417 = vector.load %arg4[%get3A_415, %get3A_416] : memref<256x256xf32, #tpu.memory_space<vmem>>, vector<256x256xf32>
    %dot_general3A_418 = arith.constant dense<0.000000e+00> : vector<512x256xf32>
    %dot_general3A_419 = tpu.matmul %tanh3A_362, %get3A_417, %dot_general3A_418 {dimension_numbers = #tpu.dot_dimension_numbers<[1], [0], [0], [1], [0, 0, 1, 1], [], []>, transpose_lhs_hint = false} : vector<512x256xf32>, vector<256x256xf32>, vector<512x256xf32> -> vector<512x256xf32>
    %add3A_420 = arith.addf %dot_general3A_414, %dot_general3A_419 : vector<512x256xf32>
    %get3A_421 = arith.constant 0 : index
    %get3A_422 = arith.constant 0 : index
    %get3A_423 = vector.load %arg5[%get3A_421, %get3A_422] : memref<1x256xf32, #tpu.memory_space<vmem>>, vector<1x256xf32>
    %add3A_424 = vector.broadcast %get3A_423 : vector<1x256xf32> to vector<512x256xf32>
    %add3A_425 = arith.addf %add3A_420, %add3A_424 : vector<512x256xf32>
    %tanh3A_426 = math.tanh %add3A_425 : vector<512x256xf32>
    %get3A_427 = arith.constant 0 : index
    %get3A_428 = arith.constant 0 : index
    %get3A_429 = vector.load %arg6[%get3A_427, %get3A_428] : memref<128x256xf32, #tpu.memory_space<vmem>>, vector<128x256xf32>
    %dot_general3A_430 = arith.constant dense<0.000000e+00> : vector<512x256xf32>
    %dot_general3A_431 = tpu.matmul %dot_general3A_409, %get3A_429, %dot_general3A_430 {dimension_numbers = #tpu.dot_dimension_numbers<[1], [0], [0], [1], [0, 0, 1, 1], [], []>, transpose_lhs_hint = false} : vector<512x128xf32>, vector<128x256xf32>, vector<512x256xf32> -> vector<512x256xf32>
    %get3A_432 = arith.constant 0 : index
    %get3A_433 = arith.constant 0 : index
    %get3A_434 = vector.load %arg7[%get3A_432, %get3A_433] : memref<256x256xf32, #tpu.memory_space<vmem>>, vector<256x256xf32>
    %dot_general3A_435 = arith.constant dense<0.000000e+00> : vector<512x256xf32>
    %dot_general3A_436 = tpu.matmul %tanh3A_379, %get3A_434, %dot_general3A_435 {dimension_numbers = #tpu.dot_dimension_numbers<[1], [0], [0], [1], [0, 0, 1, 1], [], []>, transpose_lhs_hint = false} : vector<512x256xf32>, vector<256x256xf32>, vector<512x256xf32> -> vector<512x256xf32>
    %add3A_437 = arith.addf %dot_general3A_431, %dot_general3A_436 : vector<512x256xf32>
    %get3A_438 = arith.constant 0 : index
    %get3A_439 = arith.constant 0 : index
    %get3A_440 = vector.load %arg8[%get3A_438, %get3A_439] : memref<1x256xf32, #tpu.memory_space<vmem>>, vector<1x256xf32>
    %add3A_441 = vector.broadcast %get3A_440 : vector<1x256xf32> to vector<512x256xf32>
    %add3A_442 = arith.addf %add3A_437, %add3A_441 : vector<512x256xf32>
    %tanh3A_443 = math.tanh %add3A_442 : vector<512x256xf32>
    %get3A_444 = arith.constant 0 : index
    %get3A_445 = arith.constant 7 : index
    %get3A_446 = vector.load %arg0[%get3A_444, %get3A_445] : memref<512x16xi32, #tpu.memory_space<vmem>>, vector<512x1xi32>
    %eq3A_447 = vector.broadcast %get3A_446 : vector<512x1xi32> to vector<512x256xi32>
    %eq3A_448 = arith.cmpi eq, %eq3A_447, %iota3A : vector<512x256xi32>
    %jit3A_449 = arith.constant 1.000000e+00 : f32
    %jit3A_450 = arith.constant 0.000000e+00 : f32
    %broadcast_in_dim3A_451 = vector.broadcast %jit3A_449 : f32 to vector<512x256xf32>
    %broadcast_in_dim3A_452 = vector.broadcast %jit3A_450 : f32 to vector<512x256xf32>
    %select_n3A_453 = arith.select %eq3A_448, %broadcast_in_dim3A_451, %broadcast_in_dim3A_452 : vector<512x256xi1>, vector<512x256xf32>
    %get3A_454 = arith.constant 0 : index
    %get3A_455 = arith.constant 7 : index
    %get3A_456 = vector.load %arg1[%get3A_454, %get3A_455] : memref<512x16xi32, #tpu.memory_space<vmem>>, vector<512x1xi32>
    %eq3A_457 = vector.broadcast %get3A_456 : vector<512x1xi32> to vector<512x256xi32>
    %eq3A_458 = arith.cmpi eq, %eq3A_457, %iota3A : vector<512x256xi32>
    %jit3A_459 = arith.constant 1.000000e+00 : f32
    %jit3A_460 = arith.constant 0.000000e+00 : f32
    %broadcast_in_dim3A_461 = vector.broadcast %jit3A_459 : f32 to vector<512x256xf32>
    %broadcast_in_dim3A_462 = vector.broadcast %jit3A_460 : f32 to vector<512x256xf32>
    %select_n3A_463 = arith.select %eq3A_458, %broadcast_in_dim3A_461, %broadcast_in_dim3A_462 : vector<512x256xi1>, vector<512x256xf32>
    %get3A_464 = arith.constant 0 : index
    %get3A_465 = arith.constant 0 : index
    %get3A_466 = vector.load %arg2[%get3A_464, %get3A_465] : memref<256x128xf32, #tpu.memory_space<vmem>>, vector<256x128xf32>
    %dot_general3A_467 = arith.constant dense<0.000000e+00> : vector<512x128xf32>
    %dot_general3A_468 = tpu.matmul %select_n3A_453, %get3A_466, %dot_general3A_467 {dimension_numbers = #tpu.dot_dimension_numbers<[1], [0], [0], [1], [0, 0, 1, 1], [], []>, transpose_lhs_hint = false} : vector<512x256xf32>, vector<256x128xf32>, vector<512x128xf32> -> vector<512x128xf32>
    %get3A_469 = arith.constant 0 : index
    %get3A_470 = arith.constant 0 : index
    %get3A_471 = vector.load %arg2[%get3A_469, %get3A_470] : memref<256x128xf32, #tpu.memory_space<vmem>>, vector<256x128xf32>
    %dot_general3A_472 = arith.constant dense<0.000000e+00> : vector<512x128xf32>
    %dot_general3A_473 = tpu.matmul %select_n3A_463, %get3A_471, %dot_general3A_472 {dimension_numbers = #tpu.dot_dimension_numbers<[1], [0], [0], [1], [0, 0, 1, 1], [], []>, transpose_lhs_hint = false} : vector<512x256xf32>, vector<256x128xf32>, vector<512x128xf32> -> vector<512x128xf32>
    %get3A_474 = arith.constant 0 : index
    %get3A_475 = arith.constant 0 : index
    %get3A_476 = vector.load %arg3[%get3A_474, %get3A_475] : memref<128x256xf32, #tpu.memory_space<vmem>>, vector<128x256xf32>
    %dot_general3A_477 = arith.constant dense<0.000000e+00> : vector<512x256xf32>
    %dot_general3A_478 = tpu.matmul %dot_general3A_468, %get3A_476, %dot_general3A_477 {dimension_numbers = #tpu.dot_dimension_numbers<[1], [0], [0], [1], [0, 0, 1, 1], [], []>, transpose_lhs_hint = false} : vector<512x128xf32>, vector<128x256xf32>, vector<512x256xf32> -> vector<512x256xf32>
    %get3A_479 = arith.constant 0 : index
    %get3A_480 = arith.constant 0 : index
    %get3A_481 = vector.load %arg4[%get3A_479, %get3A_480] : memref<256x256xf32, #tpu.memory_space<vmem>>, vector<256x256xf32>
    %dot_general3A_482 = arith.constant dense<0.000000e+00> : vector<512x256xf32>
    %dot_general3A_483 = tpu.matmul %tanh3A_426, %get3A_481, %dot_general3A_482 {dimension_numbers = #tpu.dot_dimension_numbers<[1], [0], [0], [1], [0, 0, 1, 1], [], []>, transpose_lhs_hint = false} : vector<512x256xf32>, vector<256x256xf32>, vector<512x256xf32> -> vector<512x256xf32>
    %add3A_484 = arith.addf %dot_general3A_478, %dot_general3A_483 : vector<512x256xf32>
    %get3A_485 = arith.constant 0 : index
    %get3A_486 = arith.constant 0 : index
    %get3A_487 = vector.load %arg5[%get3A_485, %get3A_486] : memref<1x256xf32, #tpu.memory_space<vmem>>, vector<1x256xf32>
    %add3A_488 = vector.broadcast %get3A_487 : vector<1x256xf32> to vector<512x256xf32>
    %add3A_489 = arith.addf %add3A_484, %add3A_488 : vector<512x256xf32>
    %tanh3A_490 = math.tanh %add3A_489 : vector<512x256xf32>
    %get3A_491 = arith.constant 0 : index
    %get3A_492 = arith.constant 0 : index
    %get3A_493 = vector.load %arg6[%get3A_491, %get3A_492] : memref<128x256xf32, #tpu.memory_space<vmem>>, vector<128x256xf32>
    %dot_general3A_494 = arith.constant dense<0.000000e+00> : vector<512x256xf32>
    %dot_general3A_495 = tpu.matmul %dot_general3A_473, %get3A_493, %dot_general3A_494 {dimension_numbers = #tpu.dot_dimension_numbers<[1], [0], [0], [1], [0, 0, 1, 1], [], []>, transpose_lhs_hint = false} : vector<512x128xf32>, vector<128x256xf32>, vector<512x256xf32> -> vector<512x256xf32>
    %get3A_496 = arith.constant 0 : index
    %get3A_497 = arith.constant 0 : index
    %get3A_498 = vector.load %arg7[%get3A_496, %get3A_497] : memref<256x256xf32, #tpu.memory_space<vmem>>, vector<256x256xf32>
    %dot_general3A_499 = arith.constant dense<0.000000e+00> : vector<512x256xf32>
    %dot_general3A_500 = tpu.matmul %tanh3A_443, %get3A_498, %dot_general3A_499 {dimension_numbers = #tpu.dot_dimension_numbers<[1], [0], [0], [1], [0, 0, 1, 1], [], []>, transpose_lhs_hint = false} : vector<512x256xf32>, vector<256x256xf32>, vector<512x256xf32> -> vector<512x256xf32>
    %add3A_501 = arith.addf %dot_general3A_495, %dot_general3A_500 : vector<512x256xf32>
    %get3A_502 = arith.constant 0 : index
    %get3A_503 = arith.constant 0 : index
    %get3A_504 = vector.load %arg8[%get3A_502, %get3A_503] : memref<1x256xf32, #tpu.memory_space<vmem>>, vector<1x256xf32>
    %add3A_505 = vector.broadcast %get3A_504 : vector<1x256xf32> to vector<512x256xf32>
    %add3A_506 = arith.addf %add3A_501, %add3A_505 : vector<512x256xf32>
    %tanh3A_507 = math.tanh %add3A_506 : vector<512x256xf32>
    %get3A_508 = arith.constant 0 : index
    %get3A_509 = arith.constant 8 : index
    %get3A_510 = vector.load %arg0[%get3A_508, %get3A_509] : memref<512x16xi32, #tpu.memory_space<vmem>>, vector<512x1xi32>
    %eq3A_511 = vector.broadcast %get3A_510 : vector<512x1xi32> to vector<512x256xi32>
    %eq3A_512 = arith.cmpi eq, %eq3A_511, %iota3A : vector<512x256xi32>
    %jit3A_513 = arith.constant 1.000000e+00 : f32
    %jit3A_514 = arith.constant 0.000000e+00 : f32
    %broadcast_in_dim3A_515 = vector.broadcast %jit3A_513 : f32 to vector<512x256xf32>
    %broadcast_in_dim3A_516 = vector.broadcast %jit3A_514 : f32 to vector<512x256xf32>
    %select_n3A_517 = arith.select %eq3A_512, %broadcast_in_dim3A_515, %broadcast_in_dim3A_516 : vector<512x256xi1>, vector<512x256xf32>
    %get3A_518 = arith.constant 0 : index
    %get3A_519 = arith.constant 8 : index
    %get3A_520 = vector.load %arg1[%get3A_518, %get3A_519] : memref<512x16xi32, #tpu.memory_space<vmem>>, vector<512x1xi32>
    %eq3A_521 = vector.broadcast %get3A_520 : vector<512x1xi32> to vector<512x256xi32>
    %eq3A_522 = arith.cmpi eq, %eq3A_521, %iota3A : vector<512x256xi32>
    %jit3A_523 = arith.constant 1.000000e+00 : f32
    %jit3A_524 = arith.constant 0.000000e+00 : f32
    %broadcast_in_dim3A_525 = vector.broadcast %jit3A_523 : f32 to vector<512x256xf32>
    %broadcast_in_dim3A_526 = vector.broadcast %jit3A_524 : f32 to vector<512x256xf32>
    %select_n3A_527 = arith.select %eq3A_522, %broadcast_in_dim3A_525, %broadcast_in_dim3A_526 : vector<512x256xi1>, vector<512x256xf32>
    %get3A_528 = arith.constant 0 : index
    %get3A_529 = arith.constant 0 : index
    %get3A_530 = vector.load %arg2[%get3A_528, %get3A_529] : memref<256x128xf32, #tpu.memory_space<vmem>>, vector<256x128xf32>
    %dot_general3A_531 = arith.constant dense<0.000000e+00> : vector<512x128xf32>
    %dot_general3A_532 = tpu.matmul %select_n3A_517, %get3A_530, %dot_general3A_531 {dimension_numbers = #tpu.dot_dimension_numbers<[1], [0], [0], [1], [0, 0, 1, 1], [], []>, transpose_lhs_hint = false} : vector<512x256xf32>, vector<256x128xf32>, vector<512x128xf32> -> vector<512x128xf32>
    %get3A_533 = arith.constant 0 : index
    %get3A_534 = arith.constant 0 : index
    %get3A_535 = vector.load %arg2[%get3A_533, %get3A_534] : memref<256x128xf32, #tpu.memory_space<vmem>>, vector<256x128xf32>
    %dot_general3A_536 = arith.constant dense<0.000000e+00> : vector<512x128xf32>
    %dot_general3A_537 = tpu.matmul %select_n3A_527, %get3A_535, %dot_general3A_536 {dimension_numbers = #tpu.dot_dimension_numbers<[1], [0], [0], [1], [0, 0, 1, 1], [], []>, transpose_lhs_hint = false} : vector<512x256xf32>, vector<256x128xf32>, vector<512x128xf32> -> vector<512x128xf32>
    %get3A_538 = arith.constant 0 : index
    %get3A_539 = arith.constant 0 : index
    %get3A_540 = vector.load %arg3[%get3A_538, %get3A_539] : memref<128x256xf32, #tpu.memory_space<vmem>>, vector<128x256xf32>
    %dot_general3A_541 = arith.constant dense<0.000000e+00> : vector<512x256xf32>
    %dot_general3A_542 = tpu.matmul %dot_general3A_532, %get3A_540, %dot_general3A_541 {dimension_numbers = #tpu.dot_dimension_numbers<[1], [0], [0], [1], [0, 0, 1, 1], [], []>, transpose_lhs_hint = false} : vector<512x128xf32>, vector<128x256xf32>, vector<512x256xf32> -> vector<512x256xf32>
    %get3A_543 = arith.constant 0 : index
    %get3A_544 = arith.constant 0 : index
    %get3A_545 = vector.load %arg4[%get3A_543, %get3A_544] : memref<256x256xf32, #tpu.memory_space<vmem>>, vector<256x256xf32>
    %dot_general3A_546 = arith.constant dense<0.000000e+00> : vector<512x256xf32>
    %dot_general3A_547 = tpu.matmul %tanh3A_490, %get3A_545, %dot_general3A_546 {dimension_numbers = #tpu.dot_dimension_numbers<[1], [0], [0], [1], [0, 0, 1, 1], [], []>, transpose_lhs_hint = false} : vector<512x256xf32>, vector<256x256xf32>, vector<512x256xf32> -> vector<512x256xf32>
    %add3A_548 = arith.addf %dot_general3A_542, %dot_general3A_547 : vector<512x256xf32>
    %get3A_549 = arith.constant 0 : index
    %get3A_550 = arith.constant 0 : index
    %get3A_551 = vector.load %arg5[%get3A_549, %get3A_550] : memref<1x256xf32, #tpu.memory_space<vmem>>, vector<1x256xf32>
    %add3A_552 = vector.broadcast %get3A_551 : vector<1x256xf32> to vector<512x256xf32>
    %add3A_553 = arith.addf %add3A_548, %add3A_552 : vector<512x256xf32>
    %tanh3A_554 = math.tanh %add3A_553 : vector<512x256xf32>
    %get3A_555 = arith.constant 0 : index
    %get3A_556 = arith.constant 0 : index
    %get3A_557 = vector.load %arg6[%get3A_555, %get3A_556] : memref<128x256xf32, #tpu.memory_space<vmem>>, vector<128x256xf32>
    %dot_general3A_558 = arith.constant dense<0.000000e+00> : vector<512x256xf32>
    %dot_general3A_559 = tpu.matmul %dot_general3A_537, %get3A_557, %dot_general3A_558 {dimension_numbers = #tpu.dot_dimension_numbers<[1], [0], [0], [1], [0, 0, 1, 1], [], []>, transpose_lhs_hint = false} : vector<512x128xf32>, vector<128x256xf32>, vector<512x256xf32> -> vector<512x256xf32>
    %get3A_560 = arith.constant 0 : index
    %get3A_561 = arith.constant 0 : index
    %get3A_562 = vector.load %arg7[%get3A_560, %get3A_561] : memref<256x256xf32, #tpu.memory_space<vmem>>, vector<256x256xf32>
    %dot_general3A_563 = arith.constant dense<0.000000e+00> : vector<512x256xf32>
    %dot_general3A_564 = tpu.matmul %tanh3A_507, %get3A_562, %dot_general3A_563 {dimension_numbers = #tpu.dot_dimension_numbers<[1], [0], [0], [1], [0, 0, 1, 1], [], []>, transpose_lhs_hint = false} : vector<512x256xf32>, vector<256x256xf32>, vector<512x256xf32> -> vector<512x256xf32>
    %add3A_565 = arith.addf %dot_general3A_559, %dot_general3A_564 : vector<512x256xf32>
    %get3A_566 = arith.constant 0 : index
    %get3A_567 = arith.constant 0 : index
    %get3A_568 = vector.load %arg8[%get3A_566, %get3A_567] : memref<1x256xf32, #tpu.memory_space<vmem>>, vector<1x256xf32>
    %add3A_569 = vector.broadcast %get3A_568 : vector<1x256xf32> to vector<512x256xf32>
    %add3A_570 = arith.addf %add3A_565, %add3A_569 : vector<512x256xf32>
    %tanh3A_571 = math.tanh %add3A_570 : vector<512x256xf32>
    %get3A_572 = arith.constant 0 : index
    %get3A_573 = arith.constant 9 : index
    %get3A_574 = vector.load %arg0[%get3A_572, %get3A_573] : memref<512x16xi32, #tpu.memory_space<vmem>>, vector<512x1xi32>
    %eq3A_575 = vector.broadcast %get3A_574 : vector<512x1xi32> to vector<512x256xi32>
    %eq3A_576 = arith.cmpi eq, %eq3A_575, %iota3A : vector<512x256xi32>
    %jit3A_577 = arith.constant 1.000000e+00 : f32
    %jit3A_578 = arith.constant 0.000000e+00 : f32
    %broadcast_in_dim3A_579 = vector.broadcast %jit3A_577 : f32 to vector<512x256xf32>
    %broadcast_in_dim3A_580 = vector.broadcast %jit3A_578 : f32 to vector<512x256xf32>
    %select_n3A_581 = arith.select %eq3A_576, %broadcast_in_dim3A_579, %broadcast_in_dim3A_580 : vector<512x256xi1>, vector<512x256xf32>
    %get3A_582 = arith.constant 0 : index
    %get3A_583 = arith.constant 9 : index
    %get3A_584 = vector.load %arg1[%get3A_582, %get3A_583] : memref<512x16xi32, #tpu.memory_space<vmem>>, vector<512x1xi32>
    %eq3A_585 = vector.broadcast %get3A_584 : vector<512x1xi32> to vector<512x256xi32>
    %eq3A_586 = arith.cmpi eq, %eq3A_585, %iota3A : vector<512x256xi32>
    %jit3A_587 = arith.constant 1.000000e+00 : f32
    %jit3A_588 = arith.constant 0.000000e+00 : f32
    %broadcast_in_dim3A_589 = vector.broadcast %jit3A_587 : f32 to vector<512x256xf32>
    %broadcast_in_dim3A_590 = vector.broadcast %jit3A_588 : f32 to vector<512x256xf32>
    %select_n3A_591 = arith.select %eq3A_586, %broadcast_in_dim3A_589, %broadcast_in_dim3A_590 : vector<512x256xi1>, vector<512x256xf32>
    %get3A_592 = arith.constant 0 : index
    %get3A_593 = arith.constant 0 : index
    %get3A_594 = vector.load %arg2[%get3A_592, %get3A_593] : memref<256x128xf32, #tpu.memory_space<vmem>>, vector<256x128xf32>
    %dot_general3A_595 = arith.constant dense<0.000000e+00> : vector<512x128xf32>
    %dot_general3A_596 = tpu.matmul %select_n3A_581, %get3A_594, %dot_general3A_595 {dimension_numbers = #tpu.dot_dimension_numbers<[1], [0], [0], [1], [0, 0, 1, 1], [], []>, transpose_lhs_hint = false} : vector<512x256xf32>, vector<256x128xf32>, vector<512x128xf32> -> vector<512x128xf32>
    %get3A_597 = arith.constant 0 : index
    %get3A_598 = arith.constant 0 : index
    %get3A_599 = vector.load %arg2[%get3A_597, %get3A_598] : memref<256x128xf32, #tpu.memory_space<vmem>>, vector<256x128xf32>
    %dot_general3A_600 = arith.constant dense<0.000000e+00> : vector<512x128xf32>
    %dot_general3A_601 = tpu.matmul %select_n3A_591, %get3A_599, %dot_general3A_600 {dimension_numbers = #tpu.dot_dimension_numbers<[1], [0], [0], [1], [0, 0, 1, 1], [], []>, transpose_lhs_hint = false} : vector<512x256xf32>, vector<256x128xf32>, vector<512x128xf32> -> vector<512x128xf32>
    %get3A_602 = arith.constant 0 : index
    %get3A_603 = arith.constant 0 : index
    %get3A_604 = vector.load %arg3[%get3A_602, %get3A_603] : memref<128x256xf32, #tpu.memory_space<vmem>>, vector<128x256xf32>
    %dot_general3A_605 = arith.constant dense<0.000000e+00> : vector<512x256xf32>
    %dot_general3A_606 = tpu.matmul %dot_general3A_596, %get3A_604, %dot_general3A_605 {dimension_numbers = #tpu.dot_dimension_numbers<[1], [0], [0], [1], [0, 0, 1, 1], [], []>, transpose_lhs_hint = false} : vector<512x128xf32>, vector<128x256xf32>, vector<512x256xf32> -> vector<512x256xf32>
    %get3A_607 = arith.constant 0 : index
    %get3A_608 = arith.constant 0 : index
    %get3A_609 = vector.load %arg4[%get3A_607, %get3A_608] : memref<256x256xf32, #tpu.memory_space<vmem>>, vector<256x256xf32>
    %dot_general3A_610 = arith.constant dense<0.000000e+00> : vector<512x256xf32>
    %dot_general3A_611 = tpu.matmul %tanh3A_554, %get3A_609, %dot_general3A_610 {dimension_numbers = #tpu.dot_dimension_numbers<[1], [0], [0], [1], [0, 0, 1, 1], [], []>, transpose_lhs_hint = false} : vector<512x256xf32>, vector<256x256xf32>, vector<512x256xf32> -> vector<512x256xf32>
    %add3A_612 = arith.addf %dot_general3A_606, %dot_general3A_611 : vector<512x256xf32>
    %get3A_613 = arith.constant 0 : index
    %get3A_614 = arith.constant 0 : index
    %get3A_615 = vector.load %arg5[%get3A_613, %get3A_614] : memref<1x256xf32, #tpu.memory_space<vmem>>, vector<1x256xf32>
    %add3A_616 = vector.broadcast %get3A_615 : vector<1x256xf32> to vector<512x256xf32>
    %add3A_617 = arith.addf %add3A_612, %add3A_616 : vector<512x256xf32>
    %tanh3A_618 = math.tanh %add3A_617 : vector<512x256xf32>
    %get3A_619 = arith.constant 0 : index
    %get3A_620 = arith.constant 0 : index
    %get3A_621 = vector.load %arg6[%get3A_619, %get3A_620] : memref<128x256xf32, #tpu.memory_space<vmem>>, vector<128x256xf32>
    %dot_general3A_622 = arith.constant dense<0.000000e+00> : vector<512x256xf32>
    %dot_general3A_623 = tpu.matmul %dot_general3A_601, %get3A_621, %dot_general3A_622 {dimension_numbers = #tpu.dot_dimension_numbers<[1], [0], [0], [1], [0, 0, 1, 1], [], []>, transpose_lhs_hint = false} : vector<512x128xf32>, vector<128x256xf32>, vector<512x256xf32> -> vector<512x256xf32>
    %get3A_624 = arith.constant 0 : index
    %get3A_625 = arith.constant 0 : index
    %get3A_626 = vector.load %arg7[%get3A_624, %get3A_625] : memref<256x256xf32, #tpu.memory_space<vmem>>, vector<256x256xf32>
    %dot_general3A_627 = arith.constant dense<0.000000e+00> : vector<512x256xf32>
    %dot_general3A_628 = tpu.matmul %tanh3A_571, %get3A_626, %dot_general3A_627 {dimension_numbers = #tpu.dot_dimension_numbers<[1], [0], [0], [1], [0, 0, 1, 1], [], []>, transpose_lhs_hint = false} : vector<512x256xf32>, vector<256x256xf32>, vector<512x256xf32> -> vector<512x256xf32>
    %add3A_629 = arith.addf %dot_general3A_623, %dot_general3A_628 : vector<512x256xf32>
    %get3A_630 = arith.constant 0 : index
    %get3A_631 = arith.constant 0 : index
    %get3A_632 = vector.load %arg8[%get3A_630, %get3A_631] : memref<1x256xf32, #tpu.memory_space<vmem>>, vector<1x256xf32>
    %add3A_633 = vector.broadcast %get3A_632 : vector<1x256xf32> to vector<512x256xf32>
    %add3A_634 = arith.addf %add3A_629, %add3A_633 : vector<512x256xf32>
    %tanh3A_635 = math.tanh %add3A_634 : vector<512x256xf32>
    %get3A_636 = arith.constant 0 : index
    %get3A_637 = arith.constant 10 : index
    %get3A_638 = vector.load %arg0[%get3A_636, %get3A_637] : memref<512x16xi32, #tpu.memory_space<vmem>>, vector<512x1xi32>
    %eq3A_639 = vector.broadcast %get3A_638 : vector<512x1xi32> to vector<512x256xi32>
    %eq3A_640 = arith.cmpi eq, %eq3A_639, %iota3A : vector<512x256xi32>
    %jit3A_641 = arith.constant 1.000000e+00 : f32
    %jit3A_642 = arith.constant 0.000000e+00 : f32
    %broadcast_in_dim3A_643 = vector.broadcast %jit3A_641 : f32 to vector<512x256xf32>
    %broadcast_in_dim3A_644 = vector.broadcast %jit3A_642 : f32 to vector<512x256xf32>
    %select_n3A_645 = arith.select %eq3A_640, %broadcast_in_dim3A_643, %broadcast_in_dim3A_644 : vector<512x256xi1>, vector<512x256xf32>
    %get3A_646 = arith.constant 0 : index
    %get3A_647 = arith.constant 10 : index
    %get3A_648 = vector.load %arg1[%get3A_646, %get3A_647] : memref<512x16xi32, #tpu.memory_space<vmem>>, vector<512x1xi32>
    %eq3A_649 = vector.broadcast %get3A_648 : vector<512x1xi32> to vector<512x256xi32>
    %eq3A_650 = arith.cmpi eq, %eq3A_649, %iota3A : vector<512x256xi32>
    %jit3A_651 = arith.constant 1.000000e+00 : f32
    %jit3A_652 = arith.constant 0.000000e+00 : f32
    %broadcast_in_dim3A_653 = vector.broadcast %jit3A_651 : f32 to vector<512x256xf32>
    %broadcast_in_dim3A_654 = vector.broadcast %jit3A_652 : f32 to vector<512x256xf32>
    %select_n3A_655 = arith.select %eq3A_650, %broadcast_in_dim3A_653, %broadcast_in_dim3A_654 : vector<512x256xi1>, vector<512x256xf32>
    %get3A_656 = arith.constant 0 : index
    %get3A_657 = arith.constant 0 : index
    %get3A_658 = vector.load %arg2[%get3A_656, %get3A_657] : memref<256x128xf32, #tpu.memory_space<vmem>>, vector<256x128xf32>
    %dot_general3A_659 = arith.constant dense<0.000000e+00> : vector<512x128xf32>
    %dot_general3A_660 = tpu.matmul %select_n3A_645, %get3A_658, %dot_general3A_659 {dimension_numbers = #tpu.dot_dimension_numbers<[1], [0], [0], [1], [0, 0, 1, 1], [], []>, transpose_lhs_hint = false} : vector<512x256xf32>, vector<256x128xf32>, vector<512x128xf32> -> vector<512x128xf32>
    %get3A_661 = arith.constant 0 : index
    %get3A_662 = arith.constant 0 : index
    %get3A_663 = vector.load %arg2[%get3A_661, %get3A_662] : memref<256x128xf32, #tpu.memory_space<vmem>>, vector<256x128xf32>
    %dot_general3A_664 = arith.constant dense<0.000000e+00> : vector<512x128xf32>
    %dot_general3A_665 = tpu.matmul %select_n3A_655, %get3A_663, %dot_general3A_664 {dimension_numbers = #tpu.dot_dimension_numbers<[1], [0], [0], [1], [0, 0, 1, 1], [], []>, transpose_lhs_hint = false} : vector<512x256xf32>, vector<256x128xf32>, vector<512x128xf32> -> vector<512x128xf32>
    %get3A_666 = arith.constant 0 : index
    %get3A_667 = arith.constant 0 : index
    %get3A_668 = vector.load %arg3[%get3A_666, %get3A_667] : memref<128x256xf32, #tpu.memory_space<vmem>>, vector<128x256xf32>
    %dot_general3A_669 = arith.constant dense<0.000000e+00> : vector<512x256xf32>
    %dot_general3A_670 = tpu.matmul %dot_general3A_660, %get3A_668, %dot_general3A_669 {dimension_numbers = #tpu.dot_dimension_numbers<[1], [0], [0], [1], [0, 0, 1, 1], [], []>, transpose_lhs_hint = false} : vector<512x128xf32>, vector<128x256xf32>, vector<512x256xf32> -> vector<512x256xf32>
    %get3A_671 = arith.constant 0 : index
    %get3A_672 = arith.constant 0 : index
    %get3A_673 = vector.load %arg4[%get3A_671, %get3A_672] : memref<256x256xf32, #tpu.memory_space<vmem>>, vector<256x256xf32>
    %dot_general3A_674 = arith.constant dense<0.000000e+00> : vector<512x256xf32>
    %dot_general3A_675 = tpu.matmul %tanh3A_618, %get3A_673, %dot_general3A_674 {dimension_numbers = #tpu.dot_dimension_numbers<[1], [0], [0], [1], [0, 0, 1, 1], [], []>, transpose_lhs_hint = false} : vector<512x256xf32>, vector<256x256xf32>, vector<512x256xf32> -> vector<512x256xf32>
    %add3A_676 = arith.addf %dot_general3A_670, %dot_general3A_675 : vector<512x256xf32>
    %get3A_677 = arith.constant 0 : index
    %get3A_678 = arith.constant 0 : index
    %get3A_679 = vector.load %arg5[%get3A_677, %get3A_678] : memref<1x256xf32, #tpu.memory_space<vmem>>, vector<1x256xf32>
    %add3A_680 = vector.broadcast %get3A_679 : vector<1x256xf32> to vector<512x256xf32>
    %add3A_681 = arith.addf %add3A_676, %add3A_680 : vector<512x256xf32>
    %tanh3A_682 = math.tanh %add3A_681 : vector<512x256xf32>
    %get3A_683 = arith.constant 0 : index
    %get3A_684 = arith.constant 0 : index
    %get3A_685 = vector.load %arg6[%get3A_683, %get3A_684] : memref<128x256xf32, #tpu.memory_space<vmem>>, vector<128x256xf32>
    %dot_general3A_686 = arith.constant dense<0.000000e+00> : vector<512x256xf32>
    %dot_general3A_687 = tpu.matmul %dot_general3A_665, %get3A_685, %dot_general3A_686 {dimension_numbers = #tpu.dot_dimension_numbers<[1], [0], [0], [1], [0, 0, 1, 1], [], []>, transpose_lhs_hint = false} : vector<512x128xf32>, vector<128x256xf32>, vector<512x256xf32> -> vector<512x256xf32>
    %get3A_688 = arith.constant 0 : index
    %get3A_689 = arith.constant 0 : index
    %get3A_690 = vector.load %arg7[%get3A_688, %get3A_689] : memref<256x256xf32, #tpu.memory_space<vmem>>, vector<256x256xf32>
    %dot_general3A_691 = arith.constant dense<0.000000e+00> : vector<512x256xf32>
    %dot_general3A_692 = tpu.matmul %tanh3A_635, %get3A_690, %dot_general3A_691 {dimension_numbers = #tpu.dot_dimension_numbers<[1], [0], [0], [1], [0, 0, 1, 1], [], []>, transpose_lhs_hint = false} : vector<512x256xf32>, vector<256x256xf32>, vector<512x256xf32> -> vector<512x256xf32>
    %add3A_693 = arith.addf %dot_general3A_687, %dot_general3A_692 : vector<512x256xf32>
    %get3A_694 = arith.constant 0 : index
    %get3A_695 = arith.constant 0 : index
    %get3A_696 = vector.load %arg8[%get3A_694, %get3A_695] : memref<1x256xf32, #tpu.memory_space<vmem>>, vector<1x256xf32>
    %add3A_697 = vector.broadcast %get3A_696 : vector<1x256xf32> to vector<512x256xf32>
    %add3A_698 = arith.addf %add3A_693, %add3A_697 : vector<512x256xf32>
    %tanh3A_699 = math.tanh %add3A_698 : vector<512x256xf32>
    %get3A_700 = arith.constant 0 : index
    %get3A_701 = arith.constant 11 : index
    %get3A_702 = vector.load %arg0[%get3A_700, %get3A_701] : memref<512x16xi32, #tpu.memory_space<vmem>>, vector<512x1xi32>
    %eq3A_703 = vector.broadcast %get3A_702 : vector<512x1xi32> to vector<512x256xi32>
    %eq3A_704 = arith.cmpi eq, %eq3A_703, %iota3A : vector<512x256xi32>
    %jit3A_705 = arith.constant 1.000000e+00 : f32
    %jit3A_706 = arith.constant 0.000000e+00 : f32
    %broadcast_in_dim3A_707 = vector.broadcast %jit3A_705 : f32 to vector<512x256xf32>
    %broadcast_in_dim3A_708 = vector.broadcast %jit3A_706 : f32 to vector<512x256xf32>
    %select_n3A_709 = arith.select %eq3A_704, %broadcast_in_dim3A_707, %broadcast_in_dim3A_708 : vector<512x256xi1>, vector<512x256xf32>
    %get3A_710 = arith.constant 0 : index
    %get3A_711 = arith.constant 11 : index
    %get3A_712 = vector.load %arg1[%get3A_710, %get3A_711] : memref<512x16xi32, #tpu.memory_space<vmem>>, vector<512x1xi32>
    %eq3A_713 = vector.broadcast %get3A_712 : vector<512x1xi32> to vector<512x256xi32>
    %eq3A_714 = arith.cmpi eq, %eq3A_713, %iota3A : vector<512x256xi32>
    %jit3A_715 = arith.constant 1.000000e+00 : f32
    %jit3A_716 = arith.constant 0.000000e+00 : f32
    %broadcast_in_dim3A_717 = vector.broadcast %jit3A_715 : f32 to vector<512x256xf32>
    %broadcast_in_dim3A_718 = vector.broadcast %jit3A_716 : f32 to vector<512x256xf32>
    %select_n3A_719 = arith.select %eq3A_714, %broadcast_in_dim3A_717, %broadcast_in_dim3A_718 : vector<512x256xi1>, vector<512x256xf32>
    %get3A_720 = arith.constant 0 : index
    %get3A_721 = arith.constant 0 : index
    %get3A_722 = vector.load %arg2[%get3A_720, %get3A_721] : memref<256x128xf32, #tpu.memory_space<vmem>>, vector<256x128xf32>
    %dot_general3A_723 = arith.constant dense<0.000000e+00> : vector<512x128xf32>
    %dot_general3A_724 = tpu.matmul %select_n3A_709, %get3A_722, %dot_general3A_723 {dimension_numbers = #tpu.dot_dimension_numbers<[1], [0], [0], [1], [0, 0, 1, 1], [], []>, transpose_lhs_hint = false} : vector<512x256xf32>, vector<256x128xf32>, vector<512x128xf32> -> vector<512x128xf32>
    %get3A_725 = arith.constant 0 : index
    %get3A_726 = arith.constant 0 : index
    %get3A_727 = vector.load %arg2[%get3A_725, %get3A_726] : memref<256x128xf32, #tpu.memory_space<vmem>>, vector<256x128xf32>
    %dot_general3A_728 = arith.constant dense<0.000000e+00> : vector<512x128xf32>
    %dot_general3A_729 = tpu.matmul %select_n3A_719, %get3A_727, %dot_general3A_728 {dimension_numbers = #tpu.dot_dimension_numbers<[1], [0], [0], [1], [0, 0, 1, 1], [], []>, transpose_lhs_hint = false} : vector<512x256xf32>, vector<256x128xf32>, vector<512x128xf32> -> vector<512x128xf32>
    %get3A_730 = arith.constant 0 : index
    %get3A_731 = arith.constant 0 : index
    %get3A_732 = vector.load %arg3[%get3A_730, %get3A_731] : memref<128x256xf32, #tpu.memory_space<vmem>>, vector<128x256xf32>
    %dot_general3A_733 = arith.constant dense<0.000000e+00> : vector<512x256xf32>
    %dot_general3A_734 = tpu.matmul %dot_general3A_724, %get3A_732, %dot_general3A_733 {dimension_numbers = #tpu.dot_dimension_numbers<[1], [0], [0], [1], [0, 0, 1, 1], [], []>, transpose_lhs_hint = false} : vector<512x128xf32>, vector<128x256xf32>, vector<512x256xf32> -> vector<512x256xf32>
    %get3A_735 = arith.constant 0 : index
    %get3A_736 = arith.constant 0 : index
    %get3A_737 = vector.load %arg4[%get3A_735, %get3A_736] : memref<256x256xf32, #tpu.memory_space<vmem>>, vector<256x256xf32>
    %dot_general3A_738 = arith.constant dense<0.000000e+00> : vector<512x256xf32>
    %dot_general3A_739 = tpu.matmul %tanh3A_682, %get3A_737, %dot_general3A_738 {dimension_numbers = #tpu.dot_dimension_numbers<[1], [0], [0], [1], [0, 0, 1, 1], [], []>, transpose_lhs_hint = false} : vector<512x256xf32>, vector<256x256xf32>, vector<512x256xf32> -> vector<512x256xf32>
    %add3A_740 = arith.addf %dot_general3A_734, %dot_general3A_739 : vector<512x256xf32>
    %get3A_741 = arith.constant 0 : index
    %get3A_742 = arith.constant 0 : index
    %get3A_743 = vector.load %arg5[%get3A_741, %get3A_742] : memref<1x256xf32, #tpu.memory_space<vmem>>, vector<1x256xf32>
    %add3A_744 = vector.broadcast %get3A_743 : vector<1x256xf32> to vector<512x256xf32>
    %add3A_745 = arith.addf %add3A_740, %add3A_744 : vector<512x256xf32>
    %tanh3A_746 = math.tanh %add3A_745 : vector<512x256xf32>
    %get3A_747 = arith.constant 0 : index
    %get3A_748 = arith.constant 0 : index
    %get3A_749 = vector.load %arg6[%get3A_747, %get3A_748] : memref<128x256xf32, #tpu.memory_space<vmem>>, vector<128x256xf32>
    %dot_general3A_750 = arith.constant dense<0.000000e+00> : vector<512x256xf32>
    %dot_general3A_751 = tpu.matmul %dot_general3A_729, %get3A_749, %dot_general3A_750 {dimension_numbers = #tpu.dot_dimension_numbers<[1], [0], [0], [1], [0, 0, 1, 1], [], []>, transpose_lhs_hint = false} : vector<512x128xf32>, vector<128x256xf32>, vector<512x256xf32> -> vector<512x256xf32>
    %get3A_752 = arith.constant 0 : index
    %get3A_753 = arith.constant 0 : index
    %get3A_754 = vector.load %arg7[%get3A_752, %get3A_753] : memref<256x256xf32, #tpu.memory_space<vmem>>, vector<256x256xf32>
    %dot_general3A_755 = arith.constant dense<0.000000e+00> : vector<512x256xf32>
    %dot_general3A_756 = tpu.matmul %tanh3A_699, %get3A_754, %dot_general3A_755 {dimension_numbers = #tpu.dot_dimension_numbers<[1], [0], [0], [1], [0, 0, 1, 1], [], []>, transpose_lhs_hint = false} : vector<512x256xf32>, vector<256x256xf32>, vector<512x256xf32> -> vector<512x256xf32>
    %add3A_757 = arith.addf %dot_general3A_751, %dot_general3A_756 : vector<512x256xf32>
    %get3A_758 = arith.constant 0 : index
    %get3A_759 = arith.constant 0 : index
    %get3A_760 = vector.load %arg8[%get3A_758, %get3A_759] : memref<1x256xf32, #tpu.memory_space<vmem>>, vector<1x256xf32>
    %add3A_761 = vector.broadcast %get3A_760 : vector<1x256xf32> to vector<512x256xf32>
    %add3A_762 = arith.addf %add3A_757, %add3A_761 : vector<512x256xf32>
    %tanh3A_763 = math.tanh %add3A_762 : vector<512x256xf32>
    %get3A_764 = arith.constant 0 : index
    %get3A_765 = arith.constant 12 : index
    %get3A_766 = vector.load %arg0[%get3A_764, %get3A_765] : memref<512x16xi32, #tpu.memory_space<vmem>>, vector<512x1xi32>
    %eq3A_767 = vector.broadcast %get3A_766 : vector<512x1xi32> to vector<512x256xi32>
    %eq3A_768 = arith.cmpi eq, %eq3A_767, %iota3A : vector<512x256xi32>
    %jit3A_769 = arith.constant 1.000000e+00 : f32
    %jit3A_770 = arith.constant 0.000000e+00 : f32
    %broadcast_in_dim3A_771 = vector.broadcast %jit3A_769 : f32 to vector<512x256xf32>
    %broadcast_in_dim3A_772 = vector.broadcast %jit3A_770 : f32 to vector<512x256xf32>
    %select_n3A_773 = arith.select %eq3A_768, %broadcast_in_dim3A_771, %broadcast_in_dim3A_772 : vector<512x256xi1>, vector<512x256xf32>
    %get3A_774 = arith.constant 0 : index
    %get3A_775 = arith.constant 12 : index
    %get3A_776 = vector.load %arg1[%get3A_774, %get3A_775] : memref<512x16xi32, #tpu.memory_space<vmem>>, vector<512x1xi32>
    %eq3A_777 = vector.broadcast %get3A_776 : vector<512x1xi32> to vector<512x256xi32>
    %eq3A_778 = arith.cmpi eq, %eq3A_777, %iota3A : vector<512x256xi32>
    %jit3A_779 = arith.constant 1.000000e+00 : f32
    %jit3A_780 = arith.constant 0.000000e+00 : f32
    %broadcast_in_dim3A_781 = vector.broadcast %jit3A_779 : f32 to vector<512x256xf32>
    %broadcast_in_dim3A_782 = vector.broadcast %jit3A_780 : f32 to vector<512x256xf32>
    %select_n3A_783 = arith.select %eq3A_778, %broadcast_in_dim3A_781, %broadcast_in_dim3A_782 : vector<512x256xi1>, vector<512x256xf32>
    %get3A_784 = arith.constant 0 : index
    %get3A_785 = arith.constant 0 : index
    %get3A_786 = vector.load %arg2[%get3A_784, %get3A_785] : memref<256x128xf32, #tpu.memory_space<vmem>>, vector<256x128xf32>
    %dot_general3A_787 = arith.constant dense<0.000000e+00> : vector<512x128xf32>
    %dot_general3A_788 = tpu.matmul %select_n3A_773, %get3A_786, %dot_general3A_787 {dimension_numbers = #tpu.dot_dimension_numbers<[1], [0], [0], [1], [0, 0, 1, 1], [], []>, transpose_lhs_hint = false} : vector<512x256xf32>, vector<256x128xf32>, vector<512x128xf32> -> vector<512x128xf32>
    %get3A_789 = arith.constant 0 : index
    %get3A_790 = arith.constant 0 : index
    %get3A_791 = vector.load %arg2[%get3A_789, %get3A_790] : memref<256x128xf32, #tpu.memory_space<vmem>>, vector<256x128xf32>
    %dot_general3A_792 = arith.constant dense<0.000000e+00> : vector<512x128xf32>
    %dot_general3A_793 = tpu.matmul %select_n3A_783, %get3A_791, %dot_general3A_792 {dimension_numbers = #tpu.dot_dimension_numbers<[1], [0], [0], [1], [0, 0, 1, 1], [], []>, transpose_lhs_hint = false} : vector<512x256xf32>, vector<256x128xf32>, vector<512x128xf32> -> vector<512x128xf32>
    %get3A_794 = arith.constant 0 : index
    %get3A_795 = arith.constant 0 : index
    %get3A_796 = vector.load %arg3[%get3A_794, %get3A_795] : memref<128x256xf32, #tpu.memory_space<vmem>>, vector<128x256xf32>
    %dot_general3A_797 = arith.constant dense<0.000000e+00> : vector<512x256xf32>
    %dot_general3A_798 = tpu.matmul %dot_general3A_788, %get3A_796, %dot_general3A_797 {dimension_numbers = #tpu.dot_dimension_numbers<[1], [0], [0], [1], [0, 0, 1, 1], [], []>, transpose_lhs_hint = false} : vector<512x128xf32>, vector<128x256xf32>, vector<512x256xf32> -> vector<512x256xf32>
    %get3A_799 = arith.constant 0 : index
    %get3A_800 = arith.constant 0 : index
    %get3A_801 = vector.load %arg4[%get3A_799, %get3A_800] : memref<256x256xf32, #tpu.memory_space<vmem>>, vector<256x256xf32>
    %dot_general3A_802 = arith.constant dense<0.000000e+00> : vector<512x256xf32>
    %dot_general3A_803 = tpu.matmul %tanh3A_746, %get3A_801, %dot_general3A_802 {dimension_numbers = #tpu.dot_dimension_numbers<[1], [0], [0], [1], [0, 0, 1, 1], [], []>, transpose_lhs_hint = false} : vector<512x256xf32>, vector<256x256xf32>, vector<512x256xf32> -> vector<512x256xf32>
    %add3A_804 = arith.addf %dot_general3A_798, %dot_general3A_803 : vector<512x256xf32>
    %get3A_805 = arith.constant 0 : index
    %get3A_806 = arith.constant 0 : index
    %get3A_807 = vector.load %arg5[%get3A_805, %get3A_806] : memref<1x256xf32, #tpu.memory_space<vmem>>, vector<1x256xf32>
    %add3A_808 = vector.broadcast %get3A_807 : vector<1x256xf32> to vector<512x256xf32>
    %add3A_809 = arith.addf %add3A_804, %add3A_808 : vector<512x256xf32>
    %tanh3A_810 = math.tanh %add3A_809 : vector<512x256xf32>
    %get3A_811 = arith.constant 0 : index
    %get3A_812 = arith.constant 0 : index
    %get3A_813 = vector.load %arg6[%get3A_811, %get3A_812] : memref<128x256xf32, #tpu.memory_space<vmem>>, vector<128x256xf32>
    %dot_general3A_814 = arith.constant dense<0.000000e+00> : vector<512x256xf32>
    %dot_general3A_815 = tpu.matmul %dot_general3A_793, %get3A_813, %dot_general3A_814 {dimension_numbers = #tpu.dot_dimension_numbers<[1], [0], [0], [1], [0, 0, 1, 1], [], []>, transpose_lhs_hint = false} : vector<512x128xf32>, vector<128x256xf32>, vector<512x256xf32> -> vector<512x256xf32>
    %get3A_816 = arith.constant 0 : index
    %get3A_817 = arith.constant 0 : index
    %get3A_818 = vector.load %arg7[%get3A_816, %get3A_817] : memref<256x256xf32, #tpu.memory_space<vmem>>, vector<256x256xf32>
    %dot_general3A_819 = arith.constant dense<0.000000e+00> : vector<512x256xf32>
    %dot_general3A_820 = tpu.matmul %tanh3A_763, %get3A_818, %dot_general3A_819 {dimension_numbers = #tpu.dot_dimension_numbers<[1], [0], [0], [1], [0, 0, 1, 1], [], []>, transpose_lhs_hint = false} : vector<512x256xf32>, vector<256x256xf32>, vector<512x256xf32> -> vector<512x256xf32>
    %add3A_821 = arith.addf %dot_general3A_815, %dot_general3A_820 : vector<512x256xf32>
    %get3A_822 = arith.constant 0 : index
    %get3A_823 = arith.constant 0 : index
    %get3A_824 = vector.load %arg8[%get3A_822, %get3A_823] : memref<1x256xf32, #tpu.memory_space<vmem>>, vector<1x256xf32>
    %add3A_825 = vector.broadcast %get3A_824 : vector<1x256xf32> to vector<512x256xf32>
    %add3A_826 = arith.addf %add3A_821, %add3A_825 : vector<512x256xf32>
    %tanh3A_827 = math.tanh %add3A_826 : vector<512x256xf32>
    %get3A_828 = arith.constant 0 : index
    %get3A_829 = arith.constant 13 : index
    %get3A_830 = vector.load %arg0[%get3A_828, %get3A_829] : memref<512x16xi32, #tpu.memory_space<vmem>>, vector<512x1xi32>
    %eq3A_831 = vector.broadcast %get3A_830 : vector<512x1xi32> to vector<512x256xi32>
    %eq3A_832 = arith.cmpi eq, %eq3A_831, %iota3A : vector<512x256xi32>
    %jit3A_833 = arith.constant 1.000000e+00 : f32
    %jit3A_834 = arith.constant 0.000000e+00 : f32
    %broadcast_in_dim3A_835 = vector.broadcast %jit3A_833 : f32 to vector<512x256xf32>
    %broadcast_in_dim3A_836 = vector.broadcast %jit3A_834 : f32 to vector<512x256xf32>
    %select_n3A_837 = arith.select %eq3A_832, %broadcast_in_dim3A_835, %broadcast_in_dim3A_836 : vector<512x256xi1>, vector<512x256xf32>
    %get3A_838 = arith.constant 0 : index
    %get3A_839 = arith.constant 13 : index
    %get3A_840 = vector.load %arg1[%get3A_838, %get3A_839] : memref<512x16xi32, #tpu.memory_space<vmem>>, vector<512x1xi32>
    %eq3A_841 = vector.broadcast %get3A_840 : vector<512x1xi32> to vector<512x256xi32>
    %eq3A_842 = arith.cmpi eq, %eq3A_841, %iota3A : vector<512x256xi32>
    %jit3A_843 = arith.constant 1.000000e+00 : f32
    %jit3A_844 = arith.constant 0.000000e+00 : f32
    %broadcast_in_dim3A_845 = vector.broadcast %jit3A_843 : f32 to vector<512x256xf32>
    %broadcast_in_dim3A_846 = vector.broadcast %jit3A_844 : f32 to vector<512x256xf32>
    %select_n3A_847 = arith.select %eq3A_842, %broadcast_in_dim3A_845, %broadcast_in_dim3A_846 : vector<512x256xi1>, vector<512x256xf32>
    %get3A_848 = arith.constant 0 : index
    %get3A_849 = arith.constant 0 : index
    %get3A_850 = vector.load %arg2[%get3A_848, %get3A_849] : memref<256x128xf32, #tpu.memory_space<vmem>>, vector<256x128xf32>
    %dot_general3A_851 = arith.constant dense<0.000000e+00> : vector<512x128xf32>
    %dot_general3A_852 = tpu.matmul %select_n3A_837, %get3A_850, %dot_general3A_851 {dimension_numbers = #tpu.dot_dimension_numbers<[1], [0], [0], [1], [0, 0, 1, 1], [], []>, transpose_lhs_hint = false} : vector<512x256xf32>, vector<256x128xf32>, vector<512x128xf32> -> vector<512x128xf32>
    %get3A_853 = arith.constant 0 : index
    %get3A_854 = arith.constant 0 : index
    %get3A_855 = vector.load %arg2[%get3A_853, %get3A_854] : memref<256x128xf32, #tpu.memory_space<vmem>>, vector<256x128xf32>
    %dot_general3A_856 = arith.constant dense<0.000000e+00> : vector<512x128xf32>
    %dot_general3A_857 = tpu.matmul %select_n3A_847, %get3A_855, %dot_general3A_856 {dimension_numbers = #tpu.dot_dimension_numbers<[1], [0], [0], [1], [0, 0, 1, 1], [], []>, transpose_lhs_hint = false} : vector<512x256xf32>, vector<256x128xf32>, vector<512x128xf32> -> vector<512x128xf32>
    %get3A_858 = arith.constant 0 : index
    %get3A_859 = arith.constant 0 : index
    %get3A_860 = vector.load %arg3[%get3A_858, %get3A_859] : memref<128x256xf32, #tpu.memory_space<vmem>>, vector<128x256xf32>
    %dot_general3A_861 = arith.constant dense<0.000000e+00> : vector<512x256xf32>
    %dot_general3A_862 = tpu.matmul %dot_general3A_852, %get3A_860, %dot_general3A_861 {dimension_numbers = #tpu.dot_dimension_numbers<[1], [0], [0], [1], [0, 0, 1, 1], [], []>, transpose_lhs_hint = false} : vector<512x128xf32>, vector<128x256xf32>, vector<512x256xf32> -> vector<512x256xf32>
    %get3A_863 = arith.constant 0 : index
    %get3A_864 = arith.constant 0 : index
    %get3A_865 = vector.load %arg4[%get3A_863, %get3A_864] : memref<256x256xf32, #tpu.memory_space<vmem>>, vector<256x256xf32>
    %dot_general3A_866 = arith.constant dense<0.000000e+00> : vector<512x256xf32>
    %dot_general3A_867 = tpu.matmul %tanh3A_810, %get3A_865, %dot_general3A_866 {dimension_numbers = #tpu.dot_dimension_numbers<[1], [0], [0], [1], [0, 0, 1, 1], [], []>, transpose_lhs_hint = false} : vector<512x256xf32>, vector<256x256xf32>, vector<512x256xf32> -> vector<512x256xf32>
    %add3A_868 = arith.addf %dot_general3A_862, %dot_general3A_867 : vector<512x256xf32>
    %get3A_869 = arith.constant 0 : index
    %get3A_870 = arith.constant 0 : index
    %get3A_871 = vector.load %arg5[%get3A_869, %get3A_870] : memref<1x256xf32, #tpu.memory_space<vmem>>, vector<1x256xf32>
    %add3A_872 = vector.broadcast %get3A_871 : vector<1x256xf32> to vector<512x256xf32>
    %add3A_873 = arith.addf %add3A_868, %add3A_872 : vector<512x256xf32>
    %tanh3A_874 = math.tanh %add3A_873 : vector<512x256xf32>
    %get3A_875 = arith.constant 0 : index
    %get3A_876 = arith.constant 0 : index
    %get3A_877 = vector.load %arg6[%get3A_875, %get3A_876] : memref<128x256xf32, #tpu.memory_space<vmem>>, vector<128x256xf32>
    %dot_general3A_878 = arith.constant dense<0.000000e+00> : vector<512x256xf32>
    %dot_general3A_879 = tpu.matmul %dot_general3A_857, %get3A_877, %dot_general3A_878 {dimension_numbers = #tpu.dot_dimension_numbers<[1], [0], [0], [1], [0, 0, 1, 1], [], []>, transpose_lhs_hint = false} : vector<512x128xf32>, vector<128x256xf32>, vector<512x256xf32> -> vector<512x256xf32>
    %get3A_880 = arith.constant 0 : index
    %get3A_881 = arith.constant 0 : index
    %get3A_882 = vector.load %arg7[%get3A_880, %get3A_881] : memref<256x256xf32, #tpu.memory_space<vmem>>, vector<256x256xf32>
    %dot_general3A_883 = arith.constant dense<0.000000e+00> : vector<512x256xf32>
    %dot_general3A_884 = tpu.matmul %tanh3A_827, %get3A_882, %dot_general3A_883 {dimension_numbers = #tpu.dot_dimension_numbers<[1], [0], [0], [1], [0, 0, 1, 1], [], []>, transpose_lhs_hint = false} : vector<512x256xf32>, vector<256x256xf32>, vector<512x256xf32> -> vector<512x256xf32>
    %add3A_885 = arith.addf %dot_general3A_879, %dot_general3A_884 : vector<512x256xf32>
    %get3A_886 = arith.constant 0 : index
    %get3A_887 = arith.constant 0 : index
    %get3A_888 = vector.load %arg8[%get3A_886, %get3A_887] : memref<1x256xf32, #tpu.memory_space<vmem>>, vector<1x256xf32>
    %add3A_889 = vector.broadcast %get3A_888 : vector<1x256xf32> to vector<512x256xf32>
    %add3A_890 = arith.addf %add3A_885, %add3A_889 : vector<512x256xf32>
    %tanh3A_891 = math.tanh %add3A_890 : vector<512x256xf32>
    %get3A_892 = arith.constant 0 : index
    %get3A_893 = arith.constant 14 : index
    %get3A_894 = vector.load %arg0[%get3A_892, %get3A_893] : memref<512x16xi32, #tpu.memory_space<vmem>>, vector<512x1xi32>
    %eq3A_895 = vector.broadcast %get3A_894 : vector<512x1xi32> to vector<512x256xi32>
    %eq3A_896 = arith.cmpi eq, %eq3A_895, %iota3A : vector<512x256xi32>
    %jit3A_897 = arith.constant 1.000000e+00 : f32
    %jit3A_898 = arith.constant 0.000000e+00 : f32
    %broadcast_in_dim3A_899 = vector.broadcast %jit3A_897 : f32 to vector<512x256xf32>
    %broadcast_in_dim3A_900 = vector.broadcast %jit3A_898 : f32 to vector<512x256xf32>
    %select_n3A_901 = arith.select %eq3A_896, %broadcast_in_dim3A_899, %broadcast_in_dim3A_900 : vector<512x256xi1>, vector<512x256xf32>
    %get3A_902 = arith.constant 0 : index
    %get3A_903 = arith.constant 14 : index
    %get3A_904 = vector.load %arg1[%get3A_902, %get3A_903] : memref<512x16xi32, #tpu.memory_space<vmem>>, vector<512x1xi32>
    %eq3A_905 = vector.broadcast %get3A_904 : vector<512x1xi32> to vector<512x256xi32>
    %eq3A_906 = arith.cmpi eq, %eq3A_905, %iota3A : vector<512x256xi32>
    %jit3A_907 = arith.constant 1.000000e+00 : f32
    %jit3A_908 = arith.constant 0.000000e+00 : f32
    %broadcast_in_dim3A_909 = vector.broadcast %jit3A_907 : f32 to vector<512x256xf32>
    %broadcast_in_dim3A_910 = vector.broadcast %jit3A_908 : f32 to vector<512x256xf32>
    %select_n3A_911 = arith.select %eq3A_906, %broadcast_in_dim3A_909, %broadcast_in_dim3A_910 : vector<512x256xi1>, vector<512x256xf32>
    %get3A_912 = arith.constant 0 : index
    %get3A_913 = arith.constant 0 : index
    %get3A_914 = vector.load %arg2[%get3A_912, %get3A_913] : memref<256x128xf32, #tpu.memory_space<vmem>>, vector<256x128xf32>
    %dot_general3A_915 = arith.constant dense<0.000000e+00> : vector<512x128xf32>
    %dot_general3A_916 = tpu.matmul %select_n3A_901, %get3A_914, %dot_general3A_915 {dimension_numbers = #tpu.dot_dimension_numbers<[1], [0], [0], [1], [0, 0, 1, 1], [], []>, transpose_lhs_hint = false} : vector<512x256xf32>, vector<256x128xf32>, vector<512x128xf32> -> vector<512x128xf32>
    %get3A_917 = arith.constant 0 : index
    %get3A_918 = arith.constant 0 : index
    %get3A_919 = vector.load %arg2[%get3A_917, %get3A_918] : memref<256x128xf32, #tpu.memory_space<vmem>>, vector<256x128xf32>
    %dot_general3A_920 = arith.constant dense<0.000000e+00> : vector<512x128xf32>
    %dot_general3A_921 = tpu.matmul %select_n3A_911, %get3A_919, %dot_general3A_920 {dimension_numbers = #tpu.dot_dimension_numbers<[1], [0], [0], [1], [0, 0, 1, 1], [], []>, transpose_lhs_hint = false} : vector<512x256xf32>, vector<256x128xf32>, vector<512x128xf32> -> vector<512x128xf32>
    %get3A_922 = arith.constant 0 : index
    %get3A_923 = arith.constant 0 : index
    %get3A_924 = vector.load %arg3[%get3A_922, %get3A_923] : memref<128x256xf32, #tpu.memory_space<vmem>>, vector<128x256xf32>
    %dot_general3A_925 = arith.constant dense<0.000000e+00> : vector<512x256xf32>
    %dot_general3A_926 = tpu.matmul %dot_general3A_916, %get3A_924, %dot_general3A_925 {dimension_numbers = #tpu.dot_dimension_numbers<[1], [0], [0], [1], [0, 0, 1, 1], [], []>, transpose_lhs_hint = false} : vector<512x128xf32>, vector<128x256xf32>, vector<512x256xf32> -> vector<512x256xf32>
    %get3A_927 = arith.constant 0 : index
    %get3A_928 = arith.constant 0 : index
    %get3A_929 = vector.load %arg4[%get3A_927, %get3A_928] : memref<256x256xf32, #tpu.memory_space<vmem>>, vector<256x256xf32>
    %dot_general3A_930 = arith.constant dense<0.000000e+00> : vector<512x256xf32>
    %dot_general3A_931 = tpu.matmul %tanh3A_874, %get3A_929, %dot_general3A_930 {dimension_numbers = #tpu.dot_dimension_numbers<[1], [0], [0], [1], [0, 0, 1, 1], [], []>, transpose_lhs_hint = false} : vector<512x256xf32>, vector<256x256xf32>, vector<512x256xf32> -> vector<512x256xf32>
    %add3A_932 = arith.addf %dot_general3A_926, %dot_general3A_931 : vector<512x256xf32>
    %get3A_933 = arith.constant 0 : index
    %get3A_934 = arith.constant 0 : index
    %get3A_935 = vector.load %arg5[%get3A_933, %get3A_934] : memref<1x256xf32, #tpu.memory_space<vmem>>, vector<1x256xf32>
    %add3A_936 = vector.broadcast %get3A_935 : vector<1x256xf32> to vector<512x256xf32>
    %add3A_937 = arith.addf %add3A_932, %add3A_936 : vector<512x256xf32>
    %tanh3A_938 = math.tanh %add3A_937 : vector<512x256xf32>
    %get3A_939 = arith.constant 0 : index
    %get3A_940 = arith.constant 0 : index
    %get3A_941 = vector.load %arg6[%get3A_939, %get3A_940] : memref<128x256xf32, #tpu.memory_space<vmem>>, vector<128x256xf32>
    %dot_general3A_942 = arith.constant dense<0.000000e+00> : vector<512x256xf32>
    %dot_general3A_943 = tpu.matmul %dot_general3A_921, %get3A_941, %dot_general3A_942 {dimension_numbers = #tpu.dot_dimension_numbers<[1], [0], [0], [1], [0, 0, 1, 1], [], []>, transpose_lhs_hint = false} : vector<512x128xf32>, vector<128x256xf32>, vector<512x256xf32> -> vector<512x256xf32>
    %get3A_944 = arith.constant 0 : index
    %get3A_945 = arith.constant 0 : index
    %get3A_946 = vector.load %arg7[%get3A_944, %get3A_945] : memref<256x256xf32, #tpu.memory_space<vmem>>, vector<256x256xf32>
    %dot_general3A_947 = arith.constant dense<0.000000e+00> : vector<512x256xf32>
    %dot_general3A_948 = tpu.matmul %tanh3A_891, %get3A_946, %dot_general3A_947 {dimension_numbers = #tpu.dot_dimension_numbers<[1], [0], [0], [1], [0, 0, 1, 1], [], []>, transpose_lhs_hint = false} : vector<512x256xf32>, vector<256x256xf32>, vector<512x256xf32> -> vector<512x256xf32>
    %add3A_949 = arith.addf %dot_general3A_943, %dot_general3A_948 : vector<512x256xf32>
    %get3A_950 = arith.constant 0 : index
    %get3A_951 = arith.constant 0 : index
    %get3A_952 = vector.load %arg8[%get3A_950, %get3A_951] : memref<1x256xf32, #tpu.memory_space<vmem>>, vector<1x256xf32>
    %add3A_953 = vector.broadcast %get3A_952 : vector<1x256xf32> to vector<512x256xf32>
    %add3A_954 = arith.addf %add3A_949, %add3A_953 : vector<512x256xf32>
    %tanh3A_955 = math.tanh %add3A_954 : vector<512x256xf32>
    %get3A_956 = arith.constant 0 : index
    %get3A_957 = arith.constant 15 : index
    %get3A_958 = vector.load %arg0[%get3A_956, %get3A_957] : memref<512x16xi32, #tpu.memory_space<vmem>>, vector<512x1xi32>
    %eq3A_959 = vector.broadcast %get3A_958 : vector<512x1xi32> to vector<512x256xi32>
    %eq3A_960 = arith.cmpi eq, %eq3A_959, %iota3A : vector<512x256xi32>
    %jit3A_961 = arith.constant 1.000000e+00 : f32
    %jit3A_962 = arith.constant 0.000000e+00 : f32
    %broadcast_in_dim3A_963 = vector.broadcast %jit3A_961 : f32 to vector<512x256xf32>
    %broadcast_in_dim3A_964 = vector.broadcast %jit3A_962 : f32 to vector<512x256xf32>
    %select_n3A_965 = arith.select %eq3A_960, %broadcast_in_dim3A_963, %broadcast_in_dim3A_964 : vector<512x256xi1>, vector<512x256xf32>
    %get3A_966 = arith.constant 0 : index
    %get3A_967 = arith.constant 15 : index
    %get3A_968 = vector.load %arg1[%get3A_966, %get3A_967] : memref<512x16xi32, #tpu.memory_space<vmem>>, vector<512x1xi32>
    %eq3A_969 = vector.broadcast %get3A_968 : vector<512x1xi32> to vector<512x256xi32>
    %eq3A_970 = arith.cmpi eq, %eq3A_969, %iota3A : vector<512x256xi32>
    %jit3A_971 = arith.constant 1.000000e+00 : f32
    %jit3A_972 = arith.constant 0.000000e+00 : f32
    %broadcast_in_dim3A_973 = vector.broadcast %jit3A_971 : f32 to vector<512x256xf32>
    %broadcast_in_dim3A_974 = vector.broadcast %jit3A_972 : f32 to vector<512x256xf32>
    %select_n3A_975 = arith.select %eq3A_970, %broadcast_in_dim3A_973, %broadcast_in_dim3A_974 : vector<512x256xi1>, vector<512x256xf32>
    %get3A_976 = arith.constant 0 : index
    %get3A_977 = arith.constant 0 : index
    %get3A_978 = vector.load %arg2[%get3A_976, %get3A_977] : memref<256x128xf32, #tpu.memory_space<vmem>>, vector<256x128xf32>
    %dot_general3A_979 = arith.constant dense<0.000000e+00> : vector<512x128xf32>
    %dot_general3A_980 = tpu.matmul %select_n3A_965, %get3A_978, %dot_general3A_979 {dimension_numbers = #tpu.dot_dimension_numbers<[1], [0], [0], [1], [0, 0, 1, 1], [], []>, transpose_lhs_hint = false} : vector<512x256xf32>, vector<256x128xf32>, vector<512x128xf32> -> vector<512x128xf32>
    %get3A_981 = arith.constant 0 : index
    %get3A_982 = arith.constant 0 : index
    %get3A_983 = vector.load %arg2[%get3A_981, %get3A_982] : memref<256x128xf32, #tpu.memory_space<vmem>>, vector<256x128xf32>
    %dot_general3A_984 = arith.constant dense<0.000000e+00> : vector<512x128xf32>
    %dot_general3A_985 = tpu.matmul %select_n3A_975, %get3A_983, %dot_general3A_984 {dimension_numbers = #tpu.dot_dimension_numbers<[1], [0], [0], [1], [0, 0, 1, 1], [], []>, transpose_lhs_hint = false} : vector<512x256xf32>, vector<256x128xf32>, vector<512x128xf32> -> vector<512x128xf32>
    %get3A_986 = arith.constant 0 : index
    %get3A_987 = arith.constant 0 : index
    %get3A_988 = vector.load %arg3[%get3A_986, %get3A_987] : memref<128x256xf32, #tpu.memory_space<vmem>>, vector<128x256xf32>
    %dot_general3A_989 = arith.constant dense<0.000000e+00> : vector<512x256xf32>
    %dot_general3A_990 = tpu.matmul %dot_general3A_980, %get3A_988, %dot_general3A_989 {dimension_numbers = #tpu.dot_dimension_numbers<[1], [0], [0], [1], [0, 0, 1, 1], [], []>, transpose_lhs_hint = false} : vector<512x128xf32>, vector<128x256xf32>, vector<512x256xf32> -> vector<512x256xf32>
    %get3A_991 = arith.constant 0 : index
    %get3A_992 = arith.constant 0 : index
    %get3A_993 = vector.load %arg4[%get3A_991, %get3A_992] : memref<256x256xf32, #tpu.memory_space<vmem>>, vector<256x256xf32>
    %dot_general3A_994 = arith.constant dense<0.000000e+00> : vector<512x256xf32>
    %dot_general3A_995 = tpu.matmul %tanh3A_938, %get3A_993, %dot_general3A_994 {dimension_numbers = #tpu.dot_dimension_numbers<[1], [0], [0], [1], [0, 0, 1, 1], [], []>, transpose_lhs_hint = false} : vector<512x256xf32>, vector<256x256xf32>, vector<512x256xf32> -> vector<512x256xf32>
    %add3A_996 = arith.addf %dot_general3A_990, %dot_general3A_995 : vector<512x256xf32>
    %get3A_997 = arith.constant 0 : index
    %get3A_998 = arith.constant 0 : index
    %get3A_999 = vector.load %arg5[%get3A_997, %get3A_998] : memref<1x256xf32, #tpu.memory_space<vmem>>, vector<1x256xf32>
    %add3A_1000 = vector.broadcast %get3A_999 : vector<1x256xf32> to vector<512x256xf32>
    %add3A_1001 = arith.addf %add3A_996, %add3A_1000 : vector<512x256xf32>
    %tanh3A_1002 = math.tanh %add3A_1001 : vector<512x256xf32>
    %get3A_1003 = arith.constant 0 : index
    %get3A_1004 = arith.constant 0 : index
    %get3A_1005 = vector.load %arg6[%get3A_1003, %get3A_1004] : memref<128x256xf32, #tpu.memory_space<vmem>>, vector<128x256xf32>
    %dot_general3A_1006 = arith.constant dense<0.000000e+00> : vector<512x256xf32>
    %dot_general3A_1007 = tpu.matmul %dot_general3A_985, %get3A_1005, %dot_general3A_1006 {dimension_numbers = #tpu.dot_dimension_numbers<[1], [0], [0], [1], [0, 0, 1, 1], [], []>, transpose_lhs_hint = false} : vector<512x128xf32>, vector<128x256xf32>, vector<512x256xf32> -> vector<512x256xf32>
    %get3A_1008 = arith.constant 0 : index
    %get3A_1009 = arith.constant 0 : index
    %get3A_1010 = vector.load %arg7[%get3A_1008, %get3A_1009] : memref<256x256xf32, #tpu.memory_space<vmem>>, vector<256x256xf32>
    %dot_general3A_1011 = arith.constant dense<0.000000e+00> : vector<512x256xf32>
    %dot_general3A_1012 = tpu.matmul %tanh3A_955, %get3A_1010, %dot_general3A_1011 {dimension_numbers = #tpu.dot_dimension_numbers<[1], [0], [0], [1], [0, 0, 1, 1], [], []>, transpose_lhs_hint = false} : vector<512x256xf32>, vector<256x256xf32>, vector<512x256xf32> -> vector<512x256xf32>
    %add3A_1013 = arith.addf %dot_general3A_1007, %dot_general3A_1012 : vector<512x256xf32>
    %get3A_1014 = arith.constant 0 : index
    %get3A_1015 = arith.constant 0 : index
    %get3A_1016 = vector.load %arg8[%get3A_1014, %get3A_1015] : memref<1x256xf32, #tpu.memory_space<vmem>>, vector<1x256xf32>
    %add3A_1017 = vector.broadcast %get3A_1016 : vector<1x256xf32> to vector<512x256xf32>
    %add3A_1018 = arith.addf %add3A_1013, %add3A_1017 : vector<512x256xf32>
    %tanh3A_1019 = math.tanh %add3A_1018 : vector<512x256xf32>
    %concatenate3A = tpu.concatenate %tanh3A_1002, %tanh3A_1019 in 1 : vector<512x256xf32>, vector<512x256xf32> -> vector<512x512xf32>
    %get3A_1020 = arith.constant 0 : index
    %get3A_1021 = arith.constant 0 : index
    %get3A_1022 = vector.load %arg9[%get3A_1020, %get3A_1021] : memref<512x256xf32, #tpu.memory_space<vmem>>, vector<512x256xf32>
    %dot_general3A_1023 = arith.constant dense<0.000000e+00> : vector<512x256xf32>
    %dot_general3A_1024 = tpu.matmul %concatenate3A, %get3A_1022, %dot_general3A_1023 {dimension_numbers = #tpu.dot_dimension_numbers<[1], [0], [0], [1], [0, 0, 1, 1], [], []>, transpose_lhs_hint = false} : vector<512x512xf32>, vector<512x256xf32>, vector<512x256xf32> -> vector<512x256xf32>
    %get3A_1025 = arith.constant 0 : index
    %get3A_1026 = arith.constant 0 : index
    %get3A_1027 = vector.load %arg10[%get3A_1025, %get3A_1026] : memref<1x256xf32, #tpu.memory_space<vmem>>, vector<1x256xf32>
    %add3A_1028 = vector.broadcast %get3A_1027 : vector<1x256xf32> to vector<512x256xf32>
    %add3A_1029 = arith.addf %dot_general3A_1024, %add3A_1028 : vector<512x256xf32>
    %tanh3A_1030 = math.tanh %add3A_1029 : vector<512x256xf32>
    %get3A_1031 = arith.constant 0 : index
    %get3A_1032 = arith.constant 0 : index
    %get3A_1033 = vector.load %arg11[%get3A_1031, %get3A_1032] : memref<256x512xf32, #tpu.memory_space<vmem>>, vector<256x512xf32>
    %dot_general3A_1034 = arith.constant dense<0.000000e+00> : vector<512x512xf32>
    %dot_general3A_1035 = tpu.matmul %tanh3A_1030, %get3A_1033, %dot_general3A_1034 {dimension_numbers = #tpu.dot_dimension_numbers<[1], [0], [0], [1], [0, 0, 1, 1], [], []>, transpose_lhs_hint = false} : vector<512x256xf32>, vector<256x512xf32>, vector<512x512xf32> -> vector<512x512xf32>
    %get3A_1036 = arith.constant 0 : index
    %get3A_1037 = arith.constant 0 : index
    %get3A_1038 = vector.load %arg13[%get3A_1036, %get3A_1037] : memref<1x512xf32, #tpu.memory_space<vmem>>, vector<1x512xf32>
    %add3A_1039 = vector.broadcast %get3A_1038 : vector<1x512xf32> to vector<512x512xf32>
    %add3A_1040 = arith.addf %dot_general3A_1035, %add3A_1039 : vector<512x512xf32>
    %swap3A = arith.constant 0 : index
    %swap3A_1041 = arith.constant 0 : index
    %swap3A_1042 = vector.load %arg20[%swap3A, %swap3A_1041] : memref<512x512xf32, #tpu.memory_space<vmem>>, vector<512x512xf32>
    tpu.vector_store %arg20[%swap3A, %swap3A_1041], %add3A_1040 {strides = array<i32>} : memref<512x512xf32, #tpu.memory_space<vmem>>, vector<512x512xf32>,
    %get3A_1043 = arith.constant 0 : index
    %get3A_1044 = arith.constant 0 : index
    %get3A_1045 = vector.load %arg14[%get3A_1043, %get3A_1044] : memref<256x512xf32, #tpu.memory_space<vmem>>, vector<256x512xf32>
    %dot_general3A_1046 = arith.constant dense<0.000000e+00> : vector<512x512xf32>
    %dot_general3A_1047 = tpu.matmul %tanh3A_1030, %get3A_1045, %dot_general3A_1046 {dimension_numbers = #tpu.dot_dimension_numbers<[1], [0], [0], [1], [0, 0, 1, 1], [], []>, transpose_lhs_hint = false} : vector<512x256xf32>, vector<256x512xf32>, vector<512x512xf32> -> vector<512x512xf32>
    %get3A_1048 = arith.constant 0 : index
    %get3A_1049 = arith.constant 0 : index
    %get3A_1050 = vector.load %arg16[%get3A_1048, %get3A_1049] : memref<1x512xf32, #tpu.memory_space<vmem>>, vector<1x512xf32>
    %add3A_1051 = vector.broadcast %get3A_1050 : vector<1x512xf32> to vector<512x512xf32>
    %add3A_1052 = arith.addf %dot_general3A_1047, %add3A_1051 : vector<512x512xf32>
    %swap3A_1053 = arith.constant 0 : index
    %swap3A_1054 = arith.constant 0 : index
    %swap3A_1055 = vector.load %arg21[%swap3A_1053, %swap3A_1054] : memref<512x512xf32, #tpu.memory_space<vmem>>, vector<512x512xf32>
    tpu.vector_store %arg21[%swap3A_1053, %swap3A_1054], %add3A_1052 {strides = array<i32>} : memref<512x512xf32, #tpu.memory_space<vmem>>, vector<512x512xf32>,
    %broadcast_in_dim3A_1056 = arith.constant 0.000000e+00 : f32
    %broadcast_in_dim3A_1057 = vector.broadcast %broadcast_in_dim3A_1056 : f32 to vector<1x512xf32>
    %scan3A = arith.constant 0 : i32
    %scan3A_1058 = arith.constant 512 : i32
    %scan3A_1059 = arith.addi %scan3A, %scan3A_1058 : i32
    %scan3A_1060 = arith.constant 8 : i32
    %scan3A_1061:2 = scf.for %scan3A_1083 = %scan3A to %scan3A_1059 step %scan3A_1060 iter_args(%scan3A_1084 = %broadcast_in_dim3A_1057, %scan3A_1085 = %broadcast_in_dim3A_1057) -> (vector<1x512xf32>, vector<1x512xf32>)  : i32 {
      %get3A_1086 = arith.constant 0 : index
      %get3A_1087 = arith.constant 0 : index
      %get3A_1088 = vector.load %arg12[%get3A_1086, %get3A_1087] : memref<512x512xf32, #tpu.memory_space<vmem>>, vector<512x512xf32>
      %dot_general3A_1089 = arith.constant dense<0.000000e+00> : vector<1x512xf32>
      %dot_general3A_1090 = tpu.matmul %scan3A_1084, %get3A_1088, %dot_general3A_1089 {dimension_numbers = #tpu.dot_dimension_numbers<[1], [0], [0], [1], [0, 0, 1, 1], [], []>, transpose_lhs_hint = false} : vector<1x512xf32>, vector<512x512xf32>, vector<1x512xf32> -> vector<1x512xf32>
      %get3A_1091 = arith.constant 0 : index
      %get3A_1092 = arith.constant 0 : index
      %get3A_1093 = vector.load %arg15[%get3A_1091, %get3A_1092] : memref<512x512xf32, #tpu.memory_space<vmem>>, vector<512x512xf32>
      %dot_general3A_1094 = arith.constant dense<0.000000e+00> : vector<1x512xf32>
      %dot_general3A_1095 = tpu.matmul %scan3A_1085, %get3A_1093, %dot_general3A_1094 {dimension_numbers = #tpu.dot_dimension_numbers<[1], [0], [0], [1], [0, 0, 1, 1], [], []>, transpose_lhs_hint = false} : vector<1x512xf32>, vector<512x512xf32>, vector<1x512xf32> -> vector<1x512xf32>
      %get3A_1096 = arith.index_cast %scan3A_1083 : i32 to index
      %get3A_1097 = arith.constant 0 : index
      %get3A_1098 = vector.load %arg20[%get3A_1096, %get3A_1097] : memref<512x512xf32, #tpu.memory_space<vmem>>, vector<1x512xf32>
      %add3A_1099 = arith.addf %get3A_1098, %dot_general3A_1090 : vector<1x512xf32>
      %tanh3A_1100 = math.tanh %add3A_1099 : vector<1x512xf32>
      %sub3A = arith.constant 511 : i32
      %sub3A_1101 = arith.subi %sub3A, %scan3A_1083 : i32
      %get3A_1102 = arith.index_cast %sub3A_1101 : i32 to index
      %get3A_1103 = arith.constant 0 : index
      %get3A_1104 = vector.load %arg21[%get3A_1102, %get3A_1103] : memref<512x512xf32, #tpu.memory_space<vmem>>, vector<1x512xf32>
      %add3A_1105 = arith.addf %get3A_1104, %dot_general3A_1095 : vector<1x512xf32>
      %tanh3A_1106 = math.tanh %add3A_1105 : vector<1x512xf32>
      %swap3A_1107 = arith.index_cast %scan3A_1083 : i32 to index
      %swap3A_1108 = arith.constant 0 : index
      %swap3A_1109 = vector.load %arg22[%swap3A_1107, %swap3A_1108] : memref<512x512xf32, #tpu.memory_space<vmem>>, vector<1x512xf32>
      tpu.vector_store %arg22[%swap3A_1107, %swap3A_1108], %tanh3A_1100 {strides = array<i32>} : memref<512x512xf32, #tpu.memory_space<vmem>>, vector<1x512xf32>,
      %sub3A_1110 = arith.constant 511 : i32
      %sub3A_1111 = arith.subi %sub3A_1110, %scan3A_1083 : i32
      %swap3A_1112 = arith.index_cast %sub3A_1111 : i32 to index
      %swap3A_1113 = arith.constant 0 : index
      %swap3A_1114 = vector.load %arg23[%swap3A_1112, %swap3A_1113] : memref<512x512xf32, #tpu.memory_space<vmem>>, vector<1x512xf32>
      tpu.vector_store %arg23[%swap3A_1112, %swap3A_1113], %tanh3A_1106 {strides = array<i32>} : memref<512x512xf32, #tpu.memory_space<vmem>>, vector<1x512xf32>,
      %scan3A_1115 = arith.constant 1 : i32
      %scan3A_1116 = arith.addi %scan3A_1083, %scan3A_1115 : i32
      %get3A_1117 = arith.constant 0 : index
      %get3A_1118 = arith.constant 0 : index
      %get3A_1119 = vector.load %arg12[%get3A_1117, %get3A_1118] : memref<512x512xf32, #tpu.memory_space<vmem>>, vector<512x512xf32>
      %dot_general3A_1120 = arith.constant dense<0.000000e+00> : vector<1x512xf32>
      %dot_general3A_1121 = tpu.matmul %tanh3A_1100, %get3A_1119, %dot_general3A_1120 {dimension_numbers = #tpu.dot_dimension_numbers<[1], [0], [0], [1], [0, 0, 1, 1], [], []>, transpose_lhs_hint = false} : vector<1x512xf32>, vector<512x512xf32>, vector<1x512xf32> -> vector<1x512xf32>
      %get3A_1122 = arith.constant 0 : index
      %get3A_1123 = arith.constant 0 : index
      %get3A_1124 = vector.load %arg15[%get3A_1122, %get3A_1123] : memref<512x512xf32, #tpu.memory_space<vmem>>, vector<512x512xf32>
      %dot_general3A_1125 = arith.constant dense<0.000000e+00> : vector<1x512xf32>
      %dot_general3A_1126 = tpu.matmul %tanh3A_1106, %get3A_1124, %dot_general3A_1125 {dimension_numbers = #tpu.dot_dimension_numbers<[1], [0], [0], [1], [0, 0, 1, 1], [], []>, transpose_lhs_hint = false} : vector<1x512xf32>, vector<512x512xf32>, vector<1x512xf32> -> vector<1x512xf32>
      %get3A_1127 = arith.index_cast %scan3A_1116 : i32 to index
      %get3A_1128 = arith.constant 0 : index
      %get3A_1129 = vector.load %arg20[%get3A_1127, %get3A_1128] : memref<512x512xf32, #tpu.memory_space<vmem>>, vector<1x512xf32>
      %add3A_1130 = arith.addf %get3A_1129, %dot_general3A_1121 : vector<1x512xf32>
      %tanh3A_1131 = math.tanh %add3A_1130 : vector<1x512xf32>
      %sub3A_1132 = arith.constant 511 : i32
      %sub3A_1133 = arith.subi %sub3A_1132, %scan3A_1116 : i32
      %get3A_1134 = arith.index_cast %sub3A_1133 : i32 to index
      %get3A_1135 = arith.constant 0 : index
      %get3A_1136 = vector.load %arg21[%get3A_1134, %get3A_1135] : memref<512x512xf32, #tpu.memory_space<vmem>>, vector<1x512xf32>
      %add3A_1137 = arith.addf %get3A_1136, %dot_general3A_1126 : vector<1x512xf32>
      %tanh3A_1138 = math.tanh %add3A_1137 : vector<1x512xf32>
      %swap3A_1139 = arith.index_cast %scan3A_1116 : i32 to index
      %swap3A_1140 = arith.constant 0 : index
      %swap3A_1141 = vector.load %arg22[%swap3A_1139, %swap3A_1140] : memref<512x512xf32, #tpu.memory_space<vmem>>, vector<1x512xf32>
      tpu.vector_store %arg22[%swap3A_1139, %swap3A_1140], %tanh3A_1131 {strides = array<i32>} : memref<512x512xf32, #tpu.memory_space<vmem>>, vector<1x512xf32>,
      %sub3A_1142 = arith.constant 511 : i32
      %sub3A_1143 = arith.subi %sub3A_1142, %scan3A_1116 : i32
      %swap3A_1144 = arith.index_cast %sub3A_1143 : i32 to index
      %swap3A_1145 = arith.constant 0 : index
      %swap3A_1146 = vector.load %arg23[%swap3A_1144, %swap3A_1145] : memref<512x512xf32, #tpu.memory_space<vmem>>, vector<1x512xf32>
      tpu.vector_store %arg23[%swap3A_1144, %swap3A_1145], %tanh3A_1138 {strides = array<i32>} : memref<512x512xf32, #tpu.memory_space<vmem>>, vector<1x512xf32>,
      %scan3A_1147 = arith.constant 2 : i32
      %scan3A_1148 = arith.addi %scan3A_1083, %scan3A_1147 : i32
      %get3A_1149 = arith.constant 0 : index
      %get3A_1150 = arith.constant 0 : index
      %get3A_1151 = vector.load %arg12[%get3A_1149, %get3A_1150] : memref<512x512xf32, #tpu.memory_space<vmem>>, vector<512x512xf32>
      %dot_general3A_1152 = arith.constant dense<0.000000e+00> : vector<1x512xf32>
      %dot_general3A_1153 = tpu.matmul %tanh3A_1131, %get3A_1151, %dot_general3A_1152 {dimension_numbers = #tpu.dot_dimension_numbers<[1], [0], [0], [1], [0, 0, 1, 1], [], []>, transpose_lhs_hint = false} : vector<1x512xf32>, vector<512x512xf32>, vector<1x512xf32> -> vector<1x512xf32>
      %get3A_1154 = arith.constant 0 : index
      %get3A_1155 = arith.constant 0 : index
      %get3A_1156 = vector.load %arg15[%get3A_1154, %get3A_1155] : memref<512x512xf32, #tpu.memory_space<vmem>>, vector<512x512xf32>
      %dot_general3A_1157 = arith.constant dense<0.000000e+00> : vector<1x512xf32>
      %dot_general3A_1158 = tpu.matmul %tanh3A_1138, %get3A_1156, %dot_general3A_1157 {dimension_numbers = #tpu.dot_dimension_numbers<[1], [0], [0], [1], [0, 0, 1, 1], [], []>, transpose_lhs_hint = false} : vector<1x512xf32>, vector<512x512xf32>, vector<1x512xf32> -> vector<1x512xf32>
      %get3A_1159 = arith.index_cast %scan3A_1148 : i32 to index
      %get3A_1160 = arith.constant 0 : index
      %get3A_1161 = vector.load %arg20[%get3A_1159, %get3A_1160] : memref<512x512xf32, #tpu.memory_space<vmem>>, vector<1x512xf32>
      %add3A_1162 = arith.addf %get3A_1161, %dot_general3A_1153 : vector<1x512xf32>
      %tanh3A_1163 = math.tanh %add3A_1162 : vector<1x512xf32>
      %sub3A_1164 = arith.constant 511 : i32
      %sub3A_1165 = arith.subi %sub3A_1164, %scan3A_1148 : i32
      %get3A_1166 = arith.index_cast %sub3A_1165 : i32 to index
      %get3A_1167 = arith.constant 0 : index
      %get3A_1168 = vector.load %arg21[%get3A_1166, %get3A_1167] : memref<512x512xf32, #tpu.memory_space<vmem>>, vector<1x512xf32>
      %add3A_1169 = arith.addf %get3A_1168, %dot_general3A_1158 : vector<1x512xf32>
      %tanh3A_1170 = math.tanh %add3A_1169 : vector<1x512xf32>
      %swap3A_1171 = arith.index_cast %scan3A_1148 : i32 to index
      %swap3A_1172 = arith.constant 0 : index
      %swap3A_1173 = vector.load %arg22[%swap3A_1171, %swap3A_1172] : memref<512x512xf32, #tpu.memory_space<vmem>>, vector<1x512xf32>
      tpu.vector_store %arg22[%swap3A_1171, %swap3A_1172], %tanh3A_1163 {strides = array<i32>} : memref<512x512xf32, #tpu.memory_space<vmem>>, vector<1x512xf32>,
      %sub3A_1174 = arith.constant 511 : i32
      %sub3A_1175 = arith.subi %sub3A_1174, %scan3A_1148 : i32
      %swap3A_1176 = arith.index_cast %sub3A_1175 : i32 to index
      %swap3A_1177 = arith.constant 0 : index
      %swap3A_1178 = vector.load %arg23[%swap3A_1176, %swap3A_1177] : memref<512x512xf32, #tpu.memory_space<vmem>>, vector<1x512xf32>
      tpu.vector_store %arg23[%swap3A_1176, %swap3A_1177], %tanh3A_1170 {strides = array<i32>} : memref<512x512xf32, #tpu.memory_space<vmem>>, vector<1x512xf32>,
      %scan3A_1179 = arith.constant 3 : i32
      %scan3A_1180 = arith.addi %scan3A_1083, %scan3A_1179 : i32
      %get3A_1181 = arith.constant 0 : index
      %get3A_1182 = arith.constant 0 : index
      %get3A_1183 = vector.load %arg12[%get3A_1181, %get3A_1182] : memref<512x512xf32, #tpu.memory_space<vmem>>, vector<512x512xf32>
      %dot_general3A_1184 = arith.constant dense<0.000000e+00> : vector<1x512xf32>
      %dot_general3A_1185 = tpu.matmul %tanh3A_1163, %get3A_1183, %dot_general3A_1184 {dimension_numbers = #tpu.dot_dimension_numbers<[1], [0], [0], [1], [0, 0, 1, 1], [], []>, transpose_lhs_hint = false} : vector<1x512xf32>, vector<512x512xf32>, vector<1x512xf32> -> vector<1x512xf32>
      %get3A_1186 = arith.constant 0 : index
      %get3A_1187 = arith.constant 0 : index
      %get3A_1188 = vector.load %arg15[%get3A_1186, %get3A_1187] : memref<512x512xf32, #tpu.memory_space<vmem>>, vector<512x512xf32>
      %dot_general3A_1189 = arith.constant dense<0.000000e+00> : vector<1x512xf32>
      %dot_general3A_1190 = tpu.matmul %tanh3A_1170, %get3A_1188, %dot_general3A_1189 {dimension_numbers = #tpu.dot_dimension_numbers<[1], [0], [0], [1], [0, 0, 1, 1], [], []>, transpose_lhs_hint = false} : vector<1x512xf32>, vector<512x512xf32>, vector<1x512xf32> -> vector<1x512xf32>
      %get3A_1191 = arith.index_cast %scan3A_1180 : i32 to index
      %get3A_1192 = arith.constant 0 : index
      %get3A_1193 = vector.load %arg20[%get3A_1191, %get3A_1192] : memref<512x512xf32, #tpu.memory_space<vmem>>, vector<1x512xf32>
      %add3A_1194 = arith.addf %get3A_1193, %dot_general3A_1185 : vector<1x512xf32>
      %tanh3A_1195 = math.tanh %add3A_1194 : vector<1x512xf32>
      %sub3A_1196 = arith.constant 511 : i32
      %sub3A_1197 = arith.subi %sub3A_1196, %scan3A_1180 : i32
      %get3A_1198 = arith.index_cast %sub3A_1197 : i32 to index
      %get3A_1199 = arith.constant 0 : index
      %get3A_1200 = vector.load %arg21[%get3A_1198, %get3A_1199] : memref<512x512xf32, #tpu.memory_space<vmem>>, vector<1x512xf32>
      %add3A_1201 = arith.addf %get3A_1200, %dot_general3A_1190 : vector<1x512xf32>
      %tanh3A_1202 = math.tanh %add3A_1201 : vector<1x512xf32>
      %swap3A_1203 = arith.index_cast %scan3A_1180 : i32 to index
      %swap3A_1204 = arith.constant 0 : index
      %swap3A_1205 = vector.load %arg22[%swap3A_1203, %swap3A_1204] : memref<512x512xf32, #tpu.memory_space<vmem>>, vector<1x512xf32>
      tpu.vector_store %arg22[%swap3A_1203, %swap3A_1204], %tanh3A_1195 {strides = array<i32>} : memref<512x512xf32, #tpu.memory_space<vmem>>, vector<1x512xf32>,
      %sub3A_1206 = arith.constant 511 : i32
      %sub3A_1207 = arith.subi %sub3A_1206, %scan3A_1180 : i32
      %swap3A_1208 = arith.index_cast %sub3A_1207 : i32 to index
      %swap3A_1209 = arith.constant 0 : index
      %swap3A_1210 = vector.load %arg23[%swap3A_1208, %swap3A_1209] : memref<512x512xf32, #tpu.memory_space<vmem>>, vector<1x512xf32>
      tpu.vector_store %arg23[%swap3A_1208, %swap3A_1209], %tanh3A_1202 {strides = array<i32>} : memref<512x512xf32, #tpu.memory_space<vmem>>, vector<1x512xf32>,
      %scan3A_1211 = arith.constant 4 : i32
      %scan3A_1212 = arith.addi %scan3A_1083, %scan3A_1211 : i32
      %get3A_1213 = arith.constant 0 : index
      %get3A_1214 = arith.constant 0 : index
      %get3A_1215 = vector.load %arg12[%get3A_1213, %get3A_1214] : memref<512x512xf32, #tpu.memory_space<vmem>>, vector<512x512xf32>
      %dot_general3A_1216 = arith.constant dense<0.000000e+00> : vector<1x512xf32>
      %dot_general3A_1217 = tpu.matmul %tanh3A_1195, %get3A_1215, %dot_general3A_1216 {dimension_numbers = #tpu.dot_dimension_numbers<[1], [0], [0], [1], [0, 0, 1, 1], [], []>, transpose_lhs_hint = false} : vector<1x512xf32>, vector<512x512xf32>, vector<1x512xf32> -> vector<1x512xf32>
      %get3A_1218 = arith.constant 0 : index
      %get3A_1219 = arith.constant 0 : index
      %get3A_1220 = vector.load %arg15[%get3A_1218, %get3A_1219] : memref<512x512xf32, #tpu.memory_space<vmem>>, vector<512x512xf32>
      %dot_general3A_1221 = arith.constant dense<0.000000e+00> : vector<1x512xf32>
      %dot_general3A_1222 = tpu.matmul %tanh3A_1202, %get3A_1220, %dot_general3A_1221 {dimension_numbers = #tpu.dot_dimension_numbers<[1], [0], [0], [1], [0, 0, 1, 1], [], []>, transpose_lhs_hint = false} : vector<1x512xf32>, vector<512x512xf32>, vector<1x512xf32> -> vector<1x512xf32>
      %get3A_1223 = arith.index_cast %scan3A_1212 : i32 to index
      %get3A_1224 = arith.constant 0 : index
      %get3A_1225 = vector.load %arg20[%get3A_1223, %get3A_1224] : memref<512x512xf32, #tpu.memory_space<vmem>>, vector<1x512xf32>
      %add3A_1226 = arith.addf %get3A_1225, %dot_general3A_1217 : vector<1x512xf32>
      %tanh3A_1227 = math.tanh %add3A_1226 : vector<1x512xf32>
      %sub3A_1228 = arith.constant 511 : i32
      %sub3A_1229 = arith.subi %sub3A_1228, %scan3A_1212 : i32
      %get3A_1230 = arith.index_cast %sub3A_1229 : i32 to index
      %get3A_1231 = arith.constant 0 : index
      %get3A_1232 = vector.load %arg21[%get3A_1230, %get3A_1231] : memref<512x512xf32, #tpu.memory_space<vmem>>, vector<1x512xf32>
      %add3A_1233 = arith.addf %get3A_1232, %dot_general3A_1222 : vector<1x512xf32>
      %tanh3A_1234 = math.tanh %add3A_1233 : vector<1x512xf32>
      %swap3A_1235 = arith.index_cast %scan3A_1212 : i32 to index
      %swap3A_1236 = arith.constant 0 : index
      %swap3A_1237 = vector.load %arg22[%swap3A_1235, %swap3A_1236] : memref<512x512xf32, #tpu.memory_space<vmem>>, vector<1x512xf32>
      tpu.vector_store %arg22[%swap3A_1235, %swap3A_1236], %tanh3A_1227 {strides = array<i32>} : memref<512x512xf32, #tpu.memory_space<vmem>>, vector<1x512xf32>,
      %sub3A_1238 = arith.constant 511 : i32
      %sub3A_1239 = arith.subi %sub3A_1238, %scan3A_1212 : i32
      %swap3A_1240 = arith.index_cast %sub3A_1239 : i32 to index
      %swap3A_1241 = arith.constant 0 : index
      %swap3A_1242 = vector.load %arg23[%swap3A_1240, %swap3A_1241] : memref<512x512xf32, #tpu.memory_space<vmem>>, vector<1x512xf32>
      tpu.vector_store %arg23[%swap3A_1240, %swap3A_1241], %tanh3A_1234 {strides = array<i32>} : memref<512x512xf32, #tpu.memory_space<vmem>>, vector<1x512xf32>,
      %scan3A_1243 = arith.constant 5 : i32
      %scan3A_1244 = arith.addi %scan3A_1083, %scan3A_1243 : i32
      %get3A_1245 = arith.constant 0 : index
      %get3A_1246 = arith.constant 0 : index
      %get3A_1247 = vector.load %arg12[%get3A_1245, %get3A_1246] : memref<512x512xf32, #tpu.memory_space<vmem>>, vector<512x512xf32>
      %dot_general3A_1248 = arith.constant dense<0.000000e+00> : vector<1x512xf32>
      %dot_general3A_1249 = tpu.matmul %tanh3A_1227, %get3A_1247, %dot_general3A_1248 {dimension_numbers = #tpu.dot_dimension_numbers<[1], [0], [0], [1], [0, 0, 1, 1], [], []>, transpose_lhs_hint = false} : vector<1x512xf32>, vector<512x512xf32>, vector<1x512xf32> -> vector<1x512xf32>
      %get3A_1250 = arith.constant 0 : index
      %get3A_1251 = arith.constant 0 : index
      %get3A_1252 = vector.load %arg15[%get3A_1250, %get3A_1251] : memref<512x512xf32, #tpu.memory_space<vmem>>, vector<512x512xf32>
      %dot_general3A_1253 = arith.constant dense<0.000000e+00> : vector<1x512xf32>
      %dot_general3A_1254 = tpu.matmul %tanh3A_1234, %get3A_1252, %dot_general3A_1253 {dimension_numbers = #tpu.dot_dimension_numbers<[1], [0], [0], [1], [0, 0, 1, 1], [], []>, transpose_lhs_hint = false} : vector<1x512xf32>, vector<512x512xf32>, vector<1x512xf32> -> vector<1x512xf32>
      %get3A_1255 = arith.index_cast %scan3A_1244 : i32 to index
      %get3A_1256 = arith.constant 0 : index
      %get3A_1257 = vector.load %arg20[%get3A_1255, %get3A_1256] : memref<512x512xf32, #tpu.memory_space<vmem>>, vector<1x512xf32>
      %add3A_1258 = arith.addf %get3A_1257, %dot_general3A_1249 : vector<1x512xf32>
      %tanh3A_1259 = math.tanh %add3A_1258 : vector<1x512xf32>
      %sub3A_1260 = arith.constant 511 : i32
      %sub3A_1261 = arith.subi %sub3A_1260, %scan3A_1244 : i32
      %get3A_1262 = arith.index_cast %sub3A_1261 : i32 to index
      %get3A_1263 = arith.constant 0 : index
      %get3A_1264 = vector.load %arg21[%get3A_1262, %get3A_1263] : memref<512x512xf32, #tpu.memory_space<vmem>>, vector<1x512xf32>
      %add3A_1265 = arith.addf %get3A_1264, %dot_general3A_1254 : vector<1x512xf32>
      %tanh3A_1266 = math.tanh %add3A_1265 : vector<1x512xf32>
      %swap3A_1267 = arith.index_cast %scan3A_1244 : i32 to index
      %swap3A_1268 = arith.constant 0 : index
      %swap3A_1269 = vector.load %arg22[%swap3A_1267, %swap3A_1268] : memref<512x512xf32, #tpu.memory_space<vmem>>, vector<1x512xf32>
      tpu.vector_store %arg22[%swap3A_1267, %swap3A_1268], %tanh3A_1259 {strides = array<i32>} : memref<512x512xf32, #tpu.memory_space<vmem>>, vector<1x512xf32>,
      %sub3A_1270 = arith.constant 511 : i32
      %sub3A_1271 = arith.subi %sub3A_1270, %scan3A_1244 : i32
      %swap3A_1272 = arith.index_cast %sub3A_1271 : i32 to index
      %swap3A_1273 = arith.constant 0 : index
      %swap3A_1274 = vector.load %arg23[%swap3A_1272, %swap3A_1273] : memref<512x512xf32, #tpu.memory_space<vmem>>, vector<1x512xf32>
      tpu.vector_store %arg23[%swap3A_1272, %swap3A_1273], %tanh3A_1266 {strides = array<i32>} : memref<512x512xf32, #tpu.memory_space<vmem>>, vector<1x512xf32>,
      %scan3A_1275 = arith.constant 6 : i32
      %scan3A_1276 = arith.addi %scan3A_1083, %scan3A_1275 : i32
      %get3A_1277 = arith.constant 0 : index
      %get3A_1278 = arith.constant 0 : index
      %get3A_1279 = vector.load %arg12[%get3A_1277, %get3A_1278] : memref<512x512xf32, #tpu.memory_space<vmem>>, vector<512x512xf32>
      %dot_general3A_1280 = arith.constant dense<0.000000e+00> : vector<1x512xf32>
      %dot_general3A_1281 = tpu.matmul %tanh3A_1259, %get3A_1279, %dot_general3A_1280 {dimension_numbers = #tpu.dot_dimension_numbers<[1], [0], [0], [1], [0, 0, 1, 1], [], []>, transpose_lhs_hint = false} : vector<1x512xf32>, vector<512x512xf32>, vector<1x512xf32> -> vector<1x512xf32>
      %get3A_1282 = arith.constant 0 : index
      %get3A_1283 = arith.constant 0 : index
      %get3A_1284 = vector.load %arg15[%get3A_1282, %get3A_1283] : memref<512x512xf32, #tpu.memory_space<vmem>>, vector<512x512xf32>
      %dot_general3A_1285 = arith.constant dense<0.000000e+00> : vector<1x512xf32>
      %dot_general3A_1286 = tpu.matmul %tanh3A_1266, %get3A_1284, %dot_general3A_1285 {dimension_numbers = #tpu.dot_dimension_numbers<[1], [0], [0], [1], [0, 0, 1, 1], [], []>, transpose_lhs_hint = false} : vector<1x512xf32>, vector<512x512xf32>, vector<1x512xf32> -> vector<1x512xf32>
      %get3A_1287 = arith.index_cast %scan3A_1276 : i32 to index
      %get3A_1288 = arith.constant 0 : index
      %get3A_1289 = vector.load %arg20[%get3A_1287, %get3A_1288] : memref<512x512xf32, #tpu.memory_space<vmem>>, vector<1x512xf32>
      %add3A_1290 = arith.addf %get3A_1289, %dot_general3A_1281 : vector<1x512xf32>
      %tanh3A_1291 = math.tanh %add3A_1290 : vector<1x512xf32>
      %sub3A_1292 = arith.constant 511 : i32
      %sub3A_1293 = arith.subi %sub3A_1292, %scan3A_1276 : i32
      %get3A_1294 = arith.index_cast %sub3A_1293 : i32 to index
      %get3A_1295 = arith.constant 0 : index
      %get3A_1296 = vector.load %arg21[%get3A_1294, %get3A_1295] : memref<512x512xf32, #tpu.memory_space<vmem>>, vector<1x512xf32>
      %add3A_1297 = arith.addf %get3A_1296, %dot_general3A_1286 : vector<1x512xf32>
      %tanh3A_1298 = math.tanh %add3A_1297 : vector<1x512xf32>
      %swap3A_1299 = arith.index_cast %scan3A_1276 : i32 to index
      %swap3A_1300 = arith.constant 0 : index
      %swap3A_1301 = vector.load %arg22[%swap3A_1299, %swap3A_1300] : memref<512x512xf32, #tpu.memory_space<vmem>>, vector<1x512xf32>
      tpu.vector_store %arg22[%swap3A_1299, %swap3A_1300], %tanh3A_1291 {strides = array<i32>} : memref<512x512xf32, #tpu.memory_space<vmem>>, vector<1x512xf32>,
      %sub3A_1302 = arith.constant 511 : i32
      %sub3A_1303 = arith.subi %sub3A_1302, %scan3A_1276 : i32
      %swap3A_1304 = arith.index_cast %sub3A_1303 : i32 to index
      %swap3A_1305 = arith.constant 0 : index
      %swap3A_1306 = vector.load %arg23[%swap3A_1304, %swap3A_1305] : memref<512x512xf32, #tpu.memory_space<vmem>>, vector<1x512xf32>
      tpu.vector_store %arg23[%swap3A_1304, %swap3A_1305], %tanh3A_1298 {strides = array<i32>} : memref<512x512xf32, #tpu.memory_space<vmem>>, vector<1x512xf32>,
      %scan3A_1307 = arith.constant 7 : i32
      %scan3A_1308 = arith.addi %scan3A_1083, %scan3A_1307 : i32
      %get3A_1309 = arith.constant 0 : index
      %get3A_1310 = arith.constant 0 : index
      %get3A_1311 = vector.load %arg12[%get3A_1309, %get3A_1310] : memref<512x512xf32, #tpu.memory_space<vmem>>, vector<512x512xf32>
      %dot_general3A_1312 = arith.constant dense<0.000000e+00> : vector<1x512xf32>
      %dot_general3A_1313 = tpu.matmul %tanh3A_1291, %get3A_1311, %dot_general3A_1312 {dimension_numbers = #tpu.dot_dimension_numbers<[1], [0], [0], [1], [0, 0, 1, 1], [], []>, transpose_lhs_hint = false} : vector<1x512xf32>, vector<512x512xf32>, vector<1x512xf32> -> vector<1x512xf32>
      %get3A_1314 = arith.constant 0 : index
      %get3A_1315 = arith.constant 0 : index
      %get3A_1316 = vector.load %arg15[%get3A_1314, %get3A_1315] : memref<512x512xf32, #tpu.memory_space<vmem>>, vector<512x512xf32>
      %dot_general3A_1317 = arith.constant dense<0.000000e+00> : vector<1x512xf32>
      %dot_general3A_1318 = tpu.matmul %tanh3A_1298, %get3A_1316, %dot_general3A_1317 {dimension_numbers = #tpu.dot_dimension_numbers<[1], [0], [0], [1], [0, 0, 1, 1], [], []>, transpose_lhs_hint = false} : vector<1x512xf32>, vector<512x512xf32>, vector<1x512xf32> -> vector<1x512xf32>
      %get3A_1319 = arith.index_cast %scan3A_1308 : i32 to index
      %get3A_1320 = arith.constant 0 : index
      %get3A_1321 = vector.load %arg20[%get3A_1319, %get3A_1320] : memref<512x512xf32, #tpu.memory_space<vmem>>, vector<1x512xf32>
      %add3A_1322 = arith.addf %get3A_1321, %dot_general3A_1313 : vector<1x512xf32>
      %tanh3A_1323 = math.tanh %add3A_1322 : vector<1x512xf32>
      %sub3A_1324 = arith.constant 511 : i32
      %sub3A_1325 = arith.subi %sub3A_1324, %scan3A_1308 : i32
      %get3A_1326 = arith.index_cast %sub3A_1325 : i32 to index
      %get3A_1327 = arith.constant 0 : index
      %get3A_1328 = vector.load %arg21[%get3A_1326, %get3A_1327] : memref<512x512xf32, #tpu.memory_space<vmem>>, vector<1x512xf32>
      %add3A_1329 = arith.addf %get3A_1328, %dot_general3A_1318 : vector<1x512xf32>
      %tanh3A_1330 = math.tanh %add3A_1329 : vector<1x512xf32>
      %swap3A_1331 = arith.index_cast %scan3A_1308 : i32 to index
      %swap3A_1332 = arith.constant 0 : index
      %swap3A_1333 = vector.load %arg22[%swap3A_1331, %swap3A_1332] : memref<512x512xf32, #tpu.memory_space<vmem>>, vector<1x512xf32>
      tpu.vector_store %arg22[%swap3A_1331, %swap3A_1332], %tanh3A_1323 {strides = array<i32>} : memref<512x512xf32, #tpu.memory_space<vmem>>, vector<1x512xf32>,
      %sub3A_1334 = arith.constant 511 : i32
      %sub3A_1335 = arith.subi %sub3A_1334, %scan3A_1308 : i32
      %swap3A_1336 = arith.index_cast %sub3A_1335 : i32 to index
      %swap3A_1337 = arith.constant 0 : index
      %swap3A_1338 = vector.load %arg23[%swap3A_1336, %swap3A_1337] : memref<512x512xf32, #tpu.memory_space<vmem>>, vector<1x512xf32>
      tpu.vector_store %arg23[%swap3A_1336, %swap3A_1337], %tanh3A_1330 {strides = array<i32>} : memref<512x512xf32, #tpu.memory_space<vmem>>, vector<1x512xf32>,
      scf.yield %tanh3A_1323, %tanh3A_1330 : vector<1x512xf32>, vector<1x512xf32>
    }
    %scan3A_1062 = arith.constant 512 : i32
    %get3A_1063 = arith.constant 0 : index
    %get3A_1064 = arith.constant 0 : index
    %get3A_1065 = vector.load %arg22[%get3A_1063, %get3A_1064] : memref<512x512xf32, #tpu.memory_space<vmem>>, vector<512x512xf32>
    %get3A_1066 = arith.constant 0 : index
    %get3A_1067 = arith.constant 0 : index
    %get3A_1068 = vector.load %arg23[%get3A_1066, %get3A_1067] : memref<512x512xf32, #tpu.memory_space<vmem>>, vector<512x512xf32>
    %concatenate3A_1069 = tpu.concatenate %get3A_1065, %get3A_1068 in 1 : vector<512x512xf32>, vector<512x512xf32> -> vector<512x1024xf32>
    %get3A_1070 = arith.constant 0 : index
    %get3A_1071 = arith.constant 0 : index
    %get3A_1072 = vector.load %arg17[%get3A_1070, %get3A_1071] : memref<1024x1024xf32, #tpu.memory_space<vmem>>, vector<1024x1024xf32>
    %dot_general3A_1073 = arith.constant dense<0.000000e+00> : vector<512x1024xf32>
    %dot_general3A_1074 = tpu.matmul %concatenate3A_1069, %get3A_1072, %dot_general3A_1073 {dimension_numbers = #tpu.dot_dimension_numbers<[1], [0], [0], [1], [0, 0, 1, 1], [], []>, transpose_lhs_hint = false} : vector<512x1024xf32>, vector<1024x1024xf32>, vector<512x1024xf32> -> vector<512x1024xf32>
    %get3A_1075 = arith.constant 0 : index
    %get3A_1076 = arith.constant 0 : index
    %get3A_1077 = vector.load %arg18[%get3A_1075, %get3A_1076] : memref<1x1024xf32, #tpu.memory_space<vmem>>, vector<1x1024xf32>
    %add3A_1078 = vector.broadcast %get3A_1077 : vector<1x1024xf32> to vector<512x1024xf32>
    %add3A_1079 = arith.addf %dot_general3A_1074, %add3A_1078 : vector<512x1024xf32>
    %swap3A_1080 = arith.constant 0 : index
    %swap3A_1081 = arith.constant 0 : index
    %swap3A_1082 = vector.load %arg19[%swap3A_1080, %swap3A_1081] : memref<512x1024xf32, #tpu.memory_space<vmem>>, vector<512x1024xf32>
    tpu.vector_store %arg19[%swap3A_1080, %swap3A_1081], %add3A_1079 {strides = array<i32>} : memref<512x1024xf32, #tpu.memory_space<vmem>>, vector<512x1024xf32>,
    return
  }
}

module attributes {stable_mosaic.version = 14 : i64} {
  func.func @_viterbi_kernel(%arg0: memref<512x16xf32, #tpu.memory_space<vmem>>, %arg1: memref<512x16xi32, #tpu.memory_space<vmem>>, %arg2: memref<8208x16xf32, #tpu.memory_space<vmem>>, %arg3: memref<4x128xf32, #tpu.memory_space<vmem>>, %arg4: memref<1x1xf32, #tpu.memory_space<vmem>>, %arg5: memref<512x1xi32, #tpu.memory_space<vmem>>, %arg6: memref<1x1xf32, #tpu.memory_space<vmem>>, %arg7: memref<512x16xi32, #tpu.memory_space<vmem>>) attributes {dimension_semantics = [], scalar_prefetch = 0 : i64, scratch_operands = 1 : i64, tpu.core_type = #tpu.core_type<tc>} {
    %iota3A = tpu.iota {dimensions = array<i32: 1>} : vector<1x16xi32>
    %iota3A_0 = tpu.iota {dimensions = array<i32: 0>} : vector<16x16xi32>
    %get3A = arith.constant 0 : index
    %get3A_1 = arith.constant 0 : index
    %get3A_2 = vector.load %arg0[%get3A, %get3A_1] : memref<512x16xf32, #tpu.memory_space<vmem>>, vector<1x16xf32>
    %scan3A = arith.constant 1 : i32
    %scan3A_3 = arith.constant 508 : i32
    %scan3A_4 = arith.addi %scan3A, %scan3A_3 : i32
    %scan3A_5 = arith.constant 4 : i32
    %scan3A_6:2 = scf.for %scan3A_1759 = %scan3A to %scan3A_4 step %scan3A_5 iter_args(%scan3A_1760 = %get3A_2, %scan3A_1761 = %get3A_2) -> (vector<1x16xf32>, vector<1x16xf32>)  : i32 {
      %get3A_1762 = arith.index_cast %scan3A_1759 : i32 to index
      %get3A_1763 = arith.constant 0 : index
      %get3A_1764 = vector.load %arg0[%get3A_1762, %get3A_1763] : memref<512x16xf32, #tpu.memory_space<vmem>>, vector<1x16xf32>
      %mul3A_1765 = arith.constant 16 : i32
      %mul3A_1766 = arith.muli %scan3A_1759, %mul3A_1765 : i32
      %get3A_1767 = arith.index_cast %mul3A_1766 : i32 to index
      %get3A_1768 = arith.constant 0 : index
      %get3A_1769 = vector.load %arg2[%get3A_1767, %get3A_1768] : memref<8208x16xf32, #tpu.memory_space<vmem>>, vector<16x16xf32>
      %add3A_1770 = vector.broadcast %get3A_1764 : vector<1x16xf32> to vector<16x16xf32>
      %add3A_1771 = arith.addf %add3A_1770, %get3A_1769 : vector<16x16xf32>
      %iota3A_1772 = tpu.iota {dimensions = array<i32: 0>} : vector<16x16xi32>
      %iota3A_1773 = tpu.iota {dimensions = array<i32: 1>} : vector<16x16xi32>
      %eq3A_1774 = arith.cmpi eq, %iota3A_1772, %iota3A_1773 : vector<16x16xi32>
      %broadcast_in_dim3A_1775 = vector.shape_cast %scan3A_1760 : vector<1x16xf32> to vector<1x16xf32>
      %broadcast_in_dim3A_1776 = vector.broadcast %broadcast_in_dim3A_1775 : vector<1x16xf32> to vector<16x16xf32>
      %jit3A_1777 = arith.constant 0.000000e+00 : f32
      %broadcast_in_dim3A_1778 = vector.broadcast %jit3A_1777 : f32 to vector<16x16xf32>
      %select_n3A_1779 = arith.select %eq3A_1774, %broadcast_in_dim3A_1776, %broadcast_in_dim3A_1778 : vector<16x16xi1>, vector<16x16xf32>
      %reduce_sum3A_1780 = arith.constant dense<0.000000e+00> : vector<16xf32>
      %reduce_sum3A_1781 = vector.multi_reduction <add>, %select_n3A_1779, %reduce_sum3A_1780 [1] : vector<16x16xf32> to vector<16xf32>
      %broadcast_in_dim3A_1782 = vector.shape_cast %reduce_sum3A_1781 : vector<16xf32> to vector<16x1xf32>
      %iota3A_1783 = tpu.iota {dimensions = array<i32: 0>} : vector<16x16xi32>
      %iota3A_1784 = tpu.iota {dimensions = array<i32: 1>} : vector<16x16xi32>
      %eq3A_1785 = arith.cmpi eq, %iota3A_1783, %iota3A_1784 : vector<16x16xi32>
      %broadcast_in_dim3A_1786 = vector.shape_cast %scan3A_1761 : vector<1x16xf32> to vector<1x16xf32>
      %broadcast_in_dim3A_1787 = vector.broadcast %broadcast_in_dim3A_1786 : vector<1x16xf32> to vector<16x16xf32>
      %jit3A_1788 = arith.constant 0.000000e+00 : f32
      %broadcast_in_dim3A_1789 = vector.broadcast %jit3A_1788 : f32 to vector<16x16xf32>
      %select_n3A_1790 = arith.select %eq3A_1785, %broadcast_in_dim3A_1787, %broadcast_in_dim3A_1789 : vector<16x16xi1>, vector<16x16xf32>
      %reduce_sum3A_1791 = arith.constant dense<0.000000e+00> : vector<16xf32>
      %reduce_sum3A_1792 = vector.multi_reduction <add>, %select_n3A_1790, %reduce_sum3A_1791 [1] : vector<16x16xf32> to vector<16xf32>
      %broadcast_in_dim3A_1793 = vector.shape_cast %reduce_sum3A_1792 : vector<16xf32> to vector<16x1xf32>
      %add3A_1794 = vector.broadcast %broadcast_in_dim3A_1782 : vector<16x1xf32> to vector<16x16xf32>
      %add3A_1795 = arith.addf %add3A_1794, %add3A_1771 : vector<16x16xf32>
      %reduce_max3A_1796 = arith.constant dense<0xFF800000> : vector<16xf32>
      %reduce_max3A_1797 = vector.multi_reduction <maximumf>, %add3A_1795, %reduce_max3A_1796 [0] : vector<16x16xf32> to vector<16xf32>
      %broadcast_in_dim3A_1798 = vector.shape_cast %reduce_max3A_1797 : vector<16xf32> to vector<1x16xf32>
      %eq3A_1799 = vector.broadcast %broadcast_in_dim3A_1798 : vector<1x16xf32> to vector<16x16xf32>
      %eq3A_1800 = arith.cmpf oeq, %add3A_1795, %eq3A_1799 : vector<16x16xf32>
      %jit3A_1801 = arith.constant 16 : i32
      %broadcast_in_dim3A_1802 = vector.broadcast %jit3A_1801 : i32 to vector<16x16xi32>
      %select_n3A_1803 = arith.select %eq3A_1800, %iota3A_0, %broadcast_in_dim3A_1802 : vector<16x16xi1>, vector<16x16xi32>
      %reduce_min3A_1804 = arith.constant dense<2147483647> : vector<16xi32>
      %reduce_min3A_1805 = vector.multi_reduction <minsi>, %select_n3A_1803, %reduce_min3A_1804 [0] : vector<16x16xi32> to vector<16xi32>
      %broadcast_in_dim3A_1806 = vector.shape_cast %reduce_min3A_1805 : vector<16xi32> to vector<1x16xi32>
      %swap3A_1807 = arith.index_cast %scan3A_1759 : i32 to index
      %swap3A_1808 = arith.constant 0 : index
      %swap3A_1809 = vector.load %arg7[%swap3A_1807, %swap3A_1808] : memref<512x16xi32, #tpu.memory_space<vmem>>, vector<1x16xi32>
      tpu.vector_store %arg7[%swap3A_1807, %swap3A_1808], %broadcast_in_dim3A_1806 {strides = array<i32>} : memref<512x16xi32, #tpu.memory_space<vmem>>, vector<1x16xi32>,
      %add3A_1810 = vector.broadcast %broadcast_in_dim3A_1793 : vector<16x1xf32> to vector<16x16xf32>
      %add3A_1811 = arith.addf %add3A_1810, %add3A_1771 : vector<16x16xf32>
      %reduce_max3A_1812 = arith.constant dense<0xFF800000> : vector<16xf32>
      %reduce_max3A_1813 = vector.multi_reduction <maximumf>, %add3A_1811, %reduce_max3A_1812 [0] : vector<16x16xf32> to vector<16xf32>
      %broadcast_in_dim3A_1814 = vector.shape_cast %reduce_max3A_1813 : vector<16xf32> to vector<1x16xf32>
      %sub3A_1815 = vector.broadcast %broadcast_in_dim3A_1814 : vector<1x16xf32> to vector<16x16xf32>
      %sub3A_1816 = arith.subf %add3A_1811, %sub3A_1815 : vector<16x16xf32>
      %exp3A_1817 = math.exp %sub3A_1816 : vector<16x16xf32>
      %reduce_sum3A_1818 = arith.constant dense<0.000000e+00> : vector<16xf32>
      %reduce_sum3A_1819 = vector.multi_reduction <add>, %exp3A_1817, %reduce_sum3A_1818 [0] : vector<16x16xf32> to vector<16xf32>
      %broadcast_in_dim3A_1820 = vector.shape_cast %reduce_sum3A_1819 : vector<16xf32> to vector<1x16xf32>
      %log3A_1821 = math.log %broadcast_in_dim3A_1820 : vector<1x16xf32>
      %add3A_1822 = arith.addf %log3A_1821, %broadcast_in_dim3A_1814 : vector<1x16xf32>
      %scan3A_1823 = arith.constant 1 : i32
      %scan3A_1824 = arith.addi %scan3A_1759, %scan3A_1823 : i32
      %get3A_1825 = arith.index_cast %scan3A_1824 : i32 to index
      %get3A_1826 = arith.constant 0 : index
      %get3A_1827 = vector.load %arg0[%get3A_1825, %get3A_1826] : memref<512x16xf32, #tpu.memory_space<vmem>>, vector<1x16xf32>
      %mul3A_1828 = arith.constant 16 : i32
      %mul3A_1829 = arith.muli %scan3A_1824, %mul3A_1828 : i32
      %get3A_1830 = arith.index_cast %mul3A_1829 : i32 to index
      %get3A_1831 = arith.constant 0 : index
      %get3A_1832 = vector.load %arg2[%get3A_1830, %get3A_1831] : memref<8208x16xf32, #tpu.memory_space<vmem>>, vector<16x16xf32>
      %add3A_1833 = vector.broadcast %get3A_1827 : vector<1x16xf32> to vector<16x16xf32>
      %add3A_1834 = arith.addf %add3A_1833, %get3A_1832 : vector<16x16xf32>
      %iota3A_1835 = tpu.iota {dimensions = array<i32: 0>} : vector<16x16xi32>
      %iota3A_1836 = tpu.iota {dimensions = array<i32: 1>} : vector<16x16xi32>
      %eq3A_1837 = arith.cmpi eq, %iota3A_1835, %iota3A_1836 : vector<16x16xi32>
      %broadcast_in_dim3A_1838 = vector.shape_cast %broadcast_in_dim3A_1798 : vector<1x16xf32> to vector<1x16xf32>
      %broadcast_in_dim3A_1839 = vector.broadcast %broadcast_in_dim3A_1838 : vector<1x16xf32> to vector<16x16xf32>
      %jit3A_1840 = arith.constant 0.000000e+00 : f32
      %broadcast_in_dim3A_1841 = vector.broadcast %jit3A_1840 : f32 to vector<16x16xf32>
      %select_n3A_1842 = arith.select %eq3A_1837, %broadcast_in_dim3A_1839, %broadcast_in_dim3A_1841 : vector<16x16xi1>, vector<16x16xf32>
      %reduce_sum3A_1843 = arith.constant dense<0.000000e+00> : vector<16xf32>
      %reduce_sum3A_1844 = vector.multi_reduction <add>, %select_n3A_1842, %reduce_sum3A_1843 [1] : vector<16x16xf32> to vector<16xf32>
      %broadcast_in_dim3A_1845 = vector.shape_cast %reduce_sum3A_1844 : vector<16xf32> to vector<16x1xf32>
      %iota3A_1846 = tpu.iota {dimensions = array<i32: 0>} : vector<16x16xi32>
      %iota3A_1847 = tpu.iota {dimensions = array<i32: 1>} : vector<16x16xi32>
      %eq3A_1848 = arith.cmpi eq, %iota3A_1846, %iota3A_1847 : vector<16x16xi32>
      %broadcast_in_dim3A_1849 = vector.shape_cast %add3A_1822 : vector<1x16xf32> to vector<1x16xf32>
      %broadcast_in_dim3A_1850 = vector.broadcast %broadcast_in_dim3A_1849 : vector<1x16xf32> to vector<16x16xf32>
      %jit3A_1851 = arith.constant 0.000000e+00 : f32
      %broadcast_in_dim3A_1852 = vector.broadcast %jit3A_1851 : f32 to vector<16x16xf32>
      %select_n3A_1853 = arith.select %eq3A_1848, %broadcast_in_dim3A_1850, %broadcast_in_dim3A_1852 : vector<16x16xi1>, vector<16x16xf32>
      %reduce_sum3A_1854 = arith.constant dense<0.000000e+00> : vector<16xf32>
      %reduce_sum3A_1855 = vector.multi_reduction <add>, %select_n3A_1853, %reduce_sum3A_1854 [1] : vector<16x16xf32> to vector<16xf32>
      %broadcast_in_dim3A_1856 = vector.shape_cast %reduce_sum3A_1855 : vector<16xf32> to vector<16x1xf32>
      %add3A_1857 = vector.broadcast %broadcast_in_dim3A_1845 : vector<16x1xf32> to vector<16x16xf32>
      %add3A_1858 = arith.addf %add3A_1857, %add3A_1834 : vector<16x16xf32>
      %reduce_max3A_1859 = arith.constant dense<0xFF800000> : vector<16xf32>
      %reduce_max3A_1860 = vector.multi_reduction <maximumf>, %add3A_1858, %reduce_max3A_1859 [0] : vector<16x16xf32> to vector<16xf32>
      %broadcast_in_dim3A_1861 = vector.shape_cast %reduce_max3A_1860 : vector<16xf32> to vector<1x16xf32>
      %eq3A_1862 = vector.broadcast %broadcast_in_dim3A_1861 : vector<1x16xf32> to vector<16x16xf32>
      %eq3A_1863 = arith.cmpf oeq, %add3A_1858, %eq3A_1862 : vector<16x16xf32>
      %jit3A_1864 = arith.constant 16 : i32
      %broadcast_in_dim3A_1865 = vector.broadcast %jit3A_1864 : i32 to vector<16x16xi32>
      %select_n3A_1866 = arith.select %eq3A_1863, %iota3A_0, %broadcast_in_dim3A_1865 : vector<16x16xi1>, vector<16x16xi32>
      %reduce_min3A_1867 = arith.constant dense<2147483647> : vector<16xi32>
      %reduce_min3A_1868 = vector.multi_reduction <minsi>, %select_n3A_1866, %reduce_min3A_1867 [0] : vector<16x16xi32> to vector<16xi32>
      %broadcast_in_dim3A_1869 = vector.shape_cast %reduce_min3A_1868 : vector<16xi32> to vector<1x16xi32>
      %swap3A_1870 = arith.index_cast %scan3A_1824 : i32 to index
      %swap3A_1871 = arith.constant 0 : index
      %swap3A_1872 = vector.load %arg7[%swap3A_1870, %swap3A_1871] : memref<512x16xi32, #tpu.memory_space<vmem>>, vector<1x16xi32>
      tpu.vector_store %arg7[%swap3A_1870, %swap3A_1871], %broadcast_in_dim3A_1869 {strides = array<i32>} : memref<512x16xi32, #tpu.memory_space<vmem>>, vector<1x16xi32>,
      %add3A_1873 = vector.broadcast %broadcast_in_dim3A_1856 : vector<16x1xf32> to vector<16x16xf32>
      %add3A_1874 = arith.addf %add3A_1873, %add3A_1834 : vector<16x16xf32>
      %reduce_max3A_1875 = arith.constant dense<0xFF800000> : vector<16xf32>
      %reduce_max3A_1876 = vector.multi_reduction <maximumf>, %add3A_1874, %reduce_max3A_1875 [0] : vector<16x16xf32> to vector<16xf32>
      %broadcast_in_dim3A_1877 = vector.shape_cast %reduce_max3A_1876 : vector<16xf32> to vector<1x16xf32>
      %sub3A_1878 = vector.broadcast %broadcast_in_dim3A_1877 : vector<1x16xf32> to vector<16x16xf32>
      %sub3A_1879 = arith.subf %add3A_1874, %sub3A_1878 : vector<16x16xf32>
      %exp3A_1880 = math.exp %sub3A_1879 : vector<16x16xf32>
      %reduce_sum3A_1881 = arith.constant dense<0.000000e+00> : vector<16xf32>
      %reduce_sum3A_1882 = vector.multi_reduction <add>, %exp3A_1880, %reduce_sum3A_1881 [0] : vector<16x16xf32> to vector<16xf32>
      %broadcast_in_dim3A_1883 = vector.shape_cast %reduce_sum3A_1882 : vector<16xf32> to vector<1x16xf32>
      %log3A_1884 = math.log %broadcast_in_dim3A_1883 : vector<1x16xf32>
      %add3A_1885 = arith.addf %log3A_1884, %broadcast_in_dim3A_1877 : vector<1x16xf32>
      %scan3A_1886 = arith.constant 2 : i32
      %scan3A_1887 = arith.addi %scan3A_1759, %scan3A_1886 : i32
      %get3A_1888 = arith.index_cast %scan3A_1887 : i32 to index
      %get3A_1889 = arith.constant 0 : index
      %get3A_1890 = vector.load %arg0[%get3A_1888, %get3A_1889] : memref<512x16xf32, #tpu.memory_space<vmem>>, vector<1x16xf32>
      %mul3A_1891 = arith.constant 16 : i32
      %mul3A_1892 = arith.muli %scan3A_1887, %mul3A_1891 : i32
      %get3A_1893 = arith.index_cast %mul3A_1892 : i32 to index
      %get3A_1894 = arith.constant 0 : index
      %get3A_1895 = vector.load %arg2[%get3A_1893, %get3A_1894] : memref<8208x16xf32, #tpu.memory_space<vmem>>, vector<16x16xf32>
      %add3A_1896 = vector.broadcast %get3A_1890 : vector<1x16xf32> to vector<16x16xf32>
      %add3A_1897 = arith.addf %add3A_1896, %get3A_1895 : vector<16x16xf32>
      %iota3A_1898 = tpu.iota {dimensions = array<i32: 0>} : vector<16x16xi32>
      %iota3A_1899 = tpu.iota {dimensions = array<i32: 1>} : vector<16x16xi32>
      %eq3A_1900 = arith.cmpi eq, %iota3A_1898, %iota3A_1899 : vector<16x16xi32>
      %broadcast_in_dim3A_1901 = vector.shape_cast %broadcast_in_dim3A_1861 : vector<1x16xf32> to vector<1x16xf32>
      %broadcast_in_dim3A_1902 = vector.broadcast %broadcast_in_dim3A_1901 : vector<1x16xf32> to vector<16x16xf32>
      %jit3A_1903 = arith.constant 0.000000e+00 : f32
      %broadcast_in_dim3A_1904 = vector.broadcast %jit3A_1903 : f32 to vector<16x16xf32>
      %select_n3A_1905 = arith.select %eq3A_1900, %broadcast_in_dim3A_1902, %broadcast_in_dim3A_1904 : vector<16x16xi1>, vector<16x16xf32>
      %reduce_sum3A_1906 = arith.constant dense<0.000000e+00> : vector<16xf32>
      %reduce_sum3A_1907 = vector.multi_reduction <add>, %select_n3A_1905, %reduce_sum3A_1906 [1] : vector<16x16xf32> to vector<16xf32>
      %broadcast_in_dim3A_1908 = vector.shape_cast %reduce_sum3A_1907 : vector<16xf32> to vector<16x1xf32>
      %iota3A_1909 = tpu.iota {dimensions = array<i32: 0>} : vector<16x16xi32>
      %iota3A_1910 = tpu.iota {dimensions = array<i32: 1>} : vector<16x16xi32>
      %eq3A_1911 = arith.cmpi eq, %iota3A_1909, %iota3A_1910 : vector<16x16xi32>
      %broadcast_in_dim3A_1912 = vector.shape_cast %add3A_1885 : vector<1x16xf32> to vector<1x16xf32>
      %broadcast_in_dim3A_1913 = vector.broadcast %broadcast_in_dim3A_1912 : vector<1x16xf32> to vector<16x16xf32>
      %jit3A_1914 = arith.constant 0.000000e+00 : f32
      %broadcast_in_dim3A_1915 = vector.broadcast %jit3A_1914 : f32 to vector<16x16xf32>
      %select_n3A_1916 = arith.select %eq3A_1911, %broadcast_in_dim3A_1913, %broadcast_in_dim3A_1915 : vector<16x16xi1>, vector<16x16xf32>
      %reduce_sum3A_1917 = arith.constant dense<0.000000e+00> : vector<16xf32>
      %reduce_sum3A_1918 = vector.multi_reduction <add>, %select_n3A_1916, %reduce_sum3A_1917 [1] : vector<16x16xf32> to vector<16xf32>
      %broadcast_in_dim3A_1919 = vector.shape_cast %reduce_sum3A_1918 : vector<16xf32> to vector<16x1xf32>
      %add3A_1920 = vector.broadcast %broadcast_in_dim3A_1908 : vector<16x1xf32> to vector<16x16xf32>
      %add3A_1921 = arith.addf %add3A_1920, %add3A_1897 : vector<16x16xf32>
      %reduce_max3A_1922 = arith.constant dense<0xFF800000> : vector<16xf32>
      %reduce_max3A_1923 = vector.multi_reduction <maximumf>, %add3A_1921, %reduce_max3A_1922 [0] : vector<16x16xf32> to vector<16xf32>
      %broadcast_in_dim3A_1924 = vector.shape_cast %reduce_max3A_1923 : vector<16xf32> to vector<1x16xf32>
      %eq3A_1925 = vector.broadcast %broadcast_in_dim3A_1924 : vector<1x16xf32> to vector<16x16xf32>
      %eq3A_1926 = arith.cmpf oeq, %add3A_1921, %eq3A_1925 : vector<16x16xf32>
      %jit3A_1927 = arith.constant 16 : i32
      %broadcast_in_dim3A_1928 = vector.broadcast %jit3A_1927 : i32 to vector<16x16xi32>
      %select_n3A_1929 = arith.select %eq3A_1926, %iota3A_0, %broadcast_in_dim3A_1928 : vector<16x16xi1>, vector<16x16xi32>
      %reduce_min3A_1930 = arith.constant dense<2147483647> : vector<16xi32>
      %reduce_min3A_1931 = vector.multi_reduction <minsi>, %select_n3A_1929, %reduce_min3A_1930 [0] : vector<16x16xi32> to vector<16xi32>
      %broadcast_in_dim3A_1932 = vector.shape_cast %reduce_min3A_1931 : vector<16xi32> to vector<1x16xi32>
      %swap3A_1933 = arith.index_cast %scan3A_1887 : i32 to index
      %swap3A_1934 = arith.constant 0 : index
      %swap3A_1935 = vector.load %arg7[%swap3A_1933, %swap3A_1934] : memref<512x16xi32, #tpu.memory_space<vmem>>, vector<1x16xi32>
      tpu.vector_store %arg7[%swap3A_1933, %swap3A_1934], %broadcast_in_dim3A_1932 {strides = array<i32>} : memref<512x16xi32, #tpu.memory_space<vmem>>, vector<1x16xi32>,
      %add3A_1936 = vector.broadcast %broadcast_in_dim3A_1919 : vector<16x1xf32> to vector<16x16xf32>
      %add3A_1937 = arith.addf %add3A_1936, %add3A_1897 : vector<16x16xf32>
      %reduce_max3A_1938 = arith.constant dense<0xFF800000> : vector<16xf32>
      %reduce_max3A_1939 = vector.multi_reduction <maximumf>, %add3A_1937, %reduce_max3A_1938 [0] : vector<16x16xf32> to vector<16xf32>
      %broadcast_in_dim3A_1940 = vector.shape_cast %reduce_max3A_1939 : vector<16xf32> to vector<1x16xf32>
      %sub3A_1941 = vector.broadcast %broadcast_in_dim3A_1940 : vector<1x16xf32> to vector<16x16xf32>
      %sub3A_1942 = arith.subf %add3A_1937, %sub3A_1941 : vector<16x16xf32>
      %exp3A_1943 = math.exp %sub3A_1942 : vector<16x16xf32>
      %reduce_sum3A_1944 = arith.constant dense<0.000000e+00> : vector<16xf32>
      %reduce_sum3A_1945 = vector.multi_reduction <add>, %exp3A_1943, %reduce_sum3A_1944 [0] : vector<16x16xf32> to vector<16xf32>
      %broadcast_in_dim3A_1946 = vector.shape_cast %reduce_sum3A_1945 : vector<16xf32> to vector<1x16xf32>
      %log3A_1947 = math.log %broadcast_in_dim3A_1946 : vector<1x16xf32>
      %add3A_1948 = arith.addf %log3A_1947, %broadcast_in_dim3A_1940 : vector<1x16xf32>
      %scan3A_1949 = arith.constant 3 : i32
      %scan3A_1950 = arith.addi %scan3A_1759, %scan3A_1949 : i32
      %get3A_1951 = arith.index_cast %scan3A_1950 : i32 to index
      %get3A_1952 = arith.constant 0 : index
      %get3A_1953 = vector.load %arg0[%get3A_1951, %get3A_1952] : memref<512x16xf32, #tpu.memory_space<vmem>>, vector<1x16xf32>
      %mul3A_1954 = arith.constant 16 : i32
      %mul3A_1955 = arith.muli %scan3A_1950, %mul3A_1954 : i32
      %get3A_1956 = arith.index_cast %mul3A_1955 : i32 to index
      %get3A_1957 = arith.constant 0 : index
      %get3A_1958 = vector.load %arg2[%get3A_1956, %get3A_1957] : memref<8208x16xf32, #tpu.memory_space<vmem>>, vector<16x16xf32>
      %add3A_1959 = vector.broadcast %get3A_1953 : vector<1x16xf32> to vector<16x16xf32>
      %add3A_1960 = arith.addf %add3A_1959, %get3A_1958 : vector<16x16xf32>
      %iota3A_1961 = tpu.iota {dimensions = array<i32: 0>} : vector<16x16xi32>
      %iota3A_1962 = tpu.iota {dimensions = array<i32: 1>} : vector<16x16xi32>
      %eq3A_1963 = arith.cmpi eq, %iota3A_1961, %iota3A_1962 : vector<16x16xi32>
      %broadcast_in_dim3A_1964 = vector.shape_cast %broadcast_in_dim3A_1924 : vector<1x16xf32> to vector<1x16xf32>
      %broadcast_in_dim3A_1965 = vector.broadcast %broadcast_in_dim3A_1964 : vector<1x16xf32> to vector<16x16xf32>
      %jit3A_1966 = arith.constant 0.000000e+00 : f32
      %broadcast_in_dim3A_1967 = vector.broadcast %jit3A_1966 : f32 to vector<16x16xf32>
      %select_n3A_1968 = arith.select %eq3A_1963, %broadcast_in_dim3A_1965, %broadcast_in_dim3A_1967 : vector<16x16xi1>, vector<16x16xf32>
      %reduce_sum3A_1969 = arith.constant dense<0.000000e+00> : vector<16xf32>
      %reduce_sum3A_1970 = vector.multi_reduction <add>, %select_n3A_1968, %reduce_sum3A_1969 [1] : vector<16x16xf32> to vector<16xf32>
      %broadcast_in_dim3A_1971 = vector.shape_cast %reduce_sum3A_1970 : vector<16xf32> to vector<16x1xf32>
      %iota3A_1972 = tpu.iota {dimensions = array<i32: 0>} : vector<16x16xi32>
      %iota3A_1973 = tpu.iota {dimensions = array<i32: 1>} : vector<16x16xi32>
      %eq3A_1974 = arith.cmpi eq, %iota3A_1972, %iota3A_1973 : vector<16x16xi32>
      %broadcast_in_dim3A_1975 = vector.shape_cast %add3A_1948 : vector<1x16xf32> to vector<1x16xf32>
      %broadcast_in_dim3A_1976 = vector.broadcast %broadcast_in_dim3A_1975 : vector<1x16xf32> to vector<16x16xf32>
      %jit3A_1977 = arith.constant 0.000000e+00 : f32
      %broadcast_in_dim3A_1978 = vector.broadcast %jit3A_1977 : f32 to vector<16x16xf32>
      %select_n3A_1979 = arith.select %eq3A_1974, %broadcast_in_dim3A_1976, %broadcast_in_dim3A_1978 : vector<16x16xi1>, vector<16x16xf32>
      %reduce_sum3A_1980 = arith.constant dense<0.000000e+00> : vector<16xf32>
      %reduce_sum3A_1981 = vector.multi_reduction <add>, %select_n3A_1979, %reduce_sum3A_1980 [1] : vector<16x16xf32> to vector<16xf32>
      %broadcast_in_dim3A_1982 = vector.shape_cast %reduce_sum3A_1981 : vector<16xf32> to vector<16x1xf32>
      %add3A_1983 = vector.broadcast %broadcast_in_dim3A_1971 : vector<16x1xf32> to vector<16x16xf32>
      %add3A_1984 = arith.addf %add3A_1983, %add3A_1960 : vector<16x16xf32>
      %reduce_max3A_1985 = arith.constant dense<0xFF800000> : vector<16xf32>
      %reduce_max3A_1986 = vector.multi_reduction <maximumf>, %add3A_1984, %reduce_max3A_1985 [0] : vector<16x16xf32> to vector<16xf32>
      %broadcast_in_dim3A_1987 = vector.shape_cast %reduce_max3A_1986 : vector<16xf32> to vector<1x16xf32>
      %eq3A_1988 = vector.broadcast %broadcast_in_dim3A_1987 : vector<1x16xf32> to vector<16x16xf32>
      %eq3A_1989 = arith.cmpf oeq, %add3A_1984, %eq3A_1988 : vector<16x16xf32>
      %jit3A_1990 = arith.constant 16 : i32
      %broadcast_in_dim3A_1991 = vector.broadcast %jit3A_1990 : i32 to vector<16x16xi32>
      %select_n3A_1992 = arith.select %eq3A_1989, %iota3A_0, %broadcast_in_dim3A_1991 : vector<16x16xi1>, vector<16x16xi32>
      %reduce_min3A_1993 = arith.constant dense<2147483647> : vector<16xi32>
      %reduce_min3A_1994 = vector.multi_reduction <minsi>, %select_n3A_1992, %reduce_min3A_1993 [0] : vector<16x16xi32> to vector<16xi32>
      %broadcast_in_dim3A_1995 = vector.shape_cast %reduce_min3A_1994 : vector<16xi32> to vector<1x16xi32>
      %swap3A_1996 = arith.index_cast %scan3A_1950 : i32 to index
      %swap3A_1997 = arith.constant 0 : index
      %swap3A_1998 = vector.load %arg7[%swap3A_1996, %swap3A_1997] : memref<512x16xi32, #tpu.memory_space<vmem>>, vector<1x16xi32>
      tpu.vector_store %arg7[%swap3A_1996, %swap3A_1997], %broadcast_in_dim3A_1995 {strides = array<i32>} : memref<512x16xi32, #tpu.memory_space<vmem>>, vector<1x16xi32>,
      %add3A_1999 = vector.broadcast %broadcast_in_dim3A_1982 : vector<16x1xf32> to vector<16x16xf32>
      %add3A_2000 = arith.addf %add3A_1999, %add3A_1960 : vector<16x16xf32>
      %reduce_max3A_2001 = arith.constant dense<0xFF800000> : vector<16xf32>
      %reduce_max3A_2002 = vector.multi_reduction <maximumf>, %add3A_2000, %reduce_max3A_2001 [0] : vector<16x16xf32> to vector<16xf32>
      %broadcast_in_dim3A_2003 = vector.shape_cast %reduce_max3A_2002 : vector<16xf32> to vector<1x16xf32>
      %sub3A_2004 = vector.broadcast %broadcast_in_dim3A_2003 : vector<1x16xf32> to vector<16x16xf32>
      %sub3A_2005 = arith.subf %add3A_2000, %sub3A_2004 : vector<16x16xf32>
      %exp3A_2006 = math.exp %sub3A_2005 : vector<16x16xf32>
      %reduce_sum3A_2007 = arith.constant dense<0.000000e+00> : vector<16xf32>
      %reduce_sum3A_2008 = vector.multi_reduction <add>, %exp3A_2006, %reduce_sum3A_2007 [0] : vector<16x16xf32> to vector<16xf32>
      %broadcast_in_dim3A_2009 = vector.shape_cast %reduce_sum3A_2008 : vector<16xf32> to vector<1x16xf32>
      %log3A_2010 = math.log %broadcast_in_dim3A_2009 : vector<1x16xf32>
      %add3A_2011 = arith.addf %log3A_2010, %broadcast_in_dim3A_2003 : vector<1x16xf32>
      scf.yield %broadcast_in_dim3A_1987, %add3A_2011 : vector<1x16xf32>, vector<1x16xf32>
    }
    %scan3A_7 = arith.constant 508 : i32
    %scan3A_8 = arith.addi %scan3A, %scan3A_7 : i32
    %get3A_9 = arith.index_cast %scan3A_8 : i32 to index
    %get3A_10 = arith.constant 0 : index
    %get3A_11 = vector.load %arg0[%get3A_9, %get3A_10] : memref<512x16xf32, #tpu.memory_space<vmem>>, vector<1x16xf32>
    %mul3A = arith.constant 16 : i32
    %mul3A_12 = arith.muli %scan3A_8, %mul3A : i32
    %get3A_13 = arith.index_cast %mul3A_12 : i32 to index
    %get3A_14 = arith.constant 0 : index
    %get3A_15 = vector.load %arg2[%get3A_13, %get3A_14] : memref<8208x16xf32, #tpu.memory_space<vmem>>, vector<16x16xf32>
    %add3A = vector.broadcast %get3A_11 : vector<1x16xf32> to vector<16x16xf32>
    %add3A_16 = arith.addf %add3A, %get3A_15 : vector<16x16xf32>
    %iota3A_17 = tpu.iota {dimensions = array<i32: 0>} : vector<16x16xi32>
    %iota3A_18 = tpu.iota {dimensions = array<i32: 1>} : vector<16x16xi32>
    %eq3A = arith.cmpi eq, %iota3A_17, %iota3A_18 : vector<16x16xi32>
    %broadcast_in_dim3A = vector.shape_cast %scan3A_6#0 : vector<1x16xf32> to vector<1x16xf32>
    %broadcast_in_dim3A_19 = vector.broadcast %broadcast_in_dim3A : vector<1x16xf32> to vector<16x16xf32>
    %jit3A = arith.constant 0.000000e+00 : f32
    %broadcast_in_dim3A_20 = vector.broadcast %jit3A : f32 to vector<16x16xf32>
    %select_n3A = arith.select %eq3A, %broadcast_in_dim3A_19, %broadcast_in_dim3A_20 : vector<16x16xi1>, vector<16x16xf32>
    %reduce_sum3A = arith.constant dense<0.000000e+00> : vector<16xf32>
    %reduce_sum3A_21 = vector.multi_reduction <add>, %select_n3A, %reduce_sum3A [1] : vector<16x16xf32> to vector<16xf32>
    %broadcast_in_dim3A_22 = vector.shape_cast %reduce_sum3A_21 : vector<16xf32> to vector<16x1xf32>
    %iota3A_23 = tpu.iota {dimensions = array<i32: 0>} : vector<16x16xi32>
    %iota3A_24 = tpu.iota {dimensions = array<i32: 1>} : vector<16x16xi32>
    %eq3A_25 = arith.cmpi eq, %iota3A_23, %iota3A_24 : vector<16x16xi32>
    %broadcast_in_dim3A_26 = vector.shape_cast %scan3A_6#1 : vector<1x16xf32> to vector<1x16xf32>
    %broadcast_in_dim3A_27 = vector.broadcast %broadcast_in_dim3A_26 : vector<1x16xf32> to vector<16x16xf32>
    %jit3A_28 = arith.constant 0.000000e+00 : f32
    %broadcast_in_dim3A_29 = vector.broadcast %jit3A_28 : f32 to vector<16x16xf32>
    %select_n3A_30 = arith.select %eq3A_25, %broadcast_in_dim3A_27, %broadcast_in_dim3A_29 : vector<16x16xi1>, vector<16x16xf32>
    %reduce_sum3A_31 = arith.constant dense<0.000000e+00> : vector<16xf32>
    %reduce_sum3A_32 = vector.multi_reduction <add>, %select_n3A_30, %reduce_sum3A_31 [1] : vector<16x16xf32> to vector<16xf32>
    %broadcast_in_dim3A_33 = vector.shape_cast %reduce_sum3A_32 : vector<16xf32> to vector<16x1xf32>
    %add3A_34 = vector.broadcast %broadcast_in_dim3A_22 : vector<16x1xf32> to vector<16x16xf32>
    %add3A_35 = arith.addf %add3A_34, %add3A_16 : vector<16x16xf32>
    %reduce_max3A = arith.constant dense<0xFF800000> : vector<16xf32>
    %reduce_max3A_36 = vector.multi_reduction <maximumf>, %add3A_35, %reduce_max3A [0] : vector<16x16xf32> to vector<16xf32>
    %broadcast_in_dim3A_37 = vector.shape_cast %reduce_max3A_36 : vector<16xf32> to vector<1x16xf32>
    %eq3A_38 = vector.broadcast %broadcast_in_dim3A_37 : vector<1x16xf32> to vector<16x16xf32>
    %eq3A_39 = arith.cmpf oeq, %add3A_35, %eq3A_38 : vector<16x16xf32>
    %jit3A_40 = arith.constant 16 : i32
    %broadcast_in_dim3A_41 = vector.broadcast %jit3A_40 : i32 to vector<16x16xi32>
    %select_n3A_42 = arith.select %eq3A_39, %iota3A_0, %broadcast_in_dim3A_41 : vector<16x16xi1>, vector<16x16xi32>
    %reduce_min3A = arith.constant dense<2147483647> : vector<16xi32>
    %reduce_min3A_43 = vector.multi_reduction <minsi>, %select_n3A_42, %reduce_min3A [0] : vector<16x16xi32> to vector<16xi32>
    %broadcast_in_dim3A_44 = vector.shape_cast %reduce_min3A_43 : vector<16xi32> to vector<1x16xi32>
    %swap3A = arith.index_cast %scan3A_8 : i32 to index
    %swap3A_45 = arith.constant 0 : index
    %swap3A_46 = vector.load %arg7[%swap3A, %swap3A_45] : memref<512x16xi32, #tpu.memory_space<vmem>>, vector<1x16xi32>
    tpu.vector_store %arg7[%swap3A, %swap3A_45], %broadcast_in_dim3A_44 {strides = array<i32>} : memref<512x16xi32, #tpu.memory_space<vmem>>, vector<1x16xi32>,
    %add3A_47 = vector.broadcast %broadcast_in_dim3A_33 : vector<16x1xf32> to vector<16x16xf32>
    %add3A_48 = arith.addf %add3A_47, %add3A_16 : vector<16x16xf32>
    %reduce_max3A_49 = arith.constant dense<0xFF800000> : vector<16xf32>
    %reduce_max3A_50 = vector.multi_reduction <maximumf>, %add3A_48, %reduce_max3A_49 [0] : vector<16x16xf32> to vector<16xf32>
    %broadcast_in_dim3A_51 = vector.shape_cast %reduce_max3A_50 : vector<16xf32> to vector<1x16xf32>
    %sub3A = vector.broadcast %broadcast_in_dim3A_51 : vector<1x16xf32> to vector<16x16xf32>
    %sub3A_52 = arith.subf %add3A_48, %sub3A : vector<16x16xf32>
    %exp3A = math.exp %sub3A_52 : vector<16x16xf32>
    %reduce_sum3A_53 = arith.constant dense<0.000000e+00> : vector<16xf32>
    %reduce_sum3A_54 = vector.multi_reduction <add>, %exp3A, %reduce_sum3A_53 [0] : vector<16x16xf32> to vector<16xf32>
    %broadcast_in_dim3A_55 = vector.shape_cast %reduce_sum3A_54 : vector<16xf32> to vector<1x16xf32>
    %log3A = math.log %broadcast_in_dim3A_55 : vector<1x16xf32>
    %add3A_56 = arith.addf %log3A, %broadcast_in_dim3A_51 : vector<1x16xf32>
    %scan3A_57 = arith.constant 509 : i32
    %scan3A_58 = arith.addi %scan3A, %scan3A_57 : i32
    %get3A_59 = arith.index_cast %scan3A_58 : i32 to index
    %get3A_60 = arith.constant 0 : index
    %get3A_61 = vector.load %arg0[%get3A_59, %get3A_60] : memref<512x16xf32, #tpu.memory_space<vmem>>, vector<1x16xf32>
    %mul3A_62 = arith.constant 16 : i32
    %mul3A_63 = arith.muli %scan3A_58, %mul3A_62 : i32
    %get3A_64 = arith.index_cast %mul3A_63 : i32 to index
    %get3A_65 = arith.constant 0 : index
    %get3A_66 = vector.load %arg2[%get3A_64, %get3A_65] : memref<8208x16xf32, #tpu.memory_space<vmem>>, vector<16x16xf32>
    %add3A_67 = vector.broadcast %get3A_61 : vector<1x16xf32> to vector<16x16xf32>
    %add3A_68 = arith.addf %add3A_67, %get3A_66 : vector<16x16xf32>
    %iota3A_69 = tpu.iota {dimensions = array<i32: 0>} : vector<16x16xi32>
    %iota3A_70 = tpu.iota {dimensions = array<i32: 1>} : vector<16x16xi32>
    %eq3A_71 = arith.cmpi eq, %iota3A_69, %iota3A_70 : vector<16x16xi32>
    %broadcast_in_dim3A_72 = vector.shape_cast %broadcast_in_dim3A_37 : vector<1x16xf32> to vector<1x16xf32>
    %broadcast_in_dim3A_73 = vector.broadcast %broadcast_in_dim3A_72 : vector<1x16xf32> to vector<16x16xf32>
    %jit3A_74 = arith.constant 0.000000e+00 : f32
    %broadcast_in_dim3A_75 = vector.broadcast %jit3A_74 : f32 to vector<16x16xf32>
    %select_n3A_76 = arith.select %eq3A_71, %broadcast_in_dim3A_73, %broadcast_in_dim3A_75 : vector<16x16xi1>, vector<16x16xf32>
    %reduce_sum3A_77 = arith.constant dense<0.000000e+00> : vector<16xf32>
    %reduce_sum3A_78 = vector.multi_reduction <add>, %select_n3A_76, %reduce_sum3A_77 [1] : vector<16x16xf32> to vector<16xf32>
    %broadcast_in_dim3A_79 = vector.shape_cast %reduce_sum3A_78 : vector<16xf32> to vector<16x1xf32>
    %iota3A_80 = tpu.iota {dimensions = array<i32: 0>} : vector<16x16xi32>
    %iota3A_81 = tpu.iota {dimensions = array<i32: 1>} : vector<16x16xi32>
    %eq3A_82 = arith.cmpi eq, %iota3A_80, %iota3A_81 : vector<16x16xi32>
    %broadcast_in_dim3A_83 = vector.shape_cast %add3A_56 : vector<1x16xf32> to vector<1x16xf32>
    %broadcast_in_dim3A_84 = vector.broadcast %broadcast_in_dim3A_83 : vector<1x16xf32> to vector<16x16xf32>
    %jit3A_85 = arith.constant 0.000000e+00 : f32
    %broadcast_in_dim3A_86 = vector.broadcast %jit3A_85 : f32 to vector<16x16xf32>
    %select_n3A_87 = arith.select %eq3A_82, %broadcast_in_dim3A_84, %broadcast_in_dim3A_86 : vector<16x16xi1>, vector<16x16xf32>
    %reduce_sum3A_88 = arith.constant dense<0.000000e+00> : vector<16xf32>
    %reduce_sum3A_89 = vector.multi_reduction <add>, %select_n3A_87, %reduce_sum3A_88 [1] : vector<16x16xf32> to vector<16xf32>
    %broadcast_in_dim3A_90 = vector.shape_cast %reduce_sum3A_89 : vector<16xf32> to vector<16x1xf32>
    %add3A_91 = vector.broadcast %broadcast_in_dim3A_79 : vector<16x1xf32> to vector<16x16xf32>
    %add3A_92 = arith.addf %add3A_91, %add3A_68 : vector<16x16xf32>
    %reduce_max3A_93 = arith.constant dense<0xFF800000> : vector<16xf32>
    %reduce_max3A_94 = vector.multi_reduction <maximumf>, %add3A_92, %reduce_max3A_93 [0] : vector<16x16xf32> to vector<16xf32>
    %broadcast_in_dim3A_95 = vector.shape_cast %reduce_max3A_94 : vector<16xf32> to vector<1x16xf32>
    %eq3A_96 = vector.broadcast %broadcast_in_dim3A_95 : vector<1x16xf32> to vector<16x16xf32>
    %eq3A_97 = arith.cmpf oeq, %add3A_92, %eq3A_96 : vector<16x16xf32>
    %jit3A_98 = arith.constant 16 : i32
    %broadcast_in_dim3A_99 = vector.broadcast %jit3A_98 : i32 to vector<16x16xi32>
    %select_n3A_100 = arith.select %eq3A_97, %iota3A_0, %broadcast_in_dim3A_99 : vector<16x16xi1>, vector<16x16xi32>
    %reduce_min3A_101 = arith.constant dense<2147483647> : vector<16xi32>
    %reduce_min3A_102 = vector.multi_reduction <minsi>, %select_n3A_100, %reduce_min3A_101 [0] : vector<16x16xi32> to vector<16xi32>
    %broadcast_in_dim3A_103 = vector.shape_cast %reduce_min3A_102 : vector<16xi32> to vector<1x16xi32>
    %swap3A_104 = arith.index_cast %scan3A_58 : i32 to index
    %swap3A_105 = arith.constant 0 : index
    %swap3A_106 = vector.load %arg7[%swap3A_104, %swap3A_105] : memref<512x16xi32, #tpu.memory_space<vmem>>, vector<1x16xi32>
    tpu.vector_store %arg7[%swap3A_104, %swap3A_105], %broadcast_in_dim3A_103 {strides = array<i32>} : memref<512x16xi32, #tpu.memory_space<vmem>>, vector<1x16xi32>,
    %add3A_107 = vector.broadcast %broadcast_in_dim3A_90 : vector<16x1xf32> to vector<16x16xf32>
    %add3A_108 = arith.addf %add3A_107, %add3A_68 : vector<16x16xf32>
    %reduce_max3A_109 = arith.constant dense<0xFF800000> : vector<16xf32>
    %reduce_max3A_110 = vector.multi_reduction <maximumf>, %add3A_108, %reduce_max3A_109 [0] : vector<16x16xf32> to vector<16xf32>
    %broadcast_in_dim3A_111 = vector.shape_cast %reduce_max3A_110 : vector<16xf32> to vector<1x16xf32>
    %sub3A_112 = vector.broadcast %broadcast_in_dim3A_111 : vector<1x16xf32> to vector<16x16xf32>
    %sub3A_113 = arith.subf %add3A_108, %sub3A_112 : vector<16x16xf32>
    %exp3A_114 = math.exp %sub3A_113 : vector<16x16xf32>
    %reduce_sum3A_115 = arith.constant dense<0.000000e+00> : vector<16xf32>
    %reduce_sum3A_116 = vector.multi_reduction <add>, %exp3A_114, %reduce_sum3A_115 [0] : vector<16x16xf32> to vector<16xf32>
    %broadcast_in_dim3A_117 = vector.shape_cast %reduce_sum3A_116 : vector<16xf32> to vector<1x16xf32>
    %log3A_118 = math.log %broadcast_in_dim3A_117 : vector<1x16xf32>
    %add3A_119 = arith.addf %log3A_118, %broadcast_in_dim3A_111 : vector<1x16xf32>
    %scan3A_120 = arith.constant 510 : i32
    %scan3A_121 = arith.addi %scan3A, %scan3A_120 : i32
    %get3A_122 = arith.index_cast %scan3A_121 : i32 to index
    %get3A_123 = arith.constant 0 : index
    %get3A_124 = vector.load %arg0[%get3A_122, %get3A_123] : memref<512x16xf32, #tpu.memory_space<vmem>>, vector<1x16xf32>
    %mul3A_125 = arith.constant 16 : i32
    %mul3A_126 = arith.muli %scan3A_121, %mul3A_125 : i32
    %get3A_127 = arith.index_cast %mul3A_126 : i32 to index
    %get3A_128 = arith.constant 0 : index
    %get3A_129 = vector.load %arg2[%get3A_127, %get3A_128] : memref<8208x16xf32, #tpu.memory_space<vmem>>, vector<16x16xf32>
    %add3A_130 = vector.broadcast %get3A_124 : vector<1x16xf32> to vector<16x16xf32>
    %add3A_131 = arith.addf %add3A_130, %get3A_129 : vector<16x16xf32>
    %iota3A_132 = tpu.iota {dimensions = array<i32: 0>} : vector<16x16xi32>
    %iota3A_133 = tpu.iota {dimensions = array<i32: 1>} : vector<16x16xi32>
    %eq3A_134 = arith.cmpi eq, %iota3A_132, %iota3A_133 : vector<16x16xi32>
    %broadcast_in_dim3A_135 = vector.shape_cast %broadcast_in_dim3A_95 : vector<1x16xf32> to vector<1x16xf32>
    %broadcast_in_dim3A_136 = vector.broadcast %broadcast_in_dim3A_135 : vector<1x16xf32> to vector<16x16xf32>
    %jit3A_137 = arith.constant 0.000000e+00 : f32
    %broadcast_in_dim3A_138 = vector.broadcast %jit3A_137 : f32 to vector<16x16xf32>
    %select_n3A_139 = arith.select %eq3A_134, %broadcast_in_dim3A_136, %broadcast_in_dim3A_138 : vector<16x16xi1>, vector<16x16xf32>
    %reduce_sum3A_140 = arith.constant dense<0.000000e+00> : vector<16xf32>
    %reduce_sum3A_141 = vector.multi_reduction <add>, %select_n3A_139, %reduce_sum3A_140 [1] : vector<16x16xf32> to vector<16xf32>
    %broadcast_in_dim3A_142 = vector.shape_cast %reduce_sum3A_141 : vector<16xf32> to vector<16x1xf32>
    %iota3A_143 = tpu.iota {dimensions = array<i32: 0>} : vector<16x16xi32>
    %iota3A_144 = tpu.iota {dimensions = array<i32: 1>} : vector<16x16xi32>
    %eq3A_145 = arith.cmpi eq, %iota3A_143, %iota3A_144 : vector<16x16xi32>
    %broadcast_in_dim3A_146 = vector.shape_cast %add3A_119 : vector<1x16xf32> to vector<1x16xf32>
    %broadcast_in_dim3A_147 = vector.broadcast %broadcast_in_dim3A_146 : vector<1x16xf32> to vector<16x16xf32>
    %jit3A_148 = arith.constant 0.000000e+00 : f32
    %broadcast_in_dim3A_149 = vector.broadcast %jit3A_148 : f32 to vector<16x16xf32>
    %select_n3A_150 = arith.select %eq3A_145, %broadcast_in_dim3A_147, %broadcast_in_dim3A_149 : vector<16x16xi1>, vector<16x16xf32>
    %reduce_sum3A_151 = arith.constant dense<0.000000e+00> : vector<16xf32>
    %reduce_sum3A_152 = vector.multi_reduction <add>, %select_n3A_150, %reduce_sum3A_151 [1] : vector<16x16xf32> to vector<16xf32>
    %broadcast_in_dim3A_153 = vector.shape_cast %reduce_sum3A_152 : vector<16xf32> to vector<16x1xf32>
    %add3A_154 = vector.broadcast %broadcast_in_dim3A_142 : vector<16x1xf32> to vector<16x16xf32>
    %add3A_155 = arith.addf %add3A_154, %add3A_131 : vector<16x16xf32>
    %reduce_max3A_156 = arith.constant dense<0xFF800000> : vector<16xf32>
    %reduce_max3A_157 = vector.multi_reduction <maximumf>, %add3A_155, %reduce_max3A_156 [0] : vector<16x16xf32> to vector<16xf32>
    %broadcast_in_dim3A_158 = vector.shape_cast %reduce_max3A_157 : vector<16xf32> to vector<1x16xf32>
    %eq3A_159 = vector.broadcast %broadcast_in_dim3A_158 : vector<1x16xf32> to vector<16x16xf32>
    %eq3A_160 = arith.cmpf oeq, %add3A_155, %eq3A_159 : vector<16x16xf32>
    %jit3A_161 = arith.constant 16 : i32
    %broadcast_in_dim3A_162 = vector.broadcast %jit3A_161 : i32 to vector<16x16xi32>
    %select_n3A_163 = arith.select %eq3A_160, %iota3A_0, %broadcast_in_dim3A_162 : vector<16x16xi1>, vector<16x16xi32>
    %reduce_min3A_164 = arith.constant dense<2147483647> : vector<16xi32>
    %reduce_min3A_165 = vector.multi_reduction <minsi>, %select_n3A_163, %reduce_min3A_164 [0] : vector<16x16xi32> to vector<16xi32>
    %broadcast_in_dim3A_166 = vector.shape_cast %reduce_min3A_165 : vector<16xi32> to vector<1x16xi32>
    %swap3A_167 = arith.index_cast %scan3A_121 : i32 to index
    %swap3A_168 = arith.constant 0 : index
    %swap3A_169 = vector.load %arg7[%swap3A_167, %swap3A_168] : memref<512x16xi32, #tpu.memory_space<vmem>>, vector<1x16xi32>
    tpu.vector_store %arg7[%swap3A_167, %swap3A_168], %broadcast_in_dim3A_166 {strides = array<i32>} : memref<512x16xi32, #tpu.memory_space<vmem>>, vector<1x16xi32>,
    %add3A_170 = vector.broadcast %broadcast_in_dim3A_153 : vector<16x1xf32> to vector<16x16xf32>
    %add3A_171 = arith.addf %add3A_170, %add3A_131 : vector<16x16xf32>
    %reduce_max3A_172 = arith.constant dense<0xFF800000> : vector<16xf32>
    %reduce_max3A_173 = vector.multi_reduction <maximumf>, %add3A_171, %reduce_max3A_172 [0] : vector<16x16xf32> to vector<16xf32>
    %broadcast_in_dim3A_174 = vector.shape_cast %reduce_max3A_173 : vector<16xf32> to vector<1x16xf32>
    %sub3A_175 = vector.broadcast %broadcast_in_dim3A_174 : vector<1x16xf32> to vector<16x16xf32>
    %sub3A_176 = arith.subf %add3A_171, %sub3A_175 : vector<16x16xf32>
    %exp3A_177 = math.exp %sub3A_176 : vector<16x16xf32>
    %reduce_sum3A_178 = arith.constant dense<0.000000e+00> : vector<16xf32>
    %reduce_sum3A_179 = vector.multi_reduction <add>, %exp3A_177, %reduce_sum3A_178 [0] : vector<16x16xf32> to vector<16xf32>
    %broadcast_in_dim3A_180 = vector.shape_cast %reduce_sum3A_179 : vector<16xf32> to vector<1x16xf32>
    %log3A_181 = math.log %broadcast_in_dim3A_180 : vector<1x16xf32>
    %add3A_182 = arith.addf %log3A_181, %broadcast_in_dim3A_174 : vector<1x16xf32>
    %scan3A_183 = arith.constant 511 : i32
    %reduce_max3A_184 = vector.shape_cast %broadcast_in_dim3A_158 : vector<1x16xf32> to vector<1x1x16xf32>
    %reduce_max3A_185 = arith.constant dense<0xFF800000> : vector<1xf32>
    %reduce_max3A_186 = vector.multi_reduction <maximumf>, %reduce_max3A_184, %reduce_max3A_185 [1, 2] : vector<1x1x16xf32> to vector<1xf32>
    %reduce_max3A_187 = vector.shape_cast %reduce_max3A_186 : vector<1xf32> to vector<1x1x1xf32>
    %reduce_max3A_188 = vector.extract %reduce_max3A_187[0, 0, 0] : f32 from vector<1x1x1xf32>
    %eq3A_189 = vector.broadcast %reduce_max3A_188 : f32 to vector<1x16xf32>
    %eq3A_190 = arith.cmpf oeq, %broadcast_in_dim3A_158, %eq3A_189 : vector<1x16xf32>
    %jit3A_191 = arith.constant 16 : i32
    %broadcast_in_dim3A_192 = vector.broadcast %jit3A_191 : i32 to vector<1x16xi32>
    %select_n3A_193 = arith.select %eq3A_190, %iota3A, %broadcast_in_dim3A_192 : vector<1x16xi1>, vector<1x16xi32>
    %reduce_min3A_194 = vector.shape_cast %select_n3A_193 : vector<1x16xi32> to vector<1x1x16xi32>
    %reduce_min3A_195 = arith.constant dense<2147483647> : vector<1xi32>
    %reduce_min3A_196 = vector.multi_reduction <minsi>, %reduce_min3A_194, %reduce_min3A_195 [1, 2] : vector<1x1x16xi32> to vector<1xi32>
    %reduce_min3A_197 = vector.shape_cast %reduce_min3A_196 : vector<1xi32> to vector<1x1x1xi32>
    %reduce_min3A_198 = vector.extract %reduce_min3A_197[0, 0, 0] : i32 from vector<1x1x1xi32>
    %iota3A_199 = tpu.iota {dimensions = array<i32: 1>} : vector<512x16xi32>
    %get3A_200 = arith.constant 1 : index
    %get3A_201 = arith.constant 0 : index
    %get3A_202 = vector.load %arg7[%get3A_200, %get3A_201] : memref<512x16xi32, #tpu.memory_space<vmem>>, vector<511x16xi32>
    %concatenate3A = tpu.concatenate %get3A_202, %iota3A in 0 : vector<511x16xi32>, vector<1x16xi32> -> vector<512x16xi32>
    %slice3A = vector.extract_strided_slice %concatenate3A {offsets = [1, 0], sizes = [511, 16], strides = [1, 1]} : vector<512x16xi32> to vector<511x16xi32>
    %concatenate3A_203 = tpu.concatenate %slice3A, %iota3A in 0 : vector<511x16xi32>, vector<1x16xi32> -> vector<512x16xi32>
    %broadcast_in_dim3A_204 = arith.constant 0 : i32
    %broadcast_in_dim3A_205 = vector.broadcast %broadcast_in_dim3A_204 : i32 to vector<512x16xi32>
    %eq3A_206 = arith.constant 0 : i32
    %eq3A_207 = vector.broadcast %eq3A_206 : i32 to vector<512x16xi32>
    %eq3A_208 = arith.cmpi eq, %concatenate3A_203, %eq3A_207 : vector<512x16xi32>
    %slice3A_209 = vector.extract_strided_slice %concatenate3A {offsets = [0, 0], sizes = [512, 1], strides = [1, 1]} : vector<512x16xi32> to vector<512x1xi32>
    %jit3A_210 = arith.constant 0 : i32
    %broadcast_in_dim3A_211 = vector.shape_cast %slice3A_209 : vector<512x1xi32> to vector<512x1xi32>
    %broadcast_in_dim3A_212 = vector.broadcast %broadcast_in_dim3A_211 : vector<512x1xi32> to vector<512x16xi32>
    %broadcast_in_dim3A_213 = vector.broadcast %jit3A_210 : i32 to vector<512x16xi32>
    %select_n3A_214 = arith.select %eq3A_208, %broadcast_in_dim3A_212, %broadcast_in_dim3A_213 : vector<512x16xi1>, vector<512x16xi32>
    %add3A_215 = arith.addi %broadcast_in_dim3A_205, %select_n3A_214 : vector<512x16xi32>
    %eq3A_216 = arith.constant 1 : i32
    %eq3A_217 = vector.broadcast %eq3A_216 : i32 to vector<512x16xi32>
    %eq3A_218 = arith.cmpi eq, %concatenate3A_203, %eq3A_217 : vector<512x16xi32>
    %slice3A_219 = vector.extract_strided_slice %concatenate3A {offsets = [0, 1], sizes = [512, 1], strides = [1, 1]} : vector<512x16xi32> to vector<512x1xi32>
    %jit3A_220 = arith.constant 0 : i32
    %broadcast_in_dim3A_221 = vector.shape_cast %slice3A_219 : vector<512x1xi32> to vector<512x1xi32>
    %broadcast_in_dim3A_222 = vector.broadcast %broadcast_in_dim3A_221 : vector<512x1xi32> to vector<512x16xi32>
    %broadcast_in_dim3A_223 = vector.broadcast %jit3A_220 : i32 to vector<512x16xi32>
    %select_n3A_224 = arith.select %eq3A_218, %broadcast_in_dim3A_222, %broadcast_in_dim3A_223 : vector<512x16xi1>, vector<512x16xi32>
    %add3A_225 = arith.addi %add3A_215, %select_n3A_224 : vector<512x16xi32>
    %eq3A_226 = arith.constant 2 : i32
    %eq3A_227 = vector.broadcast %eq3A_226 : i32 to vector<512x16xi32>
    %eq3A_228 = arith.cmpi eq, %concatenate3A_203, %eq3A_227 : vector<512x16xi32>
    %slice3A_229 = vector.extract_strided_slice %concatenate3A {offsets = [0, 2], sizes = [512, 1], strides = [1, 1]} : vector<512x16xi32> to vector<512x1xi32>
    %jit3A_230 = arith.constant 0 : i32
    %broadcast_in_dim3A_231 = vector.shape_cast %slice3A_229 : vector<512x1xi32> to vector<512x1xi32>
    %broadcast_in_dim3A_232 = vector.broadcast %broadcast_in_dim3A_231 : vector<512x1xi32> to vector<512x16xi32>
    %broadcast_in_dim3A_233 = vector.broadcast %jit3A_230 : i32 to vector<512x16xi32>
    %select_n3A_234 = arith.select %eq3A_228, %broadcast_in_dim3A_232, %broadcast_in_dim3A_233 : vector<512x16xi1>, vector<512x16xi32>
    %add3A_235 = arith.addi %add3A_225, %select_n3A_234 : vector<512x16xi32>
    %eq3A_236 = arith.constant 3 : i32
    %eq3A_237 = vector.broadcast %eq3A_236 : i32 to vector<512x16xi32>
    %eq3A_238 = arith.cmpi eq, %concatenate3A_203, %eq3A_237 : vector<512x16xi32>
    %slice3A_239 = vector.extract_strided_slice %concatenate3A {offsets = [0, 3], sizes = [512, 1], strides = [1, 1]} : vector<512x16xi32> to vector<512x1xi32>
    %jit3A_240 = arith.constant 0 : i32
    %broadcast_in_dim3A_241 = vector.shape_cast %slice3A_239 : vector<512x1xi32> to vector<512x1xi32>
    %broadcast_in_dim3A_242 = vector.broadcast %broadcast_in_dim3A_241 : vector<512x1xi32> to vector<512x16xi32>
    %broadcast_in_dim3A_243 = vector.broadcast %jit3A_240 : i32 to vector<512x16xi32>
    %select_n3A_244 = arith.select %eq3A_238, %broadcast_in_dim3A_242, %broadcast_in_dim3A_243 : vector<512x16xi1>, vector<512x16xi32>
    %add3A_245 = arith.addi %add3A_235, %select_n3A_244 : vector<512x16xi32>
    %eq3A_246 = arith.constant 4 : i32
    %eq3A_247 = vector.broadcast %eq3A_246 : i32 to vector<512x16xi32>
    %eq3A_248 = arith.cmpi eq, %concatenate3A_203, %eq3A_247 : vector<512x16xi32>
    %slice3A_249 = vector.extract_strided_slice %concatenate3A {offsets = [0, 4], sizes = [512, 1], strides = [1, 1]} : vector<512x16xi32> to vector<512x1xi32>
    %jit3A_250 = arith.constant 0 : i32
    %broadcast_in_dim3A_251 = vector.shape_cast %slice3A_249 : vector<512x1xi32> to vector<512x1xi32>
    %broadcast_in_dim3A_252 = vector.broadcast %broadcast_in_dim3A_251 : vector<512x1xi32> to vector<512x16xi32>
    %broadcast_in_dim3A_253 = vector.broadcast %jit3A_250 : i32 to vector<512x16xi32>
    %select_n3A_254 = arith.select %eq3A_248, %broadcast_in_dim3A_252, %broadcast_in_dim3A_253 : vector<512x16xi1>, vector<512x16xi32>
    %add3A_255 = arith.addi %add3A_245, %select_n3A_254 : vector<512x16xi32>
    %eq3A_256 = arith.constant 5 : i32
    %eq3A_257 = vector.broadcast %eq3A_256 : i32 to vector<512x16xi32>
    %eq3A_258 = arith.cmpi eq, %concatenate3A_203, %eq3A_257 : vector<512x16xi32>
    %slice3A_259 = vector.extract_strided_slice %concatenate3A {offsets = [0, 5], sizes = [512, 1], strides = [1, 1]} : vector<512x16xi32> to vector<512x1xi32>
    %jit3A_260 = arith.constant 0 : i32
    %broadcast_in_dim3A_261 = vector.shape_cast %slice3A_259 : vector<512x1xi32> to vector<512x1xi32>
    %broadcast_in_dim3A_262 = vector.broadcast %broadcast_in_dim3A_261 : vector<512x1xi32> to vector<512x16xi32>
    %broadcast_in_dim3A_263 = vector.broadcast %jit3A_260 : i32 to vector<512x16xi32>
    %select_n3A_264 = arith.select %eq3A_258, %broadcast_in_dim3A_262, %broadcast_in_dim3A_263 : vector<512x16xi1>, vector<512x16xi32>
    %add3A_265 = arith.addi %add3A_255, %select_n3A_264 : vector<512x16xi32>
    %eq3A_266 = arith.constant 6 : i32
    %eq3A_267 = vector.broadcast %eq3A_266 : i32 to vector<512x16xi32>
    %eq3A_268 = arith.cmpi eq, %concatenate3A_203, %eq3A_267 : vector<512x16xi32>
    %slice3A_269 = vector.extract_strided_slice %concatenate3A {offsets = [0, 6], sizes = [512, 1], strides = [1, 1]} : vector<512x16xi32> to vector<512x1xi32>
    %jit3A_270 = arith.constant 0 : i32
    %broadcast_in_dim3A_271 = vector.shape_cast %slice3A_269 : vector<512x1xi32> to vector<512x1xi32>
    %broadcast_in_dim3A_272 = vector.broadcast %broadcast_in_dim3A_271 : vector<512x1xi32> to vector<512x16xi32>
    %broadcast_in_dim3A_273 = vector.broadcast %jit3A_270 : i32 to vector<512x16xi32>
    %select_n3A_274 = arith.select %eq3A_268, %broadcast_in_dim3A_272, %broadcast_in_dim3A_273 : vector<512x16xi1>, vector<512x16xi32>
    %add3A_275 = arith.addi %add3A_265, %select_n3A_274 : vector<512x16xi32>
    %eq3A_276 = arith.constant 7 : i32
    %eq3A_277 = vector.broadcast %eq3A_276 : i32 to vector<512x16xi32>
    %eq3A_278 = arith.cmpi eq, %concatenate3A_203, %eq3A_277 : vector<512x16xi32>
    %slice3A_279 = vector.extract_strided_slice %concatenate3A {offsets = [0, 7], sizes = [512, 1], strides = [1, 1]} : vector<512x16xi32> to vector<512x1xi32>
    %jit3A_280 = arith.constant 0 : i32
    %broadcast_in_dim3A_281 = vector.shape_cast %slice3A_279 : vector<512x1xi32> to vector<512x1xi32>
    %broadcast_in_dim3A_282 = vector.broadcast %broadcast_in_dim3A_281 : vector<512x1xi32> to vector<512x16xi32>
    %broadcast_in_dim3A_283 = vector.broadcast %jit3A_280 : i32 to vector<512x16xi32>
    %select_n3A_284 = arith.select %eq3A_278, %broadcast_in_dim3A_282, %broadcast_in_dim3A_283 : vector<512x16xi1>, vector<512x16xi32>
    %add3A_285 = arith.addi %add3A_275, %select_n3A_284 : vector<512x16xi32>
    %eq3A_286 = arith.constant 8 : i32
    %eq3A_287 = vector.broadcast %eq3A_286 : i32 to vector<512x16xi32>
    %eq3A_288 = arith.cmpi eq, %concatenate3A_203, %eq3A_287 : vector<512x16xi32>
    %slice3A_289 = vector.extract_strided_slice %concatenate3A {offsets = [0, 8], sizes = [512, 1], strides = [1, 1]} : vector<512x16xi32> to vector<512x1xi32>
    %jit3A_290 = arith.constant 0 : i32
    %broadcast_in_dim3A_291 = vector.shape_cast %slice3A_289 : vector<512x1xi32> to vector<512x1xi32>
    %broadcast_in_dim3A_292 = vector.broadcast %broadcast_in_dim3A_291 : vector<512x1xi32> to vector<512x16xi32>
    %broadcast_in_dim3A_293 = vector.broadcast %jit3A_290 : i32 to vector<512x16xi32>
    %select_n3A_294 = arith.select %eq3A_288, %broadcast_in_dim3A_292, %broadcast_in_dim3A_293 : vector<512x16xi1>, vector<512x16xi32>
    %add3A_295 = arith.addi %add3A_285, %select_n3A_294 : vector<512x16xi32>
    %eq3A_296 = arith.constant 9 : i32
    %eq3A_297 = vector.broadcast %eq3A_296 : i32 to vector<512x16xi32>
    %eq3A_298 = arith.cmpi eq, %concatenate3A_203, %eq3A_297 : vector<512x16xi32>
    %slice3A_299 = vector.extract_strided_slice %concatenate3A {offsets = [0, 9], sizes = [512, 1], strides = [1, 1]} : vector<512x16xi32> to vector<512x1xi32>
    %jit3A_300 = arith.constant 0 : i32
    %broadcast_in_dim3A_301 = vector.shape_cast %slice3A_299 : vector<512x1xi32> to vector<512x1xi32>
    %broadcast_in_dim3A_302 = vector.broadcast %broadcast_in_dim3A_301 : vector<512x1xi32> to vector<512x16xi32>
    %broadcast_in_dim3A_303 = vector.broadcast %jit3A_300 : i32 to vector<512x16xi32>
    %select_n3A_304 = arith.select %eq3A_298, %broadcast_in_dim3A_302, %broadcast_in_dim3A_303 : vector<512x16xi1>, vector<512x16xi32>
    %add3A_305 = arith.addi %add3A_295, %select_n3A_304 : vector<512x16xi32>
    %eq3A_306 = arith.constant 10 : i32
    %eq3A_307 = vector.broadcast %eq3A_306 : i32 to vector<512x16xi32>
    %eq3A_308 = arith.cmpi eq, %concatenate3A_203, %eq3A_307 : vector<512x16xi32>
    %slice3A_309 = vector.extract_strided_slice %concatenate3A {offsets = [0, 10], sizes = [512, 1], strides = [1, 1]} : vector<512x16xi32> to vector<512x1xi32>
    %jit3A_310 = arith.constant 0 : i32
    %broadcast_in_dim3A_311 = vector.shape_cast %slice3A_309 : vector<512x1xi32> to vector<512x1xi32>
    %broadcast_in_dim3A_312 = vector.broadcast %broadcast_in_dim3A_311 : vector<512x1xi32> to vector<512x16xi32>
    %broadcast_in_dim3A_313 = vector.broadcast %jit3A_310 : i32 to vector<512x16xi32>
    %select_n3A_314 = arith.select %eq3A_308, %broadcast_in_dim3A_312, %broadcast_in_dim3A_313 : vector<512x16xi1>, vector<512x16xi32>
    %add3A_315 = arith.addi %add3A_305, %select_n3A_314 : vector<512x16xi32>
    %eq3A_316 = arith.constant 11 : i32
    %eq3A_317 = vector.broadcast %eq3A_316 : i32 to vector<512x16xi32>
    %eq3A_318 = arith.cmpi eq, %concatenate3A_203, %eq3A_317 : vector<512x16xi32>
    %slice3A_319 = vector.extract_strided_slice %concatenate3A {offsets = [0, 11], sizes = [512, 1], strides = [1, 1]} : vector<512x16xi32> to vector<512x1xi32>
    %jit3A_320 = arith.constant 0 : i32
    %broadcast_in_dim3A_321 = vector.shape_cast %slice3A_319 : vector<512x1xi32> to vector<512x1xi32>
    %broadcast_in_dim3A_322 = vector.broadcast %broadcast_in_dim3A_321 : vector<512x1xi32> to vector<512x16xi32>
    %broadcast_in_dim3A_323 = vector.broadcast %jit3A_320 : i32 to vector<512x16xi32>
    %select_n3A_324 = arith.select %eq3A_318, %broadcast_in_dim3A_322, %broadcast_in_dim3A_323 : vector<512x16xi1>, vector<512x16xi32>
    %add3A_325 = arith.addi %add3A_315, %select_n3A_324 : vector<512x16xi32>
    %eq3A_326 = arith.constant 12 : i32
    %eq3A_327 = vector.broadcast %eq3A_326 : i32 to vector<512x16xi32>
    %eq3A_328 = arith.cmpi eq, %concatenate3A_203, %eq3A_327 : vector<512x16xi32>
    %slice3A_329 = vector.extract_strided_slice %concatenate3A {offsets = [0, 12], sizes = [512, 1], strides = [1, 1]} : vector<512x16xi32> to vector<512x1xi32>
    %jit3A_330 = arith.constant 0 : i32
    %broadcast_in_dim3A_331 = vector.shape_cast %slice3A_329 : vector<512x1xi32> to vector<512x1xi32>
    %broadcast_in_dim3A_332 = vector.broadcast %broadcast_in_dim3A_331 : vector<512x1xi32> to vector<512x16xi32>
    %broadcast_in_dim3A_333 = vector.broadcast %jit3A_330 : i32 to vector<512x16xi32>
    %select_n3A_334 = arith.select %eq3A_328, %broadcast_in_dim3A_332, %broadcast_in_dim3A_333 : vector<512x16xi1>, vector<512x16xi32>
    %add3A_335 = arith.addi %add3A_325, %select_n3A_334 : vector<512x16xi32>
    %eq3A_336 = arith.constant 13 : i32
    %eq3A_337 = vector.broadcast %eq3A_336 : i32 to vector<512x16xi32>
    %eq3A_338 = arith.cmpi eq, %concatenate3A_203, %eq3A_337 : vector<512x16xi32>
    %slice3A_339 = vector.extract_strided_slice %concatenate3A {offsets = [0, 13], sizes = [512, 1], strides = [1, 1]} : vector<512x16xi32> to vector<512x1xi32>
    %jit3A_340 = arith.constant 0 : i32
    %broadcast_in_dim3A_341 = vector.shape_cast %slice3A_339 : vector<512x1xi32> to vector<512x1xi32>
    %broadcast_in_dim3A_342 = vector.broadcast %broadcast_in_dim3A_341 : vector<512x1xi32> to vector<512x16xi32>
    %broadcast_in_dim3A_343 = vector.broadcast %jit3A_340 : i32 to vector<512x16xi32>
    %select_n3A_344 = arith.select %eq3A_338, %broadcast_in_dim3A_342, %broadcast_in_dim3A_343 : vector<512x16xi1>, vector<512x16xi32>
    %add3A_345 = arith.addi %add3A_335, %select_n3A_344 : vector<512x16xi32>
    %eq3A_346 = arith.constant 14 : i32
    %eq3A_347 = vector.broadcast %eq3A_346 : i32 to vector<512x16xi32>
    %eq3A_348 = arith.cmpi eq, %concatenate3A_203, %eq3A_347 : vector<512x16xi32>
    %slice3A_349 = vector.extract_strided_slice %concatenate3A {offsets = [0, 14], sizes = [512, 1], strides = [1, 1]} : vector<512x16xi32> to vector<512x1xi32>
    %jit3A_350 = arith.constant 0 : i32
    %broadcast_in_dim3A_351 = vector.shape_cast %slice3A_349 : vector<512x1xi32> to vector<512x1xi32>
    %broadcast_in_dim3A_352 = vector.broadcast %broadcast_in_dim3A_351 : vector<512x1xi32> to vector<512x16xi32>
    %broadcast_in_dim3A_353 = vector.broadcast %jit3A_350 : i32 to vector<512x16xi32>
    %select_n3A_354 = arith.select %eq3A_348, %broadcast_in_dim3A_352, %broadcast_in_dim3A_353 : vector<512x16xi1>, vector<512x16xi32>
    %add3A_355 = arith.addi %add3A_345, %select_n3A_354 : vector<512x16xi32>
    %eq3A_356 = arith.constant 15 : i32
    %eq3A_357 = vector.broadcast %eq3A_356 : i32 to vector<512x16xi32>
    %eq3A_358 = arith.cmpi eq, %concatenate3A_203, %eq3A_357 : vector<512x16xi32>
    %slice3A_359 = vector.extract_strided_slice %concatenate3A {offsets = [0, 15], sizes = [512, 1], strides = [1, 1]} : vector<512x16xi32> to vector<512x1xi32>
    %jit3A_360 = arith.constant 0 : i32
    %broadcast_in_dim3A_361 = vector.shape_cast %slice3A_359 : vector<512x1xi32> to vector<512x1xi32>
    %broadcast_in_dim3A_362 = vector.broadcast %broadcast_in_dim3A_361 : vector<512x1xi32> to vector<512x16xi32>
    %broadcast_in_dim3A_363 = vector.broadcast %jit3A_360 : i32 to vector<512x16xi32>
    %select_n3A_364 = arith.select %eq3A_358, %broadcast_in_dim3A_362, %broadcast_in_dim3A_363 : vector<512x16xi1>, vector<512x16xi32>
    %add3A_365 = arith.addi %add3A_355, %select_n3A_364 : vector<512x16xi32>
    %slice3A_366 = vector.extract_strided_slice %add3A_365 {offsets = [2, 0], sizes = [510, 16], strides = [1, 1]} : vector<512x16xi32> to vector<510x16xi32>
    %broadcast_in_dim3A_367 = vector.shape_cast %iota3A : vector<1x16xi32> to vector<1x16xi32>
    %broadcast_in_dim3A_368 = vector.broadcast %broadcast_in_dim3A_367 : vector<1x16xi32> to vector<2x16xi32>
    %concatenate3A_369 = tpu.concatenate %slice3A_366, %broadcast_in_dim3A_368 in 0 : vector<510x16xi32>, vector<2x16xi32> -> vector<512x16xi32>
    %broadcast_in_dim3A_370 = arith.constant 0 : i32
    %broadcast_in_dim3A_371 = vector.broadcast %broadcast_in_dim3A_370 : i32 to vector<512x16xi32>
    %eq3A_372 = arith.constant 0 : i32
    %eq3A_373 = vector.broadcast %eq3A_372 : i32 to vector<512x16xi32>
    %eq3A_374 = arith.cmpi eq, %concatenate3A_369, %eq3A_373 : vector<512x16xi32>
    %slice3A_375 = vector.extract_strided_slice %add3A_365 {offsets = [0, 0], sizes = [512, 1], strides = [1, 1]} : vector<512x16xi32> to vector<512x1xi32>
    %jit3A_376 = arith.constant 0 : i32
    %broadcast_in_dim3A_377 = vector.shape_cast %slice3A_375 : vector<512x1xi32> to vector<512x1xi32>
    %broadcast_in_dim3A_378 = vector.broadcast %broadcast_in_dim3A_377 : vector<512x1xi32> to vector<512x16xi32>
    %broadcast_in_dim3A_379 = vector.broadcast %jit3A_376 : i32 to vector<512x16xi32>
    %select_n3A_380 = arith.select %eq3A_374, %broadcast_in_dim3A_378, %broadcast_in_dim3A_379 : vector<512x16xi1>, vector<512x16xi32>
    %add3A_381 = arith.addi %broadcast_in_dim3A_371, %select_n3A_380 : vector<512x16xi32>
    %eq3A_382 = arith.constant 1 : i32
    %eq3A_383 = vector.broadcast %eq3A_382 : i32 to vector<512x16xi32>
    %eq3A_384 = arith.cmpi eq, %concatenate3A_369, %eq3A_383 : vector<512x16xi32>
    %slice3A_385 = vector.extract_strided_slice %add3A_365 {offsets = [0, 1], sizes = [512, 1], strides = [1, 1]} : vector<512x16xi32> to vector<512x1xi32>
    %jit3A_386 = arith.constant 0 : i32
    %broadcast_in_dim3A_387 = vector.shape_cast %slice3A_385 : vector<512x1xi32> to vector<512x1xi32>
    %broadcast_in_dim3A_388 = vector.broadcast %broadcast_in_dim3A_387 : vector<512x1xi32> to vector<512x16xi32>
    %broadcast_in_dim3A_389 = vector.broadcast %jit3A_386 : i32 to vector<512x16xi32>
    %select_n3A_390 = arith.select %eq3A_384, %broadcast_in_dim3A_388, %broadcast_in_dim3A_389 : vector<512x16xi1>, vector<512x16xi32>
    %add3A_391 = arith.addi %add3A_381, %select_n3A_390 : vector<512x16xi32>
    %eq3A_392 = arith.constant 2 : i32
    %eq3A_393 = vector.broadcast %eq3A_392 : i32 to vector<512x16xi32>
    %eq3A_394 = arith.cmpi eq, %concatenate3A_369, %eq3A_393 : vector<512x16xi32>
    %slice3A_395 = vector.extract_strided_slice %add3A_365 {offsets = [0, 2], sizes = [512, 1], strides = [1, 1]} : vector<512x16xi32> to vector<512x1xi32>
    %jit3A_396 = arith.constant 0 : i32
    %broadcast_in_dim3A_397 = vector.shape_cast %slice3A_395 : vector<512x1xi32> to vector<512x1xi32>
    %broadcast_in_dim3A_398 = vector.broadcast %broadcast_in_dim3A_397 : vector<512x1xi32> to vector<512x16xi32>
    %broadcast_in_dim3A_399 = vector.broadcast %jit3A_396 : i32 to vector<512x16xi32>
    %select_n3A_400 = arith.select %eq3A_394, %broadcast_in_dim3A_398, %broadcast_in_dim3A_399 : vector<512x16xi1>, vector<512x16xi32>
    %add3A_401 = arith.addi %add3A_391, %select_n3A_400 : vector<512x16xi32>
    %eq3A_402 = arith.constant 3 : i32
    %eq3A_403 = vector.broadcast %eq3A_402 : i32 to vector<512x16xi32>
    %eq3A_404 = arith.cmpi eq, %concatenate3A_369, %eq3A_403 : vector<512x16xi32>
    %slice3A_405 = vector.extract_strided_slice %add3A_365 {offsets = [0, 3], sizes = [512, 1], strides = [1, 1]} : vector<512x16xi32> to vector<512x1xi32>
    %jit3A_406 = arith.constant 0 : i32
    %broadcast_in_dim3A_407 = vector.shape_cast %slice3A_405 : vector<512x1xi32> to vector<512x1xi32>
    %broadcast_in_dim3A_408 = vector.broadcast %broadcast_in_dim3A_407 : vector<512x1xi32> to vector<512x16xi32>
    %broadcast_in_dim3A_409 = vector.broadcast %jit3A_406 : i32 to vector<512x16xi32>
    %select_n3A_410 = arith.select %eq3A_404, %broadcast_in_dim3A_408, %broadcast_in_dim3A_409 : vector<512x16xi1>, vector<512x16xi32>
    %add3A_411 = arith.addi %add3A_401, %select_n3A_410 : vector<512x16xi32>
    %eq3A_412 = arith.constant 4 : i32
    %eq3A_413 = vector.broadcast %eq3A_412 : i32 to vector<512x16xi32>
    %eq3A_414 = arith.cmpi eq, %concatenate3A_369, %eq3A_413 : vector<512x16xi32>
    %slice3A_415 = vector.extract_strided_slice %add3A_365 {offsets = [0, 4], sizes = [512, 1], strides = [1, 1]} : vector<512x16xi32> to vector<512x1xi32>
    %jit3A_416 = arith.constant 0 : i32
    %broadcast_in_dim3A_417 = vector.shape_cast %slice3A_415 : vector<512x1xi32> to vector<512x1xi32>
    %broadcast_in_dim3A_418 = vector.broadcast %broadcast_in_dim3A_417 : vector<512x1xi32> to vector<512x16xi32>
    %broadcast_in_dim3A_419 = vector.broadcast %jit3A_416 : i32 to vector<512x16xi32>
    %select_n3A_420 = arith.select %eq3A_414, %broadcast_in_dim3A_418, %broadcast_in_dim3A_419 : vector<512x16xi1>, vector<512x16xi32>
    %add3A_421 = arith.addi %add3A_411, %select_n3A_420 : vector<512x16xi32>
    %eq3A_422 = arith.constant 5 : i32
    %eq3A_423 = vector.broadcast %eq3A_422 : i32 to vector<512x16xi32>
    %eq3A_424 = arith.cmpi eq, %concatenate3A_369, %eq3A_423 : vector<512x16xi32>
    %slice3A_425 = vector.extract_strided_slice %add3A_365 {offsets = [0, 5], sizes = [512, 1], strides = [1, 1]} : vector<512x16xi32> to vector<512x1xi32>
    %jit3A_426 = arith.constant 0 : i32
    %broadcast_in_dim3A_427 = vector.shape_cast %slice3A_425 : vector<512x1xi32> to vector<512x1xi32>
    %broadcast_in_dim3A_428 = vector.broadcast %broadcast_in_dim3A_427 : vector<512x1xi32> to vector<512x16xi32>
    %broadcast_in_dim3A_429 = vector.broadcast %jit3A_426 : i32 to vector<512x16xi32>
    %select_n3A_430 = arith.select %eq3A_424, %broadcast_in_dim3A_428, %broadcast_in_dim3A_429 : vector<512x16xi1>, vector<512x16xi32>
    %add3A_431 = arith.addi %add3A_421, %select_n3A_430 : vector<512x16xi32>
    %eq3A_432 = arith.constant 6 : i32
    %eq3A_433 = vector.broadcast %eq3A_432 : i32 to vector<512x16xi32>
    %eq3A_434 = arith.cmpi eq, %concatenate3A_369, %eq3A_433 : vector<512x16xi32>
    %slice3A_435 = vector.extract_strided_slice %add3A_365 {offsets = [0, 6], sizes = [512, 1], strides = [1, 1]} : vector<512x16xi32> to vector<512x1xi32>
    %jit3A_436 = arith.constant 0 : i32
    %broadcast_in_dim3A_437 = vector.shape_cast %slice3A_435 : vector<512x1xi32> to vector<512x1xi32>
    %broadcast_in_dim3A_438 = vector.broadcast %broadcast_in_dim3A_437 : vector<512x1xi32> to vector<512x16xi32>
    %broadcast_in_dim3A_439 = vector.broadcast %jit3A_436 : i32 to vector<512x16xi32>
    %select_n3A_440 = arith.select %eq3A_434, %broadcast_in_dim3A_438, %broadcast_in_dim3A_439 : vector<512x16xi1>, vector<512x16xi32>
    %add3A_441 = arith.addi %add3A_431, %select_n3A_440 : vector<512x16xi32>
    %eq3A_442 = arith.constant 7 : i32
    %eq3A_443 = vector.broadcast %eq3A_442 : i32 to vector<512x16xi32>
    %eq3A_444 = arith.cmpi eq, %concatenate3A_369, %eq3A_443 : vector<512x16xi32>
    %slice3A_445 = vector.extract_strided_slice %add3A_365 {offsets = [0, 7], sizes = [512, 1], strides = [1, 1]} : vector<512x16xi32> to vector<512x1xi32>
    %jit3A_446 = arith.constant 0 : i32
    %broadcast_in_dim3A_447 = vector.shape_cast %slice3A_445 : vector<512x1xi32> to vector<512x1xi32>
    %broadcast_in_dim3A_448 = vector.broadcast %broadcast_in_dim3A_447 : vector<512x1xi32> to vector<512x16xi32>
    %broadcast_in_dim3A_449 = vector.broadcast %jit3A_446 : i32 to vector<512x16xi32>
    %select_n3A_450 = arith.select %eq3A_444, %broadcast_in_dim3A_448, %broadcast_in_dim3A_449 : vector<512x16xi1>, vector<512x16xi32>
    %add3A_451 = arith.addi %add3A_441, %select_n3A_450 : vector<512x16xi32>
    %eq3A_452 = arith.constant 8 : i32
    %eq3A_453 = vector.broadcast %eq3A_452 : i32 to vector<512x16xi32>
    %eq3A_454 = arith.cmpi eq, %concatenate3A_369, %eq3A_453 : vector<512x16xi32>
    %slice3A_455 = vector.extract_strided_slice %add3A_365 {offsets = [0, 8], sizes = [512, 1], strides = [1, 1]} : vector<512x16xi32> to vector<512x1xi32>
    %jit3A_456 = arith.constant 0 : i32
    %broadcast_in_dim3A_457 = vector.shape_cast %slice3A_455 : vector<512x1xi32> to vector<512x1xi32>
    %broadcast_in_dim3A_458 = vector.broadcast %broadcast_in_dim3A_457 : vector<512x1xi32> to vector<512x16xi32>
    %broadcast_in_dim3A_459 = vector.broadcast %jit3A_456 : i32 to vector<512x16xi32>
    %select_n3A_460 = arith.select %eq3A_454, %broadcast_in_dim3A_458, %broadcast_in_dim3A_459 : vector<512x16xi1>, vector<512x16xi32>
    %add3A_461 = arith.addi %add3A_451, %select_n3A_460 : vector<512x16xi32>
    %eq3A_462 = arith.constant 9 : i32
    %eq3A_463 = vector.broadcast %eq3A_462 : i32 to vector<512x16xi32>
    %eq3A_464 = arith.cmpi eq, %concatenate3A_369, %eq3A_463 : vector<512x16xi32>
    %slice3A_465 = vector.extract_strided_slice %add3A_365 {offsets = [0, 9], sizes = [512, 1], strides = [1, 1]} : vector<512x16xi32> to vector<512x1xi32>
    %jit3A_466 = arith.constant 0 : i32
    %broadcast_in_dim3A_467 = vector.shape_cast %slice3A_465 : vector<512x1xi32> to vector<512x1xi32>
    %broadcast_in_dim3A_468 = vector.broadcast %broadcast_in_dim3A_467 : vector<512x1xi32> to vector<512x16xi32>
    %broadcast_in_dim3A_469 = vector.broadcast %jit3A_466 : i32 to vector<512x16xi32>
    %select_n3A_470 = arith.select %eq3A_464, %broadcast_in_dim3A_468, %broadcast_in_dim3A_469 : vector<512x16xi1>, vector<512x16xi32>
    %add3A_471 = arith.addi %add3A_461, %select_n3A_470 : vector<512x16xi32>
    %eq3A_472 = arith.constant 10 : i32
    %eq3A_473 = vector.broadcast %eq3A_472 : i32 to vector<512x16xi32>
    %eq3A_474 = arith.cmpi eq, %concatenate3A_369, %eq3A_473 : vector<512x16xi32>
    %slice3A_475 = vector.extract_strided_slice %add3A_365 {offsets = [0, 10], sizes = [512, 1], strides = [1, 1]} : vector<512x16xi32> to vector<512x1xi32>
    %jit3A_476 = arith.constant 0 : i32
    %broadcast_in_dim3A_477 = vector.shape_cast %slice3A_475 : vector<512x1xi32> to vector<512x1xi32>
    %broadcast_in_dim3A_478 = vector.broadcast %broadcast_in_dim3A_477 : vector<512x1xi32> to vector<512x16xi32>
    %broadcast_in_dim3A_479 = vector.broadcast %jit3A_476 : i32 to vector<512x16xi32>
    %select_n3A_480 = arith.select %eq3A_474, %broadcast_in_dim3A_478, %broadcast_in_dim3A_479 : vector<512x16xi1>, vector<512x16xi32>
    %add3A_481 = arith.addi %add3A_471, %select_n3A_480 : vector<512x16xi32>
    %eq3A_482 = arith.constant 11 : i32
    %eq3A_483 = vector.broadcast %eq3A_482 : i32 to vector<512x16xi32>
    %eq3A_484 = arith.cmpi eq, %concatenate3A_369, %eq3A_483 : vector<512x16xi32>
    %slice3A_485 = vector.extract_strided_slice %add3A_365 {offsets = [0, 11], sizes = [512, 1], strides = [1, 1]} : vector<512x16xi32> to vector<512x1xi32>
    %jit3A_486 = arith.constant 0 : i32
    %broadcast_in_dim3A_487 = vector.shape_cast %slice3A_485 : vector<512x1xi32> to vector<512x1xi32>
    %broadcast_in_dim3A_488 = vector.broadcast %broadcast_in_dim3A_487 : vector<512x1xi32> to vector<512x16xi32>
    %broadcast_in_dim3A_489 = vector.broadcast %jit3A_486 : i32 to vector<512x16xi32>
    %select_n3A_490 = arith.select %eq3A_484, %broadcast_in_dim3A_488, %broadcast_in_dim3A_489 : vector<512x16xi1>, vector<512x16xi32>
    %add3A_491 = arith.addi %add3A_481, %select_n3A_490 : vector<512x16xi32>
    %eq3A_492 = arith.constant 12 : i32
    %eq3A_493 = vector.broadcast %eq3A_492 : i32 to vector<512x16xi32>
    %eq3A_494 = arith.cmpi eq, %concatenate3A_369, %eq3A_493 : vector<512x16xi32>
    %slice3A_495 = vector.extract_strided_slice %add3A_365 {offsets = [0, 12], sizes = [512, 1], strides = [1, 1]} : vector<512x16xi32> to vector<512x1xi32>
    %jit3A_496 = arith.constant 0 : i32
    %broadcast_in_dim3A_497 = vector.shape_cast %slice3A_495 : vector<512x1xi32> to vector<512x1xi32>
    %broadcast_in_dim3A_498 = vector.broadcast %broadcast_in_dim3A_497 : vector<512x1xi32> to vector<512x16xi32>
    %broadcast_in_dim3A_499 = vector.broadcast %jit3A_496 : i32 to vector<512x16xi32>
    %select_n3A_500 = arith.select %eq3A_494, %broadcast_in_dim3A_498, %broadcast_in_dim3A_499 : vector<512x16xi1>, vector<512x16xi32>
    %add3A_501 = arith.addi %add3A_491, %select_n3A_500 : vector<512x16xi32>
    %eq3A_502 = arith.constant 13 : i32
    %eq3A_503 = vector.broadcast %eq3A_502 : i32 to vector<512x16xi32>
    %eq3A_504 = arith.cmpi eq, %concatenate3A_369, %eq3A_503 : vector<512x16xi32>
    %slice3A_505 = vector.extract_strided_slice %add3A_365 {offsets = [0, 13], sizes = [512, 1], strides = [1, 1]} : vector<512x16xi32> to vector<512x1xi32>
    %jit3A_506 = arith.constant 0 : i32
    %broadcast_in_dim3A_507 = vector.shape_cast %slice3A_505 : vector<512x1xi32> to vector<512x1xi32>
    %broadcast_in_dim3A_508 = vector.broadcast %broadcast_in_dim3A_507 : vector<512x1xi32> to vector<512x16xi32>
    %broadcast_in_dim3A_509 = vector.broadcast %jit3A_506 : i32 to vector<512x16xi32>
    %select_n3A_510 = arith.select %eq3A_504, %broadcast_in_dim3A_508, %broadcast_in_dim3A_509 : vector<512x16xi1>, vector<512x16xi32>
    %add3A_511 = arith.addi %add3A_501, %select_n3A_510 : vector<512x16xi32>
    %eq3A_512 = arith.constant 14 : i32
    %eq3A_513 = vector.broadcast %eq3A_512 : i32 to vector<512x16xi32>
    %eq3A_514 = arith.cmpi eq, %concatenate3A_369, %eq3A_513 : vector<512x16xi32>
    %slice3A_515 = vector.extract_strided_slice %add3A_365 {offsets = [0, 14], sizes = [512, 1], strides = [1, 1]} : vector<512x16xi32> to vector<512x1xi32>
    %jit3A_516 = arith.constant 0 : i32
    %broadcast_in_dim3A_517 = vector.shape_cast %slice3A_515 : vector<512x1xi32> to vector<512x1xi32>
    %broadcast_in_dim3A_518 = vector.broadcast %broadcast_in_dim3A_517 : vector<512x1xi32> to vector<512x16xi32>
    %broadcast_in_dim3A_519 = vector.broadcast %jit3A_516 : i32 to vector<512x16xi32>
    %select_n3A_520 = arith.select %eq3A_514, %broadcast_in_dim3A_518, %broadcast_in_dim3A_519 : vector<512x16xi1>, vector<512x16xi32>
    %add3A_521 = arith.addi %add3A_511, %select_n3A_520 : vector<512x16xi32>
    %eq3A_522 = arith.constant 15 : i32
    %eq3A_523 = vector.broadcast %eq3A_522 : i32 to vector<512x16xi32>
    %eq3A_524 = arith.cmpi eq, %concatenate3A_369, %eq3A_523 : vector<512x16xi32>
    %slice3A_525 = vector.extract_strided_slice %add3A_365 {offsets = [0, 15], sizes = [512, 1], strides = [1, 1]} : vector<512x16xi32> to vector<512x1xi32>
    %jit3A_526 = arith.constant 0 : i32
    %broadcast_in_dim3A_527 = vector.shape_cast %slice3A_525 : vector<512x1xi32> to vector<512x1xi32>
    %broadcast_in_dim3A_528 = vector.broadcast %broadcast_in_dim3A_527 : vector<512x1xi32> to vector<512x16xi32>
    %broadcast_in_dim3A_529 = vector.broadcast %jit3A_526 : i32 to vector<512x16xi32>
    %select_n3A_530 = arith.select %eq3A_524, %broadcast_in_dim3A_528, %broadcast_in_dim3A_529 : vector<512x16xi1>, vector<512x16xi32>
    %add3A_531 = arith.addi %add3A_521, %select_n3A_530 : vector<512x16xi32>
    %slice3A_532 = vector.extract_strided_slice %add3A_531 {offsets = [4, 0], sizes = [508, 16], strides = [1, 1]} : vector<512x16xi32> to vector<508x16xi32>
    %broadcast_in_dim3A_533 = vector.shape_cast %iota3A : vector<1x16xi32> to vector<1x16xi32>
    %broadcast_in_dim3A_534 = vector.broadcast %broadcast_in_dim3A_533 : vector<1x16xi32> to vector<4x16xi32>
    %concatenate3A_535 = tpu.concatenate %slice3A_532, %broadcast_in_dim3A_534 in 0 : vector<508x16xi32>, vector<4x16xi32> -> vector<512x16xi32>
    %broadcast_in_dim3A_536 = arith.constant 0 : i32
    %broadcast_in_dim3A_537 = vector.broadcast %broadcast_in_dim3A_536 : i32 to vector<512x16xi32>
    %eq3A_538 = arith.constant 0 : i32
    %eq3A_539 = vector.broadcast %eq3A_538 : i32 to vector<512x16xi32>
    %eq3A_540 = arith.cmpi eq, %concatenate3A_535, %eq3A_539 : vector<512x16xi32>
    %slice3A_541 = vector.extract_strided_slice %add3A_531 {offsets = [0, 0], sizes = [512, 1], strides = [1, 1]} : vector<512x16xi32> to vector<512x1xi32>
    %jit3A_542 = arith.constant 0 : i32
    %broadcast_in_dim3A_543 = vector.shape_cast %slice3A_541 : vector<512x1xi32> to vector<512x1xi32>
    %broadcast_in_dim3A_544 = vector.broadcast %broadcast_in_dim3A_543 : vector<512x1xi32> to vector<512x16xi32>
    %broadcast_in_dim3A_545 = vector.broadcast %jit3A_542 : i32 to vector<512x16xi32>
    %select_n3A_546 = arith.select %eq3A_540, %broadcast_in_dim3A_544, %broadcast_in_dim3A_545 : vector<512x16xi1>, vector<512x16xi32>
    %add3A_547 = arith.addi %broadcast_in_dim3A_537, %select_n3A_546 : vector<512x16xi32>
    %eq3A_548 = arith.constant 1 : i32
    %eq3A_549 = vector.broadcast %eq3A_548 : i32 to vector<512x16xi32>
    %eq3A_550 = arith.cmpi eq, %concatenate3A_535, %eq3A_549 : vector<512x16xi32>
    %slice3A_551 = vector.extract_strided_slice %add3A_531 {offsets = [0, 1], sizes = [512, 1], strides = [1, 1]} : vector<512x16xi32> to vector<512x1xi32>
    %jit3A_552 = arith.constant 0 : i32
    %broadcast_in_dim3A_553 = vector.shape_cast %slice3A_551 : vector<512x1xi32> to vector<512x1xi32>
    %broadcast_in_dim3A_554 = vector.broadcast %broadcast_in_dim3A_553 : vector<512x1xi32> to vector<512x16xi32>
    %broadcast_in_dim3A_555 = vector.broadcast %jit3A_552 : i32 to vector<512x16xi32>
    %select_n3A_556 = arith.select %eq3A_550, %broadcast_in_dim3A_554, %broadcast_in_dim3A_555 : vector<512x16xi1>, vector<512x16xi32>
    %add3A_557 = arith.addi %add3A_547, %select_n3A_556 : vector<512x16xi32>
    %eq3A_558 = arith.constant 2 : i32
    %eq3A_559 = vector.broadcast %eq3A_558 : i32 to vector<512x16xi32>
    %eq3A_560 = arith.cmpi eq, %concatenate3A_535, %eq3A_559 : vector<512x16xi32>
    %slice3A_561 = vector.extract_strided_slice %add3A_531 {offsets = [0, 2], sizes = [512, 1], strides = [1, 1]} : vector<512x16xi32> to vector<512x1xi32>
    %jit3A_562 = arith.constant 0 : i32
    %broadcast_in_dim3A_563 = vector.shape_cast %slice3A_561 : vector<512x1xi32> to vector<512x1xi32>
    %broadcast_in_dim3A_564 = vector.broadcast %broadcast_in_dim3A_563 : vector<512x1xi32> to vector<512x16xi32>
    %broadcast_in_dim3A_565 = vector.broadcast %jit3A_562 : i32 to vector<512x16xi32>
    %select_n3A_566 = arith.select %eq3A_560, %broadcast_in_dim3A_564, %broadcast_in_dim3A_565 : vector<512x16xi1>, vector<512x16xi32>
    %add3A_567 = arith.addi %add3A_557, %select_n3A_566 : vector<512x16xi32>
    %eq3A_568 = arith.constant 3 : i32
    %eq3A_569 = vector.broadcast %eq3A_568 : i32 to vector<512x16xi32>
    %eq3A_570 = arith.cmpi eq, %concatenate3A_535, %eq3A_569 : vector<512x16xi32>
    %slice3A_571 = vector.extract_strided_slice %add3A_531 {offsets = [0, 3], sizes = [512, 1], strides = [1, 1]} : vector<512x16xi32> to vector<512x1xi32>
    %jit3A_572 = arith.constant 0 : i32
    %broadcast_in_dim3A_573 = vector.shape_cast %slice3A_571 : vector<512x1xi32> to vector<512x1xi32>
    %broadcast_in_dim3A_574 = vector.broadcast %broadcast_in_dim3A_573 : vector<512x1xi32> to vector<512x16xi32>
    %broadcast_in_dim3A_575 = vector.broadcast %jit3A_572 : i32 to vector<512x16xi32>
    %select_n3A_576 = arith.select %eq3A_570, %broadcast_in_dim3A_574, %broadcast_in_dim3A_575 : vector<512x16xi1>, vector<512x16xi32>
    %add3A_577 = arith.addi %add3A_567, %select_n3A_576 : vector<512x16xi32>
    %eq3A_578 = arith.constant 4 : i32
    %eq3A_579 = vector.broadcast %eq3A_578 : i32 to vector<512x16xi32>
    %eq3A_580 = arith.cmpi eq, %concatenate3A_535, %eq3A_579 : vector<512x16xi32>
    %slice3A_581 = vector.extract_strided_slice %add3A_531 {offsets = [0, 4], sizes = [512, 1], strides = [1, 1]} : vector<512x16xi32> to vector<512x1xi32>
    %jit3A_582 = arith.constant 0 : i32
    %broadcast_in_dim3A_583 = vector.shape_cast %slice3A_581 : vector<512x1xi32> to vector<512x1xi32>
    %broadcast_in_dim3A_584 = vector.broadcast %broadcast_in_dim3A_583 : vector<512x1xi32> to vector<512x16xi32>
    %broadcast_in_dim3A_585 = vector.broadcast %jit3A_582 : i32 to vector<512x16xi32>
    %select_n3A_586 = arith.select %eq3A_580, %broadcast_in_dim3A_584, %broadcast_in_dim3A_585 : vector<512x16xi1>, vector<512x16xi32>
    %add3A_587 = arith.addi %add3A_577, %select_n3A_586 : vector<512x16xi32>
    %eq3A_588 = arith.constant 5 : i32
    %eq3A_589 = vector.broadcast %eq3A_588 : i32 to vector<512x16xi32>
    %eq3A_590 = arith.cmpi eq, %concatenate3A_535, %eq3A_589 : vector<512x16xi32>
    %slice3A_591 = vector.extract_strided_slice %add3A_531 {offsets = [0, 5], sizes = [512, 1], strides = [1, 1]} : vector<512x16xi32> to vector<512x1xi32>
    %jit3A_592 = arith.constant 0 : i32
    %broadcast_in_dim3A_593 = vector.shape_cast %slice3A_591 : vector<512x1xi32> to vector<512x1xi32>
    %broadcast_in_dim3A_594 = vector.broadcast %broadcast_in_dim3A_593 : vector<512x1xi32> to vector<512x16xi32>
    %broadcast_in_dim3A_595 = vector.broadcast %jit3A_592 : i32 to vector<512x16xi32>
    %select_n3A_596 = arith.select %eq3A_590, %broadcast_in_dim3A_594, %broadcast_in_dim3A_595 : vector<512x16xi1>, vector<512x16xi32>
    %add3A_597 = arith.addi %add3A_587, %select_n3A_596 : vector<512x16xi32>
    %eq3A_598 = arith.constant 6 : i32
    %eq3A_599 = vector.broadcast %eq3A_598 : i32 to vector<512x16xi32>
    %eq3A_600 = arith.cmpi eq, %concatenate3A_535, %eq3A_599 : vector<512x16xi32>
    %slice3A_601 = vector.extract_strided_slice %add3A_531 {offsets = [0, 6], sizes = [512, 1], strides = [1, 1]} : vector<512x16xi32> to vector<512x1xi32>
    %jit3A_602 = arith.constant 0 : i32
    %broadcast_in_dim3A_603 = vector.shape_cast %slice3A_601 : vector<512x1xi32> to vector<512x1xi32>
    %broadcast_in_dim3A_604 = vector.broadcast %broadcast_in_dim3A_603 : vector<512x1xi32> to vector<512x16xi32>
    %broadcast_in_dim3A_605 = vector.broadcast %jit3A_602 : i32 to vector<512x16xi32>
    %select_n3A_606 = arith.select %eq3A_600, %broadcast_in_dim3A_604, %broadcast_in_dim3A_605 : vector<512x16xi1>, vector<512x16xi32>
    %add3A_607 = arith.addi %add3A_597, %select_n3A_606 : vector<512x16xi32>
    %eq3A_608 = arith.constant 7 : i32
    %eq3A_609 = vector.broadcast %eq3A_608 : i32 to vector<512x16xi32>
    %eq3A_610 = arith.cmpi eq, %concatenate3A_535, %eq3A_609 : vector<512x16xi32>
    %slice3A_611 = vector.extract_strided_slice %add3A_531 {offsets = [0, 7], sizes = [512, 1], strides = [1, 1]} : vector<512x16xi32> to vector<512x1xi32>
    %jit3A_612 = arith.constant 0 : i32
    %broadcast_in_dim3A_613 = vector.shape_cast %slice3A_611 : vector<512x1xi32> to vector<512x1xi32>
    %broadcast_in_dim3A_614 = vector.broadcast %broadcast_in_dim3A_613 : vector<512x1xi32> to vector<512x16xi32>
    %broadcast_in_dim3A_615 = vector.broadcast %jit3A_612 : i32 to vector<512x16xi32>
    %select_n3A_616 = arith.select %eq3A_610, %broadcast_in_dim3A_614, %broadcast_in_dim3A_615 : vector<512x16xi1>, vector<512x16xi32>
    %add3A_617 = arith.addi %add3A_607, %select_n3A_616 : vector<512x16xi32>
    %eq3A_618 = arith.constant 8 : i32
    %eq3A_619 = vector.broadcast %eq3A_618 : i32 to vector<512x16xi32>
    %eq3A_620 = arith.cmpi eq, %concatenate3A_535, %eq3A_619 : vector<512x16xi32>
    %slice3A_621 = vector.extract_strided_slice %add3A_531 {offsets = [0, 8], sizes = [512, 1], strides = [1, 1]} : vector<512x16xi32> to vector<512x1xi32>
    %jit3A_622 = arith.constant 0 : i32
    %broadcast_in_dim3A_623 = vector.shape_cast %slice3A_621 : vector<512x1xi32> to vector<512x1xi32>
    %broadcast_in_dim3A_624 = vector.broadcast %broadcast_in_dim3A_623 : vector<512x1xi32> to vector<512x16xi32>
    %broadcast_in_dim3A_625 = vector.broadcast %jit3A_622 : i32 to vector<512x16xi32>
    %select_n3A_626 = arith.select %eq3A_620, %broadcast_in_dim3A_624, %broadcast_in_dim3A_625 : vector<512x16xi1>, vector<512x16xi32>
    %add3A_627 = arith.addi %add3A_617, %select_n3A_626 : vector<512x16xi32>
    %eq3A_628 = arith.constant 9 : i32
    %eq3A_629 = vector.broadcast %eq3A_628 : i32 to vector<512x16xi32>
    %eq3A_630 = arith.cmpi eq, %concatenate3A_535, %eq3A_629 : vector<512x16xi32>
    %slice3A_631 = vector.extract_strided_slice %add3A_531 {offsets = [0, 9], sizes = [512, 1], strides = [1, 1]} : vector<512x16xi32> to vector<512x1xi32>
    %jit3A_632 = arith.constant 0 : i32
    %broadcast_in_dim3A_633 = vector.shape_cast %slice3A_631 : vector<512x1xi32> to vector<512x1xi32>
    %broadcast_in_dim3A_634 = vector.broadcast %broadcast_in_dim3A_633 : vector<512x1xi32> to vector<512x16xi32>
    %broadcast_in_dim3A_635 = vector.broadcast %jit3A_632 : i32 to vector<512x16xi32>
    %select_n3A_636 = arith.select %eq3A_630, %broadcast_in_dim3A_634, %broadcast_in_dim3A_635 : vector<512x16xi1>, vector<512x16xi32>
    %add3A_637 = arith.addi %add3A_627, %select_n3A_636 : vector<512x16xi32>
    %eq3A_638 = arith.constant 10 : i32
    %eq3A_639 = vector.broadcast %eq3A_638 : i32 to vector<512x16xi32>
    %eq3A_640 = arith.cmpi eq, %concatenate3A_535, %eq3A_639 : vector<512x16xi32>
    %slice3A_641 = vector.extract_strided_slice %add3A_531 {offsets = [0, 10], sizes = [512, 1], strides = [1, 1]} : vector<512x16xi32> to vector<512x1xi32>
    %jit3A_642 = arith.constant 0 : i32
    %broadcast_in_dim3A_643 = vector.shape_cast %slice3A_641 : vector<512x1xi32> to vector<512x1xi32>
    %broadcast_in_dim3A_644 = vector.broadcast %broadcast_in_dim3A_643 : vector<512x1xi32> to vector<512x16xi32>
    %broadcast_in_dim3A_645 = vector.broadcast %jit3A_642 : i32 to vector<512x16xi32>
    %select_n3A_646 = arith.select %eq3A_640, %broadcast_in_dim3A_644, %broadcast_in_dim3A_645 : vector<512x16xi1>, vector<512x16xi32>
    %add3A_647 = arith.addi %add3A_637, %select_n3A_646 : vector<512x16xi32>
    %eq3A_648 = arith.constant 11 : i32
    %eq3A_649 = vector.broadcast %eq3A_648 : i32 to vector<512x16xi32>
    %eq3A_650 = arith.cmpi eq, %concatenate3A_535, %eq3A_649 : vector<512x16xi32>
    %slice3A_651 = vector.extract_strided_slice %add3A_531 {offsets = [0, 11], sizes = [512, 1], strides = [1, 1]} : vector<512x16xi32> to vector<512x1xi32>
    %jit3A_652 = arith.constant 0 : i32
    %broadcast_in_dim3A_653 = vector.shape_cast %slice3A_651 : vector<512x1xi32> to vector<512x1xi32>
    %broadcast_in_dim3A_654 = vector.broadcast %broadcast_in_dim3A_653 : vector<512x1xi32> to vector<512x16xi32>
    %broadcast_in_dim3A_655 = vector.broadcast %jit3A_652 : i32 to vector<512x16xi32>
    %select_n3A_656 = arith.select %eq3A_650, %broadcast_in_dim3A_654, %broadcast_in_dim3A_655 : vector<512x16xi1>, vector<512x16xi32>
    %add3A_657 = arith.addi %add3A_647, %select_n3A_656 : vector<512x16xi32>
    %eq3A_658 = arith.constant 12 : i32
    %eq3A_659 = vector.broadcast %eq3A_658 : i32 to vector<512x16xi32>
    %eq3A_660 = arith.cmpi eq, %concatenate3A_535, %eq3A_659 : vector<512x16xi32>
    %slice3A_661 = vector.extract_strided_slice %add3A_531 {offsets = [0, 12], sizes = [512, 1], strides = [1, 1]} : vector<512x16xi32> to vector<512x1xi32>
    %jit3A_662 = arith.constant 0 : i32
    %broadcast_in_dim3A_663 = vector.shape_cast %slice3A_661 : vector<512x1xi32> to vector<512x1xi32>
    %broadcast_in_dim3A_664 = vector.broadcast %broadcast_in_dim3A_663 : vector<512x1xi32> to vector<512x16xi32>
    %broadcast_in_dim3A_665 = vector.broadcast %jit3A_662 : i32 to vector<512x16xi32>
    %select_n3A_666 = arith.select %eq3A_660, %broadcast_in_dim3A_664, %broadcast_in_dim3A_665 : vector<512x16xi1>, vector<512x16xi32>
    %add3A_667 = arith.addi %add3A_657, %select_n3A_666 : vector<512x16xi32>
    %eq3A_668 = arith.constant 13 : i32
    %eq3A_669 = vector.broadcast %eq3A_668 : i32 to vector<512x16xi32>
    %eq3A_670 = arith.cmpi eq, %concatenate3A_535, %eq3A_669 : vector<512x16xi32>
    %slice3A_671 = vector.extract_strided_slice %add3A_531 {offsets = [0, 13], sizes = [512, 1], strides = [1, 1]} : vector<512x16xi32> to vector<512x1xi32>
    %jit3A_672 = arith.constant 0 : i32
    %broadcast_in_dim3A_673 = vector.shape_cast %slice3A_671 : vector<512x1xi32> to vector<512x1xi32>
    %broadcast_in_dim3A_674 = vector.broadcast %broadcast_in_dim3A_673 : vector<512x1xi32> to vector<512x16xi32>
    %broadcast_in_dim3A_675 = vector.broadcast %jit3A_672 : i32 to vector<512x16xi32>
    %select_n3A_676 = arith.select %eq3A_670, %broadcast_in_dim3A_674, %broadcast_in_dim3A_675 : vector<512x16xi1>, vector<512x16xi32>
    %add3A_677 = arith.addi %add3A_667, %select_n3A_676 : vector<512x16xi32>
    %eq3A_678 = arith.constant 14 : i32
    %eq3A_679 = vector.broadcast %eq3A_678 : i32 to vector<512x16xi32>
    %eq3A_680 = arith.cmpi eq, %concatenate3A_535, %eq3A_679 : vector<512x16xi32>
    %slice3A_681 = vector.extract_strided_slice %add3A_531 {offsets = [0, 14], sizes = [512, 1], strides = [1, 1]} : vector<512x16xi32> to vector<512x1xi32>
    %jit3A_682 = arith.constant 0 : i32
    %broadcast_in_dim3A_683 = vector.shape_cast %slice3A_681 : vector<512x1xi32> to vector<512x1xi32>
    %broadcast_in_dim3A_684 = vector.broadcast %broadcast_in_dim3A_683 : vector<512x1xi32> to vector<512x16xi32>
    %broadcast_in_dim3A_685 = vector.broadcast %jit3A_682 : i32 to vector<512x16xi32>
    %select_n3A_686 = arith.select %eq3A_680, %broadcast_in_dim3A_684, %broadcast_in_dim3A_685 : vector<512x16xi1>, vector<512x16xi32>
    %add3A_687 = arith.addi %add3A_677, %select_n3A_686 : vector<512x16xi32>
    %eq3A_688 = arith.constant 15 : i32
    %eq3A_689 = vector.broadcast %eq3A_688 : i32 to vector<512x16xi32>
    %eq3A_690 = arith.cmpi eq, %concatenate3A_535, %eq3A_689 : vector<512x16xi32>
    %slice3A_691 = vector.extract_strided_slice %add3A_531 {offsets = [0, 15], sizes = [512, 1], strides = [1, 1]} : vector<512x16xi32> to vector<512x1xi32>
    %jit3A_692 = arith.constant 0 : i32
    %broadcast_in_dim3A_693 = vector.shape_cast %slice3A_691 : vector<512x1xi32> to vector<512x1xi32>
    %broadcast_in_dim3A_694 = vector.broadcast %broadcast_in_dim3A_693 : vector<512x1xi32> to vector<512x16xi32>
    %broadcast_in_dim3A_695 = vector.broadcast %jit3A_692 : i32 to vector<512x16xi32>
    %select_n3A_696 = arith.select %eq3A_690, %broadcast_in_dim3A_694, %broadcast_in_dim3A_695 : vector<512x16xi1>, vector<512x16xi32>
    %add3A_697 = arith.addi %add3A_687, %select_n3A_696 : vector<512x16xi32>
    %slice3A_698 = vector.extract_strided_slice %add3A_697 {offsets = [8, 0], sizes = [504, 16], strides = [1, 1]} : vector<512x16xi32> to vector<504x16xi32>
    %broadcast_in_dim3A_699 = vector.shape_cast %iota3A : vector<1x16xi32> to vector<1x16xi32>
    %broadcast_in_dim3A_700 = vector.broadcast %broadcast_in_dim3A_699 : vector<1x16xi32> to vector<8x16xi32>
    %concatenate3A_701 = tpu.concatenate %slice3A_698, %broadcast_in_dim3A_700 in 0 : vector<504x16xi32>, vector<8x16xi32> -> vector<512x16xi32>
    %broadcast_in_dim3A_702 = arith.constant 0 : i32
    %broadcast_in_dim3A_703 = vector.broadcast %broadcast_in_dim3A_702 : i32 to vector<512x16xi32>
    %eq3A_704 = arith.constant 0 : i32
    %eq3A_705 = vector.broadcast %eq3A_704 : i32 to vector<512x16xi32>
    %eq3A_706 = arith.cmpi eq, %concatenate3A_701, %eq3A_705 : vector<512x16xi32>
    %slice3A_707 = vector.extract_strided_slice %add3A_697 {offsets = [0, 0], sizes = [512, 1], strides = [1, 1]} : vector<512x16xi32> to vector<512x1xi32>
    %jit3A_708 = arith.constant 0 : i32
    %broadcast_in_dim3A_709 = vector.shape_cast %slice3A_707 : vector<512x1xi32> to vector<512x1xi32>
    %broadcast_in_dim3A_710 = vector.broadcast %broadcast_in_dim3A_709 : vector<512x1xi32> to vector<512x16xi32>
    %broadcast_in_dim3A_711 = vector.broadcast %jit3A_708 : i32 to vector<512x16xi32>
    %select_n3A_712 = arith.select %eq3A_706, %broadcast_in_dim3A_710, %broadcast_in_dim3A_711 : vector<512x16xi1>, vector<512x16xi32>
    %add3A_713 = arith.addi %broadcast_in_dim3A_703, %select_n3A_712 : vector<512x16xi32>
    %eq3A_714 = arith.constant 1 : i32
    %eq3A_715 = vector.broadcast %eq3A_714 : i32 to vector<512x16xi32>
    %eq3A_716 = arith.cmpi eq, %concatenate3A_701, %eq3A_715 : vector<512x16xi32>
    %slice3A_717 = vector.extract_strided_slice %add3A_697 {offsets = [0, 1], sizes = [512, 1], strides = [1, 1]} : vector<512x16xi32> to vector<512x1xi32>
    %jit3A_718 = arith.constant 0 : i32
    %broadcast_in_dim3A_719 = vector.shape_cast %slice3A_717 : vector<512x1xi32> to vector<512x1xi32>
    %broadcast_in_dim3A_720 = vector.broadcast %broadcast_in_dim3A_719 : vector<512x1xi32> to vector<512x16xi32>
    %broadcast_in_dim3A_721 = vector.broadcast %jit3A_718 : i32 to vector<512x16xi32>
    %select_n3A_722 = arith.select %eq3A_716, %broadcast_in_dim3A_720, %broadcast_in_dim3A_721 : vector<512x16xi1>, vector<512x16xi32>
    %add3A_723 = arith.addi %add3A_713, %select_n3A_722 : vector<512x16xi32>
    %eq3A_724 = arith.constant 2 : i32
    %eq3A_725 = vector.broadcast %eq3A_724 : i32 to vector<512x16xi32>
    %eq3A_726 = arith.cmpi eq, %concatenate3A_701, %eq3A_725 : vector<512x16xi32>
    %slice3A_727 = vector.extract_strided_slice %add3A_697 {offsets = [0, 2], sizes = [512, 1], strides = [1, 1]} : vector<512x16xi32> to vector<512x1xi32>
    %jit3A_728 = arith.constant 0 : i32
    %broadcast_in_dim3A_729 = vector.shape_cast %slice3A_727 : vector<512x1xi32> to vector<512x1xi32>
    %broadcast_in_dim3A_730 = vector.broadcast %broadcast_in_dim3A_729 : vector<512x1xi32> to vector<512x16xi32>
    %broadcast_in_dim3A_731 = vector.broadcast %jit3A_728 : i32 to vector<512x16xi32>
    %select_n3A_732 = arith.select %eq3A_726, %broadcast_in_dim3A_730, %broadcast_in_dim3A_731 : vector<512x16xi1>, vector<512x16xi32>
    %add3A_733 = arith.addi %add3A_723, %select_n3A_732 : vector<512x16xi32>
    %eq3A_734 = arith.constant 3 : i32
    %eq3A_735 = vector.broadcast %eq3A_734 : i32 to vector<512x16xi32>
    %eq3A_736 = arith.cmpi eq, %concatenate3A_701, %eq3A_735 : vector<512x16xi32>
    %slice3A_737 = vector.extract_strided_slice %add3A_697 {offsets = [0, 3], sizes = [512, 1], strides = [1, 1]} : vector<512x16xi32> to vector<512x1xi32>
    %jit3A_738 = arith.constant 0 : i32
    %broadcast_in_dim3A_739 = vector.shape_cast %slice3A_737 : vector<512x1xi32> to vector<512x1xi32>
    %broadcast_in_dim3A_740 = vector.broadcast %broadcast_in_dim3A_739 : vector<512x1xi32> to vector<512x16xi32>
    %broadcast_in_dim3A_741 = vector.broadcast %jit3A_738 : i32 to vector<512x16xi32>
    %select_n3A_742 = arith.select %eq3A_736, %broadcast_in_dim3A_740, %broadcast_in_dim3A_741 : vector<512x16xi1>, vector<512x16xi32>
    %add3A_743 = arith.addi %add3A_733, %select_n3A_742 : vector<512x16xi32>
    %eq3A_744 = arith.constant 4 : i32
    %eq3A_745 = vector.broadcast %eq3A_744 : i32 to vector<512x16xi32>
    %eq3A_746 = arith.cmpi eq, %concatenate3A_701, %eq3A_745 : vector<512x16xi32>
    %slice3A_747 = vector.extract_strided_slice %add3A_697 {offsets = [0, 4], sizes = [512, 1], strides = [1, 1]} : vector<512x16xi32> to vector<512x1xi32>
    %jit3A_748 = arith.constant 0 : i32
    %broadcast_in_dim3A_749 = vector.shape_cast %slice3A_747 : vector<512x1xi32> to vector<512x1xi32>
    %broadcast_in_dim3A_750 = vector.broadcast %broadcast_in_dim3A_749 : vector<512x1xi32> to vector<512x16xi32>
    %broadcast_in_dim3A_751 = vector.broadcast %jit3A_748 : i32 to vector<512x16xi32>
    %select_n3A_752 = arith.select %eq3A_746, %broadcast_in_dim3A_750, %broadcast_in_dim3A_751 : vector<512x16xi1>, vector<512x16xi32>
    %add3A_753 = arith.addi %add3A_743, %select_n3A_752 : vector<512x16xi32>
    %eq3A_754 = arith.constant 5 : i32
    %eq3A_755 = vector.broadcast %eq3A_754 : i32 to vector<512x16xi32>
    %eq3A_756 = arith.cmpi eq, %concatenate3A_701, %eq3A_755 : vector<512x16xi32>
    %slice3A_757 = vector.extract_strided_slice %add3A_697 {offsets = [0, 5], sizes = [512, 1], strides = [1, 1]} : vector<512x16xi32> to vector<512x1xi32>
    %jit3A_758 = arith.constant 0 : i32
    %broadcast_in_dim3A_759 = vector.shape_cast %slice3A_757 : vector<512x1xi32> to vector<512x1xi32>
    %broadcast_in_dim3A_760 = vector.broadcast %broadcast_in_dim3A_759 : vector<512x1xi32> to vector<512x16xi32>
    %broadcast_in_dim3A_761 = vector.broadcast %jit3A_758 : i32 to vector<512x16xi32>
    %select_n3A_762 = arith.select %eq3A_756, %broadcast_in_dim3A_760, %broadcast_in_dim3A_761 : vector<512x16xi1>, vector<512x16xi32>
    %add3A_763 = arith.addi %add3A_753, %select_n3A_762 : vector<512x16xi32>
    %eq3A_764 = arith.constant 6 : i32
    %eq3A_765 = vector.broadcast %eq3A_764 : i32 to vector<512x16xi32>
    %eq3A_766 = arith.cmpi eq, %concatenate3A_701, %eq3A_765 : vector<512x16xi32>
    %slice3A_767 = vector.extract_strided_slice %add3A_697 {offsets = [0, 6], sizes = [512, 1], strides = [1, 1]} : vector<512x16xi32> to vector<512x1xi32>
    %jit3A_768 = arith.constant 0 : i32
    %broadcast_in_dim3A_769 = vector.shape_cast %slice3A_767 : vector<512x1xi32> to vector<512x1xi32>
    %broadcast_in_dim3A_770 = vector.broadcast %broadcast_in_dim3A_769 : vector<512x1xi32> to vector<512x16xi32>
    %broadcast_in_dim3A_771 = vector.broadcast %jit3A_768 : i32 to vector<512x16xi32>
    %select_n3A_772 = arith.select %eq3A_766, %broadcast_in_dim3A_770, %broadcast_in_dim3A_771 : vector<512x16xi1>, vector<512x16xi32>
    %add3A_773 = arith.addi %add3A_763, %select_n3A_772 : vector<512x16xi32>
    %eq3A_774 = arith.constant 7 : i32
    %eq3A_775 = vector.broadcast %eq3A_774 : i32 to vector<512x16xi32>
    %eq3A_776 = arith.cmpi eq, %concatenate3A_701, %eq3A_775 : vector<512x16xi32>
    %slice3A_777 = vector.extract_strided_slice %add3A_697 {offsets = [0, 7], sizes = [512, 1], strides = [1, 1]} : vector<512x16xi32> to vector<512x1xi32>
    %jit3A_778 = arith.constant 0 : i32
    %broadcast_in_dim3A_779 = vector.shape_cast %slice3A_777 : vector<512x1xi32> to vector<512x1xi32>
    %broadcast_in_dim3A_780 = vector.broadcast %broadcast_in_dim3A_779 : vector<512x1xi32> to vector<512x16xi32>
    %broadcast_in_dim3A_781 = vector.broadcast %jit3A_778 : i32 to vector<512x16xi32>
    %select_n3A_782 = arith.select %eq3A_776, %broadcast_in_dim3A_780, %broadcast_in_dim3A_781 : vector<512x16xi1>, vector<512x16xi32>
    %add3A_783 = arith.addi %add3A_773, %select_n3A_782 : vector<512x16xi32>
    %eq3A_784 = arith.constant 8 : i32
    %eq3A_785 = vector.broadcast %eq3A_784 : i32 to vector<512x16xi32>
    %eq3A_786 = arith.cmpi eq, %concatenate3A_701, %eq3A_785 : vector<512x16xi32>
    %slice3A_787 = vector.extract_strided_slice %add3A_697 {offsets = [0, 8], sizes = [512, 1], strides = [1, 1]} : vector<512x16xi32> to vector<512x1xi32>
    %jit3A_788 = arith.constant 0 : i32
    %broadcast_in_dim3A_789 = vector.shape_cast %slice3A_787 : vector<512x1xi32> to vector<512x1xi32>
    %broadcast_in_dim3A_790 = vector.broadcast %broadcast_in_dim3A_789 : vector<512x1xi32> to vector<512x16xi32>
    %broadcast_in_dim3A_791 = vector.broadcast %jit3A_788 : i32 to vector<512x16xi32>
    %select_n3A_792 = arith.select %eq3A_786, %broadcast_in_dim3A_790, %broadcast_in_dim3A_791 : vector<512x16xi1>, vector<512x16xi32>
    %add3A_793 = arith.addi %add3A_783, %select_n3A_792 : vector<512x16xi32>
    %eq3A_794 = arith.constant 9 : i32
    %eq3A_795 = vector.broadcast %eq3A_794 : i32 to vector<512x16xi32>
    %eq3A_796 = arith.cmpi eq, %concatenate3A_701, %eq3A_795 : vector<512x16xi32>
    %slice3A_797 = vector.extract_strided_slice %add3A_697 {offsets = [0, 9], sizes = [512, 1], strides = [1, 1]} : vector<512x16xi32> to vector<512x1xi32>
    %jit3A_798 = arith.constant 0 : i32
    %broadcast_in_dim3A_799 = vector.shape_cast %slice3A_797 : vector<512x1xi32> to vector<512x1xi32>
    %broadcast_in_dim3A_800 = vector.broadcast %broadcast_in_dim3A_799 : vector<512x1xi32> to vector<512x16xi32>
    %broadcast_in_dim3A_801 = vector.broadcast %jit3A_798 : i32 to vector<512x16xi32>
    %select_n3A_802 = arith.select %eq3A_796, %broadcast_in_dim3A_800, %broadcast_in_dim3A_801 : vector<512x16xi1>, vector<512x16xi32>
    %add3A_803 = arith.addi %add3A_793, %select_n3A_802 : vector<512x16xi32>
    %eq3A_804 = arith.constant 10 : i32
    %eq3A_805 = vector.broadcast %eq3A_804 : i32 to vector<512x16xi32>
    %eq3A_806 = arith.cmpi eq, %concatenate3A_701, %eq3A_805 : vector<512x16xi32>
    %slice3A_807 = vector.extract_strided_slice %add3A_697 {offsets = [0, 10], sizes = [512, 1], strides = [1, 1]} : vector<512x16xi32> to vector<512x1xi32>
    %jit3A_808 = arith.constant 0 : i32
    %broadcast_in_dim3A_809 = vector.shape_cast %slice3A_807 : vector<512x1xi32> to vector<512x1xi32>
    %broadcast_in_dim3A_810 = vector.broadcast %broadcast_in_dim3A_809 : vector<512x1xi32> to vector<512x16xi32>
    %broadcast_in_dim3A_811 = vector.broadcast %jit3A_808 : i32 to vector<512x16xi32>
    %select_n3A_812 = arith.select %eq3A_806, %broadcast_in_dim3A_810, %broadcast_in_dim3A_811 : vector<512x16xi1>, vector<512x16xi32>
    %add3A_813 = arith.addi %add3A_803, %select_n3A_812 : vector<512x16xi32>
    %eq3A_814 = arith.constant 11 : i32
    %eq3A_815 = vector.broadcast %eq3A_814 : i32 to vector<512x16xi32>
    %eq3A_816 = arith.cmpi eq, %concatenate3A_701, %eq3A_815 : vector<512x16xi32>
    %slice3A_817 = vector.extract_strided_slice %add3A_697 {offsets = [0, 11], sizes = [512, 1], strides = [1, 1]} : vector<512x16xi32> to vector<512x1xi32>
    %jit3A_818 = arith.constant 0 : i32
    %broadcast_in_dim3A_819 = vector.shape_cast %slice3A_817 : vector<512x1xi32> to vector<512x1xi32>
    %broadcast_in_dim3A_820 = vector.broadcast %broadcast_in_dim3A_819 : vector<512x1xi32> to vector<512x16xi32>
    %broadcast_in_dim3A_821 = vector.broadcast %jit3A_818 : i32 to vector<512x16xi32>
    %select_n3A_822 = arith.select %eq3A_816, %broadcast_in_dim3A_820, %broadcast_in_dim3A_821 : vector<512x16xi1>, vector<512x16xi32>
    %add3A_823 = arith.addi %add3A_813, %select_n3A_822 : vector<512x16xi32>
    %eq3A_824 = arith.constant 12 : i32
    %eq3A_825 = vector.broadcast %eq3A_824 : i32 to vector<512x16xi32>
    %eq3A_826 = arith.cmpi eq, %concatenate3A_701, %eq3A_825 : vector<512x16xi32>
    %slice3A_827 = vector.extract_strided_slice %add3A_697 {offsets = [0, 12], sizes = [512, 1], strides = [1, 1]} : vector<512x16xi32> to vector<512x1xi32>
    %jit3A_828 = arith.constant 0 : i32
    %broadcast_in_dim3A_829 = vector.shape_cast %slice3A_827 : vector<512x1xi32> to vector<512x1xi32>
    %broadcast_in_dim3A_830 = vector.broadcast %broadcast_in_dim3A_829 : vector<512x1xi32> to vector<512x16xi32>
    %broadcast_in_dim3A_831 = vector.broadcast %jit3A_828 : i32 to vector<512x16xi32>
    %select_n3A_832 = arith.select %eq3A_826, %broadcast_in_dim3A_830, %broadcast_in_dim3A_831 : vector<512x16xi1>, vector<512x16xi32>
    %add3A_833 = arith.addi %add3A_823, %select_n3A_832 : vector<512x16xi32>
    %eq3A_834 = arith.constant 13 : i32
    %eq3A_835 = vector.broadcast %eq3A_834 : i32 to vector<512x16xi32>
    %eq3A_836 = arith.cmpi eq, %concatenate3A_701, %eq3A_835 : vector<512x16xi32>
    %slice3A_837 = vector.extract_strided_slice %add3A_697 {offsets = [0, 13], sizes = [512, 1], strides = [1, 1]} : vector<512x16xi32> to vector<512x1xi32>
    %jit3A_838 = arith.constant 0 : i32
    %broadcast_in_dim3A_839 = vector.shape_cast %slice3A_837 : vector<512x1xi32> to vector<512x1xi32>
    %broadcast_in_dim3A_840 = vector.broadcast %broadcast_in_dim3A_839 : vector<512x1xi32> to vector<512x16xi32>
    %broadcast_in_dim3A_841 = vector.broadcast %jit3A_838 : i32 to vector<512x16xi32>
    %select_n3A_842 = arith.select %eq3A_836, %broadcast_in_dim3A_840, %broadcast_in_dim3A_841 : vector<512x16xi1>, vector<512x16xi32>
    %add3A_843 = arith.addi %add3A_833, %select_n3A_842 : vector<512x16xi32>
    %eq3A_844 = arith.constant 14 : i32
    %eq3A_845 = vector.broadcast %eq3A_844 : i32 to vector<512x16xi32>
    %eq3A_846 = arith.cmpi eq, %concatenate3A_701, %eq3A_845 : vector<512x16xi32>
    %slice3A_847 = vector.extract_strided_slice %add3A_697 {offsets = [0, 14], sizes = [512, 1], strides = [1, 1]} : vector<512x16xi32> to vector<512x1xi32>
    %jit3A_848 = arith.constant 0 : i32
    %broadcast_in_dim3A_849 = vector.shape_cast %slice3A_847 : vector<512x1xi32> to vector<512x1xi32>
    %broadcast_in_dim3A_850 = vector.broadcast %broadcast_in_dim3A_849 : vector<512x1xi32> to vector<512x16xi32>
    %broadcast_in_dim3A_851 = vector.broadcast %jit3A_848 : i32 to vector<512x16xi32>
    %select_n3A_852 = arith.select %eq3A_846, %broadcast_in_dim3A_850, %broadcast_in_dim3A_851 : vector<512x16xi1>, vector<512x16xi32>
    %add3A_853 = arith.addi %add3A_843, %select_n3A_852 : vector<512x16xi32>
    %eq3A_854 = arith.constant 15 : i32
    %eq3A_855 = vector.broadcast %eq3A_854 : i32 to vector<512x16xi32>
    %eq3A_856 = arith.cmpi eq, %concatenate3A_701, %eq3A_855 : vector<512x16xi32>
    %slice3A_857 = vector.extract_strided_slice %add3A_697 {offsets = [0, 15], sizes = [512, 1], strides = [1, 1]} : vector<512x16xi32> to vector<512x1xi32>
    %jit3A_858 = arith.constant 0 : i32
    %broadcast_in_dim3A_859 = vector.shape_cast %slice3A_857 : vector<512x1xi32> to vector<512x1xi32>
    %broadcast_in_dim3A_860 = vector.broadcast %broadcast_in_dim3A_859 : vector<512x1xi32> to vector<512x16xi32>
    %broadcast_in_dim3A_861 = vector.broadcast %jit3A_858 : i32 to vector<512x16xi32>
    %select_n3A_862 = arith.select %eq3A_856, %broadcast_in_dim3A_860, %broadcast_in_dim3A_861 : vector<512x16xi1>, vector<512x16xi32>
    %add3A_863 = arith.addi %add3A_853, %select_n3A_862 : vector<512x16xi32>
    %slice3A_864 = vector.extract_strided_slice %add3A_863 {offsets = [16, 0], sizes = [496, 16], strides = [1, 1]} : vector<512x16xi32> to vector<496x16xi32>
    %broadcast_in_dim3A_865 = vector.shape_cast %iota3A : vector<1x16xi32> to vector<1x16xi32>
    %broadcast_in_dim3A_866 = vector.broadcast %broadcast_in_dim3A_865 : vector<1x16xi32> to vector<16x16xi32>
    %concatenate3A_867 = tpu.concatenate %slice3A_864, %broadcast_in_dim3A_866 in 0 : vector<496x16xi32>, vector<16x16xi32> -> vector<512x16xi32>
    %broadcast_in_dim3A_868 = arith.constant 0 : i32
    %broadcast_in_dim3A_869 = vector.broadcast %broadcast_in_dim3A_868 : i32 to vector<512x16xi32>
    %eq3A_870 = arith.constant 0 : i32
    %eq3A_871 = vector.broadcast %eq3A_870 : i32 to vector<512x16xi32>
    %eq3A_872 = arith.cmpi eq, %concatenate3A_867, %eq3A_871 : vector<512x16xi32>
    %slice3A_873 = vector.extract_strided_slice %add3A_863 {offsets = [0, 0], sizes = [512, 1], strides = [1, 1]} : vector<512x16xi32> to vector<512x1xi32>
    %jit3A_874 = arith.constant 0 : i32
    %broadcast_in_dim3A_875 = vector.shape_cast %slice3A_873 : vector<512x1xi32> to vector<512x1xi32>
    %broadcast_in_dim3A_876 = vector.broadcast %broadcast_in_dim3A_875 : vector<512x1xi32> to vector<512x16xi32>
    %broadcast_in_dim3A_877 = vector.broadcast %jit3A_874 : i32 to vector<512x16xi32>
    %select_n3A_878 = arith.select %eq3A_872, %broadcast_in_dim3A_876, %broadcast_in_dim3A_877 : vector<512x16xi1>, vector<512x16xi32>
    %add3A_879 = arith.addi %broadcast_in_dim3A_869, %select_n3A_878 : vector<512x16xi32>
    %eq3A_880 = arith.constant 1 : i32
    %eq3A_881 = vector.broadcast %eq3A_880 : i32 to vector<512x16xi32>
    %eq3A_882 = arith.cmpi eq, %concatenate3A_867, %eq3A_881 : vector<512x16xi32>
    %slice3A_883 = vector.extract_strided_slice %add3A_863 {offsets = [0, 1], sizes = [512, 1], strides = [1, 1]} : vector<512x16xi32> to vector<512x1xi32>
    %jit3A_884 = arith.constant 0 : i32
    %broadcast_in_dim3A_885 = vector.shape_cast %slice3A_883 : vector<512x1xi32> to vector<512x1xi32>
    %broadcast_in_dim3A_886 = vector.broadcast %broadcast_in_dim3A_885 : vector<512x1xi32> to vector<512x16xi32>
    %broadcast_in_dim3A_887 = vector.broadcast %jit3A_884 : i32 to vector<512x16xi32>
    %select_n3A_888 = arith.select %eq3A_882, %broadcast_in_dim3A_886, %broadcast_in_dim3A_887 : vector<512x16xi1>, vector<512x16xi32>
    %add3A_889 = arith.addi %add3A_879, %select_n3A_888 : vector<512x16xi32>
    %eq3A_890 = arith.constant 2 : i32
    %eq3A_891 = vector.broadcast %eq3A_890 : i32 to vector<512x16xi32>
    %eq3A_892 = arith.cmpi eq, %concatenate3A_867, %eq3A_891 : vector<512x16xi32>
    %slice3A_893 = vector.extract_strided_slice %add3A_863 {offsets = [0, 2], sizes = [512, 1], strides = [1, 1]} : vector<512x16xi32> to vector<512x1xi32>
    %jit3A_894 = arith.constant 0 : i32
    %broadcast_in_dim3A_895 = vector.shape_cast %slice3A_893 : vector<512x1xi32> to vector<512x1xi32>
    %broadcast_in_dim3A_896 = vector.broadcast %broadcast_in_dim3A_895 : vector<512x1xi32> to vector<512x16xi32>
    %broadcast_in_dim3A_897 = vector.broadcast %jit3A_894 : i32 to vector<512x16xi32>
    %select_n3A_898 = arith.select %eq3A_892, %broadcast_in_dim3A_896, %broadcast_in_dim3A_897 : vector<512x16xi1>, vector<512x16xi32>
    %add3A_899 = arith.addi %add3A_889, %select_n3A_898 : vector<512x16xi32>
    %eq3A_900 = arith.constant 3 : i32
    %eq3A_901 = vector.broadcast %eq3A_900 : i32 to vector<512x16xi32>
    %eq3A_902 = arith.cmpi eq, %concatenate3A_867, %eq3A_901 : vector<512x16xi32>
    %slice3A_903 = vector.extract_strided_slice %add3A_863 {offsets = [0, 3], sizes = [512, 1], strides = [1, 1]} : vector<512x16xi32> to vector<512x1xi32>
    %jit3A_904 = arith.constant 0 : i32
    %broadcast_in_dim3A_905 = vector.shape_cast %slice3A_903 : vector<512x1xi32> to vector<512x1xi32>
    %broadcast_in_dim3A_906 = vector.broadcast %broadcast_in_dim3A_905 : vector<512x1xi32> to vector<512x16xi32>
    %broadcast_in_dim3A_907 = vector.broadcast %jit3A_904 : i32 to vector<512x16xi32>
    %select_n3A_908 = arith.select %eq3A_902, %broadcast_in_dim3A_906, %broadcast_in_dim3A_907 : vector<512x16xi1>, vector<512x16xi32>
    %add3A_909 = arith.addi %add3A_899, %select_n3A_908 : vector<512x16xi32>
    %eq3A_910 = arith.constant 4 : i32
    %eq3A_911 = vector.broadcast %eq3A_910 : i32 to vector<512x16xi32>
    %eq3A_912 = arith.cmpi eq, %concatenate3A_867, %eq3A_911 : vector<512x16xi32>
    %slice3A_913 = vector.extract_strided_slice %add3A_863 {offsets = [0, 4], sizes = [512, 1], strides = [1, 1]} : vector<512x16xi32> to vector<512x1xi32>
    %jit3A_914 = arith.constant 0 : i32
    %broadcast_in_dim3A_915 = vector.shape_cast %slice3A_913 : vector<512x1xi32> to vector<512x1xi32>
    %broadcast_in_dim3A_916 = vector.broadcast %broadcast_in_dim3A_915 : vector<512x1xi32> to vector<512x16xi32>
    %broadcast_in_dim3A_917 = vector.broadcast %jit3A_914 : i32 to vector<512x16xi32>
    %select_n3A_918 = arith.select %eq3A_912, %broadcast_in_dim3A_916, %broadcast_in_dim3A_917 : vector<512x16xi1>, vector<512x16xi32>
    %add3A_919 = arith.addi %add3A_909, %select_n3A_918 : vector<512x16xi32>
    %eq3A_920 = arith.constant 5 : i32
    %eq3A_921 = vector.broadcast %eq3A_920 : i32 to vector<512x16xi32>
    %eq3A_922 = arith.cmpi eq, %concatenate3A_867, %eq3A_921 : vector<512x16xi32>
    %slice3A_923 = vector.extract_strided_slice %add3A_863 {offsets = [0, 5], sizes = [512, 1], strides = [1, 1]} : vector<512x16xi32> to vector<512x1xi32>
    %jit3A_924 = arith.constant 0 : i32
    %broadcast_in_dim3A_925 = vector.shape_cast %slice3A_923 : vector<512x1xi32> to vector<512x1xi32>
    %broadcast_in_dim3A_926 = vector.broadcast %broadcast_in_dim3A_925 : vector<512x1xi32> to vector<512x16xi32>
    %broadcast_in_dim3A_927 = vector.broadcast %jit3A_924 : i32 to vector<512x16xi32>
    %select_n3A_928 = arith.select %eq3A_922, %broadcast_in_dim3A_926, %broadcast_in_dim3A_927 : vector<512x16xi1>, vector<512x16xi32>
    %add3A_929 = arith.addi %add3A_919, %select_n3A_928 : vector<512x16xi32>
    %eq3A_930 = arith.constant 6 : i32
    %eq3A_931 = vector.broadcast %eq3A_930 : i32 to vector<512x16xi32>
    %eq3A_932 = arith.cmpi eq, %concatenate3A_867, %eq3A_931 : vector<512x16xi32>
    %slice3A_933 = vector.extract_strided_slice %add3A_863 {offsets = [0, 6], sizes = [512, 1], strides = [1, 1]} : vector<512x16xi32> to vector<512x1xi32>
    %jit3A_934 = arith.constant 0 : i32
    %broadcast_in_dim3A_935 = vector.shape_cast %slice3A_933 : vector<512x1xi32> to vector<512x1xi32>
    %broadcast_in_dim3A_936 = vector.broadcast %broadcast_in_dim3A_935 : vector<512x1xi32> to vector<512x16xi32>
    %broadcast_in_dim3A_937 = vector.broadcast %jit3A_934 : i32 to vector<512x16xi32>
    %select_n3A_938 = arith.select %eq3A_932, %broadcast_in_dim3A_936, %broadcast_in_dim3A_937 : vector<512x16xi1>, vector<512x16xi32>
    %add3A_939 = arith.addi %add3A_929, %select_n3A_938 : vector<512x16xi32>
    %eq3A_940 = arith.constant 7 : i32
    %eq3A_941 = vector.broadcast %eq3A_940 : i32 to vector<512x16xi32>
    %eq3A_942 = arith.cmpi eq, %concatenate3A_867, %eq3A_941 : vector<512x16xi32>
    %slice3A_943 = vector.extract_strided_slice %add3A_863 {offsets = [0, 7], sizes = [512, 1], strides = [1, 1]} : vector<512x16xi32> to vector<512x1xi32>
    %jit3A_944 = arith.constant 0 : i32
    %broadcast_in_dim3A_945 = vector.shape_cast %slice3A_943 : vector<512x1xi32> to vector<512x1xi32>
    %broadcast_in_dim3A_946 = vector.broadcast %broadcast_in_dim3A_945 : vector<512x1xi32> to vector<512x16xi32>
    %broadcast_in_dim3A_947 = vector.broadcast %jit3A_944 : i32 to vector<512x16xi32>
    %select_n3A_948 = arith.select %eq3A_942, %broadcast_in_dim3A_946, %broadcast_in_dim3A_947 : vector<512x16xi1>, vector<512x16xi32>
    %add3A_949 = arith.addi %add3A_939, %select_n3A_948 : vector<512x16xi32>
    %eq3A_950 = arith.constant 8 : i32
    %eq3A_951 = vector.broadcast %eq3A_950 : i32 to vector<512x16xi32>
    %eq3A_952 = arith.cmpi eq, %concatenate3A_867, %eq3A_951 : vector<512x16xi32>
    %slice3A_953 = vector.extract_strided_slice %add3A_863 {offsets = [0, 8], sizes = [512, 1], strides = [1, 1]} : vector<512x16xi32> to vector<512x1xi32>
    %jit3A_954 = arith.constant 0 : i32
    %broadcast_in_dim3A_955 = vector.shape_cast %slice3A_953 : vector<512x1xi32> to vector<512x1xi32>
    %broadcast_in_dim3A_956 = vector.broadcast %broadcast_in_dim3A_955 : vector<512x1xi32> to vector<512x16xi32>
    %broadcast_in_dim3A_957 = vector.broadcast %jit3A_954 : i32 to vector<512x16xi32>
    %select_n3A_958 = arith.select %eq3A_952, %broadcast_in_dim3A_956, %broadcast_in_dim3A_957 : vector<512x16xi1>, vector<512x16xi32>
    %add3A_959 = arith.addi %add3A_949, %select_n3A_958 : vector<512x16xi32>
    %eq3A_960 = arith.constant 9 : i32
    %eq3A_961 = vector.broadcast %eq3A_960 : i32 to vector<512x16xi32>
    %eq3A_962 = arith.cmpi eq, %concatenate3A_867, %eq3A_961 : vector<512x16xi32>
    %slice3A_963 = vector.extract_strided_slice %add3A_863 {offsets = [0, 9], sizes = [512, 1], strides = [1, 1]} : vector<512x16xi32> to vector<512x1xi32>
    %jit3A_964 = arith.constant 0 : i32
    %broadcast_in_dim3A_965 = vector.shape_cast %slice3A_963 : vector<512x1xi32> to vector<512x1xi32>
    %broadcast_in_dim3A_966 = vector.broadcast %broadcast_in_dim3A_965 : vector<512x1xi32> to vector<512x16xi32>
    %broadcast_in_dim3A_967 = vector.broadcast %jit3A_964 : i32 to vector<512x16xi32>
    %select_n3A_968 = arith.select %eq3A_962, %broadcast_in_dim3A_966, %broadcast_in_dim3A_967 : vector<512x16xi1>, vector<512x16xi32>
    %add3A_969 = arith.addi %add3A_959, %select_n3A_968 : vector<512x16xi32>
    %eq3A_970 = arith.constant 10 : i32
    %eq3A_971 = vector.broadcast %eq3A_970 : i32 to vector<512x16xi32>
    %eq3A_972 = arith.cmpi eq, %concatenate3A_867, %eq3A_971 : vector<512x16xi32>
    %slice3A_973 = vector.extract_strided_slice %add3A_863 {offsets = [0, 10], sizes = [512, 1], strides = [1, 1]} : vector<512x16xi32> to vector<512x1xi32>
    %jit3A_974 = arith.constant 0 : i32
    %broadcast_in_dim3A_975 = vector.shape_cast %slice3A_973 : vector<512x1xi32> to vector<512x1xi32>
    %broadcast_in_dim3A_976 = vector.broadcast %broadcast_in_dim3A_975 : vector<512x1xi32> to vector<512x16xi32>
    %broadcast_in_dim3A_977 = vector.broadcast %jit3A_974 : i32 to vector<512x16xi32>
    %select_n3A_978 = arith.select %eq3A_972, %broadcast_in_dim3A_976, %broadcast_in_dim3A_977 : vector<512x16xi1>, vector<512x16xi32>
    %add3A_979 = arith.addi %add3A_969, %select_n3A_978 : vector<512x16xi32>
    %eq3A_980 = arith.constant 11 : i32
    %eq3A_981 = vector.broadcast %eq3A_980 : i32 to vector<512x16xi32>
    %eq3A_982 = arith.cmpi eq, %concatenate3A_867, %eq3A_981 : vector<512x16xi32>
    %slice3A_983 = vector.extract_strided_slice %add3A_863 {offsets = [0, 11], sizes = [512, 1], strides = [1, 1]} : vector<512x16xi32> to vector<512x1xi32>
    %jit3A_984 = arith.constant 0 : i32
    %broadcast_in_dim3A_985 = vector.shape_cast %slice3A_983 : vector<512x1xi32> to vector<512x1xi32>
    %broadcast_in_dim3A_986 = vector.broadcast %broadcast_in_dim3A_985 : vector<512x1xi32> to vector<512x16xi32>
    %broadcast_in_dim3A_987 = vector.broadcast %jit3A_984 : i32 to vector<512x16xi32>
    %select_n3A_988 = arith.select %eq3A_982, %broadcast_in_dim3A_986, %broadcast_in_dim3A_987 : vector<512x16xi1>, vector<512x16xi32>
    %add3A_989 = arith.addi %add3A_979, %select_n3A_988 : vector<512x16xi32>
    %eq3A_990 = arith.constant 12 : i32
    %eq3A_991 = vector.broadcast %eq3A_990 : i32 to vector<512x16xi32>
    %eq3A_992 = arith.cmpi eq, %concatenate3A_867, %eq3A_991 : vector<512x16xi32>
    %slice3A_993 = vector.extract_strided_slice %add3A_863 {offsets = [0, 12], sizes = [512, 1], strides = [1, 1]} : vector<512x16xi32> to vector<512x1xi32>
    %jit3A_994 = arith.constant 0 : i32
    %broadcast_in_dim3A_995 = vector.shape_cast %slice3A_993 : vector<512x1xi32> to vector<512x1xi32>
    %broadcast_in_dim3A_996 = vector.broadcast %broadcast_in_dim3A_995 : vector<512x1xi32> to vector<512x16xi32>
    %broadcast_in_dim3A_997 = vector.broadcast %jit3A_994 : i32 to vector<512x16xi32>
    %select_n3A_998 = arith.select %eq3A_992, %broadcast_in_dim3A_996, %broadcast_in_dim3A_997 : vector<512x16xi1>, vector<512x16xi32>
    %add3A_999 = arith.addi %add3A_989, %select_n3A_998 : vector<512x16xi32>
    %eq3A_1000 = arith.constant 13 : i32
    %eq3A_1001 = vector.broadcast %eq3A_1000 : i32 to vector<512x16xi32>
    %eq3A_1002 = arith.cmpi eq, %concatenate3A_867, %eq3A_1001 : vector<512x16xi32>
    %slice3A_1003 = vector.extract_strided_slice %add3A_863 {offsets = [0, 13], sizes = [512, 1], strides = [1, 1]} : vector<512x16xi32> to vector<512x1xi32>
    %jit3A_1004 = arith.constant 0 : i32
    %broadcast_in_dim3A_1005 = vector.shape_cast %slice3A_1003 : vector<512x1xi32> to vector<512x1xi32>
    %broadcast_in_dim3A_1006 = vector.broadcast %broadcast_in_dim3A_1005 : vector<512x1xi32> to vector<512x16xi32>
    %broadcast_in_dim3A_1007 = vector.broadcast %jit3A_1004 : i32 to vector<512x16xi32>
    %select_n3A_1008 = arith.select %eq3A_1002, %broadcast_in_dim3A_1006, %broadcast_in_dim3A_1007 : vector<512x16xi1>, vector<512x16xi32>
    %add3A_1009 = arith.addi %add3A_999, %select_n3A_1008 : vector<512x16xi32>
    %eq3A_1010 = arith.constant 14 : i32
    %eq3A_1011 = vector.broadcast %eq3A_1010 : i32 to vector<512x16xi32>
    %eq3A_1012 = arith.cmpi eq, %concatenate3A_867, %eq3A_1011 : vector<512x16xi32>
    %slice3A_1013 = vector.extract_strided_slice %add3A_863 {offsets = [0, 14], sizes = [512, 1], strides = [1, 1]} : vector<512x16xi32> to vector<512x1xi32>
    %jit3A_1014 = arith.constant 0 : i32
    %broadcast_in_dim3A_1015 = vector.shape_cast %slice3A_1013 : vector<512x1xi32> to vector<512x1xi32>
    %broadcast_in_dim3A_1016 = vector.broadcast %broadcast_in_dim3A_1015 : vector<512x1xi32> to vector<512x16xi32>
    %broadcast_in_dim3A_1017 = vector.broadcast %jit3A_1014 : i32 to vector<512x16xi32>
    %select_n3A_1018 = arith.select %eq3A_1012, %broadcast_in_dim3A_1016, %broadcast_in_dim3A_1017 : vector<512x16xi1>, vector<512x16xi32>
    %add3A_1019 = arith.addi %add3A_1009, %select_n3A_1018 : vector<512x16xi32>
    %eq3A_1020 = arith.constant 15 : i32
    %eq3A_1021 = vector.broadcast %eq3A_1020 : i32 to vector<512x16xi32>
    %eq3A_1022 = arith.cmpi eq, %concatenate3A_867, %eq3A_1021 : vector<512x16xi32>
    %slice3A_1023 = vector.extract_strided_slice %add3A_863 {offsets = [0, 15], sizes = [512, 1], strides = [1, 1]} : vector<512x16xi32> to vector<512x1xi32>
    %jit3A_1024 = arith.constant 0 : i32
    %broadcast_in_dim3A_1025 = vector.shape_cast %slice3A_1023 : vector<512x1xi32> to vector<512x1xi32>
    %broadcast_in_dim3A_1026 = vector.broadcast %broadcast_in_dim3A_1025 : vector<512x1xi32> to vector<512x16xi32>
    %broadcast_in_dim3A_1027 = vector.broadcast %jit3A_1024 : i32 to vector<512x16xi32>
    %select_n3A_1028 = arith.select %eq3A_1022, %broadcast_in_dim3A_1026, %broadcast_in_dim3A_1027 : vector<512x16xi1>, vector<512x16xi32>
    %add3A_1029 = arith.addi %add3A_1019, %select_n3A_1028 : vector<512x16xi32>
    %slice3A_1030 = vector.extract_strided_slice %add3A_1029 {offsets = [32, 0], sizes = [480, 16], strides = [1, 1]} : vector<512x16xi32> to vector<480x16xi32>
    %broadcast_in_dim3A_1031 = vector.shape_cast %iota3A : vector<1x16xi32> to vector<1x16xi32>
    %broadcast_in_dim3A_1032 = vector.broadcast %broadcast_in_dim3A_1031 : vector<1x16xi32> to vector<32x16xi32>
    %concatenate3A_1033 = tpu.concatenate %slice3A_1030, %broadcast_in_dim3A_1032 in 0 : vector<480x16xi32>, vector<32x16xi32> -> vector<512x16xi32>
    %broadcast_in_dim3A_1034 = arith.constant 0 : i32
    %broadcast_in_dim3A_1035 = vector.broadcast %broadcast_in_dim3A_1034 : i32 to vector<512x16xi32>
    %eq3A_1036 = arith.constant 0 : i32
    %eq3A_1037 = vector.broadcast %eq3A_1036 : i32 to vector<512x16xi32>
    %eq3A_1038 = arith.cmpi eq, %concatenate3A_1033, %eq3A_1037 : vector<512x16xi32>
    %slice3A_1039 = vector.extract_strided_slice %add3A_1029 {offsets = [0, 0], sizes = [512, 1], strides = [1, 1]} : vector<512x16xi32> to vector<512x1xi32>
    %jit3A_1040 = arith.constant 0 : i32
    %broadcast_in_dim3A_1041 = vector.shape_cast %slice3A_1039 : vector<512x1xi32> to vector<512x1xi32>
    %broadcast_in_dim3A_1042 = vector.broadcast %broadcast_in_dim3A_1041 : vector<512x1xi32> to vector<512x16xi32>
    %broadcast_in_dim3A_1043 = vector.broadcast %jit3A_1040 : i32 to vector<512x16xi32>
    %select_n3A_1044 = arith.select %eq3A_1038, %broadcast_in_dim3A_1042, %broadcast_in_dim3A_1043 : vector<512x16xi1>, vector<512x16xi32>
    %add3A_1045 = arith.addi %broadcast_in_dim3A_1035, %select_n3A_1044 : vector<512x16xi32>
    %eq3A_1046 = arith.constant 1 : i32
    %eq3A_1047 = vector.broadcast %eq3A_1046 : i32 to vector<512x16xi32>
    %eq3A_1048 = arith.cmpi eq, %concatenate3A_1033, %eq3A_1047 : vector<512x16xi32>
    %slice3A_1049 = vector.extract_strided_slice %add3A_1029 {offsets = [0, 1], sizes = [512, 1], strides = [1, 1]} : vector<512x16xi32> to vector<512x1xi32>
    %jit3A_1050 = arith.constant 0 : i32
    %broadcast_in_dim3A_1051 = vector.shape_cast %slice3A_1049 : vector<512x1xi32> to vector<512x1xi32>
    %broadcast_in_dim3A_1052 = vector.broadcast %broadcast_in_dim3A_1051 : vector<512x1xi32> to vector<512x16xi32>
    %broadcast_in_dim3A_1053 = vector.broadcast %jit3A_1050 : i32 to vector<512x16xi32>
    %select_n3A_1054 = arith.select %eq3A_1048, %broadcast_in_dim3A_1052, %broadcast_in_dim3A_1053 : vector<512x16xi1>, vector<512x16xi32>
    %add3A_1055 = arith.addi %add3A_1045, %select_n3A_1054 : vector<512x16xi32>
    %eq3A_1056 = arith.constant 2 : i32
    %eq3A_1057 = vector.broadcast %eq3A_1056 : i32 to vector<512x16xi32>
    %eq3A_1058 = arith.cmpi eq, %concatenate3A_1033, %eq3A_1057 : vector<512x16xi32>
    %slice3A_1059 = vector.extract_strided_slice %add3A_1029 {offsets = [0, 2], sizes = [512, 1], strides = [1, 1]} : vector<512x16xi32> to vector<512x1xi32>
    %jit3A_1060 = arith.constant 0 : i32
    %broadcast_in_dim3A_1061 = vector.shape_cast %slice3A_1059 : vector<512x1xi32> to vector<512x1xi32>
    %broadcast_in_dim3A_1062 = vector.broadcast %broadcast_in_dim3A_1061 : vector<512x1xi32> to vector<512x16xi32>
    %broadcast_in_dim3A_1063 = vector.broadcast %jit3A_1060 : i32 to vector<512x16xi32>
    %select_n3A_1064 = arith.select %eq3A_1058, %broadcast_in_dim3A_1062, %broadcast_in_dim3A_1063 : vector<512x16xi1>, vector<512x16xi32>
    %add3A_1065 = arith.addi %add3A_1055, %select_n3A_1064 : vector<512x16xi32>
    %eq3A_1066 = arith.constant 3 : i32
    %eq3A_1067 = vector.broadcast %eq3A_1066 : i32 to vector<512x16xi32>
    %eq3A_1068 = arith.cmpi eq, %concatenate3A_1033, %eq3A_1067 : vector<512x16xi32>
    %slice3A_1069 = vector.extract_strided_slice %add3A_1029 {offsets = [0, 3], sizes = [512, 1], strides = [1, 1]} : vector<512x16xi32> to vector<512x1xi32>
    %jit3A_1070 = arith.constant 0 : i32
    %broadcast_in_dim3A_1071 = vector.shape_cast %slice3A_1069 : vector<512x1xi32> to vector<512x1xi32>
    %broadcast_in_dim3A_1072 = vector.broadcast %broadcast_in_dim3A_1071 : vector<512x1xi32> to vector<512x16xi32>
    %broadcast_in_dim3A_1073 = vector.broadcast %jit3A_1070 : i32 to vector<512x16xi32>
    %select_n3A_1074 = arith.select %eq3A_1068, %broadcast_in_dim3A_1072, %broadcast_in_dim3A_1073 : vector<512x16xi1>, vector<512x16xi32>
    %add3A_1075 = arith.addi %add3A_1065, %select_n3A_1074 : vector<512x16xi32>
    %eq3A_1076 = arith.constant 4 : i32
    %eq3A_1077 = vector.broadcast %eq3A_1076 : i32 to vector<512x16xi32>
    %eq3A_1078 = arith.cmpi eq, %concatenate3A_1033, %eq3A_1077 : vector<512x16xi32>
    %slice3A_1079 = vector.extract_strided_slice %add3A_1029 {offsets = [0, 4], sizes = [512, 1], strides = [1, 1]} : vector<512x16xi32> to vector<512x1xi32>
    %jit3A_1080 = arith.constant 0 : i32
    %broadcast_in_dim3A_1081 = vector.shape_cast %slice3A_1079 : vector<512x1xi32> to vector<512x1xi32>
    %broadcast_in_dim3A_1082 = vector.broadcast %broadcast_in_dim3A_1081 : vector<512x1xi32> to vector<512x16xi32>
    %broadcast_in_dim3A_1083 = vector.broadcast %jit3A_1080 : i32 to vector<512x16xi32>
    %select_n3A_1084 = arith.select %eq3A_1078, %broadcast_in_dim3A_1082, %broadcast_in_dim3A_1083 : vector<512x16xi1>, vector<512x16xi32>
    %add3A_1085 = arith.addi %add3A_1075, %select_n3A_1084 : vector<512x16xi32>
    %eq3A_1086 = arith.constant 5 : i32
    %eq3A_1087 = vector.broadcast %eq3A_1086 : i32 to vector<512x16xi32>
    %eq3A_1088 = arith.cmpi eq, %concatenate3A_1033, %eq3A_1087 : vector<512x16xi32>
    %slice3A_1089 = vector.extract_strided_slice %add3A_1029 {offsets = [0, 5], sizes = [512, 1], strides = [1, 1]} : vector<512x16xi32> to vector<512x1xi32>
    %jit3A_1090 = arith.constant 0 : i32
    %broadcast_in_dim3A_1091 = vector.shape_cast %slice3A_1089 : vector<512x1xi32> to vector<512x1xi32>
    %broadcast_in_dim3A_1092 = vector.broadcast %broadcast_in_dim3A_1091 : vector<512x1xi32> to vector<512x16xi32>
    %broadcast_in_dim3A_1093 = vector.broadcast %jit3A_1090 : i32 to vector<512x16xi32>
    %select_n3A_1094 = arith.select %eq3A_1088, %broadcast_in_dim3A_1092, %broadcast_in_dim3A_1093 : vector<512x16xi1>, vector<512x16xi32>
    %add3A_1095 = arith.addi %add3A_1085, %select_n3A_1094 : vector<512x16xi32>
    %eq3A_1096 = arith.constant 6 : i32
    %eq3A_1097 = vector.broadcast %eq3A_1096 : i32 to vector<512x16xi32>
    %eq3A_1098 = arith.cmpi eq, %concatenate3A_1033, %eq3A_1097 : vector<512x16xi32>
    %slice3A_1099 = vector.extract_strided_slice %add3A_1029 {offsets = [0, 6], sizes = [512, 1], strides = [1, 1]} : vector<512x16xi32> to vector<512x1xi32>
    %jit3A_1100 = arith.constant 0 : i32
    %broadcast_in_dim3A_1101 = vector.shape_cast %slice3A_1099 : vector<512x1xi32> to vector<512x1xi32>
    %broadcast_in_dim3A_1102 = vector.broadcast %broadcast_in_dim3A_1101 : vector<512x1xi32> to vector<512x16xi32>
    %broadcast_in_dim3A_1103 = vector.broadcast %jit3A_1100 : i32 to vector<512x16xi32>
    %select_n3A_1104 = arith.select %eq3A_1098, %broadcast_in_dim3A_1102, %broadcast_in_dim3A_1103 : vector<512x16xi1>, vector<512x16xi32>
    %add3A_1105 = arith.addi %add3A_1095, %select_n3A_1104 : vector<512x16xi32>
    %eq3A_1106 = arith.constant 7 : i32
    %eq3A_1107 = vector.broadcast %eq3A_1106 : i32 to vector<512x16xi32>
    %eq3A_1108 = arith.cmpi eq, %concatenate3A_1033, %eq3A_1107 : vector<512x16xi32>
    %slice3A_1109 = vector.extract_strided_slice %add3A_1029 {offsets = [0, 7], sizes = [512, 1], strides = [1, 1]} : vector<512x16xi32> to vector<512x1xi32>
    %jit3A_1110 = arith.constant 0 : i32
    %broadcast_in_dim3A_1111 = vector.shape_cast %slice3A_1109 : vector<512x1xi32> to vector<512x1xi32>
    %broadcast_in_dim3A_1112 = vector.broadcast %broadcast_in_dim3A_1111 : vector<512x1xi32> to vector<512x16xi32>
    %broadcast_in_dim3A_1113 = vector.broadcast %jit3A_1110 : i32 to vector<512x16xi32>
    %select_n3A_1114 = arith.select %eq3A_1108, %broadcast_in_dim3A_1112, %broadcast_in_dim3A_1113 : vector<512x16xi1>, vector<512x16xi32>
    %add3A_1115 = arith.addi %add3A_1105, %select_n3A_1114 : vector<512x16xi32>
    %eq3A_1116 = arith.constant 8 : i32
    %eq3A_1117 = vector.broadcast %eq3A_1116 : i32 to vector<512x16xi32>
    %eq3A_1118 = arith.cmpi eq, %concatenate3A_1033, %eq3A_1117 : vector<512x16xi32>
    %slice3A_1119 = vector.extract_strided_slice %add3A_1029 {offsets = [0, 8], sizes = [512, 1], strides = [1, 1]} : vector<512x16xi32> to vector<512x1xi32>
    %jit3A_1120 = arith.constant 0 : i32
    %broadcast_in_dim3A_1121 = vector.shape_cast %slice3A_1119 : vector<512x1xi32> to vector<512x1xi32>
    %broadcast_in_dim3A_1122 = vector.broadcast %broadcast_in_dim3A_1121 : vector<512x1xi32> to vector<512x16xi32>
    %broadcast_in_dim3A_1123 = vector.broadcast %jit3A_1120 : i32 to vector<512x16xi32>
    %select_n3A_1124 = arith.select %eq3A_1118, %broadcast_in_dim3A_1122, %broadcast_in_dim3A_1123 : vector<512x16xi1>, vector<512x16xi32>
    %add3A_1125 = arith.addi %add3A_1115, %select_n3A_1124 : vector<512x16xi32>
    %eq3A_1126 = arith.constant 9 : i32
    %eq3A_1127 = vector.broadcast %eq3A_1126 : i32 to vector<512x16xi32>
    %eq3A_1128 = arith.cmpi eq, %concatenate3A_1033, %eq3A_1127 : vector<512x16xi32>
    %slice3A_1129 = vector.extract_strided_slice %add3A_1029 {offsets = [0, 9], sizes = [512, 1], strides = [1, 1]} : vector<512x16xi32> to vector<512x1xi32>
    %jit3A_1130 = arith.constant 0 : i32
    %broadcast_in_dim3A_1131 = vector.shape_cast %slice3A_1129 : vector<512x1xi32> to vector<512x1xi32>
    %broadcast_in_dim3A_1132 = vector.broadcast %broadcast_in_dim3A_1131 : vector<512x1xi32> to vector<512x16xi32>
    %broadcast_in_dim3A_1133 = vector.broadcast %jit3A_1130 : i32 to vector<512x16xi32>
    %select_n3A_1134 = arith.select %eq3A_1128, %broadcast_in_dim3A_1132, %broadcast_in_dim3A_1133 : vector<512x16xi1>, vector<512x16xi32>
    %add3A_1135 = arith.addi %add3A_1125, %select_n3A_1134 : vector<512x16xi32>
    %eq3A_1136 = arith.constant 10 : i32
    %eq3A_1137 = vector.broadcast %eq3A_1136 : i32 to vector<512x16xi32>
    %eq3A_1138 = arith.cmpi eq, %concatenate3A_1033, %eq3A_1137 : vector<512x16xi32>
    %slice3A_1139 = vector.extract_strided_slice %add3A_1029 {offsets = [0, 10], sizes = [512, 1], strides = [1, 1]} : vector<512x16xi32> to vector<512x1xi32>
    %jit3A_1140 = arith.constant 0 : i32
    %broadcast_in_dim3A_1141 = vector.shape_cast %slice3A_1139 : vector<512x1xi32> to vector<512x1xi32>
    %broadcast_in_dim3A_1142 = vector.broadcast %broadcast_in_dim3A_1141 : vector<512x1xi32> to vector<512x16xi32>
    %broadcast_in_dim3A_1143 = vector.broadcast %jit3A_1140 : i32 to vector<512x16xi32>
    %select_n3A_1144 = arith.select %eq3A_1138, %broadcast_in_dim3A_1142, %broadcast_in_dim3A_1143 : vector<512x16xi1>, vector<512x16xi32>
    %add3A_1145 = arith.addi %add3A_1135, %select_n3A_1144 : vector<512x16xi32>
    %eq3A_1146 = arith.constant 11 : i32
    %eq3A_1147 = vector.broadcast %eq3A_1146 : i32 to vector<512x16xi32>
    %eq3A_1148 = arith.cmpi eq, %concatenate3A_1033, %eq3A_1147 : vector<512x16xi32>
    %slice3A_1149 = vector.extract_strided_slice %add3A_1029 {offsets = [0, 11], sizes = [512, 1], strides = [1, 1]} : vector<512x16xi32> to vector<512x1xi32>
    %jit3A_1150 = arith.constant 0 : i32
    %broadcast_in_dim3A_1151 = vector.shape_cast %slice3A_1149 : vector<512x1xi32> to vector<512x1xi32>
    %broadcast_in_dim3A_1152 = vector.broadcast %broadcast_in_dim3A_1151 : vector<512x1xi32> to vector<512x16xi32>
    %broadcast_in_dim3A_1153 = vector.broadcast %jit3A_1150 : i32 to vector<512x16xi32>
    %select_n3A_1154 = arith.select %eq3A_1148, %broadcast_in_dim3A_1152, %broadcast_in_dim3A_1153 : vector<512x16xi1>, vector<512x16xi32>
    %add3A_1155 = arith.addi %add3A_1145, %select_n3A_1154 : vector<512x16xi32>
    %eq3A_1156 = arith.constant 12 : i32
    %eq3A_1157 = vector.broadcast %eq3A_1156 : i32 to vector<512x16xi32>
    %eq3A_1158 = arith.cmpi eq, %concatenate3A_1033, %eq3A_1157 : vector<512x16xi32>
    %slice3A_1159 = vector.extract_strided_slice %add3A_1029 {offsets = [0, 12], sizes = [512, 1], strides = [1, 1]} : vector<512x16xi32> to vector<512x1xi32>
    %jit3A_1160 = arith.constant 0 : i32
    %broadcast_in_dim3A_1161 = vector.shape_cast %slice3A_1159 : vector<512x1xi32> to vector<512x1xi32>
    %broadcast_in_dim3A_1162 = vector.broadcast %broadcast_in_dim3A_1161 : vector<512x1xi32> to vector<512x16xi32>
    %broadcast_in_dim3A_1163 = vector.broadcast %jit3A_1160 : i32 to vector<512x16xi32>
    %select_n3A_1164 = arith.select %eq3A_1158, %broadcast_in_dim3A_1162, %broadcast_in_dim3A_1163 : vector<512x16xi1>, vector<512x16xi32>
    %add3A_1165 = arith.addi %add3A_1155, %select_n3A_1164 : vector<512x16xi32>
    %eq3A_1166 = arith.constant 13 : i32
    %eq3A_1167 = vector.broadcast %eq3A_1166 : i32 to vector<512x16xi32>
    %eq3A_1168 = arith.cmpi eq, %concatenate3A_1033, %eq3A_1167 : vector<512x16xi32>
    %slice3A_1169 = vector.extract_strided_slice %add3A_1029 {offsets = [0, 13], sizes = [512, 1], strides = [1, 1]} : vector<512x16xi32> to vector<512x1xi32>
    %jit3A_1170 = arith.constant 0 : i32
    %broadcast_in_dim3A_1171 = vector.shape_cast %slice3A_1169 : vector<512x1xi32> to vector<512x1xi32>
    %broadcast_in_dim3A_1172 = vector.broadcast %broadcast_in_dim3A_1171 : vector<512x1xi32> to vector<512x16xi32>
    %broadcast_in_dim3A_1173 = vector.broadcast %jit3A_1170 : i32 to vector<512x16xi32>
    %select_n3A_1174 = arith.select %eq3A_1168, %broadcast_in_dim3A_1172, %broadcast_in_dim3A_1173 : vector<512x16xi1>, vector<512x16xi32>
    %add3A_1175 = arith.addi %add3A_1165, %select_n3A_1174 : vector<512x16xi32>
    %eq3A_1176 = arith.constant 14 : i32
    %eq3A_1177 = vector.broadcast %eq3A_1176 : i32 to vector<512x16xi32>
    %eq3A_1178 = arith.cmpi eq, %concatenate3A_1033, %eq3A_1177 : vector<512x16xi32>
    %slice3A_1179 = vector.extract_strided_slice %add3A_1029 {offsets = [0, 14], sizes = [512, 1], strides = [1, 1]} : vector<512x16xi32> to vector<512x1xi32>
    %jit3A_1180 = arith.constant 0 : i32
    %broadcast_in_dim3A_1181 = vector.shape_cast %slice3A_1179 : vector<512x1xi32> to vector<512x1xi32>
    %broadcast_in_dim3A_1182 = vector.broadcast %broadcast_in_dim3A_1181 : vector<512x1xi32> to vector<512x16xi32>
    %broadcast_in_dim3A_1183 = vector.broadcast %jit3A_1180 : i32 to vector<512x16xi32>
    %select_n3A_1184 = arith.select %eq3A_1178, %broadcast_in_dim3A_1182, %broadcast_in_dim3A_1183 : vector<512x16xi1>, vector<512x16xi32>
    %add3A_1185 = arith.addi %add3A_1175, %select_n3A_1184 : vector<512x16xi32>
    %eq3A_1186 = arith.constant 15 : i32
    %eq3A_1187 = vector.broadcast %eq3A_1186 : i32 to vector<512x16xi32>
    %eq3A_1188 = arith.cmpi eq, %concatenate3A_1033, %eq3A_1187 : vector<512x16xi32>
    %slice3A_1189 = vector.extract_strided_slice %add3A_1029 {offsets = [0, 15], sizes = [512, 1], strides = [1, 1]} : vector<512x16xi32> to vector<512x1xi32>
    %jit3A_1190 = arith.constant 0 : i32
    %broadcast_in_dim3A_1191 = vector.shape_cast %slice3A_1189 : vector<512x1xi32> to vector<512x1xi32>
    %broadcast_in_dim3A_1192 = vector.broadcast %broadcast_in_dim3A_1191 : vector<512x1xi32> to vector<512x16xi32>
    %broadcast_in_dim3A_1193 = vector.broadcast %jit3A_1190 : i32 to vector<512x16xi32>
    %select_n3A_1194 = arith.select %eq3A_1188, %broadcast_in_dim3A_1192, %broadcast_in_dim3A_1193 : vector<512x16xi1>, vector<512x16xi32>
    %add3A_1195 = arith.addi %add3A_1185, %select_n3A_1194 : vector<512x16xi32>
    %slice3A_1196 = vector.extract_strided_slice %add3A_1195 {offsets = [64, 0], sizes = [448, 16], strides = [1, 1]} : vector<512x16xi32> to vector<448x16xi32>
    %broadcast_in_dim3A_1197 = vector.shape_cast %iota3A : vector<1x16xi32> to vector<1x16xi32>
    %broadcast_in_dim3A_1198 = vector.broadcast %broadcast_in_dim3A_1197 : vector<1x16xi32> to vector<64x16xi32>
    %concatenate3A_1199 = tpu.concatenate %slice3A_1196, %broadcast_in_dim3A_1198 in 0 : vector<448x16xi32>, vector<64x16xi32> -> vector<512x16xi32>
    %broadcast_in_dim3A_1200 = arith.constant 0 : i32
    %broadcast_in_dim3A_1201 = vector.broadcast %broadcast_in_dim3A_1200 : i32 to vector<512x16xi32>
    %eq3A_1202 = arith.constant 0 : i32
    %eq3A_1203 = vector.broadcast %eq3A_1202 : i32 to vector<512x16xi32>
    %eq3A_1204 = arith.cmpi eq, %concatenate3A_1199, %eq3A_1203 : vector<512x16xi32>
    %slice3A_1205 = vector.extract_strided_slice %add3A_1195 {offsets = [0, 0], sizes = [512, 1], strides = [1, 1]} : vector<512x16xi32> to vector<512x1xi32>
    %jit3A_1206 = arith.constant 0 : i32
    %broadcast_in_dim3A_1207 = vector.shape_cast %slice3A_1205 : vector<512x1xi32> to vector<512x1xi32>
    %broadcast_in_dim3A_1208 = vector.broadcast %broadcast_in_dim3A_1207 : vector<512x1xi32> to vector<512x16xi32>
    %broadcast_in_dim3A_1209 = vector.broadcast %jit3A_1206 : i32 to vector<512x16xi32>
    %select_n3A_1210 = arith.select %eq3A_1204, %broadcast_in_dim3A_1208, %broadcast_in_dim3A_1209 : vector<512x16xi1>, vector<512x16xi32>
    %add3A_1211 = arith.addi %broadcast_in_dim3A_1201, %select_n3A_1210 : vector<512x16xi32>
    %eq3A_1212 = arith.constant 1 : i32
    %eq3A_1213 = vector.broadcast %eq3A_1212 : i32 to vector<512x16xi32>
    %eq3A_1214 = arith.cmpi eq, %concatenate3A_1199, %eq3A_1213 : vector<512x16xi32>
    %slice3A_1215 = vector.extract_strided_slice %add3A_1195 {offsets = [0, 1], sizes = [512, 1], strides = [1, 1]} : vector<512x16xi32> to vector<512x1xi32>
    %jit3A_1216 = arith.constant 0 : i32
    %broadcast_in_dim3A_1217 = vector.shape_cast %slice3A_1215 : vector<512x1xi32> to vector<512x1xi32>
    %broadcast_in_dim3A_1218 = vector.broadcast %broadcast_in_dim3A_1217 : vector<512x1xi32> to vector<512x16xi32>
    %broadcast_in_dim3A_1219 = vector.broadcast %jit3A_1216 : i32 to vector<512x16xi32>
    %select_n3A_1220 = arith.select %eq3A_1214, %broadcast_in_dim3A_1218, %broadcast_in_dim3A_1219 : vector<512x16xi1>, vector<512x16xi32>
    %add3A_1221 = arith.addi %add3A_1211, %select_n3A_1220 : vector<512x16xi32>
    %eq3A_1222 = arith.constant 2 : i32
    %eq3A_1223 = vector.broadcast %eq3A_1222 : i32 to vector<512x16xi32>
    %eq3A_1224 = arith.cmpi eq, %concatenate3A_1199, %eq3A_1223 : vector<512x16xi32>
    %slice3A_1225 = vector.extract_strided_slice %add3A_1195 {offsets = [0, 2], sizes = [512, 1], strides = [1, 1]} : vector<512x16xi32> to vector<512x1xi32>
    %jit3A_1226 = arith.constant 0 : i32
    %broadcast_in_dim3A_1227 = vector.shape_cast %slice3A_1225 : vector<512x1xi32> to vector<512x1xi32>
    %broadcast_in_dim3A_1228 = vector.broadcast %broadcast_in_dim3A_1227 : vector<512x1xi32> to vector<512x16xi32>
    %broadcast_in_dim3A_1229 = vector.broadcast %jit3A_1226 : i32 to vector<512x16xi32>
    %select_n3A_1230 = arith.select %eq3A_1224, %broadcast_in_dim3A_1228, %broadcast_in_dim3A_1229 : vector<512x16xi1>, vector<512x16xi32>
    %add3A_1231 = arith.addi %add3A_1221, %select_n3A_1230 : vector<512x16xi32>
    %eq3A_1232 = arith.constant 3 : i32
    %eq3A_1233 = vector.broadcast %eq3A_1232 : i32 to vector<512x16xi32>
    %eq3A_1234 = arith.cmpi eq, %concatenate3A_1199, %eq3A_1233 : vector<512x16xi32>
    %slice3A_1235 = vector.extract_strided_slice %add3A_1195 {offsets = [0, 3], sizes = [512, 1], strides = [1, 1]} : vector<512x16xi32> to vector<512x1xi32>
    %jit3A_1236 = arith.constant 0 : i32
    %broadcast_in_dim3A_1237 = vector.shape_cast %slice3A_1235 : vector<512x1xi32> to vector<512x1xi32>
    %broadcast_in_dim3A_1238 = vector.broadcast %broadcast_in_dim3A_1237 : vector<512x1xi32> to vector<512x16xi32>
    %broadcast_in_dim3A_1239 = vector.broadcast %jit3A_1236 : i32 to vector<512x16xi32>
    %select_n3A_1240 = arith.select %eq3A_1234, %broadcast_in_dim3A_1238, %broadcast_in_dim3A_1239 : vector<512x16xi1>, vector<512x16xi32>
    %add3A_1241 = arith.addi %add3A_1231, %select_n3A_1240 : vector<512x16xi32>
    %eq3A_1242 = arith.constant 4 : i32
    %eq3A_1243 = vector.broadcast %eq3A_1242 : i32 to vector<512x16xi32>
    %eq3A_1244 = arith.cmpi eq, %concatenate3A_1199, %eq3A_1243 : vector<512x16xi32>
    %slice3A_1245 = vector.extract_strided_slice %add3A_1195 {offsets = [0, 4], sizes = [512, 1], strides = [1, 1]} : vector<512x16xi32> to vector<512x1xi32>
    %jit3A_1246 = arith.constant 0 : i32
    %broadcast_in_dim3A_1247 = vector.shape_cast %slice3A_1245 : vector<512x1xi32> to vector<512x1xi32>
    %broadcast_in_dim3A_1248 = vector.broadcast %broadcast_in_dim3A_1247 : vector<512x1xi32> to vector<512x16xi32>
    %broadcast_in_dim3A_1249 = vector.broadcast %jit3A_1246 : i32 to vector<512x16xi32>
    %select_n3A_1250 = arith.select %eq3A_1244, %broadcast_in_dim3A_1248, %broadcast_in_dim3A_1249 : vector<512x16xi1>, vector<512x16xi32>
    %add3A_1251 = arith.addi %add3A_1241, %select_n3A_1250 : vector<512x16xi32>
    %eq3A_1252 = arith.constant 5 : i32
    %eq3A_1253 = vector.broadcast %eq3A_1252 : i32 to vector<512x16xi32>
    %eq3A_1254 = arith.cmpi eq, %concatenate3A_1199, %eq3A_1253 : vector<512x16xi32>
    %slice3A_1255 = vector.extract_strided_slice %add3A_1195 {offsets = [0, 5], sizes = [512, 1], strides = [1, 1]} : vector<512x16xi32> to vector<512x1xi32>
    %jit3A_1256 = arith.constant 0 : i32
    %broadcast_in_dim3A_1257 = vector.shape_cast %slice3A_1255 : vector<512x1xi32> to vector<512x1xi32>
    %broadcast_in_dim3A_1258 = vector.broadcast %broadcast_in_dim3A_1257 : vector<512x1xi32> to vector<512x16xi32>
    %broadcast_in_dim3A_1259 = vector.broadcast %jit3A_1256 : i32 to vector<512x16xi32>
    %select_n3A_1260 = arith.select %eq3A_1254, %broadcast_in_dim3A_1258, %broadcast_in_dim3A_1259 : vector<512x16xi1>, vector<512x16xi32>
    %add3A_1261 = arith.addi %add3A_1251, %select_n3A_1260 : vector<512x16xi32>
    %eq3A_1262 = arith.constant 6 : i32
    %eq3A_1263 = vector.broadcast %eq3A_1262 : i32 to vector<512x16xi32>
    %eq3A_1264 = arith.cmpi eq, %concatenate3A_1199, %eq3A_1263 : vector<512x16xi32>
    %slice3A_1265 = vector.extract_strided_slice %add3A_1195 {offsets = [0, 6], sizes = [512, 1], strides = [1, 1]} : vector<512x16xi32> to vector<512x1xi32>
    %jit3A_1266 = arith.constant 0 : i32
    %broadcast_in_dim3A_1267 = vector.shape_cast %slice3A_1265 : vector<512x1xi32> to vector<512x1xi32>
    %broadcast_in_dim3A_1268 = vector.broadcast %broadcast_in_dim3A_1267 : vector<512x1xi32> to vector<512x16xi32>
    %broadcast_in_dim3A_1269 = vector.broadcast %jit3A_1266 : i32 to vector<512x16xi32>
    %select_n3A_1270 = arith.select %eq3A_1264, %broadcast_in_dim3A_1268, %broadcast_in_dim3A_1269 : vector<512x16xi1>, vector<512x16xi32>
    %add3A_1271 = arith.addi %add3A_1261, %select_n3A_1270 : vector<512x16xi32>
    %eq3A_1272 = arith.constant 7 : i32
    %eq3A_1273 = vector.broadcast %eq3A_1272 : i32 to vector<512x16xi32>
    %eq3A_1274 = arith.cmpi eq, %concatenate3A_1199, %eq3A_1273 : vector<512x16xi32>
    %slice3A_1275 = vector.extract_strided_slice %add3A_1195 {offsets = [0, 7], sizes = [512, 1], strides = [1, 1]} : vector<512x16xi32> to vector<512x1xi32>
    %jit3A_1276 = arith.constant 0 : i32
    %broadcast_in_dim3A_1277 = vector.shape_cast %slice3A_1275 : vector<512x1xi32> to vector<512x1xi32>
    %broadcast_in_dim3A_1278 = vector.broadcast %broadcast_in_dim3A_1277 : vector<512x1xi32> to vector<512x16xi32>
    %broadcast_in_dim3A_1279 = vector.broadcast %jit3A_1276 : i32 to vector<512x16xi32>
    %select_n3A_1280 = arith.select %eq3A_1274, %broadcast_in_dim3A_1278, %broadcast_in_dim3A_1279 : vector<512x16xi1>, vector<512x16xi32>
    %add3A_1281 = arith.addi %add3A_1271, %select_n3A_1280 : vector<512x16xi32>
    %eq3A_1282 = arith.constant 8 : i32
    %eq3A_1283 = vector.broadcast %eq3A_1282 : i32 to vector<512x16xi32>
    %eq3A_1284 = arith.cmpi eq, %concatenate3A_1199, %eq3A_1283 : vector<512x16xi32>
    %slice3A_1285 = vector.extract_strided_slice %add3A_1195 {offsets = [0, 8], sizes = [512, 1], strides = [1, 1]} : vector<512x16xi32> to vector<512x1xi32>
    %jit3A_1286 = arith.constant 0 : i32
    %broadcast_in_dim3A_1287 = vector.shape_cast %slice3A_1285 : vector<512x1xi32> to vector<512x1xi32>
    %broadcast_in_dim3A_1288 = vector.broadcast %broadcast_in_dim3A_1287 : vector<512x1xi32> to vector<512x16xi32>
    %broadcast_in_dim3A_1289 = vector.broadcast %jit3A_1286 : i32 to vector<512x16xi32>
    %select_n3A_1290 = arith.select %eq3A_1284, %broadcast_in_dim3A_1288, %broadcast_in_dim3A_1289 : vector<512x16xi1>, vector<512x16xi32>
    %add3A_1291 = arith.addi %add3A_1281, %select_n3A_1290 : vector<512x16xi32>
    %eq3A_1292 = arith.constant 9 : i32
    %eq3A_1293 = vector.broadcast %eq3A_1292 : i32 to vector<512x16xi32>
    %eq3A_1294 = arith.cmpi eq, %concatenate3A_1199, %eq3A_1293 : vector<512x16xi32>
    %slice3A_1295 = vector.extract_strided_slice %add3A_1195 {offsets = [0, 9], sizes = [512, 1], strides = [1, 1]} : vector<512x16xi32> to vector<512x1xi32>
    %jit3A_1296 = arith.constant 0 : i32
    %broadcast_in_dim3A_1297 = vector.shape_cast %slice3A_1295 : vector<512x1xi32> to vector<512x1xi32>
    %broadcast_in_dim3A_1298 = vector.broadcast %broadcast_in_dim3A_1297 : vector<512x1xi32> to vector<512x16xi32>
    %broadcast_in_dim3A_1299 = vector.broadcast %jit3A_1296 : i32 to vector<512x16xi32>
    %select_n3A_1300 = arith.select %eq3A_1294, %broadcast_in_dim3A_1298, %broadcast_in_dim3A_1299 : vector<512x16xi1>, vector<512x16xi32>
    %add3A_1301 = arith.addi %add3A_1291, %select_n3A_1300 : vector<512x16xi32>
    %eq3A_1302 = arith.constant 10 : i32
    %eq3A_1303 = vector.broadcast %eq3A_1302 : i32 to vector<512x16xi32>
    %eq3A_1304 = arith.cmpi eq, %concatenate3A_1199, %eq3A_1303 : vector<512x16xi32>
    %slice3A_1305 = vector.extract_strided_slice %add3A_1195 {offsets = [0, 10], sizes = [512, 1], strides = [1, 1]} : vector<512x16xi32> to vector<512x1xi32>
    %jit3A_1306 = arith.constant 0 : i32
    %broadcast_in_dim3A_1307 = vector.shape_cast %slice3A_1305 : vector<512x1xi32> to vector<512x1xi32>
    %broadcast_in_dim3A_1308 = vector.broadcast %broadcast_in_dim3A_1307 : vector<512x1xi32> to vector<512x16xi32>
    %broadcast_in_dim3A_1309 = vector.broadcast %jit3A_1306 : i32 to vector<512x16xi32>
    %select_n3A_1310 = arith.select %eq3A_1304, %broadcast_in_dim3A_1308, %broadcast_in_dim3A_1309 : vector<512x16xi1>, vector<512x16xi32>
    %add3A_1311 = arith.addi %add3A_1301, %select_n3A_1310 : vector<512x16xi32>
    %eq3A_1312 = arith.constant 11 : i32
    %eq3A_1313 = vector.broadcast %eq3A_1312 : i32 to vector<512x16xi32>
    %eq3A_1314 = arith.cmpi eq, %concatenate3A_1199, %eq3A_1313 : vector<512x16xi32>
    %slice3A_1315 = vector.extract_strided_slice %add3A_1195 {offsets = [0, 11], sizes = [512, 1], strides = [1, 1]} : vector<512x16xi32> to vector<512x1xi32>
    %jit3A_1316 = arith.constant 0 : i32
    %broadcast_in_dim3A_1317 = vector.shape_cast %slice3A_1315 : vector<512x1xi32> to vector<512x1xi32>
    %broadcast_in_dim3A_1318 = vector.broadcast %broadcast_in_dim3A_1317 : vector<512x1xi32> to vector<512x16xi32>
    %broadcast_in_dim3A_1319 = vector.broadcast %jit3A_1316 : i32 to vector<512x16xi32>
    %select_n3A_1320 = arith.select %eq3A_1314, %broadcast_in_dim3A_1318, %broadcast_in_dim3A_1319 : vector<512x16xi1>, vector<512x16xi32>
    %add3A_1321 = arith.addi %add3A_1311, %select_n3A_1320 : vector<512x16xi32>
    %eq3A_1322 = arith.constant 12 : i32
    %eq3A_1323 = vector.broadcast %eq3A_1322 : i32 to vector<512x16xi32>
    %eq3A_1324 = arith.cmpi eq, %concatenate3A_1199, %eq3A_1323 : vector<512x16xi32>
    %slice3A_1325 = vector.extract_strided_slice %add3A_1195 {offsets = [0, 12], sizes = [512, 1], strides = [1, 1]} : vector<512x16xi32> to vector<512x1xi32>
    %jit3A_1326 = arith.constant 0 : i32
    %broadcast_in_dim3A_1327 = vector.shape_cast %slice3A_1325 : vector<512x1xi32> to vector<512x1xi32>
    %broadcast_in_dim3A_1328 = vector.broadcast %broadcast_in_dim3A_1327 : vector<512x1xi32> to vector<512x16xi32>
    %broadcast_in_dim3A_1329 = vector.broadcast %jit3A_1326 : i32 to vector<512x16xi32>
    %select_n3A_1330 = arith.select %eq3A_1324, %broadcast_in_dim3A_1328, %broadcast_in_dim3A_1329 : vector<512x16xi1>, vector<512x16xi32>
    %add3A_1331 = arith.addi %add3A_1321, %select_n3A_1330 : vector<512x16xi32>
    %eq3A_1332 = arith.constant 13 : i32
    %eq3A_1333 = vector.broadcast %eq3A_1332 : i32 to vector<512x16xi32>
    %eq3A_1334 = arith.cmpi eq, %concatenate3A_1199, %eq3A_1333 : vector<512x16xi32>
    %slice3A_1335 = vector.extract_strided_slice %add3A_1195 {offsets = [0, 13], sizes = [512, 1], strides = [1, 1]} : vector<512x16xi32> to vector<512x1xi32>
    %jit3A_1336 = arith.constant 0 : i32
    %broadcast_in_dim3A_1337 = vector.shape_cast %slice3A_1335 : vector<512x1xi32> to vector<512x1xi32>
    %broadcast_in_dim3A_1338 = vector.broadcast %broadcast_in_dim3A_1337 : vector<512x1xi32> to vector<512x16xi32>
    %broadcast_in_dim3A_1339 = vector.broadcast %jit3A_1336 : i32 to vector<512x16xi32>
    %select_n3A_1340 = arith.select %eq3A_1334, %broadcast_in_dim3A_1338, %broadcast_in_dim3A_1339 : vector<512x16xi1>, vector<512x16xi32>
    %add3A_1341 = arith.addi %add3A_1331, %select_n3A_1340 : vector<512x16xi32>
    %eq3A_1342 = arith.constant 14 : i32
    %eq3A_1343 = vector.broadcast %eq3A_1342 : i32 to vector<512x16xi32>
    %eq3A_1344 = arith.cmpi eq, %concatenate3A_1199, %eq3A_1343 : vector<512x16xi32>
    %slice3A_1345 = vector.extract_strided_slice %add3A_1195 {offsets = [0, 14], sizes = [512, 1], strides = [1, 1]} : vector<512x16xi32> to vector<512x1xi32>
    %jit3A_1346 = arith.constant 0 : i32
    %broadcast_in_dim3A_1347 = vector.shape_cast %slice3A_1345 : vector<512x1xi32> to vector<512x1xi32>
    %broadcast_in_dim3A_1348 = vector.broadcast %broadcast_in_dim3A_1347 : vector<512x1xi32> to vector<512x16xi32>
    %broadcast_in_dim3A_1349 = vector.broadcast %jit3A_1346 : i32 to vector<512x16xi32>
    %select_n3A_1350 = arith.select %eq3A_1344, %broadcast_in_dim3A_1348, %broadcast_in_dim3A_1349 : vector<512x16xi1>, vector<512x16xi32>
    %add3A_1351 = arith.addi %add3A_1341, %select_n3A_1350 : vector<512x16xi32>
    %eq3A_1352 = arith.constant 15 : i32
    %eq3A_1353 = vector.broadcast %eq3A_1352 : i32 to vector<512x16xi32>
    %eq3A_1354 = arith.cmpi eq, %concatenate3A_1199, %eq3A_1353 : vector<512x16xi32>
    %slice3A_1355 = vector.extract_strided_slice %add3A_1195 {offsets = [0, 15], sizes = [512, 1], strides = [1, 1]} : vector<512x16xi32> to vector<512x1xi32>
    %jit3A_1356 = arith.constant 0 : i32
    %broadcast_in_dim3A_1357 = vector.shape_cast %slice3A_1355 : vector<512x1xi32> to vector<512x1xi32>
    %broadcast_in_dim3A_1358 = vector.broadcast %broadcast_in_dim3A_1357 : vector<512x1xi32> to vector<512x16xi32>
    %broadcast_in_dim3A_1359 = vector.broadcast %jit3A_1356 : i32 to vector<512x16xi32>
    %select_n3A_1360 = arith.select %eq3A_1354, %broadcast_in_dim3A_1358, %broadcast_in_dim3A_1359 : vector<512x16xi1>, vector<512x16xi32>
    %add3A_1361 = arith.addi %add3A_1351, %select_n3A_1360 : vector<512x16xi32>
    %slice3A_1362 = vector.extract_strided_slice %add3A_1361 {offsets = [128, 0], sizes = [384, 16], strides = [1, 1]} : vector<512x16xi32> to vector<384x16xi32>
    %broadcast_in_dim3A_1363 = vector.shape_cast %iota3A : vector<1x16xi32> to vector<1x16xi32>
    %broadcast_in_dim3A_1364 = vector.broadcast %broadcast_in_dim3A_1363 : vector<1x16xi32> to vector<128x16xi32>
    %concatenate3A_1365 = tpu.concatenate %slice3A_1362, %broadcast_in_dim3A_1364 in 0 : vector<384x16xi32>, vector<128x16xi32> -> vector<512x16xi32>
    %broadcast_in_dim3A_1366 = arith.constant 0 : i32
    %broadcast_in_dim3A_1367 = vector.broadcast %broadcast_in_dim3A_1366 : i32 to vector<512x16xi32>
    %eq3A_1368 = arith.constant 0 : i32
    %eq3A_1369 = vector.broadcast %eq3A_1368 : i32 to vector<512x16xi32>
    %eq3A_1370 = arith.cmpi eq, %concatenate3A_1365, %eq3A_1369 : vector<512x16xi32>
    %slice3A_1371 = vector.extract_strided_slice %add3A_1361 {offsets = [0, 0], sizes = [512, 1], strides = [1, 1]} : vector<512x16xi32> to vector<512x1xi32>
    %jit3A_1372 = arith.constant 0 : i32
    %broadcast_in_dim3A_1373 = vector.shape_cast %slice3A_1371 : vector<512x1xi32> to vector<512x1xi32>
    %broadcast_in_dim3A_1374 = vector.broadcast %broadcast_in_dim3A_1373 : vector<512x1xi32> to vector<512x16xi32>
    %broadcast_in_dim3A_1375 = vector.broadcast %jit3A_1372 : i32 to vector<512x16xi32>
    %select_n3A_1376 = arith.select %eq3A_1370, %broadcast_in_dim3A_1374, %broadcast_in_dim3A_1375 : vector<512x16xi1>, vector<512x16xi32>
    %add3A_1377 = arith.addi %broadcast_in_dim3A_1367, %select_n3A_1376 : vector<512x16xi32>
    %eq3A_1378 = arith.constant 1 : i32
    %eq3A_1379 = vector.broadcast %eq3A_1378 : i32 to vector<512x16xi32>
    %eq3A_1380 = arith.cmpi eq, %concatenate3A_1365, %eq3A_1379 : vector<512x16xi32>
    %slice3A_1381 = vector.extract_strided_slice %add3A_1361 {offsets = [0, 1], sizes = [512, 1], strides = [1, 1]} : vector<512x16xi32> to vector<512x1xi32>
    %jit3A_1382 = arith.constant 0 : i32
    %broadcast_in_dim3A_1383 = vector.shape_cast %slice3A_1381 : vector<512x1xi32> to vector<512x1xi32>
    %broadcast_in_dim3A_1384 = vector.broadcast %broadcast_in_dim3A_1383 : vector<512x1xi32> to vector<512x16xi32>
    %broadcast_in_dim3A_1385 = vector.broadcast %jit3A_1382 : i32 to vector<512x16xi32>
    %select_n3A_1386 = arith.select %eq3A_1380, %broadcast_in_dim3A_1384, %broadcast_in_dim3A_1385 : vector<512x16xi1>, vector<512x16xi32>
    %add3A_1387 = arith.addi %add3A_1377, %select_n3A_1386 : vector<512x16xi32>
    %eq3A_1388 = arith.constant 2 : i32
    %eq3A_1389 = vector.broadcast %eq3A_1388 : i32 to vector<512x16xi32>
    %eq3A_1390 = arith.cmpi eq, %concatenate3A_1365, %eq3A_1389 : vector<512x16xi32>
    %slice3A_1391 = vector.extract_strided_slice %add3A_1361 {offsets = [0, 2], sizes = [512, 1], strides = [1, 1]} : vector<512x16xi32> to vector<512x1xi32>
    %jit3A_1392 = arith.constant 0 : i32
    %broadcast_in_dim3A_1393 = vector.shape_cast %slice3A_1391 : vector<512x1xi32> to vector<512x1xi32>
    %broadcast_in_dim3A_1394 = vector.broadcast %broadcast_in_dim3A_1393 : vector<512x1xi32> to vector<512x16xi32>
    %broadcast_in_dim3A_1395 = vector.broadcast %jit3A_1392 : i32 to vector<512x16xi32>
    %select_n3A_1396 = arith.select %eq3A_1390, %broadcast_in_dim3A_1394, %broadcast_in_dim3A_1395 : vector<512x16xi1>, vector<512x16xi32>
    %add3A_1397 = arith.addi %add3A_1387, %select_n3A_1396 : vector<512x16xi32>
    %eq3A_1398 = arith.constant 3 : i32
    %eq3A_1399 = vector.broadcast %eq3A_1398 : i32 to vector<512x16xi32>
    %eq3A_1400 = arith.cmpi eq, %concatenate3A_1365, %eq3A_1399 : vector<512x16xi32>
    %slice3A_1401 = vector.extract_strided_slice %add3A_1361 {offsets = [0, 3], sizes = [512, 1], strides = [1, 1]} : vector<512x16xi32> to vector<512x1xi32>
    %jit3A_1402 = arith.constant 0 : i32
    %broadcast_in_dim3A_1403 = vector.shape_cast %slice3A_1401 : vector<512x1xi32> to vector<512x1xi32>
    %broadcast_in_dim3A_1404 = vector.broadcast %broadcast_in_dim3A_1403 : vector<512x1xi32> to vector<512x16xi32>
    %broadcast_in_dim3A_1405 = vector.broadcast %jit3A_1402 : i32 to vector<512x16xi32>
    %select_n3A_1406 = arith.select %eq3A_1400, %broadcast_in_dim3A_1404, %broadcast_in_dim3A_1405 : vector<512x16xi1>, vector<512x16xi32>
    %add3A_1407 = arith.addi %add3A_1397, %select_n3A_1406 : vector<512x16xi32>
    %eq3A_1408 = arith.constant 4 : i32
    %eq3A_1409 = vector.broadcast %eq3A_1408 : i32 to vector<512x16xi32>
    %eq3A_1410 = arith.cmpi eq, %concatenate3A_1365, %eq3A_1409 : vector<512x16xi32>
    %slice3A_1411 = vector.extract_strided_slice %add3A_1361 {offsets = [0, 4], sizes = [512, 1], strides = [1, 1]} : vector<512x16xi32> to vector<512x1xi32>
    %jit3A_1412 = arith.constant 0 : i32
    %broadcast_in_dim3A_1413 = vector.shape_cast %slice3A_1411 : vector<512x1xi32> to vector<512x1xi32>
    %broadcast_in_dim3A_1414 = vector.broadcast %broadcast_in_dim3A_1413 : vector<512x1xi32> to vector<512x16xi32>
    %broadcast_in_dim3A_1415 = vector.broadcast %jit3A_1412 : i32 to vector<512x16xi32>
    %select_n3A_1416 = arith.select %eq3A_1410, %broadcast_in_dim3A_1414, %broadcast_in_dim3A_1415 : vector<512x16xi1>, vector<512x16xi32>
    %add3A_1417 = arith.addi %add3A_1407, %select_n3A_1416 : vector<512x16xi32>
    %eq3A_1418 = arith.constant 5 : i32
    %eq3A_1419 = vector.broadcast %eq3A_1418 : i32 to vector<512x16xi32>
    %eq3A_1420 = arith.cmpi eq, %concatenate3A_1365, %eq3A_1419 : vector<512x16xi32>
    %slice3A_1421 = vector.extract_strided_slice %add3A_1361 {offsets = [0, 5], sizes = [512, 1], strides = [1, 1]} : vector<512x16xi32> to vector<512x1xi32>
    %jit3A_1422 = arith.constant 0 : i32
    %broadcast_in_dim3A_1423 = vector.shape_cast %slice3A_1421 : vector<512x1xi32> to vector<512x1xi32>
    %broadcast_in_dim3A_1424 = vector.broadcast %broadcast_in_dim3A_1423 : vector<512x1xi32> to vector<512x16xi32>
    %broadcast_in_dim3A_1425 = vector.broadcast %jit3A_1422 : i32 to vector<512x16xi32>
    %select_n3A_1426 = arith.select %eq3A_1420, %broadcast_in_dim3A_1424, %broadcast_in_dim3A_1425 : vector<512x16xi1>, vector<512x16xi32>
    %add3A_1427 = arith.addi %add3A_1417, %select_n3A_1426 : vector<512x16xi32>
    %eq3A_1428 = arith.constant 6 : i32
    %eq3A_1429 = vector.broadcast %eq3A_1428 : i32 to vector<512x16xi32>
    %eq3A_1430 = arith.cmpi eq, %concatenate3A_1365, %eq3A_1429 : vector<512x16xi32>
    %slice3A_1431 = vector.extract_strided_slice %add3A_1361 {offsets = [0, 6], sizes = [512, 1], strides = [1, 1]} : vector<512x16xi32> to vector<512x1xi32>
    %jit3A_1432 = arith.constant 0 : i32
    %broadcast_in_dim3A_1433 = vector.shape_cast %slice3A_1431 : vector<512x1xi32> to vector<512x1xi32>
    %broadcast_in_dim3A_1434 = vector.broadcast %broadcast_in_dim3A_1433 : vector<512x1xi32> to vector<512x16xi32>
    %broadcast_in_dim3A_1435 = vector.broadcast %jit3A_1432 : i32 to vector<512x16xi32>
    %select_n3A_1436 = arith.select %eq3A_1430, %broadcast_in_dim3A_1434, %broadcast_in_dim3A_1435 : vector<512x16xi1>, vector<512x16xi32>
    %add3A_1437 = arith.addi %add3A_1427, %select_n3A_1436 : vector<512x16xi32>
    %eq3A_1438 = arith.constant 7 : i32
    %eq3A_1439 = vector.broadcast %eq3A_1438 : i32 to vector<512x16xi32>
    %eq3A_1440 = arith.cmpi eq, %concatenate3A_1365, %eq3A_1439 : vector<512x16xi32>
    %slice3A_1441 = vector.extract_strided_slice %add3A_1361 {offsets = [0, 7], sizes = [512, 1], strides = [1, 1]} : vector<512x16xi32> to vector<512x1xi32>
    %jit3A_1442 = arith.constant 0 : i32
    %broadcast_in_dim3A_1443 = vector.shape_cast %slice3A_1441 : vector<512x1xi32> to vector<512x1xi32>
    %broadcast_in_dim3A_1444 = vector.broadcast %broadcast_in_dim3A_1443 : vector<512x1xi32> to vector<512x16xi32>
    %broadcast_in_dim3A_1445 = vector.broadcast %jit3A_1442 : i32 to vector<512x16xi32>
    %select_n3A_1446 = arith.select %eq3A_1440, %broadcast_in_dim3A_1444, %broadcast_in_dim3A_1445 : vector<512x16xi1>, vector<512x16xi32>
    %add3A_1447 = arith.addi %add3A_1437, %select_n3A_1446 : vector<512x16xi32>
    %eq3A_1448 = arith.constant 8 : i32
    %eq3A_1449 = vector.broadcast %eq3A_1448 : i32 to vector<512x16xi32>
    %eq3A_1450 = arith.cmpi eq, %concatenate3A_1365, %eq3A_1449 : vector<512x16xi32>
    %slice3A_1451 = vector.extract_strided_slice %add3A_1361 {offsets = [0, 8], sizes = [512, 1], strides = [1, 1]} : vector<512x16xi32> to vector<512x1xi32>
    %jit3A_1452 = arith.constant 0 : i32
    %broadcast_in_dim3A_1453 = vector.shape_cast %slice3A_1451 : vector<512x1xi32> to vector<512x1xi32>
    %broadcast_in_dim3A_1454 = vector.broadcast %broadcast_in_dim3A_1453 : vector<512x1xi32> to vector<512x16xi32>
    %broadcast_in_dim3A_1455 = vector.broadcast %jit3A_1452 : i32 to vector<512x16xi32>
    %select_n3A_1456 = arith.select %eq3A_1450, %broadcast_in_dim3A_1454, %broadcast_in_dim3A_1455 : vector<512x16xi1>, vector<512x16xi32>
    %add3A_1457 = arith.addi %add3A_1447, %select_n3A_1456 : vector<512x16xi32>
    %eq3A_1458 = arith.constant 9 : i32
    %eq3A_1459 = vector.broadcast %eq3A_1458 : i32 to vector<512x16xi32>
    %eq3A_1460 = arith.cmpi eq, %concatenate3A_1365, %eq3A_1459 : vector<512x16xi32>
    %slice3A_1461 = vector.extract_strided_slice %add3A_1361 {offsets = [0, 9], sizes = [512, 1], strides = [1, 1]} : vector<512x16xi32> to vector<512x1xi32>
    %jit3A_1462 = arith.constant 0 : i32
    %broadcast_in_dim3A_1463 = vector.shape_cast %slice3A_1461 : vector<512x1xi32> to vector<512x1xi32>
    %broadcast_in_dim3A_1464 = vector.broadcast %broadcast_in_dim3A_1463 : vector<512x1xi32> to vector<512x16xi32>
    %broadcast_in_dim3A_1465 = vector.broadcast %jit3A_1462 : i32 to vector<512x16xi32>
    %select_n3A_1466 = arith.select %eq3A_1460, %broadcast_in_dim3A_1464, %broadcast_in_dim3A_1465 : vector<512x16xi1>, vector<512x16xi32>
    %add3A_1467 = arith.addi %add3A_1457, %select_n3A_1466 : vector<512x16xi32>
    %eq3A_1468 = arith.constant 10 : i32
    %eq3A_1469 = vector.broadcast %eq3A_1468 : i32 to vector<512x16xi32>
    %eq3A_1470 = arith.cmpi eq, %concatenate3A_1365, %eq3A_1469 : vector<512x16xi32>
    %slice3A_1471 = vector.extract_strided_slice %add3A_1361 {offsets = [0, 10], sizes = [512, 1], strides = [1, 1]} : vector<512x16xi32> to vector<512x1xi32>
    %jit3A_1472 = arith.constant 0 : i32
    %broadcast_in_dim3A_1473 = vector.shape_cast %slice3A_1471 : vector<512x1xi32> to vector<512x1xi32>
    %broadcast_in_dim3A_1474 = vector.broadcast %broadcast_in_dim3A_1473 : vector<512x1xi32> to vector<512x16xi32>
    %broadcast_in_dim3A_1475 = vector.broadcast %jit3A_1472 : i32 to vector<512x16xi32>
    %select_n3A_1476 = arith.select %eq3A_1470, %broadcast_in_dim3A_1474, %broadcast_in_dim3A_1475 : vector<512x16xi1>, vector<512x16xi32>
    %add3A_1477 = arith.addi %add3A_1467, %select_n3A_1476 : vector<512x16xi32>
    %eq3A_1478 = arith.constant 11 : i32
    %eq3A_1479 = vector.broadcast %eq3A_1478 : i32 to vector<512x16xi32>
    %eq3A_1480 = arith.cmpi eq, %concatenate3A_1365, %eq3A_1479 : vector<512x16xi32>
    %slice3A_1481 = vector.extract_strided_slice %add3A_1361 {offsets = [0, 11], sizes = [512, 1], strides = [1, 1]} : vector<512x16xi32> to vector<512x1xi32>
    %jit3A_1482 = arith.constant 0 : i32
    %broadcast_in_dim3A_1483 = vector.shape_cast %slice3A_1481 : vector<512x1xi32> to vector<512x1xi32>
    %broadcast_in_dim3A_1484 = vector.broadcast %broadcast_in_dim3A_1483 : vector<512x1xi32> to vector<512x16xi32>
    %broadcast_in_dim3A_1485 = vector.broadcast %jit3A_1482 : i32 to vector<512x16xi32>
    %select_n3A_1486 = arith.select %eq3A_1480, %broadcast_in_dim3A_1484, %broadcast_in_dim3A_1485 : vector<512x16xi1>, vector<512x16xi32>
    %add3A_1487 = arith.addi %add3A_1477, %select_n3A_1486 : vector<512x16xi32>
    %eq3A_1488 = arith.constant 12 : i32
    %eq3A_1489 = vector.broadcast %eq3A_1488 : i32 to vector<512x16xi32>
    %eq3A_1490 = arith.cmpi eq, %concatenate3A_1365, %eq3A_1489 : vector<512x16xi32>
    %slice3A_1491 = vector.extract_strided_slice %add3A_1361 {offsets = [0, 12], sizes = [512, 1], strides = [1, 1]} : vector<512x16xi32> to vector<512x1xi32>
    %jit3A_1492 = arith.constant 0 : i32
    %broadcast_in_dim3A_1493 = vector.shape_cast %slice3A_1491 : vector<512x1xi32> to vector<512x1xi32>
    %broadcast_in_dim3A_1494 = vector.broadcast %broadcast_in_dim3A_1493 : vector<512x1xi32> to vector<512x16xi32>
    %broadcast_in_dim3A_1495 = vector.broadcast %jit3A_1492 : i32 to vector<512x16xi32>
    %select_n3A_1496 = arith.select %eq3A_1490, %broadcast_in_dim3A_1494, %broadcast_in_dim3A_1495 : vector<512x16xi1>, vector<512x16xi32>
    %add3A_1497 = arith.addi %add3A_1487, %select_n3A_1496 : vector<512x16xi32>
    %eq3A_1498 = arith.constant 13 : i32
    %eq3A_1499 = vector.broadcast %eq3A_1498 : i32 to vector<512x16xi32>
    %eq3A_1500 = arith.cmpi eq, %concatenate3A_1365, %eq3A_1499 : vector<512x16xi32>
    %slice3A_1501 = vector.extract_strided_slice %add3A_1361 {offsets = [0, 13], sizes = [512, 1], strides = [1, 1]} : vector<512x16xi32> to vector<512x1xi32>
    %jit3A_1502 = arith.constant 0 : i32
    %broadcast_in_dim3A_1503 = vector.shape_cast %slice3A_1501 : vector<512x1xi32> to vector<512x1xi32>
    %broadcast_in_dim3A_1504 = vector.broadcast %broadcast_in_dim3A_1503 : vector<512x1xi32> to vector<512x16xi32>
    %broadcast_in_dim3A_1505 = vector.broadcast %jit3A_1502 : i32 to vector<512x16xi32>
    %select_n3A_1506 = arith.select %eq3A_1500, %broadcast_in_dim3A_1504, %broadcast_in_dim3A_1505 : vector<512x16xi1>, vector<512x16xi32>
    %add3A_1507 = arith.addi %add3A_1497, %select_n3A_1506 : vector<512x16xi32>
    %eq3A_1508 = arith.constant 14 : i32
    %eq3A_1509 = vector.broadcast %eq3A_1508 : i32 to vector<512x16xi32>
    %eq3A_1510 = arith.cmpi eq, %concatenate3A_1365, %eq3A_1509 : vector<512x16xi32>
    %slice3A_1511 = vector.extract_strided_slice %add3A_1361 {offsets = [0, 14], sizes = [512, 1], strides = [1, 1]} : vector<512x16xi32> to vector<512x1xi32>
    %jit3A_1512 = arith.constant 0 : i32
    %broadcast_in_dim3A_1513 = vector.shape_cast %slice3A_1511 : vector<512x1xi32> to vector<512x1xi32>
    %broadcast_in_dim3A_1514 = vector.broadcast %broadcast_in_dim3A_1513 : vector<512x1xi32> to vector<512x16xi32>
    %broadcast_in_dim3A_1515 = vector.broadcast %jit3A_1512 : i32 to vector<512x16xi32>
    %select_n3A_1516 = arith.select %eq3A_1510, %broadcast_in_dim3A_1514, %broadcast_in_dim3A_1515 : vector<512x16xi1>, vector<512x16xi32>
    %add3A_1517 = arith.addi %add3A_1507, %select_n3A_1516 : vector<512x16xi32>
    %eq3A_1518 = arith.constant 15 : i32
    %eq3A_1519 = vector.broadcast %eq3A_1518 : i32 to vector<512x16xi32>
    %eq3A_1520 = arith.cmpi eq, %concatenate3A_1365, %eq3A_1519 : vector<512x16xi32>
    %slice3A_1521 = vector.extract_strided_slice %add3A_1361 {offsets = [0, 15], sizes = [512, 1], strides = [1, 1]} : vector<512x16xi32> to vector<512x1xi32>
    %jit3A_1522 = arith.constant 0 : i32
    %broadcast_in_dim3A_1523 = vector.shape_cast %slice3A_1521 : vector<512x1xi32> to vector<512x1xi32>
    %broadcast_in_dim3A_1524 = vector.broadcast %broadcast_in_dim3A_1523 : vector<512x1xi32> to vector<512x16xi32>
    %broadcast_in_dim3A_1525 = vector.broadcast %jit3A_1522 : i32 to vector<512x16xi32>
    %select_n3A_1526 = arith.select %eq3A_1520, %broadcast_in_dim3A_1524, %broadcast_in_dim3A_1525 : vector<512x16xi1>, vector<512x16xi32>
    %add3A_1527 = arith.addi %add3A_1517, %select_n3A_1526 : vector<512x16xi32>
    %slice3A_1528 = vector.extract_strided_slice %add3A_1527 {offsets = [256, 0], sizes = [256, 16], strides = [1, 1]} : vector<512x16xi32> to vector<256x16xi32>
    %broadcast_in_dim3A_1529 = vector.shape_cast %iota3A : vector<1x16xi32> to vector<1x16xi32>
    %broadcast_in_dim3A_1530 = vector.broadcast %broadcast_in_dim3A_1529 : vector<1x16xi32> to vector<256x16xi32>
    %concatenate3A_1531 = tpu.concatenate %slice3A_1528, %broadcast_in_dim3A_1530 in 0 : vector<256x16xi32>, vector<256x16xi32> -> vector<512x16xi32>
    %broadcast_in_dim3A_1532 = arith.constant 0 : i32
    %broadcast_in_dim3A_1533 = vector.broadcast %broadcast_in_dim3A_1532 : i32 to vector<512x16xi32>
    %eq3A_1534 = arith.constant 0 : i32
    %eq3A_1535 = vector.broadcast %eq3A_1534 : i32 to vector<512x16xi32>
    %eq3A_1536 = arith.cmpi eq, %concatenate3A_1531, %eq3A_1535 : vector<512x16xi32>
    %slice3A_1537 = vector.extract_strided_slice %add3A_1527 {offsets = [0, 0], sizes = [512, 1], strides = [1, 1]} : vector<512x16xi32> to vector<512x1xi32>
    %jit3A_1538 = arith.constant 0 : i32
    %broadcast_in_dim3A_1539 = vector.shape_cast %slice3A_1537 : vector<512x1xi32> to vector<512x1xi32>
    %broadcast_in_dim3A_1540 = vector.broadcast %broadcast_in_dim3A_1539 : vector<512x1xi32> to vector<512x16xi32>
    %broadcast_in_dim3A_1541 = vector.broadcast %jit3A_1538 : i32 to vector<512x16xi32>
    %select_n3A_1542 = arith.select %eq3A_1536, %broadcast_in_dim3A_1540, %broadcast_in_dim3A_1541 : vector<512x16xi1>, vector<512x16xi32>
    %add3A_1543 = arith.addi %broadcast_in_dim3A_1533, %select_n3A_1542 : vector<512x16xi32>
    %eq3A_1544 = arith.constant 1 : i32
    %eq3A_1545 = vector.broadcast %eq3A_1544 : i32 to vector<512x16xi32>
    %eq3A_1546 = arith.cmpi eq, %concatenate3A_1531, %eq3A_1545 : vector<512x16xi32>
    %slice3A_1547 = vector.extract_strided_slice %add3A_1527 {offsets = [0, 1], sizes = [512, 1], strides = [1, 1]} : vector<512x16xi32> to vector<512x1xi32>
    %jit3A_1548 = arith.constant 0 : i32
    %broadcast_in_dim3A_1549 = vector.shape_cast %slice3A_1547 : vector<512x1xi32> to vector<512x1xi32>
    %broadcast_in_dim3A_1550 = vector.broadcast %broadcast_in_dim3A_1549 : vector<512x1xi32> to vector<512x16xi32>
    %broadcast_in_dim3A_1551 = vector.broadcast %jit3A_1548 : i32 to vector<512x16xi32>
    %select_n3A_1552 = arith.select %eq3A_1546, %broadcast_in_dim3A_1550, %broadcast_in_dim3A_1551 : vector<512x16xi1>, vector<512x16xi32>
    %add3A_1553 = arith.addi %add3A_1543, %select_n3A_1552 : vector<512x16xi32>
    %eq3A_1554 = arith.constant 2 : i32
    %eq3A_1555 = vector.broadcast %eq3A_1554 : i32 to vector<512x16xi32>
    %eq3A_1556 = arith.cmpi eq, %concatenate3A_1531, %eq3A_1555 : vector<512x16xi32>
    %slice3A_1557 = vector.extract_strided_slice %add3A_1527 {offsets = [0, 2], sizes = [512, 1], strides = [1, 1]} : vector<512x16xi32> to vector<512x1xi32>
    %jit3A_1558 = arith.constant 0 : i32
    %broadcast_in_dim3A_1559 = vector.shape_cast %slice3A_1557 : vector<512x1xi32> to vector<512x1xi32>
    %broadcast_in_dim3A_1560 = vector.broadcast %broadcast_in_dim3A_1559 : vector<512x1xi32> to vector<512x16xi32>
    %broadcast_in_dim3A_1561 = vector.broadcast %jit3A_1558 : i32 to vector<512x16xi32>
    %select_n3A_1562 = arith.select %eq3A_1556, %broadcast_in_dim3A_1560, %broadcast_in_dim3A_1561 : vector<512x16xi1>, vector<512x16xi32>
    %add3A_1563 = arith.addi %add3A_1553, %select_n3A_1562 : vector<512x16xi32>
    %eq3A_1564 = arith.constant 3 : i32
    %eq3A_1565 = vector.broadcast %eq3A_1564 : i32 to vector<512x16xi32>
    %eq3A_1566 = arith.cmpi eq, %concatenate3A_1531, %eq3A_1565 : vector<512x16xi32>
    %slice3A_1567 = vector.extract_strided_slice %add3A_1527 {offsets = [0, 3], sizes = [512, 1], strides = [1, 1]} : vector<512x16xi32> to vector<512x1xi32>
    %jit3A_1568 = arith.constant 0 : i32
    %broadcast_in_dim3A_1569 = vector.shape_cast %slice3A_1567 : vector<512x1xi32> to vector<512x1xi32>
    %broadcast_in_dim3A_1570 = vector.broadcast %broadcast_in_dim3A_1569 : vector<512x1xi32> to vector<512x16xi32>
    %broadcast_in_dim3A_1571 = vector.broadcast %jit3A_1568 : i32 to vector<512x16xi32>
    %select_n3A_1572 = arith.select %eq3A_1566, %broadcast_in_dim3A_1570, %broadcast_in_dim3A_1571 : vector<512x16xi1>, vector<512x16xi32>
    %add3A_1573 = arith.addi %add3A_1563, %select_n3A_1572 : vector<512x16xi32>
    %eq3A_1574 = arith.constant 4 : i32
    %eq3A_1575 = vector.broadcast %eq3A_1574 : i32 to vector<512x16xi32>
    %eq3A_1576 = arith.cmpi eq, %concatenate3A_1531, %eq3A_1575 : vector<512x16xi32>
    %slice3A_1577 = vector.extract_strided_slice %add3A_1527 {offsets = [0, 4], sizes = [512, 1], strides = [1, 1]} : vector<512x16xi32> to vector<512x1xi32>
    %jit3A_1578 = arith.constant 0 : i32
    %broadcast_in_dim3A_1579 = vector.shape_cast %slice3A_1577 : vector<512x1xi32> to vector<512x1xi32>
    %broadcast_in_dim3A_1580 = vector.broadcast %broadcast_in_dim3A_1579 : vector<512x1xi32> to vector<512x16xi32>
    %broadcast_in_dim3A_1581 = vector.broadcast %jit3A_1578 : i32 to vector<512x16xi32>
    %select_n3A_1582 = arith.select %eq3A_1576, %broadcast_in_dim3A_1580, %broadcast_in_dim3A_1581 : vector<512x16xi1>, vector<512x16xi32>
    %add3A_1583 = arith.addi %add3A_1573, %select_n3A_1582 : vector<512x16xi32>
    %eq3A_1584 = arith.constant 5 : i32
    %eq3A_1585 = vector.broadcast %eq3A_1584 : i32 to vector<512x16xi32>
    %eq3A_1586 = arith.cmpi eq, %concatenate3A_1531, %eq3A_1585 : vector<512x16xi32>
    %slice3A_1587 = vector.extract_strided_slice %add3A_1527 {offsets = [0, 5], sizes = [512, 1], strides = [1, 1]} : vector<512x16xi32> to vector<512x1xi32>
    %jit3A_1588 = arith.constant 0 : i32
    %broadcast_in_dim3A_1589 = vector.shape_cast %slice3A_1587 : vector<512x1xi32> to vector<512x1xi32>
    %broadcast_in_dim3A_1590 = vector.broadcast %broadcast_in_dim3A_1589 : vector<512x1xi32> to vector<512x16xi32>
    %broadcast_in_dim3A_1591 = vector.broadcast %jit3A_1588 : i32 to vector<512x16xi32>
    %select_n3A_1592 = arith.select %eq3A_1586, %broadcast_in_dim3A_1590, %broadcast_in_dim3A_1591 : vector<512x16xi1>, vector<512x16xi32>
    %add3A_1593 = arith.addi %add3A_1583, %select_n3A_1592 : vector<512x16xi32>
    %eq3A_1594 = arith.constant 6 : i32
    %eq3A_1595 = vector.broadcast %eq3A_1594 : i32 to vector<512x16xi32>
    %eq3A_1596 = arith.cmpi eq, %concatenate3A_1531, %eq3A_1595 : vector<512x16xi32>
    %slice3A_1597 = vector.extract_strided_slice %add3A_1527 {offsets = [0, 6], sizes = [512, 1], strides = [1, 1]} : vector<512x16xi32> to vector<512x1xi32>
    %jit3A_1598 = arith.constant 0 : i32
    %broadcast_in_dim3A_1599 = vector.shape_cast %slice3A_1597 : vector<512x1xi32> to vector<512x1xi32>
    %broadcast_in_dim3A_1600 = vector.broadcast %broadcast_in_dim3A_1599 : vector<512x1xi32> to vector<512x16xi32>
    %broadcast_in_dim3A_1601 = vector.broadcast %jit3A_1598 : i32 to vector<512x16xi32>
    %select_n3A_1602 = arith.select %eq3A_1596, %broadcast_in_dim3A_1600, %broadcast_in_dim3A_1601 : vector<512x16xi1>, vector<512x16xi32>
    %add3A_1603 = arith.addi %add3A_1593, %select_n3A_1602 : vector<512x16xi32>
    %eq3A_1604 = arith.constant 7 : i32
    %eq3A_1605 = vector.broadcast %eq3A_1604 : i32 to vector<512x16xi32>
    %eq3A_1606 = arith.cmpi eq, %concatenate3A_1531, %eq3A_1605 : vector<512x16xi32>
    %slice3A_1607 = vector.extract_strided_slice %add3A_1527 {offsets = [0, 7], sizes = [512, 1], strides = [1, 1]} : vector<512x16xi32> to vector<512x1xi32>
    %jit3A_1608 = arith.constant 0 : i32
    %broadcast_in_dim3A_1609 = vector.shape_cast %slice3A_1607 : vector<512x1xi32> to vector<512x1xi32>
    %broadcast_in_dim3A_1610 = vector.broadcast %broadcast_in_dim3A_1609 : vector<512x1xi32> to vector<512x16xi32>
    %broadcast_in_dim3A_1611 = vector.broadcast %jit3A_1608 : i32 to vector<512x16xi32>
    %select_n3A_1612 = arith.select %eq3A_1606, %broadcast_in_dim3A_1610, %broadcast_in_dim3A_1611 : vector<512x16xi1>, vector<512x16xi32>
    %add3A_1613 = arith.addi %add3A_1603, %select_n3A_1612 : vector<512x16xi32>
    %eq3A_1614 = arith.constant 8 : i32
    %eq3A_1615 = vector.broadcast %eq3A_1614 : i32 to vector<512x16xi32>
    %eq3A_1616 = arith.cmpi eq, %concatenate3A_1531, %eq3A_1615 : vector<512x16xi32>
    %slice3A_1617 = vector.extract_strided_slice %add3A_1527 {offsets = [0, 8], sizes = [512, 1], strides = [1, 1]} : vector<512x16xi32> to vector<512x1xi32>
    %jit3A_1618 = arith.constant 0 : i32
    %broadcast_in_dim3A_1619 = vector.shape_cast %slice3A_1617 : vector<512x1xi32> to vector<512x1xi32>
    %broadcast_in_dim3A_1620 = vector.broadcast %broadcast_in_dim3A_1619 : vector<512x1xi32> to vector<512x16xi32>
    %broadcast_in_dim3A_1621 = vector.broadcast %jit3A_1618 : i32 to vector<512x16xi32>
    %select_n3A_1622 = arith.select %eq3A_1616, %broadcast_in_dim3A_1620, %broadcast_in_dim3A_1621 : vector<512x16xi1>, vector<512x16xi32>
    %add3A_1623 = arith.addi %add3A_1613, %select_n3A_1622 : vector<512x16xi32>
    %eq3A_1624 = arith.constant 9 : i32
    %eq3A_1625 = vector.broadcast %eq3A_1624 : i32 to vector<512x16xi32>
    %eq3A_1626 = arith.cmpi eq, %concatenate3A_1531, %eq3A_1625 : vector<512x16xi32>
    %slice3A_1627 = vector.extract_strided_slice %add3A_1527 {offsets = [0, 9], sizes = [512, 1], strides = [1, 1]} : vector<512x16xi32> to vector<512x1xi32>
    %jit3A_1628 = arith.constant 0 : i32
    %broadcast_in_dim3A_1629 = vector.shape_cast %slice3A_1627 : vector<512x1xi32> to vector<512x1xi32>
    %broadcast_in_dim3A_1630 = vector.broadcast %broadcast_in_dim3A_1629 : vector<512x1xi32> to vector<512x16xi32>
    %broadcast_in_dim3A_1631 = vector.broadcast %jit3A_1628 : i32 to vector<512x16xi32>
    %select_n3A_1632 = arith.select %eq3A_1626, %broadcast_in_dim3A_1630, %broadcast_in_dim3A_1631 : vector<512x16xi1>, vector<512x16xi32>
    %add3A_1633 = arith.addi %add3A_1623, %select_n3A_1632 : vector<512x16xi32>
    %eq3A_1634 = arith.constant 10 : i32
    %eq3A_1635 = vector.broadcast %eq3A_1634 : i32 to vector<512x16xi32>
    %eq3A_1636 = arith.cmpi eq, %concatenate3A_1531, %eq3A_1635 : vector<512x16xi32>
    %slice3A_1637 = vector.extract_strided_slice %add3A_1527 {offsets = [0, 10], sizes = [512, 1], strides = [1, 1]} : vector<512x16xi32> to vector<512x1xi32>
    %jit3A_1638 = arith.constant 0 : i32
    %broadcast_in_dim3A_1639 = vector.shape_cast %slice3A_1637 : vector<512x1xi32> to vector<512x1xi32>
    %broadcast_in_dim3A_1640 = vector.broadcast %broadcast_in_dim3A_1639 : vector<512x1xi32> to vector<512x16xi32>
    %broadcast_in_dim3A_1641 = vector.broadcast %jit3A_1638 : i32 to vector<512x16xi32>
    %select_n3A_1642 = arith.select %eq3A_1636, %broadcast_in_dim3A_1640, %broadcast_in_dim3A_1641 : vector<512x16xi1>, vector<512x16xi32>
    %add3A_1643 = arith.addi %add3A_1633, %select_n3A_1642 : vector<512x16xi32>
    %eq3A_1644 = arith.constant 11 : i32
    %eq3A_1645 = vector.broadcast %eq3A_1644 : i32 to vector<512x16xi32>
    %eq3A_1646 = arith.cmpi eq, %concatenate3A_1531, %eq3A_1645 : vector<512x16xi32>
    %slice3A_1647 = vector.extract_strided_slice %add3A_1527 {offsets = [0, 11], sizes = [512, 1], strides = [1, 1]} : vector<512x16xi32> to vector<512x1xi32>
    %jit3A_1648 = arith.constant 0 : i32
    %broadcast_in_dim3A_1649 = vector.shape_cast %slice3A_1647 : vector<512x1xi32> to vector<512x1xi32>
    %broadcast_in_dim3A_1650 = vector.broadcast %broadcast_in_dim3A_1649 : vector<512x1xi32> to vector<512x16xi32>
    %broadcast_in_dim3A_1651 = vector.broadcast %jit3A_1648 : i32 to vector<512x16xi32>
    %select_n3A_1652 = arith.select %eq3A_1646, %broadcast_in_dim3A_1650, %broadcast_in_dim3A_1651 : vector<512x16xi1>, vector<512x16xi32>
    %add3A_1653 = arith.addi %add3A_1643, %select_n3A_1652 : vector<512x16xi32>
    %eq3A_1654 = arith.constant 12 : i32
    %eq3A_1655 = vector.broadcast %eq3A_1654 : i32 to vector<512x16xi32>
    %eq3A_1656 = arith.cmpi eq, %concatenate3A_1531, %eq3A_1655 : vector<512x16xi32>
    %slice3A_1657 = vector.extract_strided_slice %add3A_1527 {offsets = [0, 12], sizes = [512, 1], strides = [1, 1]} : vector<512x16xi32> to vector<512x1xi32>
    %jit3A_1658 = arith.constant 0 : i32
    %broadcast_in_dim3A_1659 = vector.shape_cast %slice3A_1657 : vector<512x1xi32> to vector<512x1xi32>
    %broadcast_in_dim3A_1660 = vector.broadcast %broadcast_in_dim3A_1659 : vector<512x1xi32> to vector<512x16xi32>
    %broadcast_in_dim3A_1661 = vector.broadcast %jit3A_1658 : i32 to vector<512x16xi32>
    %select_n3A_1662 = arith.select %eq3A_1656, %broadcast_in_dim3A_1660, %broadcast_in_dim3A_1661 : vector<512x16xi1>, vector<512x16xi32>
    %add3A_1663 = arith.addi %add3A_1653, %select_n3A_1662 : vector<512x16xi32>
    %eq3A_1664 = arith.constant 13 : i32
    %eq3A_1665 = vector.broadcast %eq3A_1664 : i32 to vector<512x16xi32>
    %eq3A_1666 = arith.cmpi eq, %concatenate3A_1531, %eq3A_1665 : vector<512x16xi32>
    %slice3A_1667 = vector.extract_strided_slice %add3A_1527 {offsets = [0, 13], sizes = [512, 1], strides = [1, 1]} : vector<512x16xi32> to vector<512x1xi32>
    %jit3A_1668 = arith.constant 0 : i32
    %broadcast_in_dim3A_1669 = vector.shape_cast %slice3A_1667 : vector<512x1xi32> to vector<512x1xi32>
    %broadcast_in_dim3A_1670 = vector.broadcast %broadcast_in_dim3A_1669 : vector<512x1xi32> to vector<512x16xi32>
    %broadcast_in_dim3A_1671 = vector.broadcast %jit3A_1668 : i32 to vector<512x16xi32>
    %select_n3A_1672 = arith.select %eq3A_1666, %broadcast_in_dim3A_1670, %broadcast_in_dim3A_1671 : vector<512x16xi1>, vector<512x16xi32>
    %add3A_1673 = arith.addi %add3A_1663, %select_n3A_1672 : vector<512x16xi32>
    %eq3A_1674 = arith.constant 14 : i32
    %eq3A_1675 = vector.broadcast %eq3A_1674 : i32 to vector<512x16xi32>
    %eq3A_1676 = arith.cmpi eq, %concatenate3A_1531, %eq3A_1675 : vector<512x16xi32>
    %slice3A_1677 = vector.extract_strided_slice %add3A_1527 {offsets = [0, 14], sizes = [512, 1], strides = [1, 1]} : vector<512x16xi32> to vector<512x1xi32>
    %jit3A_1678 = arith.constant 0 : i32
    %broadcast_in_dim3A_1679 = vector.shape_cast %slice3A_1677 : vector<512x1xi32> to vector<512x1xi32>
    %broadcast_in_dim3A_1680 = vector.broadcast %broadcast_in_dim3A_1679 : vector<512x1xi32> to vector<512x16xi32>
    %broadcast_in_dim3A_1681 = vector.broadcast %jit3A_1678 : i32 to vector<512x16xi32>
    %select_n3A_1682 = arith.select %eq3A_1676, %broadcast_in_dim3A_1680, %broadcast_in_dim3A_1681 : vector<512x16xi1>, vector<512x16xi32>
    %add3A_1683 = arith.addi %add3A_1673, %select_n3A_1682 : vector<512x16xi32>
    %eq3A_1684 = arith.constant 15 : i32
    %eq3A_1685 = vector.broadcast %eq3A_1684 : i32 to vector<512x16xi32>
    %eq3A_1686 = arith.cmpi eq, %concatenate3A_1531, %eq3A_1685 : vector<512x16xi32>
    %slice3A_1687 = vector.extract_strided_slice %add3A_1527 {offsets = [0, 15], sizes = [512, 1], strides = [1, 1]} : vector<512x16xi32> to vector<512x1xi32>
    %jit3A_1688 = arith.constant 0 : i32
    %broadcast_in_dim3A_1689 = vector.shape_cast %slice3A_1687 : vector<512x1xi32> to vector<512x1xi32>
    %broadcast_in_dim3A_1690 = vector.broadcast %broadcast_in_dim3A_1689 : vector<512x1xi32> to vector<512x16xi32>
    %broadcast_in_dim3A_1691 = vector.broadcast %jit3A_1688 : i32 to vector<512x16xi32>
    %select_n3A_1692 = arith.select %eq3A_1686, %broadcast_in_dim3A_1690, %broadcast_in_dim3A_1691 : vector<512x16xi1>, vector<512x16xi32>
    %add3A_1693 = arith.addi %add3A_1683, %select_n3A_1692 : vector<512x16xi32>
    %eq3A_1694 = vector.broadcast %reduce_min3A_198 : i32 to vector<512x16xi32>
    %eq3A_1695 = arith.cmpi eq, %iota3A_199, %eq3A_1694 : vector<512x16xi32>
    %jit3A_1696 = arith.constant 0 : i32
    %broadcast_in_dim3A_1697 = vector.broadcast %jit3A_1696 : i32 to vector<512x16xi32>
    %select_n3A_1698 = arith.select %eq3A_1695, %add3A_1693, %broadcast_in_dim3A_1697 : vector<512x16xi1>, vector<512x16xi32>
    %reduce_sum3A_1699 = arith.constant dense<0> : vector<512xi32>
    %reduce_sum3A_1700 = vector.multi_reduction <add>, %select_n3A_1698, %reduce_sum3A_1699 [1] : vector<512x16xi32> to vector<512xi32>
    %broadcast_in_dim3A_1701 = vector.shape_cast %reduce_sum3A_1700 : vector<512xi32> to vector<512x1xi32>
    %eq3A_1702 = vector.broadcast %broadcast_in_dim3A_1701 : vector<512x1xi32> to vector<512x16xi32>
    %eq3A_1703 = arith.cmpi eq, %eq3A_1702, %iota3A_199 : vector<512x16xi32>
    %get3A_1704 = arith.constant 0 : index
    %get3A_1705 = arith.constant 0 : index
    %get3A_1706 = vector.load %arg1[%get3A_1704, %get3A_1705] : memref<512x16xi32, #tpu.memory_space<vmem>>, vector<512x16xi32>
    %jit3A_1707 = arith.constant 0 : i32
    %broadcast_in_dim3A_1708 = vector.broadcast %jit3A_1707 : i32 to vector<512x16xi32>
    %select_n3A_1709 = arith.select %eq3A_1703, %get3A_1706, %broadcast_in_dim3A_1708 : vector<512x16xi1>, vector<512x16xi32>
    %reduce_sum3A_1710 = arith.constant dense<0> : vector<512xi32>
    %reduce_sum3A_1711 = vector.multi_reduction <add>, %select_n3A_1709, %reduce_sum3A_1710 [1] : vector<512x16xi32> to vector<512xi32>
    %broadcast_in_dim3A_1712 = vector.shape_cast %reduce_sum3A_1711 : vector<512xi32> to vector<512x1xi32>
    %swap3A_1713 = arith.constant 0 : index
    %swap3A_1714 = arith.constant 0 : index
    %swap3A_1715 = vector.load %arg5[%swap3A_1713, %swap3A_1714] : memref<512x1xi32, #tpu.memory_space<vmem>>, vector<512x1xi32>
    tpu.vector_store %arg5[%swap3A_1713, %swap3A_1714], %broadcast_in_dim3A_1712 {strides = array<i32>} : memref<512x1xi32, #tpu.memory_space<vmem>>, vector<512x1xi32>,
    %iota3A_1716 = tpu.iota {dimensions = array<i32: 0>} : vector<4x128xi32>
    %mul3A_1717 = arith.constant 128 : i32
    %mul3A_1718 = vector.broadcast %mul3A_1717 : i32 to vector<4x128xi32>
    %mul3A_1719 = arith.muli %iota3A_1716, %mul3A_1718 : vector<4x128xi32>
    %iota3A_1720 = tpu.iota {dimensions = array<i32: 1>} : vector<4x128xi32>
    %add3A_1721 = arith.addi %mul3A_1719, %iota3A_1720 : vector<4x128xi32>
    %lt3A = arith.constant 511 : i32
    %lt3A_1722 = vector.broadcast %lt3A : i32 to vector<4x128xi32>
    %lt3A_1723 = arith.cmpi slt, %add3A_1721, %lt3A_1722 : vector<4x128xi32>
    %get3A_1724 = arith.constant 0 : index
    %get3A_1725 = arith.constant 0 : index
    %get3A_1726 = vector.load %arg3[%get3A_1724, %get3A_1725] : memref<4x128xf32, #tpu.memory_space<vmem>>, vector<4x128xf32>
    %jit3A_1727 = arith.constant 0.000000e+00 : f32
    %broadcast_in_dim3A_1728 = vector.broadcast %jit3A_1727 : f32 to vector<4x128xf32>
    %select_n3A_1729 = arith.select %lt3A_1723, %get3A_1726, %broadcast_in_dim3A_1728 : vector<4x128xi1>, vector<4x128xf32>
    %reduce_sum3A_1730 = vector.shape_cast %select_n3A_1729 : vector<4x128xf32> to vector<1x4x128xf32>
    %reduce_sum3A_1731 = arith.constant dense<0.000000e+00> : vector<1xf32>
    %reduce_sum3A_1732 = vector.multi_reduction <add>, %reduce_sum3A_1730, %reduce_sum3A_1731 [1, 2] : vector<1x4x128xf32> to vector<1xf32>
    %reduce_sum3A_1733 = vector.shape_cast %reduce_sum3A_1732 : vector<1xf32> to vector<1x1x1xf32>
    %reduce_sum3A_1734 = vector.extract %reduce_sum3A_1733[0, 0, 0] : f32 from vector<1x1x1xf32>
    %reduce_max3A_1735 = vector.shape_cast %add3A_182 : vector<1x16xf32> to vector<1x1x16xf32>
    %reduce_max3A_1736 = arith.constant dense<0xFF800000> : vector<1xf32>
    %reduce_max3A_1737 = vector.multi_reduction <maximumf>, %reduce_max3A_1735, %reduce_max3A_1736 [1, 2] : vector<1x1x16xf32> to vector<1xf32>
    %reduce_max3A_1738 = vector.shape_cast %reduce_max3A_1737 : vector<1xf32> to vector<1x1x1xf32>
    %reduce_max3A_1739 = vector.extract %reduce_max3A_1738[0, 0, 0] : f32 from vector<1x1x1xf32>
    %sub3A_1740 = vector.broadcast %reduce_max3A_1739 : f32 to vector<1x16xf32>
    %sub3A_1741 = arith.subf %add3A_182, %sub3A_1740 : vector<1x16xf32>
    %exp3A_1742 = math.exp %sub3A_1741 : vector<1x16xf32>
    %reduce_sum3A_1743 = vector.shape_cast %exp3A_1742 : vector<1x16xf32> to vector<1x1x16xf32>
    %reduce_sum3A_1744 = arith.constant dense<0.000000e+00> : vector<1xf32>
    %reduce_sum3A_1745 = vector.multi_reduction <add>, %reduce_sum3A_1743, %reduce_sum3A_1744 [1, 2] : vector<1x1x16xf32> to vector<1xf32>
    %reduce_sum3A_1746 = vector.shape_cast %reduce_sum3A_1745 : vector<1xf32> to vector<1x1x1xf32>
    %reduce_sum3A_1747 = vector.extract %reduce_sum3A_1746[0, 0, 0] : f32 from vector<1x1x1xf32>
    %log3A_1748 = math.log %reduce_sum3A_1747 : f32
    %add3A_1749 = arith.addf %log3A_1748, %reduce_max3A_1739 : f32
    %get3A_1750 = arith.constant 0 : index
    %get3A_1751 = arith.constant 0 : index
    %get3A_1752 = vector.load %arg4[%get3A_1750, %get3A_1751] : memref<1x1xf32, #tpu.memory_space<vmem>>, vector<1x1xf32>
    %get3A_1753 = vector.extract %get3A_1752[0, 0] : f32 from vector<1x1xf32>
    %sub3A_1754 = arith.subf %add3A_1749, %get3A_1753 : f32
    %sub3A_1755 = arith.subf %sub3A_1754, %reduce_sum3A_1734 : f32
    %reshape3A = vector.broadcast %sub3A_1755 : f32 to vector<1x1xf32>
    %swap3A_1756 = arith.constant 0 : index
    %swap3A_1757 = arith.constant 0 : index
    %swap3A_1758 = vector.load %arg6[%swap3A_1756, %swap3A_1757] : memref<1x1xf32, #tpu.memory_space<vmem>>, vector<1x1xf32>
    tpu.vector_store %arg6[%swap3A_1756, %swap3A_1757], %reshape3A {strides = array<i32>} : memref<1x1xf32, #tpu.memory_space<vmem>>, vector<1x1xf32>,
    return
  }
}

</mosaic_0001>

<sc_bundles>
// kernel: kernel.6.cloned.1.call-start
scs
__scs_entry_jumppad:
0x0: {  	(pc) =	sbr.rel $0x88, $3  }
0x1: {  	(tag) =	ssettag $0x0;
	lr =	simm.s32 $0x1  }
0x2: {  	[smem:$0x3F8C] =	sst lr;
	_ =	strace $0xD0000000  }
0x3: {  	_ = 	snop  }
0x4: {  	_ = 	snop  }
0x5: {  	_ = 	snop  }
0x6: {  	_ = 	snop  }
0x7: {  	_ = 	snop  }
__scs_overlays_trampoline_lowered:
0x8: {  	[smem:$0x3F9B] =	sst s0  }
0x9: {  	[smem:$0x3F9C] =	sst s1  }
0xa: {  	[smem:$0x3F9D] =	sst s2  }
0xb: {  	[smem:$0x3F9E] =	sst s3  }
0xc: {  	[smem:$0x3F9F] =	sst s4  }
0xd: {  	[smem:$0x3FA0] =	sst s5  }
0xe: {  	[smem:$0x3FA1] =	sst s6  }
0xf: {  	[smem:$0x3FA2] =	sst s7  }
0x10: {  	[smem:$0x3FA3] =	sst s8  }
0x11: {  	[smem:$0x3FA4] =	sst s9;
	s0 =	simm.s32 @!p0 $0x0  }
0x12: {  	s1 =	sld [smem:$0x3F8A];
	s0 =	simm.s32 @p0 $0x1  }
0x13: {  	[smem:$0x3FA5] =	sst s0;
	s0 =	simm.s32 @!p1 $0x0  }
0x14: {  	s2 =	sld [smem:$0x3F89];
	s0 =	simm.s32 @p1 $0x1  }
0x15: {  	[smem:$0x3FA6] =	sst s0;
	s0 =	simm.s32 @!p2 $0x0  }
0x16: {  	s3 =	sld [smem:$0x3FDB];
	s0 =	simm.s32 @p2 $0x1  }
0x17: {  	s4 =	simm.s32 $0x1BF5;
	[smem:$0x3FA8] =	sst s0  }
0x18: {  	s0 =	sld [smem:$0x3F8B];
	_ =	swait.ge [sflag:s4], $0x0  }
0x19: {  	s7 =	sld [smem:$0x3F8C]  }
0x1a: {  	s8 =	sadd.s32 $0xFFFFE003, lr  }
0x1b: {  	s9 =	sadd.s32 $0xFFFFFEF7, lr;
	s5 =	simm.s32 $0xFFFFFFFF;
	p2 =	slt.u32 s8, $0xFFFFF086  }
0x1c: {  	p1 =	slt.u32 s9, $0xF7A;
	s5 =	simm.s32 @!p2 $0x0  }
0x1d: {  	s5 =	simm.s32 @p1 $0x1;
	p0 =	seq.s32 s7, s2  }
0x1e: {  	s7 =	smul.u32 @!p0 $0xF7A, s2;
	p2 =	seq.s32 @!p0 s5, $0x0  }
0x1f: {  	s9 =	smul.u32 $0xF7A, s1;
	s8 =	simm.s32 @!p0 $0x1BF5;
	p2 =	por !p2, p0  }
0x20: {  	[sflag:s8] =	ssyncset.s32 @!p0 $0xFFFFF086;
	s6 =	sadd.s32 @!p0 s3, s7;
	s7 =	simm.s32 @!p0 $0x108  }
0x21: {  	s3 =	sadd.s32 s3, s9;
	s6 =	sadd.s32 @!p0 $0x88, s6;
	s7 =	simm.s32 @p2 $0x1082  }
0x22: {  	[simem:s7], [sflag:s8] =	dma.local @!p0 [hbm:s6], $0xF7A  }
0x23: {  	s9 =	sor.u32 $0xD0000000, s2;
	s6 =	simm.s32 $0x108;
	_ =	swait.ge @!p0 [sflag:s8], $0x0  }
0x24: {  	s3 =	sadd.s32 $0x88, s3;
	s6 =	simm.s32 @!p1 $0x1082;
	[sflag:s4] =	ssyncset.s32 $0xFFFFF086  }
0x25: {  	[simem:s6], [sflag:s4] =	dma.local [hbm:s3], $0xF7A  }
0x26: {  	[smem:$0x3F8C] =	sst s1;
	(tag) =	ssettag s2;
	_ =	strace s9  }
0x27: {  	s1 =	sld [smem:$0x3F9C]  }
0x28: {  	s2 =	sld [smem:$0x3F9D]  }
0x29: {  	s4 =	sld [smem:$0x3F9F]  }
0x2a: {  	p0 =	seq.s32 s5, $0x0;
	s5 =	sld [smem:$0x3FA0]  }
0x2b: {  	s6 =	sld [smem:$0x3FA1]  }
0x2c: {  	s7 =	sld [smem:$0x3FA2]  }
0x2d: {  	s3 =	simm.s32 $0x108;
	s8 =	sld [smem:$0x3FA3]  }
0x2e: {  	s3 =	simm.s32 @!p0 $0x1082;
	s9 =	sld [smem:$0x3FA4]  }
0x2f: {  	lr =	sadd.s32 s0, s3;
	s0 =	sld [smem:$0x3F9B]  }
0x30: {  	s3 =	sld [smem:$0x3F9E]  }
0x31: {  	[smem:$0x3FA7] =	sst s10  }
0x32: {  	s10 =	sld [smem:$0x3FA5];
	_ =	sdelay $0x3  }
0x33: {  	p0 =	seq.s32 s10, $0x1;
	s10 =	sld [smem:$0x3FA7];
	_ =	sdelay $0x3  }
0x34: {  	[smem:$0x3FA7] =	sst s10  }
0x35: {  	s10 =	sld [smem:$0x3FA6];
	_ =	sdelay $0x3  }
0x36: {  	p1 =	seq.s32 s10, $0x1;
	s10 =	sld [smem:$0x3FA7];
	_ =	sdelay $0x3  }
0x37: {  	[smem:$0x3FA7] =	sst s10  }
0x38: {  	s10 =	sld [smem:$0x3FA8]  }
0x39: {  	_ = 	snop;
	(pc) =	sbr.ind lr, $3  }
0x3a: {  	_ = 	snop  }
0x3b: {  	_ = 	snop  }
0x3c: {  	p2 =	seq.s32 s10, $0x1;
	s10 =	sld [smem:$0x3FA7]  }
0x3d: {  	_ =	shalt  }
0x3e: {  	_ =	shalt  }
0x3f: {  	_ =	shalt  }
0x40: {  	_ =	shalt  }
0x41: {  	_ =	shalt  }
0x42: {  	_ =	shalt  }
0x43: {  	_ =	shalt  }
0x44: {  	_ =	shalt  }
0x45: {  	_ =	shalt  }
0x46: {  	_ =	shalt  }
0x47: {  	_ =	shalt  }
0x48: {  	_ =	shalt  }
0x49: {  	_ =	shalt  }
0x4a: {  	_ =	shalt  }
0x4b: {  	_ =	shalt  }
0x4c: {  	_ =	shalt  }
0x4d: {  	_ =	shalt  }
0x4e: {  	_ =	shalt  }
0x4f: {  	_ =	shalt  }
0x50: {  	_ =	shalt  }
0x51: {  	_ =	shalt  }
0x52: {  	_ =	shalt  }
0x53: {  	_ =	shalt  }
0x54: {  	_ =	shalt  }
0x55: {  	_ =	shalt  }
0x56: {  	_ =	shalt  }
0x57: {  	_ =	shalt  }
0x58: {  	_ =	shalt  }
0x59: {  	_ =	shalt  }
0x5a: {  	_ =	shalt  }
0x5b: {  	_ =	shalt  }
0x5c: {  	_ =	shalt  }
0x5d: {  	_ =	shalt  }
0x5e: {  	_ =	shalt  }
0x5f: {  	_ =	shalt  }
0x60: {  	_ =	shalt  }
0x61: {  	_ =	shalt  }
0x62: {  	_ =	shalt  }
0x63: {  	_ =	shalt  }
0x64: {  	_ =	shalt  }
0x65: {  	_ =	shalt  }
0x66: {  	_ =	shalt  }
0x67: {  	_ =	shalt  }
0x68: {  	_ =	shalt  }
0x69: {  	_ =	shalt  }
0x6a: {  	_ =	shalt  }
0x6b: {  	_ =	shalt  }
0x6c: {  	_ =	shalt  }
0x6d: {  	_ =	shalt  }
0x6e: {  	_ =	shalt  }
0x6f: {  	_ =	shalt  }
0x70: {  	_ =	shalt  }
0x71: {  	_ =	shalt  }
0x72: {  	_ =	shalt  }
0x73: {  	_ =	shalt  }
0x74: {  	_ =	shalt  }
0x75: {  	_ =	shalt  }
0x76: {  	_ =	shalt  }
0x77: {  	_ =	shalt  }
0x78: {  	_ =	shalt  }
0x79: {  	_ =	shalt  }
0x7a: {  	_ =	shalt  }
0x7b: {  	_ =	shalt  }
0x7c: {  	_ =	shalt  }
0x7d: {  	_ =	shalt  }
0x7e: {  	_ =	shalt  }
0x7f: {  	_ =	shalt  }
0x80: {  	_ =	shalt  }
0x81: {  	_ =	shalt  }
0x82: {  	_ =	shalt  }
0x83: {  	_ =	shalt  }
0x84: {  	_ =	shalt  }
0x85: {  	_ =	shalt  }
0x86: {  	_ =	shalt  }
0x87: {  	_ =	shalt  }
.Lfunc_end0:
.L_simem_size_0:
called_computation_lowered:
.L_overlay_start_0:
0x88: {  	s2 =	sld [smem:$0x3FD9]  }
0x89: {  	s3 =	sld [smem:$0x3FFE];
	_ =	sdelay $0x1  }
0x8a: {  	s1 =	srdreg.scid  }
0x8b: {  	s0 =	sand.u32 $0x1, s1  }
0x8c: {  	s14 =	sshll.u32 s0, $0xA;
	s2 =	sadd.s32 s3, s2  }
0x8d: {  	s2 =	sadd.s32 s2, s14  }
0x8e: {  	[smem:$0x3FB3] =	sst s2  }
0x8f: {  	_ = 	snop  }
0x90: {  	s2 =	sld [smem:$0x3FD0];
	_ =	sdelay $0x2  }
0x91: {  	s4 =	simm.s32 $0xA;
	s5 =	simm.s32 $0x10;
	s15 =	sld [smem:$0x3FC7]  }
0x92: {  	[smem:s5], [sflag:s4] =	dma.local [hbm:s2], $0x1  }
0x93: {  	_ =	swait.eq [sflag:s4], $0x1  }
0x94: {  	[sflag:s4] =	ssyncset.done $0x0  }
0x95: {  	[sflag:s4] =	ssyncadd.s32 $0xFFFFFFFF  }
0x96: {  	s16 =	sld [smem:$0x10];
	(tm) =	ssettm $0x1  }
0x97: {  	s17 =	sld [smem:$0x3FFB];
	_ =	sdelay $0x3  }
0x98: {  	_ =	strace s17  }
0x99: {  	s4 =	sld [smem:$0x3FFC];
	_ =	sdelay $0x3  }
0x9a: {  	_ =	strace s4  }
0x9b: {  	s4 =	sld [smem:$0x3FFD];
	_ =	sdelay $0x3  }
0x9c: {  	_ =	strace s4  }
0x9d: {  	_ =	strace $0x8FFFFFFF  }
0x9e: {  	s18 =	sld [smem:$0x3FDB];
	_ =	sdelay $0x1  }
0x9f: {  	s19 =	simm.s32 $_scs_section_size  }
0xa0: {  	s6 =	simm.s32 $_size__tile_overlayer_lowered;
	s7 =	simm.s32 $_tile_overlayer_lowered  }
0xa1: {  	s22 =	simm.s32 $0x1BFF;
	s21 =	sshll.u32 s7, $0x1;
	s4 =	sadd.s32 s19, s18  }
0xa2: {  	s8 =	simm.s32 $0x0;
	s20 =	sshll.u32 s6, $0x1;
	s6 =	sadd.s32 s21, s4  }
0xa3: {  	[timem:s8], [sflag:s22] =	dma.local [hbm:s6], s20  }
0xa4: {  	_ =	swait.ge [sflag:s22], s20  }
0xa5: {  	s5 =	ssub.s32 $0x0, s20;
	[sflag:s22] =	ssyncset.done $0x0  }
0xa6: {  	[sflag:s22] =	ssyncadd.s32 s5;
	_ =	sdelay $0x1  }
0xa7: {  	s23 =	simm.s32 $0x1B8B  }
0xa8: {  	_ =	swait.ge [sflag:s23], $0x1  }
0xa9: {  	[sflag:s23] =	ssyncset.done $0x0  }
0xaa: {  	s25 =	simm.s32 $0x1B8E;
	s24 =	sld [smem:$0x3FFE];
	[sflag:s23] =	ssyncadd.s32 $0xFFFFFFFF  }
0xab: {  	s26 =	simm.s32 $execute0_lowered;
	[smem:$0x3FD2] =	sst s25  }
0xac: {  	s6 =	sshll.u32 s26, $0x1;
	_ =	strace $0x80000046;
	[dreg:$0x1] =	wrdreg $0xFFFFFFFF  }
0xad: {  	s28 =	simm.s32 $_size_execute0_lowered;
	s4 =	sadd.s32 s4, s6;
	[dreg:$0x0] =	wrdreg $0x0  }
0xae: {  	s6 =	sshll.u32 s28, $0x1;
	[dreg:$0x2] =	wrdreg s4  }
0xaf: {  	[dreg:$0x3] =	wrdreg s6  }
0xb0: {  	[dreg:$0x4] =	wrdreg $0xC0  }
0xb1: {  	_ =	task [dreg:s8], $0x5FFFF  }
0xb2: {  	[dreg:$0x1] =	wrdreg $0xFFFFFFFF  }
0xb3: {  	[dreg:$0x0] =	wrdreg $0x60  }
0xb4: {  	[dreg:$0x2] =	wrdreg s24  }
0xb5: {  	[dreg:$0x3] =	wrdreg s15  }
0xb6: {  	[dreg:$0x4] =	wrdreg s16  }
0xb7: {  	[dreg:$0x5] =	wrdreg $0x9  }
0xb8: {  	_ =	task.clear_ibuf [dreg:s8], $0x6FFFF;
	_ =	strace $0x90000046  }
0xb9: {  	s29 =	simm.s32 $0x9;
	_ =	strace $0x80000048  }
0xba: {  	_ =	swait.ge [sflag:s29], $0x1  }
0xbb: {  	[sflag:s29] =	ssyncadd.s32 $0xFFFFFFFF  }
0xbc: {  	_ =	strace $0x90000048  }
0xbd: {  	_ =	sfence  }
0xbe: {  	s30 =	sld [smem:$0x0];
	_ =	sdelay $0x2  }
0xbf: {  	s31 =	sshll.u32 s1, $0xD;
	s1 =	sshrl.u32 s1, $0x2  }
0xc0: {  	s3 =	sand.u32 $0x4000, s31;
	s1 =	sadd.s32 s1, s30  }
0xc1: {  	s0 =	sor.u32 s3, s0;
	s1 =	sshll.u32 s1, $0x11  }
0xc2: {  	s0 =	sor.u32 s1, s0  }
0xc3: {  	s0 =	sadd.s32 $0x8F2B, s0  }
0xc4: {  	[sflag:s0] =	ssyncadd.remote.s32 $0x1  }
0xc5: {  	_ =	sfence.sel $0xFFFF  }
0xc6: {  	[dreg:$0x0] =	wrdreg $0xFFFFFFFF;
	(pc) =	sbr.abs _section_cstart, $3  }
0xc7: {  	[dreg:$0x1] =	wrdreg $0xFFFFFFFF  }
0xc8: {  	_ =	task.clear_ibuf [dreg:s8], $0x2FFFF;
	_ =	strace $0x9FFFFFFF  }
0xc9: {  	(tm) =	ssettm $0x7FFFFFFF  }
tec
execute0_lowered:
.L_overlay_start_1:
0x0: {  	(tag) =	ssettag $0x1  }
0x1: {  	s0 =	rddreg [dreg:$0x0]  }
0x2: {  	s1 =	srdreg.scid;
	s2 =	stileid.u32;
	s4 =	simm.s32 $0x0  }
0x3: {  	s10 =	simm.s32 $0x2;
	s11 =	simm.s32 $0x80;
	s13 =	simm.s32 $0x1C00  }
0x4: {  	s14 =	simm.s32 $0xC80;
	s16 =	simm.s32 $0x1800;
	s17 =	simm.s32 $0x2800  }
0x5: {  	s18 =	simm.s32 $0x1880;
	s19 =	simm.s32 $0x2880;
	s20 =	simm.s32 $0x1900  }
0x6: {  	s21 =	simm.s32 $0x2900;
	s22 =	simm.s32 $0x1980;
	s23 =	simm.s32 $0x2980  }
0x7: {  	s24 =	simm.s32 $0x1A00;
	s25 =	simm.s32 $0x2A00;
	s28 =	simm.s32 $0x2A80  }
0x8: {  	s29 =	simm.s32 $0x1B00;
	s30 =	simm.s32 $0x2B00;
	s31 =	simm.s32 $0x1B80  }
0x9: {  	s1 =	sand.u32 $0x1, s1;
	s2 =	sshll.u32 s2, $0x1;
	[smem:$0x7FF] =	sst s4  }
0xa: {  	s5 =	sadd.s32 $0x2C00, s0;
	s2 =	sor.u32 s1, s2;
	_ =	strace $0x80000047  }
0xb: {  	s1 =	ssub.s32 $0x2, s1;
	s3 =	sshll.u32 s2, $0x8;
	s6 =	sshll.u32 s2, $0x9  }
.Ltmp0:
0xc: {  	s7 =	sshrl.u32 s1, $0x1;
	p0 =	sne.s32 s2, $0x0;
	(pc) =	sbr.rel .LBB2_1-.Ltmp0, $4  }
0xd: {  	s2 =	simm.s32 $0x0;
	s3 =	sadd.s32 s3, s0;
	s6 =	sadd.s32 s6, s0  }
0xe: {  	s0 =	sadd.s32 $0x29200, s0;
	s26 =	ssub.s32 s1, s7;
	s1 =	simm.s32 $0x1  }
0xf: {  	[dreg:$0x4] =	wrdreg s0;
	s7 =	sadd.s32 $0x22E00, s3;
	s8 =	sadd.s32 $0x25020, s6  }
0x10: {  	s9 =	smax.u32 s26, $0x1;
	s26 =	simm.s32 $0x1A80;
	s0 =	simm.s32 $0x2B80  }
.LBB2_6:
0x11: {  	v0 =	vshll.u32 v0, $0xA  }
0x12: {  	v0 =	vadd.s32 v1, v0  }
0x13: {  	s12 =	simm.s32 $0x3000;
	s6 =	simm.s32 $0x3200;
	[tilespmem:s3+$0x3000] =	vst v0  }
0x14: {  	[tilespmem:s6], [sflag:$0x1] =	stream.indirect.gather [hbm4b:s5+s11], $0x1, s12, s11, $0xb8;
	[tilespmem:$0x3400] =	vst v63  }
0x15: {  	s15 =	simm.s32 $0x3080;
	s12 =	simm.s32 $0x3280  }
0x16: {  	[tilespmem:s12], [sflag:$0x1] =	stream.indirect.gather [hbm4b:s5+s11], $0x1, s15, s11, $0xb8;
	[tilespmem:$0x3400] =	vst v63  }
0x17: {  	s12 =	simm.s32 $0x3100;
	s15 =	simm.s32 $0x3300  }
0x18: {  	[tilespmem:s15], [sflag:$0x1] =	stream.indirect.gather [hbm4b:s5+s11], $0x1, s12, s11, $0xb8;
	[tilespmem:$0x3400] =	vst v63  }
0x19: {  	s12 =	simm.s32 $0x3180;
	s15 =	simm.s32 $0x3380  }
0x1a: {  	[tilespmem:s15], [sflag:$0x1] =	stream.indirect.gather [hbm4b:s5+s11], $0x1, s12, s11, $0xb8;
	[tilespmem:$0x3400] =	vst v63  }
0x1b: {  	_ =	swait.ge [sflag:s1], $0x80  }
0x1c: {  	[sflag:s1] =	ssyncset.done $0x0  }
0x1d: {  	[sflag:s1] =	ssyncadd.s32 $0xFFFFFF80  }
0x1e: {  	_ =	swait.ge [sflag:s1], $0x80  }
0x1f: {  	[sflag:s1] =	ssyncset.done $0x0  }
0x20: {  	[sflag:s1] =	ssyncadd.s32 $0xFFFFFF80  }
0x21: {  	_ =	swait.ge [sflag:s1], $0x80  }
0x22: {  	[sflag:s1] =	ssyncset.done $0x0  }
0x23: {  	[sflag:s1] =	ssyncadd.s32 $0xFFFFFF80  }
0x24: {  	_ =	swait.ge [sflag:s1], $0x80  }
0x25: {  	[sflag:s1] =	ssyncset.done $0x0  }
0x26: {  	s15 =	rddreg [dreg:$0x4];
	[sflag:s1] =	ssyncadd.s32 $0xFFFFFF80  }
0x27: {  	[hbm4b:s15+s4] =	stream.linear.scatter [tilespmem:s6], [sflag:$0x2], $0x200, $0x38;
	[tilespmem:$0x3400] =	vst v63  }
0x28: {  	_ =	swait.ge [sflag:s10], $0x200  }
0x29: {  	[sflag:s10] =	ssyncset.done $0x0  }
0x2a: {  	[sflag:s10] =	ssyncadd.s32 $0xFFFFFE00  }
.LBB2_7:
0x2b: {  	s2 =	sadd.s32 $0x1, s2  }
0x2c: {  	p1 =	sne.s32 s2, s9  }
.Ltmp1:
0x2d: {  	_ = 	snop;
	(pc) =	sbr.rel @!p1 .LBB2_8-.Ltmp1, $1  }
0x2e: {  	_ =	sdelay $0x3  }
.LBB2_1:
0x2f: {  	[tilespmem:s4], [sflag:$0x2] =	stream.linear.gather [hbm4b:s7+s4], $0xC00, $0x38;
	[tilespmem:$0x3400] =	vst v63  }
0x30: {  	_ =	swait.ge [sflag:s10], $0xC00  }
0x31: {  	[sflag:s10] =	ssyncset.done $0x0  }
0x32: {  	s3 =	simm.s32 $0x0;
	[sflag:s10] =	ssyncadd.s32 $0xFFFFF400  }
0x33: {  	v1 =	vld [tilespmem:s3+$0x0];
	_ =	sdelay $0x2  }
0x34: {  	v0 =	vld [tilespmem:s3+$0x80];
	_ =	sdelay $0x1  }
0x35: {  	v1 =	vshll.u32 v1, $0xA  }
0x36: {  	v2 =	vbroadcast v1, $0x0;
	v3 =	vbroadcast v1, $0x1;
	(v2sf) =	vpush v1, $0xF  }
0x37: {  	v4 =	vbroadcast v1, $0x2;
	v5 =	vbroadcast v1, $0x3  }
0x38: {  	v6 =	vadd.s32 v0, v2;
	v2 =	vadd.s32 v0, v3;
	v3 =	vbroadcast v1, $0x4  }
0x39: {  	v7 =	vbroadcast v1, $0x6;
	[tilespmem:s14+$0xFFFFFF90] =	vst v2;
	v2 =	vadd.s32 v0, v5;
	v5 =	vbroadcast v1, $0x5  }
0x3a: {  	s6 =	simm.s32 $0x200;
	s12 =	simm.s32 $0x400;
	s3 =	simm.s32 $0xC80;
	v4 =	vadd.s32 v0, v4;
	[tilespmem:s14+$0xFFFFFF80] =	vst v6;
	v6 =	vbroadcast v1, $0x7;
	v3 =	vadd.s32 v0, v3  }
.LBB2_2:
0x3b: {  	p1 =	sne.s32 s12, $0x1E00;
	[tilespmem:s3+$0xFFFFFFA0] =	vst v4;
	v4 =	vadd.s32 v0, v5;
	v5 =	vbroadcast v1, $0x8;
	v8 =	vbroadcast v1, $0x9  }
0x3c: {  	[tilespmem:s3+$0xFFFFFFB0] =	vst v2;
	v2 =	vadd.s32 v0, v7;
	v6 =	vadd.s32 v0, v6;
	v7 =	vbroadcast v1, $0xA  }
0x3d: {  	[tilespmem:s3+$0xFFFFFFC0] =	vst v3;
	v3 =	vadd.s32 v0, v5;
	v5 =	vadd.s32 v0, v8;
	v8 =	vbroadcast v1, $0xB  }
0x3e: {  	v9 =	vbroadcast v1, $0xD;
	[tilespmem:s3+$0xFFFFFFD0] =	vst v4;
	v4 =	vadd.s32 v0, v7;
	v7 =	vbroadcast v1, $0xC  }
0x3f: {  	v1 =	vbroadcast v1, $0xE;
	[tilespmem:s3+$0xFFFFFFE0] =	vst v2;
	v2 =	vadd.s32 v0, v8  }
0x40: {  	[tilespmem:s3+$0xFFFFFFF0] =	vst v6;
	v6 =	vadd.s32 v0, v7;
	v7 =	vadd.s32 v0, v9  }
0x41: {  	v1 =	vadd.s32 v0, v1;
	[tilespmem:s3+$0x0] =	vst v3  }
0x42: {  	[tilespmem:s3+$0x10] =	vst v5  }
0x43: {  	[tilespmem:s3+$0x20] =	vst v4  }
0x44: {  	[tilespmem:s3+$0x30] =	vst v2  }
0x45: {  	[tilespmem:s3+$0x40] =	vst v6;
	s15 =	spop (v2sf)  }
0x46: {  	[tilespmem:s3+$0x50] =	vst v7;
	v0 =	vadd.s32 s15, v0  }
0x47: {  	[tilespmem:s3+$0x60] =	vst v1  }
0x48: {  	s15 =	sshra.s32 s6, $0x2;
	s6 =	smov.u32 s12;
	[tilespmem:s3+$0x70] =	vst v0  }
0x49: {  	v1 =	vld [tilespmem:s15+$0x0];
	_ =	sdelay $0x2  }
0x4a: {  	v0 =	vld [tilespmem:s15+$0x80];
	_ =	sdelay $0x1  }
0x4b: {  	v1 =	vshll.u32 v1, $0xA  }
.Ltmp2:
0x4c: {  	v2 =	vbroadcast v1, $0x0;
	v3 =	vbroadcast v1, $0x1;
	(v2sf) =	vpush v1, $0xF;
	(pc) =	sbr.rel @p1 .LBB2_2-.Ltmp2, $4  }
0x4d: {  	v4 =	vbroadcast v1, $0x2;
	v5 =	vbroadcast v1, $0x3  }
0x4e: {  	s3 =	sadd.s32 $0x100, s3;
	v6 =	vadd.s32 v0, v2;
	v2 =	vadd.s32 v0, v3;
	v3 =	vbroadcast v1, $0x4  }
0x4f: {  	v4 =	vadd.s32 v0, v4;
	[tilespmem:s3+$0xFFFFFF90] =	vst v2;
	v2 =	vadd.s32 v0, v5;
	v5 =	vbroadcast v1, $0x5  }
0x50: {  	s12 =	sadd.s32 $0x200, s12;
	v7 =	vbroadcast v1, $0x6;
	[tilespmem:s3+$0xFFFFFF80] =	vst v6;
	v3 =	vadd.s32 v0, v3;
	v6 =	vbroadcast v1, $0x7  }
0x51: {  	[tilespmem:s3+$0xFFFFFFA0] =	vst v4  }
0x52: {  	[tilespmem:s3+$0xFFFFFFB0] =	vst v2  }
0x53: {  	v33 =	vadd.s32 v0, v5;
	[tilespmem:s3+$0xFFFFFFC0] =	vst v3  }
0x54: {  	v34 =	vbroadcast v1, $0x8;
	v35 =	vadd.s32 v0, v7;
	[tilespmem:s3+$0xFFFFFFD0] =	vst v33  }
0x55: {  	v36 =	vbroadcast v1, $0x9;
	v37 =	vadd.s32 v0, v6;
	[tilespmem:s3+$0xFFFFFFE0] =	vst v35  }
0x56: {  	v38 =	vbroadcast v1, $0xA;
	v3 =	vadd.s32 v0, v34;
	[tilespmem:s3+$0xFFFFFFF0] =	vst v37  }
0x57: {  	v39 =	vbroadcast v1, $0xB;
	v2 =	vadd.s32 v0, v36;
	[tilespmem:s3+$0x0] =	vst v3  }
0x58: {  	v41 =	vbroadcast v1, $0xC;
	v40 =	vadd.s32 v0, v38;
	[tilespmem:s3+$0x10] =	vst v2  }
0x59: {  	v43 =	vbroadcast v1, $0xE;
	v5 =	vadd.s32 v0, v39;
	[tilespmem:s3+$0x20] =	vst v40  }
0x5a: {  	v42 =	vbroadcast v1, $0xD;
	v44 =	vadd.s32 v0, v41;
	[tilespmem:s3+$0x30] =	vst v5  }
0x5b: {  	v1 =	vadd.s32 v0, v43;
	[tilespmem:s3+$0x40] =	vst v44  }
0x5c: {  	v2 =	vadd.s32 v0, v42;
	[tilespmem:s3+$0x60] =	vst v1;
	s12 =	spop (v2sf)  }
0x5d: {  	[tilespmem:s3+$0x50] =	vst v2;
	v45 =	vadd.s32 s12, v0  }
0x5e: {  	s6 =	sshra.s32 s6, $0x2;
	[tilespmem:s3+$0x70] =	vst v45  }
0x5f: {  	v0 =	vld [tilespmem:s6+$0x0];
	_ =	sdelay $0x2  }
0x60: {  	v1 =	vld [tilespmem:s6+$0x80];
	_ =	sdelay $0x1  }
0x61: {  	v0 =	vshll.u32 v0, $0xA  }
0x62: {  	v46 =	vbroadcast v0, $0x1  }
0x63: {  	v47 =	vbroadcast v0, $0x0;
	(v2sf) =	vpush v0, $0xF  }
0x64: {  	s15 =	sadd.s32 $0x100, s3;
	v48 =	vbroadcast v0, $0x2;
	v2 =	vadd.s32 v1, v46  }
0x65: {  	v49 =	vbroadcast v0, $0x3;
	v50 =	vbroadcast v0, $0x4;
	v3 =	vadd.s32 v1, v47;
	[tilespmem:s15+$0xFFFFFF90] =	vst v2  }
0x66: {  	v52 =	vbroadcast v0, $0x5;
	v53 =	vbroadcast v0, $0x6;
	v4 =	vadd.s32 v1, v48;
	[tilespmem:s15+$0xFFFFFF80] =	vst v3  }
0x67: {  	v54 =	vbroadcast v0, $0x7;
	v56 =	vbroadcast v0, $0x9;
	v51 =	vadd.s32 v1, v49;
	[tilespmem:s15+$0xFFFFFFA0] =	vst v4  }
0x68: {  	v55 =	vbroadcast v0, $0x8;
	v57 =	vbroadcast v0, $0xA;
	v5 =	vadd.s32 v1, v52;
	[tilespmem:s15+$0xFFFFFFB0] =	vst v51  }
0x69: {  	v59 =	vbroadcast v0, $0xB;
	v61 =	vbroadcast v0, $0xC;
	v58 =	vadd.s32 v1, v56;
	[tilespmem:s15+$0xFFFFFFD0] =	vst v5  }
0x6a: {  	v62 =	vbroadcast v0, $0xD;
	v0 =	vbroadcast v0, $0xE;
	v60 =	vadd.s32 v1, v57;
	[tilespmem:s15+$0x10] =	vst v58  }
0x6b: {  	v63 =	vadd.s32 v1, v61;
	[tilespmem:s15+$0x20] =	vst v60  }
0x6c: {  	v0 =	vadd.s32 v1, v0;
	[tilespmem:s15+$0x40] =	vst v63  }
0x6d: {  	v2 =	vadd.s32 v1, v50;
	[tilespmem:s15+$0x60] =	vst v0  }
0x6e: {  	v4 =	vadd.s32 v1, v53;
	[tilespmem:s15+$0xFFFFFFC0] =	vst v2  }
0x6f: {  	v3 =	vadd.s32 v1, v54;
	[tilespmem:s15+$0xFFFFFFE0] =	vst v4  }
0x70: {  	v5 =	vadd.s32 v1, v59;
	[tilespmem:s15+$0xFFFFFFF0] =	vst v3  }
0x71: {  	v2 =	vadd.s32 v1, v55;
	[tilespmem:s15+$0x30] =	vst v5  }
0x72: {  	v3 =	vadd.s32 v1, v62;
	[tilespmem:s15+$0x0] =	vst v2;
	s12 =	spop (v2sf)  }
0x73: {  	[tilespmem:s15+$0x50] =	vst v3;
	v1 =	vadd.s32 s12, v1  }
0x74: {  	[tilespmem:s15+$0x70] =	vst v1;
	s15 =	simm.s32 $0xC00  }
0x75: {  	[tilespmem:s13], [sflag:$0x1] =	stream.indirect.gather [hbm4b:s5+s11], $0x1, s15, s11, $0xb8;
	[tilespmem:$0x3400] =	vst v63  }
0x76: {  	s6 =	simm.s32 $0x1C80  }
0x77: {  	[tilespmem:s6], [sflag:$0x1] =	stream.indirect.gather [hbm4b:s5+s11], $0x1, s14, s11, $0xb8;
	[tilespmem:$0x3400] =	vst v63  }
0x78: {  	s12 =	simm.s32 $0xD00;
	s15 =	simm.s32 $0x1D00  }
0x79: {  	[tilespmem:s15], [sflag:$0x1] =	stream.indirect.gather [hbm4b:s5+s11], $0x1, s12, s11, $0xb8;
	[tilespmem:$0x3400] =	vst v63  }
0x7a: {  	s12 =	simm.s32 $0xD80;
	s15 =	simm.s32 $0x1D80  }
0x7b: {  	[tilespmem:s15], [sflag:$0x1] =	stream.indirect.gather [hbm4b:s5+s11], $0x1, s12, s11, $0xb8;
	[tilespmem:$0x3400] =	vst v63  }
0x7c: {  	s12 =	simm.s32 $0xE00;
	s15 =	simm.s32 $0x1E00  }
0x7d: {  	[tilespmem:s15], [sflag:$0x1] =	stream.indirect.gather [hbm4b:s5+s11], $0x1, s12, s11, $0xb8;
	[tilespmem:$0x3400] =	vst v63  }
0x7e: {  	s12 =	simm.s32 $0xE80;
	s15 =	simm.s32 $0x1E80  }
0x7f: {  	[tilespmem:s15], [sflag:$0x1] =	stream.indirect.gather [hbm4b:s5+s11], $0x1, s12, s11, $0xb8;
	[tilespmem:$0x3400] =	vst v63  }
0x80: {  	s12 =	simm.s32 $0xF00;
	s15 =	simm.s32 $0x1F00  }
0x81: {  	[tilespmem:s15], [sflag:$0x1] =	stream.indirect.gather [hbm4b:s5+s11], $0x1, s12, s11, $0xb8;
	[tilespmem:$0x3400] =	vst v63  }
0x82: {  	s12 =	simm.s32 $0xF80;
	s15 =	simm.s32 $0x1F80  }
0x83: {  	[tilespmem:s15], [sflag:$0x1] =	stream.indirect.gather [hbm4b:s5+s11], $0x1, s12, s11, $0xb8;
	[tilespmem:$0x3400] =	vst v63  }
0x84: {  	s12 =	simm.s32 $0x1000;
	s15 =	simm.s32 $0x2000  }
0x85: {  	[tilespmem:s15], [sflag:$0x1] =	stream.indirect.gather [hbm4b:s5+s11], $0x1, s12, s11, $0xb8;
	[tilespmem:$0x3400] =	vst v63  }
0x86: {  	s12 =	simm.s32 $0x1080;
	s15 =	simm.s32 $0x2080  }
0x87: {  	[tilespmem:s15], [sflag:$0x1] =	stream.indirect.gather [hbm4b:s5+s11], $0x1, s12, s11, $0xb8;
	[tilespmem:$0x3400] =	vst v63  }
0x88: {  	s12 =	simm.s32 $0x1100;
	s15 =	simm.s32 $0x2100  }
0x89: {  	[tilespmem:s15], [sflag:$0x1] =	stream.indirect.gather [hbm4b:s5+s11], $0x1, s12, s11, $0xb8;
	[tilespmem:$0x3400] =	vst v63  }
0x8a: {  	s12 =	simm.s32 $0x1180;
	s15 =	simm.s32 $0x2180  }
0x8b: {  	[tilespmem:s15], [sflag:$0x1] =	stream.indirect.gather [hbm4b:s5+s11], $0x1, s12, s11, $0xb8;
	[tilespmem:$0x3400] =	vst v63  }
0x8c: {  	s12 =	simm.s32 $0x1200;
	s15 =	simm.s32 $0x2200  }
0x8d: {  	[tilespmem:s15], [sflag:$0x1] =	stream.indirect.gather [hbm4b:s5+s11], $0x1, s12, s11, $0xb8;
	[tilespmem:$0x3400] =	vst v63  }
0x8e: {  	s12 =	simm.s32 $0x1280;
	s15 =	simm.s32 $0x2280  }
0x8f: {  	[tilespmem:s15], [sflag:$0x1] =	stream.indirect.gather [hbm4b:s5+s11], $0x1, s12, s11, $0xb8;
	[tilespmem:$0x3400] =	vst v63  }
0x90: {  	s12 =	simm.s32 $0x1300;
	s15 =	simm.s32 $0x2300  }
0x91: {  	[tilespmem:s15], [sflag:$0x1] =	stream.indirect.gather [hbm4b:s5+s11], $0x1, s12, s11, $0xb8;
	[tilespmem:$0x3400] =	vst v63  }
0x92: {  	s12 =	simm.s32 $0x1380;
	s15 =	simm.s32 $0x2380  }
0x93: {  	[tilespmem:s15], [sflag:$0x1] =	stream.indirect.gather [hbm4b:s5+s11], $0x1, s12, s11, $0xb8;
	[tilespmem:$0x3400] =	vst v63  }
0x94: {  	s12 =	simm.s32 $0x1400;
	s15 =	simm.s32 $0x2400  }
0x95: {  	[tilespmem:s15], [sflag:$0x1] =	stream.indirect.gather [hbm4b:s5+s11], $0x1, s12, s11, $0xb8;
	[tilespmem:$0x3400] =	vst v63  }
0x96: {  	s12 =	simm.s32 $0x1480;
	s15 =	simm.s32 $0x2480  }
0x97: {  	[tilespmem:s15], [sflag:$0x1] =	stream.indirect.gather [hbm4b:s5+s11], $0x1, s12, s11, $0xb8;
	[tilespmem:$0x3400] =	vst v63  }
0x98: {  	s12 =	simm.s32 $0x1500;
	s15 =	simm.s32 $0x2500  }
0x99: {  	[tilespmem:s15], [sflag:$0x1] =	stream.indirect.gather [hbm4b:s5+s11], $0x1, s12, s11, $0xb8;
	[tilespmem:$0x3400] =	vst v63  }
0x9a: {  	s12 =	simm.s32 $0x1580;
	s15 =	simm.s32 $0x2580  }
0x9b: {  	[tilespmem:s15], [sflag:$0x1] =	stream.indirect.gather [hbm4b:s5+s11], $0x1, s12, s11, $0xb8;
	[tilespmem:$0x3400] =	vst v63  }
0x9c: {  	s12 =	simm.s32 $0x1600;
	s15 =	simm.s32 $0x2600  }
0x9d: {  	[tilespmem:s15], [sflag:$0x1] =	stream.indirect.gather [hbm4b:s5+s11], $0x1, s12, s11, $0xb8;
	[tilespmem:$0x3400] =	vst v63  }
0x9e: {  	s12 =	simm.s32 $0x1680;
	s15 =	simm.s32 $0x2680  }
0x9f: {  	[tilespmem:s15], [sflag:$0x1] =	stream.indirect.gather [hbm4b:s5+s11], $0x1, s12, s11, $0xb8;
	[tilespmem:$0x3400] =	vst v63  }
0xa0: {  	s12 =	simm.s32 $0x1700;
	s15 =	simm.s32 $0x2700  }
0xa1: {  	[tilespmem:s15], [sflag:$0x1] =	stream.indirect.gather [hbm4b:s5+s11], $0x1, s12, s11, $0xb8;
	[tilespmem:$0x3400] =	vst v63  }
0xa2: {  	s12 =	simm.s32 $0x1780;
	s15 =	simm.s32 $0x2780  }
0xa3: {  	[tilespmem:s15], [sflag:$0x1] =	stream.indirect.gather [hbm4b:s5+s11], $0x1, s12, s11, $0xb8;
	[tilespmem:$0x3400] =	vst v63  }
0xa4: {  	_ = 	snop  }
0xa5: {  	[tilespmem:s17], [sflag:$0x1] =	stream.indirect.gather [hbm4b:s5+s11], $0x1, s16, s11, $0xb8;
	[tilespmem:$0x3400] =	vst v63  }
0xa6: {  	_ = 	snop  }
0xa7: {  	[tilespmem:s19], [sflag:$0x1] =	stream.indirect.gather [hbm4b:s5+s11], $0x1, s18, s11, $0xb8;
	[tilespmem:$0x3400] =	vst v63  }
0xa8: {  	_ = 	snop  }
0xa9: {  	[tilespmem:s21], [sflag:$0x1] =	stream.indirect.gather [hbm4b:s5+s11], $0x1, s20, s11, $0xb8;
	[tilespmem:$0x3400] =	vst v63  }
0xaa: {  	_ = 	snop  }
0xab: {  	[tilespmem:s23], [sflag:$0x1] =	stream.indirect.gather [hbm4b:s5+s11], $0x1, s22, s11, $0xb8;
	[tilespmem:$0x3400] =	vst v63  }
0xac: {  	_ = 	snop  }
0xad: {  	[tilespmem:s25], [sflag:$0x1] =	stream.indirect.gather [hbm4b:s5+s11], $0x1, s24, s11, $0xb8;
	[tilespmem:$0x3400] =	vst v63  }
0xae: {  	_ = 	snop  }
0xaf: {  	[tilespmem:s28], [sflag:$0x1] =	stream.indirect.gather [hbm4b:s5+s11], $0x1, s26, s11, $0xb8;
	[tilespmem:$0x3400] =	vst v63  }
0xb0: {  	_ = 	snop  }
0xb1: {  	[tilespmem:s30], [sflag:$0x1] =	stream.indirect.gather [hbm4b:s5+s11], $0x1, s29, s11, $0xb8;
	[tilespmem:$0x3400] =	vst v63  }
0xb2: {  	_ = 	snop  }
0xb3: {  	[tilespmem:s0], [sflag:$0x1] =	stream.indirect.gather [hbm4b:s5+s11], $0x1, s31, s11, $0xb8;
	[tilespmem:$0x3400] =	vst v63  }
0xb4: {  	_ =	swait.ge [sflag:s1], $0x80  }
0xb5: {  	[sflag:s1] =	ssyncset.done $0x0  }
0xb6: {  	[sflag:s1] =	ssyncadd.s32 $0xFFFFFF80  }
0xb7: {  	_ =	swait.ge [sflag:s1], $0x80  }
0xb8: {  	[sflag:s1] =	ssyncset.done $0x0  }
0xb9: {  	[sflag:s1] =	ssyncadd.s32 $0xFFFFFF80  }
0xba: {  	_ =	swait.ge [sflag:s1], $0x80  }
0xbb: {  	[sflag:s1] =	ssyncset.done $0x0  }
0xbc: {  	[sflag:s1] =	ssyncadd.s32 $0xFFFFFF80  }
0xbd: {  	_ =	swait.ge [sflag:s1], $0x80  }
0xbe: {  	[sflag:s1] =	ssyncset.done $0x0  }
0xbf: {  	[sflag:s1] =	ssyncadd.s32 $0xFFFFFF80  }
0xc0: {  	_ =	swait.ge [sflag:s1], $0x80  }
0xc1: {  	[sflag:s1] =	ssyncset.done $0x0  }
0xc2: {  	[sflag:s1] =	ssyncadd.s32 $0xFFFFFF80  }
0xc3: {  	_ =	swait.ge [sflag:s1], $0x80  }
0xc4: {  	[sflag:s1] =	ssyncset.done $0x0  }
0xc5: {  	[sflag:s1] =	ssyncadd.s32 $0xFFFFFF80  }
0xc6: {  	_ =	swait.ge [sflag:s1], $0x80  }
0xc7: {  	[sflag:s1] =	ssyncset.done $0x0  }
0xc8: {  	[sflag:s1] =	ssyncadd.s32 $0xFFFFFF80  }
0xc9: {  	_ =	swait.ge [sflag:s1], $0x80  }
0xca: {  	[sflag:s1] =	ssyncset.done $0x0  }
0xcb: {  	[sflag:s1] =	ssyncadd.s32 $0xFFFFFF80  }
0xcc: {  	_ =	swait.ge [sflag:s1], $0x80  }
0xcd: {  	[sflag:s1] =	ssyncset.done $0x0  }
0xce: {  	[sflag:s1] =	ssyncadd.s32 $0xFFFFFF80  }
0xcf: {  	_ =	swait.ge [sflag:s1], $0x80  }
0xd0: {  	[sflag:s1] =	ssyncset.done $0x0  }
0xd1: {  	[sflag:s1] =	ssyncadd.s32 $0xFFFFFF80  }
0xd2: {  	_ =	swait.ge [sflag:s1], $0x80  }
0xd3: {  	[sflag:s1] =	ssyncset.done $0x0  }
0xd4: {  	[sflag:s1] =	ssyncadd.s32 $0xFFFFFF80  }
0xd5: {  	_ =	swait.ge [sflag:s1], $0x80  }
0xd6: {  	[sflag:s1] =	ssyncset.done $0x0  }
0xd7: {  	[sflag:s1] =	ssyncadd.s32 $0xFFFFFF80  }
0xd8: {  	_ =	swait.ge [sflag:s1], $0x80  }
0xd9: {  	[sflag:s1] =	ssyncset.done $0x0  }
0xda: {  	[sflag:s1] =	ssyncadd.s32 $0xFFFFFF80  }
0xdb: {  	_ =	swait.ge [sflag:s1], $0x80  }
0xdc: {  	[sflag:s1] =	ssyncset.done $0x0  }
0xdd: {  	[sflag:s1] =	ssyncadd.s32 $0xFFFFFF80  }
0xde: {  	_ =	swait.ge [sflag:s1], $0x80  }
0xdf: {  	[sflag:s1] =	ssyncset.done $0x0  }
0xe0: {  	[sflag:s1] =	ssyncadd.s32 $0xFFFFFF80  }
0xe1: {  	_ =	swait.ge [sflag:s1], $0x80  }
0xe2: {  	[sflag:s1] =	ssyncset.done $0x0  }
0xe3: {  	[sflag:s1] =	ssyncadd.s32 $0xFFFFFF80  }
0xe4: {  	_ =	swait.ge [sflag:s1], $0x80  }
0xe5: {  	[sflag:s1] =	ssyncset.done $0x0  }
0xe6: {  	[sflag:s1] =	ssyncadd.s32 $0xFFFFFF80  }
0xe7: {  	_ =	swait.ge [sflag:s1], $0x80  }
0xe8: {  	[sflag:s1] =	ssyncset.done $0x0  }
0xe9: {  	[sflag:s1] =	ssyncadd.s32 $0xFFFFFF80  }
0xea: {  	_ =	swait.ge [sflag:s1], $0x80  }
0xeb: {  	[sflag:s1] =	ssyncset.done $0x0  }
0xec: {  	[sflag:s1] =	ssyncadd.s32 $0xFFFFFF80  }
0xed: {  	_ =	swait.ge [sflag:s1], $0x80  }
0xee: {  	[sflag:s1] =	ssyncset.done $0x0  }
0xef: {  	[sflag:s1] =	ssyncadd.s32 $0xFFFFFF80  }
0xf0: {  	_ =	swait.ge [sflag:s1], $0x80  }
0xf1: {  	[sflag:s1] =	ssyncset.done $0x0  }
0xf2: {  	[sflag:s1] =	ssyncadd.s32 $0xFFFFFF80  }
0xf3: {  	_ =	swait.ge [sflag:s1], $0x80  }
0xf4: {  	[sflag:s1] =	ssyncset.done $0x0  }
0xf5: {  	[sflag:s1] =	ssyncadd.s32 $0xFFFFFF80  }
0xf6: {  	_ =	swait.ge [sflag:s1], $0x80  }
0xf7: {  	[sflag:s1] =	ssyncset.done $0x0  }
0xf8: {  	[sflag:s1] =	ssyncadd.s32 $0xFFFFFF80  }
0xf9: {  	_ =	swait.ge [sflag:s1], $0x80  }
0xfa: {  	[sflag:s1] =	ssyncset.done $0x0  }
0xfb: {  	[sflag:s1] =	ssyncadd.s32 $0xFFFFFF80  }
0xfc: {  	_ =	swait.ge [sflag:s1], $0x80  }
0xfd: {  	[sflag:s1] =	ssyncset.done $0x0  }
0xfe: {  	[sflag:s1] =	ssyncadd.s32 $0xFFFFFF80  }
0xff: {  	_ =	swait.ge [sflag:s1], $0x80  }
0x100: {  	[sflag:s1] =	ssyncset.done $0x0  }
0x101: {  	[sflag:s1] =	ssyncadd.s32 $0xFFFFFF80  }
0x102: {  	_ =	swait.ge [sflag:s1], $0x80  }
0x103: {  	[sflag:s1] =	ssyncset.done $0x0  }
0x104: {  	[sflag:s1] =	ssyncadd.s32 $0xFFFFFF80  }
0x105: {  	_ =	swait.ge [sflag:s1], $0x80  }
0x106: {  	[sflag:s1] =	ssyncset.done $0x0  }
0x107: {  	[sflag:s1] =	ssyncadd.s32 $0xFFFFFF80  }
0x108: {  	_ =	swait.ge [sflag:s1], $0x80  }
0x109: {  	[sflag:s1] =	ssyncset.done $0x0  }
0x10a: {  	[sflag:s1] =	ssyncadd.s32 $0xFFFFFF80  }
0x10b: {  	_ =	swait.ge [sflag:s1], $0x80  }
0x10c: {  	[sflag:s1] =	ssyncset.done $0x0  }
0x10d: {  	[sflag:s1] =	ssyncadd.s32 $0xFFFFFF80  }
0x10e: {  	_ =	swait.ge [sflag:s1], $0x80  }
0x10f: {  	[sflag:s1] =	ssyncset.done $0x0  }
0x110: {  	[sflag:s1] =	ssyncadd.s32 $0xFFFFFF80  }
0x111: {  	_ =	swait.ge [sflag:s1], $0x80  }
0x112: {  	[sflag:s1] =	ssyncset.done $0x0  }
.Ltmp3:
0x113: {  	[sflag:s1] =	ssyncadd.s32 $0xFFFFFF80;
	(pc) =	sbr.rel @p0 .LBB2_7-.Ltmp3, $4  }
0x114: {  	[hbm4b:s8+s4] =	stream.linear.scatter [tilespmem:s13], [sflag:$0x2], $0x1000, $0x38;
	[tilespmem:$0x3400] =	vst v63  }
0x115: {  	_ =	swait.ge [sflag:s10], $0x1000  }
0x116: {  	[sflag:s10] =	ssyncset.done $0x0  }
0x117: {  	[sflag:s10] =	ssyncadd.s32 $0xFFFFF000  }
0x118: {  	s3 =	simm.s32 $0x0;
	s6 =	rddreg [dreg:$0x1];
	s12 =	simm.s32 $0x2C00  }
0x119: {  	[tilespmem:s12], [sflag:$0x2] =	stream.linear.gather [hbm4b:s6+s3], $0x200, $0x38;
	[tilespmem:$0x3400] =	vst v63  }
0x11a: {  	_ =	swait.ge [sflag:s10], $0x200  }
0x11b: {  	[sflag:s10] =	ssyncset.done $0x0  }
0x11c: {  	[sflag:s10] =	ssyncadd.s32 $0xFFFFFE00  }
0x11d: {  	s15 =	simm.s32 $0x2E00;
	s12 =	rddreg [dreg:$0x2]  }
0x11e: {  	[tilespmem:s15], [sflag:$0x2] =	stream.linear.gather [hbm4b:s12+s3], $0x200, $0x38;
	[tilespmem:$0x3400] =	vst v63  }
0x11f: {  	_ =	swait.ge [sflag:s10], $0x200  }
0x120: {  	[sflag:s10] =	ssyncset.done $0x0  }
0x121: {  	s3 =	simm.s32 $0x0;
	[sflag:s10] =	ssyncadd.s32 $0xFFFFFE00  }
0x122: {  	v0 =	vld [tilespmem:s3+$0x2C00]  }
0x123: {  	s6 =	simm.s32 $0x40;
	v1 =	vld [tilespmem:s3+$0x2E00]  }
.LBB2_5:
0x124: {  	p1 =	sne.s32 s6, $0x7C0  }
.Ltmp4:
0x125: {  	_ = 	snop;
	(pc) =	sbr.rel @p1 .LBB2_5-.Ltmp4, $4  }
0x126: {  	_ = 	snop  }
0x127: {  	s12 =	sshra.s32 s6, $0x2;
	s6 =	sadd.s32 $0x40, s6;
	v2 =	vshll.u32 v0, $0xA  }
0x128: {  	v0 =	vld [tilespmem:s12+$0x2C00];
	v2 =	vadd.s32 v1, v2  }
0x129: {  	v1 =	vld [tilespmem:s12+$0x2E00];
	[tilespmem:s3+$0x3000] =	vst v2;
	s3 =	smov.u32 s12  }
.Ltmp5:
0x12a: {  	_ = 	snop;
	(pc) =	sbr.rel .LBB2_6-.Ltmp5, $1  }
0x12b: {  	_ =	sdelay $0x3  }
.LBB2_8:
0x12c: {  	_ =	sfence.sel $0x180000  }
0x12d: {  	[bflag:$0x0] =	sbarrier.arrive $0xFFFF  }
0x12e: {  	_ =	strace $0x90000047  }
0x12f: {  	s0 =	stileid.u32;
	[bflag:$0x2] =	sbarrier.arrive $0xFFFF  }
0x130: {  	p0 =	sne.s32 s0, $0x0;
	s0 =	rddreg [dreg:$0x3]  }
0x131: {  	s0 =	sadd.s32 @!p0 $0x100000, s0  }
0x132: {  	[sflag:s0] =	ssyncadd.tile.s32 @!p0 $0x1;
	_ =	shalt  }
.Lfunc_end2:
_tile_overlayer_lowered:
.L_overlay_start_2:
0x133: {  	(tag) =	ssettag $0x2  }
0x134: {  	s0 =	rddreg [dreg:$0x0];
	s2 =	stileid.u32  }
0x135: {  	s1 =	rddreg [dreg:$0x1];
	p0 =	sne.s32 s2, $0x0  }
0x136: {  	s3 =	rddreg [dreg:$0x2];
	[bflag:$0x3] =	sbarrier.arrive $0xFFFF;
	s2 =	simm.s32 @!p0 $0x1C02  }
0x137: {  	[timem:s3], [sflag:s2] =	dma.local @!p0 [hbm:s0], s1  }
0x138: {  	s0 =	simm.s32 @!p0 $0x2  }
0x139: {  	_ =	swait.ge @!p0 [sflag:s0], s1  }
0x13a: {  	s1 =	ssub.s32 @!p0 $0x0, s1;
	[sflag:s0] =	ssyncset.done @!p0 $0x0  }
0x13b: {  	[sflag:s0] =	ssyncadd.s32 @!p0 s1  }
0x13c: {  	[bflag:$0x3] =	sbarrier.arrive $0xFFFF  }
0x13d: {  	_ =	shalt  }

</sc_bundles>
